<compile_context>
chip_gen: v7x
topology: tpu7x:2x2x1
jax: 0.10.2.dev20260603
libtpu: 0.0.44.dev20260713+nightly
codegen_flags: <defaults>
</compile_context>

<pallas_src>
import math
import functools
import jax
import jax.numpy as jnp
from jax import lax
from jax.experimental import pallas as pl
from jax.experimental.pallas import tpu as pltpu
from jax.experimental.pallas import tpu_sc as plsc

N = 10000
E = 160000
H = 512
RATIO = 0.8
K = int(math.ceil(RATIO * N))

NTILES = 16
EPT = E // NTILES
W = 80
NWIN = EPT // W
NPAD = 10240
RPT = NPAD // NTILES


def _make_segsum(nc: int, cnt_mode):
    with_sv = cnt_mode == "gather"
    with_cnt = cnt_mode is not None
    n_out = nc + (2 if with_cnt else 0)
    out_type = [jax.ShapeDtypeStruct((NPAD, 128), jnp.float32)
                for _ in range(n_out)]

    scratch = [
        pltpu.VMEM((EPT,), jnp.int32),
        pltpu.VMEM((NWIN, W), jnp.int32),
        pltpu.VMEM((W, 128), jnp.float32),
        pltpu.VMEM((W, 128), jnp.float32),
        pltpu.VMEM_SHARED((NPAD, 128), jnp.float32),
        pltpu.SemaphoreType.DMA,
        pltpu.SemaphoreType.DMA,
    ]

    mesh = plsc.VectorSubcoreMesh(core_axis_name="c", subcore_axis_name="s")

    @functools.partial(pl.kernel, out_type=tuple(out_type), mesh=mesh,
                       scratch_types=scratch)
    def seg(*refs):
        n_in = nc + (1 if with_sv else 0) + 4
        ins = refs[:n_in]
        outs = refs[n_in:n_in + n_out]
        sidx1, didx2, rowsA, rowsB, sh128, semA, semB = refs[n_in + n_out:]
        pos = nc
        sv_hbm = ins[pos] if with_sv else None
        pos += 1 if with_sv else 0
        src1 = ins[pos]
        dst3 = ins[pos + 1]
        z128 = ins[pos + 2]
        ones_hbm = ins[pos + 3]

        cid = lax.axis_index("c")
        sid = lax.axis_index("s")
        r0 = sid * RPT

        pltpu.sync_copy(src1.at[pl.ds(sid * EPT, EPT)], sidx1)
        pltpu.sync_copy(dst3.at[sid], didx2)

        def waitA(in_hbm):
            pltpu.make_async_copy(in_hbm.at[sidx1.at[pl.ds(0, W)]], rowsA,
                                  semA).wait()

        def waitB(in_hbm):
            pltpu.make_async_copy(in_hbm.at[sidx1.at[pl.ds(0, W)]], rowsB,
                                  semB).wait()

        def accum(in_hbm, w_lo, nw):
            pltpu.async_copy(in_hbm.at[sidx1.at[pl.ds(w_lo * W, W)]], rowsA,
                             semA)

            def body(i, carry):
                w0 = w_lo + 2 * i

                @pl.when(2 * i + 1 < nw)
                def _():
                    pltpu.async_copy(
                        in_hbm.at[sidx1.at[pl.ds((w0 + 1) * W, W)]], rowsB,
                        semB)

                waitA(in_hbm)
                pltpu.sync_copy(rowsA, sh128.at[didx2.at[w0]], add=True)

                @pl.when(2 * i + 2 < nw)
                def _():
                    pltpu.async_copy(
                        in_hbm.at[sidx1.at[pl.ds((w0 + 2) * W, W)]], rowsA,
                        semA)

                @pl.when(2 * i + 1 < nw)
                def _():
                    waitB(in_hbm)
                    pltpu.sync_copy(rowsB, sh128.at[didx2.at[w0 + 1]],
                                    add=True)

                return carry

            lax.fori_loop(0, (nw + 1) // 2, body, 0)

        def accum_ones(w_lo, nw):
            pltpu.sync_copy(ones_hbm, rowsA)

            def body(i, carry):
                pltpu.sync_copy(rowsA, sh128.at[didx2.at[w_lo + i]],
                                add=True)
                return carry

            lax.fori_loop(0, nw, body, 0)

        def zero_own():
            pltpu.sync_copy(z128.at[pl.ds(r0, RPT)], sh128.at[pl.ds(r0, RPT)])
            plsc.subcore_barrier()

        def flush_own(out_hbm):
            plsc.subcore_barrier()
            pltpu.sync_copy(sh128.at[pl.ds(r0, RPT)],
                            out_hbm.at[pl.ds(r0, RPT)])

        def do_chunk(in_hbm, out_hbm):
            zero_own()
            accum(in_hbm, 0, NWIN)
            flush_own(out_hbm)

        for c in range(nc):

            @pl.when(cid == (c % 2))
            def _(c=c):
                do_chunk(ins[c], outs[c])

        if with_cnt:
            half = (NWIN + 1) // 2
            for core, w_lo, nw in ((0, 0, half), (1, half, NWIN - half)):

                @pl.when(cid == core)
                def _(w_lo=w_lo, nw=nw, out=outs[nc + core]):
                    zero_own()
                    if with_sv:
                        accum(sv_hbm, w_lo, nw)
                    else:
                        accum_ones(w_lo, nw)
                    flush_own(out)

    return seg


_seg_2_cnt = _make_segsum(2, "ones")
_seg_4 = _make_segsum(4, None)
_seg_4_cnt = _make_segsum(4, "gather")


def _segsum(seg_fn, chunks, src, dst, sv128):
    args = list(chunks)
    if sv128 is not None:
        args.append(sv128)
    args += [src, dst.reshape(NTILES, NWIN, W),
             jnp.zeros((NPAD, 128), jnp.float32),
             jnp.ones((W, 128), jnp.float32)]
    return seg_fn(*args)


BLK = 2048
GRID = NPAD // BLK
NV = NPAD // 128


def _root_body(nc):
    def body(*refs):
        xins = refs[:nc]
        wroot = refs[nc]
        brel = refs[nc + 1]
        out = refs[nc + 2]
        acc = jnp.zeros((BLK, H), jnp.float32) + brel[...]
        for c in range(nc):
            acc += xins[c][...] @ wroot[pl.ds(c * 128, 128), :]
        out[...] = acc
    return body


def _root_tc(xins, Wroot, brel):
    nc = len(xins)
    chunk_spec = pl.BlockSpec((BLK, 128), lambda i: (i, 0))
    full = lambda a: pl.BlockSpec(a.shape, lambda i: (0, 0))
    return pl.pallas_call(
        _root_body(nc),
        grid=(GRID,),
        in_specs=[chunk_spec] * nc + [full(Wroot), full(brel)],
        out_specs=pl.BlockSpec((BLK, H), lambda i: (i, 0)),
        out_shape=jax.ShapeDtypeStruct((NPAD, H), jnp.float32),
    )(*xins, Wroot, brel)


def _conv_body(nc, use_score, mask_kind, out_h):

    def body(*refs):
        i = pl.program_id(0)
        pos = 0
        aggs = refs[pos:pos + nc]; pos += nc
        cntA = refs[pos]; cntB = refs[pos + 1]; pos += 2
        root = refs[pos]; pos += 1
        wrel = refs[pos]; pos += 1
        wsc = refs[pos]; pos += 1
        kept = None
        if mask_kind == "kept":
            kept = refs[pos]; pos += 1
        outs = list(refs[pos:])
        o = 0
        h_out = None
        if out_h:
            h_out = outs[o:o + 4]; o += 4
        cs_ref = outs[o]; o += 1
        sdot_ref = outs[o] if use_score else None

        inv = 1.0 / jnp.maximum(cntA[...][:, 0:1] + cntB[...][:, 0:1], 1.0)
        acc = root[...]
        for c in range(nc):
            acc += (aggs[c][...] * inv) @ wrel[pl.ds(c * 128, 128), :]
        hv = jnp.maximum(acc, 0.0)
        if out_h:
            for c in range(4):
                h_out[c][...] = hv[:, c * 128:(c + 1) * 128]
        nvb = BLK // 128
        if mask_kind == "kept":
            m3 = kept[...][:, :, None]
            hm = jnp.reshape(jnp.reshape(hv, (nvb, 128, H)) * m3, (BLK, H))
        else:
            rows = jax.lax.broadcasted_iota(jnp.int32, (BLK, 1), 0) + i * BLK
            hm = hv * (rows < N).astype(jnp.float32)
        cs = jnp.sum(hm, axis=0, keepdims=True)

        @pl.when(i == 0)
        def _():
            cs_ref[...] = jnp.zeros_like(cs_ref)

        cs_ref[...] += cs
        if use_score:
            sdot_ref[...] = jnp.sum(
                jnp.reshape(hv, (nvb, 128, H)) * wsc[...][None], axis=2)

    return body


def _conv_tc(aggs, cnts, root, Wrel, wsc, kept, use_score,
             mask_kind, out_h):
    nc = len(aggs)
    chunk_spec = pl.BlockSpec((BLK, 128), lambda i: (i, 0))
    full = lambda a: pl.BlockSpec(a.shape, lambda i: (0, 0))
    in_specs = ([chunk_spec] * nc + [chunk_spec, chunk_spec]
                + [pl.BlockSpec((BLK, H), lambda i: (i, 0))]
                + [full(Wrel), full(wsc)])
    args = list(aggs) + list(cnts) + [root, Wrel, wsc]
    if mask_kind == "kept":
        in_specs.append(pl.BlockSpec((BLK // 128, 128), lambda i: (i, 0)))
        args.append(kept)
    out_shape = []
    out_specs = []
    if out_h:
        out_shape += [jax.ShapeDtypeStruct((NPAD, 128), jnp.float32)] * 4
        out_specs += [chunk_spec] * 4
    out_shape.append(jax.ShapeDtypeStruct((1, H), jnp.float32))
    out_specs.append(pl.BlockSpec((1, H), lambda i: (0, 0)))
    if use_score:
        out_shape.append(jax.ShapeDtypeStruct((NPAD // 128, 128),
                                              jnp.float32))
        out_specs.append(pl.BlockSpec((BLK // 128, 128), lambda i: (i, 0)))
    return pl.pallas_call(
        _conv_body(nc, use_score, mask_kind, out_h),
        grid=(GRID,),
        in_specs=in_specs,
        out_specs=out_specs,
        out_shape=out_shape,
    )(*args)


NV = NPAD // 128


def _lane_shift_scan(x):
    sh = 1
    while sh < x.shape[1]:
        x = x + jnp.concatenate(
            [jnp.zeros((x.shape[0], sh), x.dtype), x[:, :-sh]], axis=1)
        sh *= 2
    return x


def _sub_shift_scan(x):
    sh = 1
    while sh < x.shape[0]:
        x = x + jnp.concatenate(
            [jnp.zeros((sh, x.shape[1]), x.dtype), x[:-sh]], axis=0)
        sh *= 2
    return x


def _topk_scale_body(sdot_ref, wsc_ref, h0, h1, h2, h3,
                     g0, g1, g2, g3, sv_ref, kept_out,
                     keptv, scalev):
    i = pl.program_id(0)

    @pl.when(i == 0)
    def _():
        w = wsc_ref[...]
        rin = jax.lax.rsqrt(jnp.sum(w * w))
        score = jnp.tanh(sdot_ref[...] * rin)
        flat = (jax.lax.broadcasted_iota(jnp.int32, (NV, 128), 0) * 128
                + jax.lax.broadcasted_iota(jnp.int32, (NV, 128), 1))
        valid = flat < N
        bits = jax.lax.bitcast_convert_type(score, jnp.int32)
        minint = jnp.int32(-2147483648)
        u = jnp.where(bits < 0, ~bits, bits | minint)
        svals = jnp.where(valid, u ^ minint, minint)

        def bsearch(j, tu):
            cand = tu | jax.lax.shift_left(jnp.int32(1), 31 - j)
            cnt = jnp.sum(jnp.where(svals >= (cand ^ minint), 1, 0))
            return jnp.where(cnt >= K, cand, tu)

        tu = jax.lax.fori_loop(0, 32, bsearch, jnp.int32(0))
        ts = tu ^ minint
        n_gt = jnp.sum(jnp.where(svals > ts, 1, 0))
        m = K - n_gt
        ties = (svals == ts).astype(jnp.int32)
        rs = _lane_shift_scan(ties)
        rowtot = rs[:, 127:128]
        pr = _sub_shift_scan(rowtot) - rowtot
        rank = rs - ties + pr
        keptb = (svals > ts) | ((ties > 0) & (rank < m))
        kf = keptb.astype(jnp.float32)
        keptv[...] = kf
        scalev[...] = score * kf
        kept_out[...] = kf

    nvb = BLK // 128
    sc3 = scalev[pl.ds(i * nvb, nvb), :][:, :, None]
    kc3 = keptv[pl.ds(i * nvb, nvb), :][:, :, None]
    for hin, gout in ((h0, g0), (h1, g1), (h2, g2), (h3, g3)):
        gout[...] = jnp.reshape(
            jnp.reshape(hin[...], (nvb, 128, 128)) * sc3, (BLK, 128))
    lane = jax.lax.broadcasted_iota(jnp.int32, (nvb, 128, 128), 2)
    sv_ref[...] = jnp.reshape(jnp.where(lane == 0, kc3, 0.0), (BLK, 128))


def _topk_scale_tc(sdot, wsc, hcs):
    chunk_spec = pl.BlockSpec((BLK, 128), lambda i: (i, 0))
    full = lambda a: pl.BlockSpec(a.shape, lambda i: (0, 0))
    return pl.pallas_call(
        _topk_scale_body,
        grid=(GRID,),
        in_specs=[full(sdot), full(wsc)] + [chunk_spec] * 4,
        out_specs=[chunk_spec] * 5 + [pl.BlockSpec((NV, 128),
                                                   lambda i: (0, 0))],
        out_shape=[jax.ShapeDtypeStruct((NPAD, 128), jnp.float32)] * 5
        + [jax.ShapeDtypeStruct((NV, 128), jnp.float32)],
        scratch_shapes=[pltpu.VMEM((NV, 128), jnp.float32)] * 2,
    )(sdot, wsc, *hcs)


def _head_body(cs1, cs2, cs3, w1, b1, w2, b2, o_ref):
    z1 = cs1[...] * (1.0 / N)
    z2 = cs2[...] * (1.0 / N)
    z3 = cs3[...] * (1.0 / K)
    zh = (z1 @ w1[pl.ds(0, H), :] + z2 @ w1[pl.ds(H, H), :]
          + z3 @ w1[pl.ds(2 * H, H), :])
    hh = jnp.maximum(zh + b1[...], 0.0)
    logits = hh @ w2[...] + b2[...]
    mx = jnp.max(logits, axis=-1, keepdims=True)
    lse = jnp.log(jnp.sum(jnp.exp(logits - mx), axis=-1, keepdims=True)) + mx
    o_ref[...] = logits - lse


def _head_tc(cs1, cs2, cs3, w1, b1, w2, b2):
    return pl.pallas_call(
        _head_body,
        out_shape=jax.ShapeDtypeStruct((1, w2.shape[1]), jnp.float32),
    )(cs1, cs2, cs3, w1, b1, w2, b2)


def kernel(x, edge_index, batch, conv1_Wrel, conv1_brel, conv1_Wroot, conv2_Wrel, conv2_brel, conv2_Wroot, conv3_Wrel, conv3_brel, conv3_Wroot, pool1_w, pool2_w, lin1_W, lin1_b, lin2_W, lin2_b):
    src = edge_index[0].astype(jnp.int32)
    dst = edge_index[1].astype(jnp.int32)

    xp = jnp.pad(x, ((0, NPAD - N), (0, 0)))
    xc = [xp[:, 0:128], xp[:, 128:256]]
    b1 = conv1_brel.reshape(1, H)
    b2 = conv2_brel.reshape(1, H)
    b3 = conv3_brel.reshape(1, H)
    wsc = pool1_w.reshape(1, H)
    lb1 = lin1_b.reshape(1, H)
    lb2 = lin2_b.reshape(1, lin2_W.shape[1])

    o = _segsum(_seg_2_cnt, xc, src, dst, None)
    root1 = _root_tc(xc, conv1_Wroot, b1)
    agg1 = o[:2]
    cnt12 = o[2:4]
    h1_0, h1_1, h1_2, h1_3, cs1 = _conv_tc(
        agg1, cnt12, root1, conv1_Wrel, wsc, None,
        use_score=False, mask_kind="iota", out_h=True)
    h1 = [h1_0, h1_1, h1_2, h1_3]

    agg2 = _segsum(_seg_4, h1, src, dst, None)
    root2 = _root_tc(h1, conv2_Wroot, b2)
    h2_0, h2_1, h2_2, h2_3, cs2, sdot = _conv_tc(
        agg2, cnt12, root2, conv2_Wrel, wsc, None,
        use_score=True, mask_kind="iota", out_h=True)
    h2 = [h2_0, h2_1, h2_2, h2_3]

    g0, g1, g2, g3, sv128, kept = _topk_scale_tc(sdot, wsc, h2)

    o = _segsum(_seg_4_cnt, [g0, g1, g2, g3], src, dst, sv128)
    root3 = _root_tc([g0, g1, g2, g3], conv3_Wroot, b3)
    agg3 = o[:4]
    cnt3 = o[4:6]
    (cs3,) = _conv_tc(
        agg3, cnt3, root3, conv3_Wrel, wsc, kept,
        use_score=False, mask_kind="kept", out_h=False)

    return _head_tc(cs1, cs2, cs3, lin1_W, lb1, lin2_W, lb2)

# --- scband reference (transcript-rebuilt; emitter-appended) ---
"""Pipeline reference for scband-top-k-7249904796176 (READ-ONLY COPY).

The authoritative reference and input builder live on the scoring server;
editing this copy changes nothing except your own understanding.
"""

import math
import jax
import jax.numpy as jnp
import numpy as np

N = 10000
E = 160000
F_IN = 256
H = 512
C = 10
RATIO = 0.8

def _glorot(key, shape):
    fan_in = shape[0]
    return (jax.random.normal(key, shape, dtype=jnp.float32) / jnp.sqrt(float(fan_in))).astype(jnp.float32)

def setup_inputs(seed: int = 0):
    key = jax.random.key(seed)
    ks = jax.random.split(key, 20)
    inp = {}
    inp["x"] = jax.random.normal(ks[0], (N, F_IN), dtype=jnp.float32)
    inp["edge_index"] = jax.random.randint(ks[1], (2, E), 0, N)
    inp["batch"] = jnp.zeros((N,), dtype=jnp.int32)
    inp["conv1_Wrel"] = _glorot(ks[2], (F_IN, H))
    inp["conv1_brel"] = jnp.zeros((H,), jnp.float32)
    inp["conv1_Wroot"] = _glorot(ks[3], (F_IN, H))
    inp["conv2_Wrel"] = _glorot(ks[4], (H, H))
    inp["conv2_brel"] = jnp.zeros((H,), jnp.float32)
    inp["conv2_Wroot"] = _glorot(ks[5], (H, H))
    inp["conv3_Wrel"] = _glorot(ks[6], (H, H))
    inp["conv3_brel"] = jnp.zeros((H,), jnp.float32)
    inp["conv3_Wroot"] = _glorot(ks[7], (H, H))
    inp["pool1_w"] = jax.random.normal(ks[8], (H,), dtype=jnp.float32)
    inp["pool2_w"] = jax.random.normal(ks[9], (H,), dtype=jnp.float32)
    inp["lin1_W"] = _glorot(ks[10], (3 * H, H))
    inp["lin1_b"] = jnp.zeros((H,), jnp.float32)
    inp["lin2_W"] = _glorot(ks[11], (H, C))
    inp["lin2_b"] = jnp.zeros((C,), jnp.float32)
    return inp

def _graph_conv_mean(x, src, dst, valid_f, Wrel, brel, Wroot):
    # PyG GraphConv(aggr='mean'): lin_rel(mean_{j in N(i)} x_j) + lin_root(x_i)
    n = x.shape[0]
    msgs = x[src] * valid_f[:, None]
    agg = jax.ops.segment_sum(msgs, dst, num_segments=n)
    cnt = jax.ops.segment_sum(valid_f, dst, num_segments=n)
    mean = agg / jnp.maximum(cnt, 1.0)[:, None]
    return mean @ Wrel + brel + x @ Wroot

def _global_mean_pool(x, batch, num_graphs=1):
    s = jax.ops.segment_sum(x, batch, num_segments=num_graphs)
    c = jax.ops.segment_sum(jnp.ones((x.shape[0],), x.dtype), batch, num_segments=num_graphs)
    return s / jnp.maximum(c, 1.0)[:, None]

def _topk_pool(x, src, dst, valid_f, batch, w, ratio):
    # PyG TopKPooling: score = tanh(x.w/||w||), keep top ceil(ratio*N) nodes,
    # scale kept features by score, filter + remap edges.
    n = x.shape[0]
    score = jnp.tanh((x @ w) / jnp.linalg.norm(w))
    k = int(math.ceil(ratio * n))
    topv, perm = jax.lax.top_k(score, k)
    x_new = x[perm] * topv[:, None]
    new_id = jnp.full((n,), -1, dtype=src.dtype).at[perm].set(jnp.arange(k, dtype=src.dtype))
    s2 = new_id[src]
    d2 = new_id[dst]
    keep = ((s2 >= 0) & (d2 >= 0)).astype(valid_f.dtype)
    v2 = valid_f * keep
    s2 = jnp.where(s2 >= 0, s2, 0)
    d2 = jnp.where(d2 >= 0, d2, 0)
    return x_new, s2, d2, v2, batch[perm]

def reference(x, edge_index, batch, conv1_Wrel, conv1_brel, conv1_Wroot, conv2_Wrel, conv2_brel, conv2_Wroot, conv3_Wrel, conv3_brel, conv3_Wroot, pool1_w, pool2_w, lin1_W, lin1_b, lin2_W, lin2_b):
    src = edge_index[0]
    dst = edge_index[1]
    valid = jnp.ones((src.shape[0],), x.dtype)
    h = jax.nn.relu(_graph_conv_mean(x, src, dst, valid, conv1_Wrel, conv1_brel, conv1_Wroot))
    b = batch
    xs = [_global_mean_pool(h, b)]
    convs = [(conv2_Wrel, conv2_brel, conv2_Wroot), (conv3_Wrel, conv3_brel, conv3_Wroot)]
    pools = [pool1_w, pool2_w]
    for i in range(2):
        Wr, br, Wo = convs[i]
        h = jax.nn.relu(_graph_conv_mean(h, src, dst, valid, Wr, br, Wo))
        xs.append(_global_mean_pool(h, b))
        if i % 2 == 0:
            h, src, dst, valid, b = _topk_pool(h, src, dst, valid, b, pools[i], RATIO)
    z = jnp.concatenate(xs, axis=1)
    z = jax.nn.relu(z @ lin1_W + lin1_b)
    # dropout is identity in eval mode
    z = z @ lin2_W + lin2_b
    return jax.nn.log_softmax(z, axis=-1)

if __name__ == "__main__":
    import jax
    _d = setup_inputs()
    print(jax.jit(kernel)(*tuple(_d.values())))

</pallas_src>

<mosaic_0001>
#map = affine_map<(d0, d1) -> (0, 0)>
#map1 = affine_map<(d0, d1) -> (0)>
#map2 = affine_map<(d0, d1) -> (0, 0, 0)>
module attributes {stable_mosaic.version = 14 : i64} {
  func.func @seg(%arg0: i32, %arg1: i32, %arg2: memref<10240x128xf32, #tpu.memory_space<hbm>>, %arg3: memref<10240x128xf32, #tpu.memory_space<hbm>>, %arg4: memref<10240x128xf32, #tpu.memory_space<hbm>>, %arg5: memref<10240x128xf32, #tpu.memory_space<hbm>>, %arg6: memref<10240x128xf32, #tpu.memory_space<hbm>>, %arg7: memref<160000xi32, #tpu.memory_space<hbm>>, %arg8: memref<16x125x80xi32, #tpu.memory_space<hbm>>, %arg9: memref<10240x128xf32, #tpu.memory_space<hbm>>, %arg10: memref<80x128xf32, #tpu.memory_space<hbm>>, %arg11: memref<10240x128xf32, #tpu.memory_space<hbm>>, %arg12: memref<10240x128xf32, #tpu.memory_space<hbm>>, %arg13: memref<10240x128xf32, #tpu.memory_space<hbm>>, %arg14: memref<10240x128xf32, #tpu.memory_space<hbm>>, %arg15: memref<10240x128xf32, #tpu.memory_space<hbm>>, %arg16: memref<10240x128xf32, #tpu.memory_space<hbm>>, %arg17: memref<10000xi32, #tpu.memory_space<vmem>>, %arg18: memref<125x80xi32, #tpu.memory_space<vmem>>, %arg19: memref<80x128xf32, #tpu.memory_space<vmem>>, %arg20: memref<80x128xf32, #tpu.memory_space<vmem>>, %arg21: memref<10240x128xf32, #tpu.memory_space<vmem_shared>>, %arg22: memref<!tpu.dma_semaphore, #tpu.memory_space<semaphore_mem>>, %arg23: memref<!tpu.dma_semaphore, #tpu.memory_space<semaphore_mem>>) attributes {dimension_semantics = [#tpu.dimension_semantics<core_parallel>, #tpu.dimension_semantics<subcore_parallel>], iteration_bounds = array<i64: 2, 16>, scalar_prefetch = 0 : i64, scratch_operands = 7 : i64, tpu.core_type = #tpu.core_type<sc_vector_subcore>, window_params = [{transform_indices = #map}, {transform_indices = #map}, {transform_indices = #map}, {transform_indices = #map}, {transform_indices = #map}, {transform_indices = #map1}, {transform_indices = #map2}, {transform_indices = #map}, {transform_indices = #map}, {transform_indices = #map}, {transform_indices = #map}, {transform_indices = #map}, {transform_indices = #map}, {transform_indices = #map}, {transform_indices = #map}]} {
    %mul3A = arith.constant 640 : i32
    %mul3A_0 = arith.muli %arg1, %mul3A : i32
    %mul3A_1 = arith.constant 10000 : i32
    %mul3A_2 = arith.muli %arg1, %mul3A_1 : i32
    "tpu.region"() ({
      %run_scoped3A = tpu.sem_alloc : memref<!tpu.dma_semaphore, #tpu.memory_space<semaphore_mem>>
      %dma_start3A = tpu.memref_slice %arg7[%mul3A_2] : memref<160000xi32, #tpu.memory_space<hbm>> -> memref<10000xi32, #tpu.memory_space<hbm>>
      %dma_start3A_30 = tpu.memref_slice %arg7[%mul3A_2] : memref<160000xi32, #tpu.memory_space<hbm>> -> memref<10000xi32, #tpu.memory_space<hbm>>
      tpu.enqueue_dma source(%dma_start3A_30 : memref<10000xi32, #tpu.memory_space<hbm>>) target(%arg17 : memref<10000xi32, #tpu.memory_space<vmem>>) target_semaphore(%run_scoped3A : memref<!tpu.dma_semaphore, #tpu.memory_space<semaphore_mem>>)
      %dma_wait3A = tpu.memref_slice %arg7[%mul3A_2] : memref<160000xi32, #tpu.memory_space<hbm>> -> memref<10000xi32, #tpu.memory_space<hbm>>
      %dma_wait3A_31 = tpu.memref_slice %arg7[%mul3A_2] : memref<160000xi32, #tpu.memory_space<hbm>> -> memref<10000xi32, #tpu.memory_space<hbm>>
      tpu.wait_dma2 semaphore(%run_scoped3A : memref<!tpu.dma_semaphore, #tpu.memory_space<semaphore_mem>>) src(%dma_wait3A_31 : memref<10000xi32, #tpu.memory_space<hbm>>) dst(%arg17 : memref<10000xi32, #tpu.memory_space<vmem>>)
      tpu.yield
    }) : () -> ()
    "tpu.region"() ({
      %run_scoped3A = tpu.sem_alloc : memref<!tpu.dma_semaphore, #tpu.memory_space<semaphore_mem>>
      %dma_start3A = arith.constant 0 : i32
      %dma_start3A_30 = arith.constant 0 : i32
      %dma_start3A_31 = tpu.memref_slice %arg8[%arg1, %dma_start3A, %dma_start3A_30] : memref<16x125x80xi32, #tpu.memory_space<hbm>> -> memref<1x125x80xi32, #tpu.memory_space<hbm>>
      %dma_start3A_32 = tpu.memref_squeeze %dma_start3A_31 : memref<1x125x80xi32, #tpu.memory_space<hbm>> -> memref<125x80xi32, #tpu.memory_space<hbm>>
      %dma_start3A_33 = arith.constant 0 : i32
      %dma_start3A_34 = arith.constant 0 : i32
      %dma_start3A_35 = tpu.memref_slice %arg8[%arg1, %dma_start3A_33, %dma_start3A_34] : memref<16x125x80xi32, #tpu.memory_space<hbm>> -> memref<1x125x80xi32, #tpu.memory_space<hbm>>
      %dma_start3A_36 = tpu.memref_squeeze %dma_start3A_35 : memref<1x125x80xi32, #tpu.memory_space<hbm>> -> memref<125x80xi32, #tpu.memory_space<hbm>>
      tpu.enqueue_dma source(%dma_start3A_36 : memref<125x80xi32, #tpu.memory_space<hbm>>) target(%arg18 : memref<125x80xi32, #tpu.memory_space<vmem>>) target_semaphore(%run_scoped3A : memref<!tpu.dma_semaphore, #tpu.memory_space<semaphore_mem>>)
      %dma_wait3A = arith.constant 0 : i32
      %dma_wait3A_37 = arith.constant 0 : i32
      %dma_wait3A_38 = tpu.memref_slice %arg8[%arg1, %dma_wait3A, %dma_wait3A_37] : memref<16x125x80xi32, #tpu.memory_space<hbm>> -> memref<1x125x80xi32, #tpu.memory_space<hbm>>
      %dma_wait3A_39 = tpu.memref_squeeze %dma_wait3A_38 : memref<1x125x80xi32, #tpu.memory_space<hbm>> -> memref<125x80xi32, #tpu.memory_space<hbm>>
      %dma_wait3A_40 = arith.constant 0 : i32
      %dma_wait3A_41 = arith.constant 0 : i32
      %dma_wait3A_42 = tpu.memref_slice %arg8[%arg1, %dma_wait3A_40, %dma_wait3A_41] : memref<16x125x80xi32, #tpu.memory_space<hbm>> -> memref<1x125x80xi32, #tpu.memory_space<hbm>>
      %dma_wait3A_43 = tpu.memref_squeeze %dma_wait3A_42 : memref<1x125x80xi32, #tpu.memory_space<hbm>> -> memref<125x80xi32, #tpu.memory_space<hbm>>
      tpu.wait_dma2 semaphore(%run_scoped3A : memref<!tpu.dma_semaphore, #tpu.memory_space<semaphore_mem>>) src(%dma_wait3A_43 : memref<125x80xi32, #tpu.memory_space<hbm>>) dst(%arg18 : memref<125x80xi32, #tpu.memory_space<vmem>>)
      tpu.yield
    }) : () -> ()
    %eq3A = arith.constant 0 : i32
    %eq3A_3 = arith.cmpi eq, %arg0, %eq3A : i32
    %convert_element_type3A = arith.extui %eq3A_3 : i1 to i32
    %cond3A = arith.constant 0 : i32
    %cond3A_4 = arith.cmpi ne, %convert_element_type3A, %cond3A : i32
    scf.if %cond3A_4 {
      "tpu.region"() ({
        %run_scoped3A = tpu.sem_alloc : memref<!tpu.dma_semaphore, #tpu.memory_space<semaphore_mem>>
        %dma_start3A_40 = arith.constant 0 : i32
        %dma_start3A_41 = tpu.memref_slice %arg21[%mul3A_0, %dma_start3A_40] : memref<10240x128xf32, #tpu.memory_space<vmem_shared>> -> memref<640x128xf32, #tpu.memory_space<vmem_shared>>
        %dma_start3A_42 = arith.constant 0 : i32
        %dma_start3A_43 = tpu.memref_slice %arg9[%mul3A_0, %dma_start3A_42] : memref<10240x128xf32, #tpu.memory_space<hbm>> -> memref<640x128xf32, #tpu.memory_space<hbm>>
        tpu.enqueue_dma source(%dma_start3A_43 : memref<640x128xf32, #tpu.memory_space<hbm>>) target(%dma_start3A_41 : memref<640x128xf32, #tpu.memory_space<vmem_shared>>) target_semaphore(%run_scoped3A : memref<!tpu.dma_semaphore, #tpu.memory_space<semaphore_mem>>)
        %dma_wait3A = arith.constant 0 : i32
        %dma_wait3A_44 = tpu.memref_slice %arg21[%mul3A_0, %dma_wait3A] : memref<10240x128xf32, #tpu.memory_space<vmem_shared>> -> memref<640x128xf32, #tpu.memory_space<vmem_shared>>
        %dma_wait3A_45 = arith.constant 0 : i32
        %dma_wait3A_46 = tpu.memref_slice %arg9[%mul3A_0, %dma_wait3A_45] : memref<10240x128xf32, #tpu.memory_space<hbm>> -> memref<640x128xf32, #tpu.memory_space<hbm>>
        tpu.wait_dma2 semaphore(%run_scoped3A : memref<!tpu.dma_semaphore, #tpu.memory_space<semaphore_mem>>) src(%dma_wait3A_46 : memref<640x128xf32, #tpu.memory_space<hbm>>) dst(%dma_wait3A_44 : memref<640x128xf32, #tpu.memory_space<vmem_shared>>)
        tpu.yield
      }) : () -> ()
      %barrier3A = arith.constant 0 : index
      tpu.barrier barrier_id(%barrier3A)
      %dma_start3A = arith.constant 0 : i32
      %dma_start3A_30 = tpu.memref_slice %arg17[%dma_start3A] : memref<10000xi32, #tpu.memory_space<vmem>> -> memref<80xi32, #tpu.memory_space<vmem>>
      %dma_start3A_31 = arith.constant 0 : i32
      %dma_start3A_32 = arith.constant 0 : i32
      %dma_start3A_33 = tpu.memref_slice %arg2[%dma_start3A_31, %dma_start3A_32] : memref<10240x128xf32, #tpu.memory_space<hbm>> -> memref<10240x128xf32, #tpu.memory_space<hbm>>
      tpu.enqueue_indirect_dma source(%dma_start3A_33 : memref<10240x128xf32, #tpu.memory_space<hbm>>) target(%arg19 : memref<80x128xf32, #tpu.memory_space<vmem>>) offsets(%dma_start3A_30 : memref<80xi32, #tpu.memory_space<vmem>>) semaphore(%arg22 : memref<!tpu.dma_semaphore, #tpu.memory_space<semaphore_mem>>)
      %scan3A = arith.constant 0 : i32
      %scan3A_34 = arith.constant 0 : i32
      %scan3A_35 = arith.constant 63 : i32
      %scan3A_36 = arith.addi %scan3A_34, %scan3A_35 : i32
      %scan3A_37 = arith.constant 1 : i32
      scf.for %scan3A_40 = %scan3A_34 to %scan3A_36 step %scan3A_37  : i32 {
        %mul3A_41 = arith.constant 2 : i32
        %mul3A_42 = arith.muli %mul3A_41, %scan3A_40 : i32
        %add3A = arith.constant 0 : i32
        %add3A_43 = arith.addi %add3A, %mul3A_42 : i32
        %mul3A_44 = arith.constant 2 : i32
        %mul3A_45 = arith.muli %mul3A_44, %scan3A_40 : i32
        %add3A_46 = arith.constant 1 : i32
        %add3A_47 = arith.addi %mul3A_45, %add3A_46 : i32
        %lt3A = arith.constant 125 : i32
        %lt3A_48 = arith.cmpi slt, %add3A_47, %lt3A : i32
        %convert_element_type3A_49 = arith.extui %lt3A_48 : i1 to i32
        %cond3A_50 = arith.constant 0 : i32
        %cond3A_51 = arith.cmpi ne, %convert_element_type3A_49, %cond3A_50 : i32
        scf.if %cond3A_51 {
          %add3A_74 = arith.constant 1 : i32
          %add3A_75 = arith.addi %add3A_43, %add3A_74 : i32
          %mul3A_76 = arith.constant 80 : i32
          %mul3A_77 = arith.muli %add3A_75, %mul3A_76 : i32
          %dma_start3A_78 = tpu.memref_slice %arg17[%mul3A_77] : memref<10000xi32, #tpu.memory_space<vmem>> -> memref<80xi32, #tpu.memory_space<vmem>>
          %dma_start3A_79 = arith.constant 0 : i32
          %dma_start3A_80 = arith.constant 0 : i32
          %dma_start3A_81 = tpu.memref_slice %arg2[%dma_start3A_79, %dma_start3A_80] : memref<10240x128xf32, #tpu.memory_space<hbm>> -> memref<10240x128xf32, #tpu.memory_space<hbm>>
          tpu.enqueue_indirect_dma source(%dma_start3A_81 : memref<10240x128xf32, #tpu.memory_space<hbm>>) target(%arg20 : memref<80x128xf32, #tpu.memory_space<vmem>>) offsets(%dma_start3A_78 : memref<80xi32, #tpu.memory_space<vmem>>) semaphore(%arg23 : memref<!tpu.dma_semaphore, #tpu.memory_space<semaphore_mem>>)
        } else {
        }
        %dma_wait3A = arith.constant 0 : i32
        %dma_wait3A_52 = tpu.memref_slice %arg17[%dma_wait3A] : memref<10000xi32, #tpu.memory_space<vmem>> -> memref<80xi32, #tpu.memory_space<vmem>>
        %dma_wait3A_53 = arith.constant 0 : i32
        %dma_wait3A_54 = arith.constant 0 : i32
        %dma_wait3A_55 = tpu.memref_slice %arg2[%dma_wait3A_53, %dma_wait3A_54] : memref<10240x128xf32, #tpu.memory_space<hbm>> -> memref<10240x128xf32, #tpu.memory_space<hbm>>
        tpu.wait_indirect_dma semaphore(%arg22 : memref<!tpu.dma_semaphore, #tpu.memory_space<semaphore_mem>>) src(%dma_wait3A_55 : memref<10240x128xf32, #tpu.memory_space<hbm>>) dst(%arg19 : memref<80x128xf32, #tpu.memory_space<vmem>>)
        "tpu.region"() ({
          %run_scoped3A = tpu.sem_alloc : memref<!tpu.dma_semaphore, #tpu.memory_space<semaphore_mem>>
          %dma_start3A_74 = arith.constant 0 : i32
          %dma_start3A_75 = tpu.memref_slice %arg18[%add3A_43, %dma_start3A_74] : memref<125x80xi32, #tpu.memory_space<vmem>> -> memref<1x80xi32, #tpu.memory_space<vmem>>
          %dma_start3A_76 = tpu.memref_squeeze %dma_start3A_75 : memref<1x80xi32, #tpu.memory_space<vmem>> -> memref<80xi32, #tpu.memory_space<vmem>>
          %dma_start3A_77 = arith.constant 0 : i32
          %dma_start3A_78 = arith.constant 0 : i32
          %dma_start3A_79 = tpu.memref_slice %arg21[%dma_start3A_77, %dma_start3A_78] : memref<10240x128xf32, #tpu.memory_space<vmem_shared>> -> memref<10240x128xf32, #tpu.memory_space<vmem_shared>>
          tpu.enqueue_indirect_dma source(%arg19 : memref<80x128xf32, #tpu.memory_space<vmem>>) target(%dma_start3A_79 : memref<10240x128xf32, #tpu.memory_space<vmem_shared>>) offsets(%dma_start3A_76 : memref<80xi32, #tpu.memory_space<vmem>>) semaphore(%run_scoped3A : memref<!tpu.dma_semaphore, #tpu.memory_space<semaphore_mem>>) {add = true}
          %dma_wait3A_80 = arith.constant 0 : i32
          %dma_wait3A_81 = tpu.memref_slice %arg18[%add3A_43, %dma_wait3A_80] : memref<125x80xi32, #tpu.memory_space<vmem>> -> memref<1x80xi32, #tpu.memory_space<vmem>>
          %dma_wait3A_82 = tpu.memref_squeeze %dma_wait3A_81 : memref<1x80xi32, #tpu.memory_space<vmem>> -> memref<80xi32, #tpu.memory_space<vmem>>
          %dma_wait3A_83 = arith.constant 0 : i32
          %dma_wait3A_84 = arith.constant 0 : i32
          %dma_wait3A_85 = tpu.memref_slice %arg21[%dma_wait3A_83, %dma_wait3A_84] : memref<10240x128xf32, #tpu.memory_space<vmem_shared>> -> memref<10240x128xf32, #tpu.memory_space<vmem_shared>>
          tpu.wait_indirect_dma semaphore(%run_scoped3A : memref<!tpu.dma_semaphore, #tpu.memory_space<semaphore_mem>>) src(%arg19 : memref<80x128xf32, #tpu.memory_space<vmem>>) dst(%dma_wait3A_85 : memref<10240x128xf32, #tpu.memory_space<vmem_shared>>)
          tpu.yield
        }) : () -> ()
        %mul3A_56 = arith.constant 2 : i32
        %mul3A_57 = arith.muli %mul3A_56, %scan3A_40 : i32
        %add3A_58 = arith.constant 2 : i32
        %add3A_59 = arith.addi %mul3A_57, %add3A_58 : i32
        %lt3A_60 = arith.constant 125 : i32
        %lt3A_61 = arith.cmpi slt, %add3A_59, %lt3A_60 : i32
        %convert_element_type3A_62 = arith.extui %lt3A_61 : i1 to i32
        %cond3A_63 = arith.constant 0 : i32
        %cond3A_64 = arith.cmpi ne, %convert_element_type3A_62, %cond3A_63 : i32
        scf.if %cond3A_64 {
          %add3A_74 = arith.constant 2 : i32
          %add3A_75 = arith.addi %add3A_43, %add3A_74 : i32
          %mul3A_76 = arith.constant 80 : i32
          %mul3A_77 = arith.muli %add3A_75, %mul3A_76 : i32
          %dma_start3A_78 = tpu.memref_slice %arg17[%mul3A_77] : memref<10000xi32, #tpu.memory_space<vmem>> -> memref<80xi32, #tpu.memory_space<vmem>>
          %dma_start3A_79 = arith.constant 0 : i32
          %dma_start3A_80 = arith.constant 0 : i32
          %dma_start3A_81 = tpu.memref_slice %arg2[%dma_start3A_79, %dma_start3A_80] : memref<10240x128xf32, #tpu.memory_space<hbm>> -> memref<10240x128xf32, #tpu.memory_space<hbm>>
          tpu.enqueue_indirect_dma source(%dma_start3A_81 : memref<10240x128xf32, #tpu.memory_space<hbm>>) target(%arg19 : memref<80x128xf32, #tpu.memory_space<vmem>>) offsets(%dma_start3A_78 : memref<80xi32, #tpu.memory_space<vmem>>) semaphore(%arg22 : memref<!tpu.dma_semaphore, #tpu.memory_space<semaphore_mem>>)
        } else {
        }
        %mul3A_65 = arith.constant 2 : i32
        %mul3A_66 = arith.muli %mul3A_65, %scan3A_40 : i32
        %add3A_67 = arith.constant 1 : i32
        %add3A_68 = arith.addi %mul3A_66, %add3A_67 : i32
        %lt3A_69 = arith.constant 125 : i32
        %lt3A_70 = arith.cmpi slt, %add3A_68, %lt3A_69 : i32
        %convert_element_type3A_71 = arith.extui %lt3A_70 : i1 to i32
        %cond3A_72 = arith.constant 0 : i32
        %cond3A_73 = arith.cmpi ne, %convert_element_type3A_71, %cond3A_72 : i32
        scf.if %cond3A_73 {
          %dma_wait3A_74 = arith.constant 0 : i32
          %dma_wait3A_75 = tpu.memref_slice %arg17[%dma_wait3A_74] : memref<10000xi32, #tpu.memory_space<vmem>> -> memref<80xi32, #tpu.memory_space<vmem>>
          %dma_wait3A_76 = arith.constant 0 : i32
          %dma_wait3A_77 = arith.constant 0 : i32
          %dma_wait3A_78 = tpu.memref_slice %arg2[%dma_wait3A_76, %dma_wait3A_77] : memref<10240x128xf32, #tpu.memory_space<hbm>> -> memref<10240x128xf32, #tpu.memory_space<hbm>>
          tpu.wait_indirect_dma semaphore(%arg23 : memref<!tpu.dma_semaphore, #tpu.memory_space<semaphore_mem>>) src(%dma_wait3A_78 : memref<10240x128xf32, #tpu.memory_space<hbm>>) dst(%arg20 : memref<80x128xf32, #tpu.memory_space<vmem>>)
          %add3A_79 = arith.constant 1 : i32
          %add3A_80 = arith.addi %add3A_43, %add3A_79 : i32
          "tpu.region"() ({
            %run_scoped3A = tpu.sem_alloc : memref<!tpu.dma_semaphore, #tpu.memory_space<semaphore_mem>>
            %dma_start3A_81 = arith.constant 0 : i32
            %dma_start3A_82 = tpu.memref_slice %arg18[%add3A_80, %dma_start3A_81] : memref<125x80xi32, #tpu.memory_space<vmem>> -> memref<1x80xi32, #tpu.memory_space<vmem>>
            %dma_start3A_83 = tpu.memref_squeeze %dma_start3A_82 : memref<1x80xi32, #tpu.memory_space<vmem>> -> memref<80xi32, #tpu.memory_space<vmem>>
            %dma_start3A_84 = arith.constant 0 : i32
            %dma_start3A_85 = arith.constant 0 : i32
            %dma_start3A_86 = tpu.memref_slice %arg21[%dma_start3A_84, %dma_start3A_85] : memref<10240x128xf32, #tpu.memory_space<vmem_shared>> -> memref<10240x128xf32, #tpu.memory_space<vmem_shared>>
            tpu.enqueue_indirect_dma source(%arg20 : memref<80x128xf32, #tpu.memory_space<vmem>>) target(%dma_start3A_86 : memref<10240x128xf32, #tpu.memory_space<vmem_shared>>) offsets(%dma_start3A_83 : memref<80xi32, #tpu.memory_space<vmem>>) semaphore(%run_scoped3A : memref<!tpu.dma_semaphore, #tpu.memory_space<semaphore_mem>>) {add = true}
            %dma_wait3A_87 = arith.constant 0 : i32
            %dma_wait3A_88 = tpu.memref_slice %arg18[%add3A_80, %dma_wait3A_87] : memref<125x80xi32, #tpu.memory_space<vmem>> -> memref<1x80xi32, #tpu.memory_space<vmem>>
            %dma_wait3A_89 = tpu.memref_squeeze %dma_wait3A_88 : memref<1x80xi32, #tpu.memory_space<vmem>> -> memref<80xi32, #tpu.memory_space<vmem>>
            %dma_wait3A_90 = arith.constant 0 : i32
            %dma_wait3A_91 = arith.constant 0 : i32
            %dma_wait3A_92 = tpu.memref_slice %arg21[%dma_wait3A_90, %dma_wait3A_91] : memref<10240x128xf32, #tpu.memory_space<vmem_shared>> -> memref<10240x128xf32, #tpu.memory_space<vmem_shared>>
            tpu.wait_indirect_dma semaphore(%run_scoped3A : memref<!tpu.dma_semaphore, #tpu.memory_space<semaphore_mem>>) src(%arg20 : memref<80x128xf32, #tpu.memory_space<vmem>>) dst(%dma_wait3A_92 : memref<10240x128xf32, #tpu.memory_space<vmem_shared>>)
            tpu.yield
          }) : () -> ()
        } else {
        }
      }
      %scan3A_38 = arith.constant 63 : i32
      %barrier3A_39 = arith.constant 0 : index
      tpu.barrier barrier_id(%barrier3A_39)
      "tpu.region"() ({
        %run_scoped3A = tpu.sem_alloc : memref<!tpu.dma_semaphore, #tpu.memory_space<semaphore_mem>>
        %dma_start3A_40 = arith.constant 0 : i32
        %dma_start3A_41 = tpu.memref_slice %arg11[%mul3A_0, %dma_start3A_40] : memref<10240x128xf32, #tpu.memory_space<hbm>> -> memref<640x128xf32, #tpu.memory_space<hbm>>
        %dma_start3A_42 = arith.constant 0 : i32
        %dma_start3A_43 = tpu.memref_slice %arg21[%mul3A_0, %dma_start3A_42] : memref<10240x128xf32, #tpu.memory_space<vmem_shared>> -> memref<640x128xf32, #tpu.memory_space<vmem_shared>>
        tpu.enqueue_dma source(%dma_start3A_43 : memref<640x128xf32, #tpu.memory_space<vmem_shared>>) target(%dma_start3A_41 : memref<640x128xf32, #tpu.memory_space<hbm>>) target_semaphore(%run_scoped3A : memref<!tpu.dma_semaphore, #tpu.memory_space<semaphore_mem>>)
        %dma_wait3A = arith.constant 0 : i32
        %dma_wait3A_44 = tpu.memref_slice %arg11[%mul3A_0, %dma_wait3A] : memref<10240x128xf32, #tpu.memory_space<hbm>> -> memref<640x128xf32, #tpu.memory_space<hbm>>
        %dma_wait3A_45 = arith.constant 0 : i32
        %dma_wait3A_46 = tpu.memref_slice %arg21[%mul3A_0, %dma_wait3A_45] : memref<10240x128xf32, #tpu.memory_space<vmem_shared>> -> memref<640x128xf32, #tpu.memory_space<vmem_shared>>
        tpu.wait_dma2 semaphore(%run_scoped3A : memref<!tpu.dma_semaphore, #tpu.memory_space<semaphore_mem>>) src(%dma_wait3A_46 : memref<640x128xf32, #tpu.memory_space<vmem_shared>>) dst(%dma_wait3A_44 : memref<640x128xf32, #tpu.memory_space<hbm>>)
        tpu.yield
      }) : () -> ()
    } else {
    }
    %eq3A_5 = arith.constant 1 : i32
    %eq3A_6 = arith.cmpi eq, %arg0, %eq3A_5 : i32
    %convert_element_type3A_7 = arith.extui %eq3A_6 : i1 to i32
    %cond3A_8 = arith.constant 0 : i32
    %cond3A_9 = arith.cmpi ne, %convert_element_type3A_7, %cond3A_8 : i32
    scf.if %cond3A_9 {
      "tpu.region"() ({
        %run_scoped3A = tpu.sem_alloc : memref<!tpu.dma_semaphore, #tpu.memory_space<semaphore_mem>>
        %dma_start3A_40 = arith.constant 0 : i32
        %dma_start3A_41 = tpu.memref_slice %arg21[%mul3A_0, %dma_start3A_40] : memref<10240x128xf32, #tpu.memory_space<vmem_shared>> -> memref<640x128xf32, #tpu.memory_space<vmem_shared>>
        %dma_start3A_42 = arith.constant 0 : i32
        %dma_start3A_43 = tpu.memref_slice %arg9[%mul3A_0, %dma_start3A_42] : memref<10240x128xf32, #tpu.memory_space<hbm>> -> memref<640x128xf32, #tpu.memory_space<hbm>>
        tpu.enqueue_dma source(%dma_start3A_43 : memref<640x128xf32, #tpu.memory_space<hbm>>) target(%dma_start3A_41 : memref<640x128xf32, #tpu.memory_space<vmem_shared>>) target_semaphore(%run_scoped3A : memref<!tpu.dma_semaphore, #tpu.memory_space<semaphore_mem>>)
        %dma_wait3A = arith.constant 0 : i32
        %dma_wait3A_44 = tpu.memref_slice %arg21[%mul3A_0, %dma_wait3A] : memref<10240x128xf32, #tpu.memory_space<vmem_shared>> -> memref<640x128xf32, #tpu.memory_space<vmem_shared>>
        %dma_wait3A_45 = arith.constant 0 : i32
        %dma_wait3A_46 = tpu.memref_slice %arg9[%mul3A_0, %dma_wait3A_45] : memref<10240x128xf32, #tpu.memory_space<hbm>> -> memref<640x128xf32, #tpu.memory_space<hbm>>
        tpu.wait_dma2 semaphore(%run_scoped3A : memref<!tpu.dma_semaphore, #tpu.memory_space<semaphore_mem>>) src(%dma_wait3A_46 : memref<640x128xf32, #tpu.memory_space<hbm>>) dst(%dma_wait3A_44 : memref<640x128xf32, #tpu.memory_space<vmem_shared>>)
        tpu.yield
      }) : () -> ()
      %barrier3A = arith.constant 0 : index
      tpu.barrier barrier_id(%barrier3A)
      %dma_start3A = arith.constant 0 : i32
      %dma_start3A_30 = tpu.memref_slice %arg17[%dma_start3A] : memref<10000xi32, #tpu.memory_space<vmem>> -> memref<80xi32, #tpu.memory_space<vmem>>
      %dma_start3A_31 = arith.constant 0 : i32
      %dma_start3A_32 = arith.constant 0 : i32
      %dma_start3A_33 = tpu.memref_slice %arg3[%dma_start3A_31, %dma_start3A_32] : memref<10240x128xf32, #tpu.memory_space<hbm>> -> memref<10240x128xf32, #tpu.memory_space<hbm>>
      tpu.enqueue_indirect_dma source(%dma_start3A_33 : memref<10240x128xf32, #tpu.memory_space<hbm>>) target(%arg19 : memref<80x128xf32, #tpu.memory_space<vmem>>) offsets(%dma_start3A_30 : memref<80xi32, #tpu.memory_space<vmem>>) semaphore(%arg22 : memref<!tpu.dma_semaphore, #tpu.memory_space<semaphore_mem>>)
      %scan3A = arith.constant 0 : i32
      %scan3A_34 = arith.constant 0 : i32
      %scan3A_35 = arith.constant 63 : i32
      %scan3A_36 = arith.addi %scan3A_34, %scan3A_35 : i32
      %scan3A_37 = arith.constant 1 : i32
      scf.for %scan3A_40 = %scan3A_34 to %scan3A_36 step %scan3A_37  : i32 {
        %mul3A_41 = arith.constant 2 : i32
        %mul3A_42 = arith.muli %mul3A_41, %scan3A_40 : i32
        %add3A = arith.constant 0 : i32
        %add3A_43 = arith.addi %add3A, %mul3A_42 : i32
        %mul3A_44 = arith.constant 2 : i32
        %mul3A_45 = arith.muli %mul3A_44, %scan3A_40 : i32
        %add3A_46 = arith.constant 1 : i32
        %add3A_47 = arith.addi %mul3A_45, %add3A_46 : i32
        %lt3A = arith.constant 125 : i32
        %lt3A_48 = arith.cmpi slt, %add3A_47, %lt3A : i32
        %convert_element_type3A_49 = arith.extui %lt3A_48 : i1 to i32
        %cond3A_50 = arith.constant 0 : i32
        %cond3A_51 = arith.cmpi ne, %convert_element_type3A_49, %cond3A_50 : i32
        scf.if %cond3A_51 {
          %add3A_74 = arith.constant 1 : i32
          %add3A_75 = arith.addi %add3A_43, %add3A_74 : i32
          %mul3A_76 = arith.constant 80 : i32
          %mul3A_77 = arith.muli %add3A_75, %mul3A_76 : i32
          %dma_start3A_78 = tpu.memref_slice %arg17[%mul3A_77] : memref<10000xi32, #tpu.memory_space<vmem>> -> memref<80xi32, #tpu.memory_space<vmem>>
          %dma_start3A_79 = arith.constant 0 : i32
          %dma_start3A_80 = arith.constant 0 : i32
          %dma_start3A_81 = tpu.memref_slice %arg3[%dma_start3A_79, %dma_start3A_80] : memref<10240x128xf32, #tpu.memory_space<hbm>> -> memref<10240x128xf32, #tpu.memory_space<hbm>>
          tpu.enqueue_indirect_dma source(%dma_start3A_81 : memref<10240x128xf32, #tpu.memory_space<hbm>>) target(%arg20 : memref<80x128xf32, #tpu.memory_space<vmem>>) offsets(%dma_start3A_78 : memref<80xi32, #tpu.memory_space<vmem>>) semaphore(%arg23 : memref<!tpu.dma_semaphore, #tpu.memory_space<semaphore_mem>>)
        } else {
        }
        %dma_wait3A = arith.constant 0 : i32
        %dma_wait3A_52 = tpu.memref_slice %arg17[%dma_wait3A] : memref<10000xi32, #tpu.memory_space<vmem>> -> memref<80xi32, #tpu.memory_space<vmem>>
        %dma_wait3A_53 = arith.constant 0 : i32
        %dma_wait3A_54 = arith.constant 0 : i32
        %dma_wait3A_55 = tpu.memref_slice %arg3[%dma_wait3A_53, %dma_wait3A_54] : memref<10240x128xf32, #tpu.memory_space<hbm>> -> memref<10240x128xf32, #tpu.memory_space<hbm>>
        tpu.wait_indirect_dma semaphore(%arg22 : memref<!tpu.dma_semaphore, #tpu.memory_space<semaphore_mem>>) src(%dma_wait3A_55 : memref<10240x128xf32, #tpu.memory_space<hbm>>) dst(%arg19 : memref<80x128xf32, #tpu.memory_space<vmem>>)
        "tpu.region"() ({
          %run_scoped3A = tpu.sem_alloc : memref<!tpu.dma_semaphore, #tpu.memory_space<semaphore_mem>>
          %dma_start3A_74 = arith.constant 0 : i32
          %dma_start3A_75 = tpu.memref_slice %arg18[%add3A_43, %dma_start3A_74] : memref<125x80xi32, #tpu.memory_space<vmem>> -> memref<1x80xi32, #tpu.memory_space<vmem>>
          %dma_start3A_76 = tpu.memref_squeeze %dma_start3A_75 : memref<1x80xi32, #tpu.memory_space<vmem>> -> memref<80xi32, #tpu.memory_space<vmem>>
          %dma_start3A_77 = arith.constant 0 : i32
          %dma_start3A_78 = arith.constant 0 : i32
          %dma_start3A_79 = tpu.memref_slice %arg21[%dma_start3A_77, %dma_start3A_78] : memref<10240x128xf32, #tpu.memory_space<vmem_shared>> -> memref<10240x128xf32, #tpu.memory_space<vmem_shared>>
          tpu.enqueue_indirect_dma source(%arg19 : memref<80x128xf32, #tpu.memory_space<vmem>>) target(%dma_start3A_79 : memref<10240x128xf32, #tpu.memory_space<vmem_shared>>) offsets(%dma_start3A_76 : memref<80xi32, #tpu.memory_space<vmem>>) semaphore(%run_scoped3A : memref<!tpu.dma_semaphore, #tpu.memory_space<semaphore_mem>>) {add = true}
          %dma_wait3A_80 = arith.constant 0 : i32
          %dma_wait3A_81 = tpu.memref_slice %arg18[%add3A_43, %dma_wait3A_80] : memref<125x80xi32, #tpu.memory_space<vmem>> -> memref<1x80xi32, #tpu.memory_space<vmem>>
          %dma_wait3A_82 = tpu.memref_squeeze %dma_wait3A_81 : memref<1x80xi32, #tpu.memory_space<vmem>> -> memref<80xi32, #tpu.memory_space<vmem>>
          %dma_wait3A_83 = arith.constant 0 : i32
          %dma_wait3A_84 = arith.constant 0 : i32
          %dma_wait3A_85 = tpu.memref_slice %arg21[%dma_wait3A_83, %dma_wait3A_84] : memref<10240x128xf32, #tpu.memory_space<vmem_shared>> -> memref<10240x128xf32, #tpu.memory_space<vmem_shared>>
          tpu.wait_indirect_dma semaphore(%run_scoped3A : memref<!tpu.dma_semaphore, #tpu.memory_space<semaphore_mem>>) src(%arg19 : memref<80x128xf32, #tpu.memory_space<vmem>>) dst(%dma_wait3A_85 : memref<10240x128xf32, #tpu.memory_space<vmem_shared>>)
          tpu.yield
        }) : () -> ()
        %mul3A_56 = arith.constant 2 : i32
        %mul3A_57 = arith.muli %mul3A_56, %scan3A_40 : i32
        %add3A_58 = arith.constant 2 : i32
        %add3A_59 = arith.addi %mul3A_57, %add3A_58 : i32
        %lt3A_60 = arith.constant 125 : i32
        %lt3A_61 = arith.cmpi slt, %add3A_59, %lt3A_60 : i32
        %convert_element_type3A_62 = arith.extui %lt3A_61 : i1 to i32
        %cond3A_63 = arith.constant 0 : i32
        %cond3A_64 = arith.cmpi ne, %convert_element_type3A_62, %cond3A_63 : i32
        scf.if %cond3A_64 {
          %add3A_74 = arith.constant 2 : i32
          %add3A_75 = arith.addi %add3A_43, %add3A_74 : i32
          %mul3A_76 = arith.constant 80 : i32
          %mul3A_77 = arith.muli %add3A_75, %mul3A_76 : i32
          %dma_start3A_78 = tpu.memref_slice %arg17[%mul3A_77] : memref<10000xi32, #tpu.memory_space<vmem>> -> memref<80xi32, #tpu.memory_space<vmem>>
          %dma_start3A_79 = arith.constant 0 : i32
          %dma_start3A_80 = arith.constant 0 : i32
          %dma_start3A_81 = tpu.memref_slice %arg3[%dma_start3A_79, %dma_start3A_80] : memref<10240x128xf32, #tpu.memory_space<hbm>> -> memref<10240x128xf32, #tpu.memory_space<hbm>>
          tpu.enqueue_indirect_dma source(%dma_start3A_81 : memref<10240x128xf32, #tpu.memory_space<hbm>>) target(%arg19 : memref<80x128xf32, #tpu.memory_space<vmem>>) offsets(%dma_start3A_78 : memref<80xi32, #tpu.memory_space<vmem>>) semaphore(%arg22 : memref<!tpu.dma_semaphore, #tpu.memory_space<semaphore_mem>>)
        } else {
        }
        %mul3A_65 = arith.constant 2 : i32
        %mul3A_66 = arith.muli %mul3A_65, %scan3A_40 : i32
        %add3A_67 = arith.constant 1 : i32
        %add3A_68 = arith.addi %mul3A_66, %add3A_67 : i32
        %lt3A_69 = arith.constant 125 : i32
        %lt3A_70 = arith.cmpi slt, %add3A_68, %lt3A_69 : i32
        %convert_element_type3A_71 = arith.extui %lt3A_70 : i1 to i32
        %cond3A_72 = arith.constant 0 : i32
        %cond3A_73 = arith.cmpi ne, %convert_element_type3A_71, %cond3A_72 : i32
        scf.if %cond3A_73 {
          %dma_wait3A_74 = arith.constant 0 : i32
          %dma_wait3A_75 = tpu.memref_slice %arg17[%dma_wait3A_74] : memref<10000xi32, #tpu.memory_space<vmem>> -> memref<80xi32, #tpu.memory_space<vmem>>
          %dma_wait3A_76 = arith.constant 0 : i32
          %dma_wait3A_77 = arith.constant 0 : i32
          %dma_wait3A_78 = tpu.memref_slice %arg3[%dma_wait3A_76, %dma_wait3A_77] : memref<10240x128xf32, #tpu.memory_space<hbm>> -> memref<10240x128xf32, #tpu.memory_space<hbm>>
          tpu.wait_indirect_dma semaphore(%arg23 : memref<!tpu.dma_semaphore, #tpu.memory_space<semaphore_mem>>) src(%dma_wait3A_78 : memref<10240x128xf32, #tpu.memory_space<hbm>>) dst(%arg20 : memref<80x128xf32, #tpu.memory_space<vmem>>)
          %add3A_79 = arith.constant 1 : i32
          %add3A_80 = arith.addi %add3A_43, %add3A_79 : i32
          "tpu.region"() ({
            %run_scoped3A = tpu.sem_alloc : memref<!tpu.dma_semaphore, #tpu.memory_space<semaphore_mem>>
            %dma_start3A_81 = arith.constant 0 : i32
            %dma_start3A_82 = tpu.memref_slice %arg18[%add3A_80, %dma_start3A_81] : memref<125x80xi32, #tpu.memory_space<vmem>> -> memref<1x80xi32, #tpu.memory_space<vmem>>
            %dma_start3A_83 = tpu.memref_squeeze %dma_start3A_82 : memref<1x80xi32, #tpu.memory_space<vmem>> -> memref<80xi32, #tpu.memory_space<vmem>>
            %dma_start3A_84 = arith.constant 0 : i32
            %dma_start3A_85 = arith.constant 0 : i32
            %dma_start3A_86 = tpu.memref_slice %arg21[%dma_start3A_84, %dma_start3A_85] : memref<10240x128xf32, #tpu.memory_space<vmem_shared>> -> memref<10240x128xf32, #tpu.memory_space<vmem_shared>>
            tpu.enqueue_indirect_dma source(%arg20 : memref<80x128xf32, #tpu.memory_space<vmem>>) target(%dma_start3A_86 : memref<10240x128xf32, #tpu.memory_space<vmem_shared>>) offsets(%dma_start3A_83 : memref<80xi32, #tpu.memory_space<vmem>>) semaphore(%run_scoped3A : memref<!tpu.dma_semaphore, #tpu.memory_space<semaphore_mem>>) {add = true}
            %dma_wait3A_87 = arith.constant 0 : i32
            %dma_wait3A_88 = tpu.memref_slice %arg18[%add3A_80, %dma_wait3A_87] : memref<125x80xi32, #tpu.memory_space<vmem>> -> memref<1x80xi32, #tpu.memory_space<vmem>>
            %dma_wait3A_89 = tpu.memref_squeeze %dma_wait3A_88 : memref<1x80xi32, #tpu.memory_space<vmem>> -> memref<80xi32, #tpu.memory_space<vmem>>
            %dma_wait3A_90 = arith.constant 0 : i32
            %dma_wait3A_91 = arith.constant 0 : i32
            %dma_wait3A_92 = tpu.memref_slice %arg21[%dma_wait3A_90, %dma_wait3A_91] : memref<10240x128xf32, #tpu.memory_space<vmem_shared>> -> memref<10240x128xf32, #tpu.memory_space<vmem_shared>>
            tpu.wait_indirect_dma semaphore(%run_scoped3A : memref<!tpu.dma_semaphore, #tpu.memory_space<semaphore_mem>>) src(%arg20 : memref<80x128xf32, #tpu.memory_space<vmem>>) dst(%dma_wait3A_92 : memref<10240x128xf32, #tpu.memory_space<vmem_shared>>)
            tpu.yield
          }) : () -> ()
        } else {
        }
      }
      %scan3A_38 = arith.constant 63 : i32
      %barrier3A_39 = arith.constant 0 : index
      tpu.barrier barrier_id(%barrier3A_39)
      "tpu.region"() ({
        %run_scoped3A = tpu.sem_alloc : memref<!tpu.dma_semaphore, #tpu.memory_space<semaphore_mem>>
        %dma_start3A_40 = arith.constant 0 : i32
        %dma_start3A_41 = tpu.memref_slice %arg12[%mul3A_0, %dma_start3A_40] : memref<10240x128xf32, #tpu.memory_space<hbm>> -> memref<640x128xf32, #tpu.memory_space<hbm>>
        %dma_start3A_42 = arith.constant 0 : i32
        %dma_start3A_43 = tpu.memref_slice %arg21[%mul3A_0, %dma_start3A_42] : memref<10240x128xf32, #tpu.memory_space<vmem_shared>> -> memref<640x128xf32, #tpu.memory_space<vmem_shared>>
        tpu.enqueue_dma source(%dma_start3A_43 : memref<640x128xf32, #tpu.memory_space<vmem_shared>>) target(%dma_start3A_41 : memref<640x128xf32, #tpu.memory_space<hbm>>) target_semaphore(%run_scoped3A : memref<!tpu.dma_semaphore, #tpu.memory_space<semaphore_mem>>)
        %dma_wait3A = arith.constant 0 : i32
        %dma_wait3A_44 = tpu.memref_slice %arg12[%mul3A_0, %dma_wait3A] : memref<10240x128xf32, #tpu.memory_space<hbm>> -> memref<640x128xf32, #tpu.memory_space<hbm>>
        %dma_wait3A_45 = arith.constant 0 : i32
        %dma_wait3A_46 = tpu.memref_slice %arg21[%mul3A_0, %dma_wait3A_45] : memref<10240x128xf32, #tpu.memory_space<vmem_shared>> -> memref<640x128xf32, #tpu.memory_space<vmem_shared>>
        tpu.wait_dma2 semaphore(%run_scoped3A : memref<!tpu.dma_semaphore, #tpu.memory_space<semaphore_mem>>) src(%dma_wait3A_46 : memref<640x128xf32, #tpu.memory_space<vmem_shared>>) dst(%dma_wait3A_44 : memref<640x128xf32, #tpu.memory_space<hbm>>)
        tpu.yield
      }) : () -> ()
    } else {
    }
    %eq3A_10 = arith.constant 0 : i32
    %eq3A_11 = arith.cmpi eq, %arg0, %eq3A_10 : i32
    %convert_element_type3A_12 = arith.extui %eq3A_11 : i1 to i32
    %cond3A_13 = arith.constant 0 : i32
    %cond3A_14 = arith.cmpi ne, %convert_element_type3A_12, %cond3A_13 : i32
    scf.if %cond3A_14 {
      "tpu.region"() ({
        %run_scoped3A = tpu.sem_alloc : memref<!tpu.dma_semaphore, #tpu.memory_space<semaphore_mem>>
        %dma_start3A_40 = arith.constant 0 : i32
        %dma_start3A_41 = tpu.memref_slice %arg21[%mul3A_0, %dma_start3A_40] : memref<10240x128xf32, #tpu.memory_space<vmem_shared>> -> memref<640x128xf32, #tpu.memory_space<vmem_shared>>
        %dma_start3A_42 = arith.constant 0 : i32
        %dma_start3A_43 = tpu.memref_slice %arg9[%mul3A_0, %dma_start3A_42] : memref<10240x128xf32, #tpu.memory_space<hbm>> -> memref<640x128xf32, #tpu.memory_space<hbm>>
        tpu.enqueue_dma source(%dma_start3A_43 : memref<640x128xf32, #tpu.memory_space<hbm>>) target(%dma_start3A_41 : memref<640x128xf32, #tpu.memory_space<vmem_shared>>) target_semaphore(%run_scoped3A : memref<!tpu.dma_semaphore, #tpu.memory_space<semaphore_mem>>)
        %dma_wait3A = arith.constant 0 : i32
        %dma_wait3A_44 = tpu.memref_slice %arg21[%mul3A_0, %dma_wait3A] : memref<10240x128xf32, #tpu.memory_space<vmem_shared>> -> memref<640x128xf32, #tpu.memory_space<vmem_shared>>
        %dma_wait3A_45 = arith.constant 0 : i32
        %dma_wait3A_46 = tpu.memref_slice %arg9[%mul3A_0, %dma_wait3A_45] : memref<10240x128xf32, #tpu.memory_space<hbm>> -> memref<640x128xf32, #tpu.memory_space<hbm>>
        tpu.wait_dma2 semaphore(%run_scoped3A : memref<!tpu.dma_semaphore, #tpu.memory_space<semaphore_mem>>) src(%dma_wait3A_46 : memref<640x128xf32, #tpu.memory_space<hbm>>) dst(%dma_wait3A_44 : memref<640x128xf32, #tpu.memory_space<vmem_shared>>)
        tpu.yield
      }) : () -> ()
      %barrier3A = arith.constant 0 : index
      tpu.barrier barrier_id(%barrier3A)
      %dma_start3A = arith.constant 0 : i32
      %dma_start3A_30 = tpu.memref_slice %arg17[%dma_start3A] : memref<10000xi32, #tpu.memory_space<vmem>> -> memref<80xi32, #tpu.memory_space<vmem>>
      %dma_start3A_31 = arith.constant 0 : i32
      %dma_start3A_32 = arith.constant 0 : i32
      %dma_start3A_33 = tpu.memref_slice %arg4[%dma_start3A_31, %dma_start3A_32] : memref<10240x128xf32, #tpu.memory_space<hbm>> -> memref<10240x128xf32, #tpu.memory_space<hbm>>
      tpu.enqueue_indirect_dma source(%dma_start3A_33 : memref<10240x128xf32, #tpu.memory_space<hbm>>) target(%arg19 : memref<80x128xf32, #tpu.memory_space<vmem>>) offsets(%dma_start3A_30 : memref<80xi32, #tpu.memory_space<vmem>>) semaphore(%arg22 : memref<!tpu.dma_semaphore, #tpu.memory_space<semaphore_mem>>)
      %scan3A = arith.constant 0 : i32
      %scan3A_34 = arith.constant 0 : i32
      %scan3A_35 = arith.constant 63 : i32
      %scan3A_36 = arith.addi %scan3A_34, %scan3A_35 : i32
      %scan3A_37 = arith.constant 1 : i32
      scf.for %scan3A_40 = %scan3A_34 to %scan3A_36 step %scan3A_37  : i32 {
        %mul3A_41 = arith.constant 2 : i32
        %mul3A_42 = arith.muli %mul3A_41, %scan3A_40 : i32
        %add3A = arith.constant 0 : i32
        %add3A_43 = arith.addi %add3A, %mul3A_42 : i32
        %mul3A_44 = arith.constant 2 : i32
        %mul3A_45 = arith.muli %mul3A_44, %scan3A_40 : i32
        %add3A_46 = arith.constant 1 : i32
        %add3A_47 = arith.addi %mul3A_45, %add3A_46 : i32
        %lt3A = arith.constant 125 : i32
        %lt3A_48 = arith.cmpi slt, %add3A_47, %lt3A : i32
        %convert_element_type3A_49 = arith.extui %lt3A_48 : i1 to i32
        %cond3A_50 = arith.constant 0 : i32
        %cond3A_51 = arith.cmpi ne, %convert_element_type3A_49, %cond3A_50 : i32
        scf.if %cond3A_51 {
          %add3A_74 = arith.constant 1 : i32
          %add3A_75 = arith.addi %add3A_43, %add3A_74 : i32
          %mul3A_76 = arith.constant 80 : i32
          %mul3A_77 = arith.muli %add3A_75, %mul3A_76 : i32
          %dma_start3A_78 = tpu.memref_slice %arg17[%mul3A_77] : memref<10000xi32, #tpu.memory_space<vmem>> -> memref<80xi32, #tpu.memory_space<vmem>>
          %dma_start3A_79 = arith.constant 0 : i32
          %dma_start3A_80 = arith.constant 0 : i32
          %dma_start3A_81 = tpu.memref_slice %arg4[%dma_start3A_79, %dma_start3A_80] : memref<10240x128xf32, #tpu.memory_space<hbm>> -> memref<10240x128xf32, #tpu.memory_space<hbm>>
          tpu.enqueue_indirect_dma source(%dma_start3A_81 : memref<10240x128xf32, #tpu.memory_space<hbm>>) target(%arg20 : memref<80x128xf32, #tpu.memory_space<vmem>>) offsets(%dma_start3A_78 : memref<80xi32, #tpu.memory_space<vmem>>) semaphore(%arg23 : memref<!tpu.dma_semaphore, #tpu.memory_space<semaphore_mem>>)
        } else {
        }
        %dma_wait3A = arith.constant 0 : i32
        %dma_wait3A_52 = tpu.memref_slice %arg17[%dma_wait3A] : memref<10000xi32, #tpu.memory_space<vmem>> -> memref<80xi32, #tpu.memory_space<vmem>>
        %dma_wait3A_53 = arith.constant 0 : i32
        %dma_wait3A_54 = arith.constant 0 : i32
        %dma_wait3A_55 = tpu.memref_slice %arg4[%dma_wait3A_53, %dma_wait3A_54] : memref<10240x128xf32, #tpu.memory_space<hbm>> -> memref<10240x128xf32, #tpu.memory_space<hbm>>
        tpu.wait_indirect_dma semaphore(%arg22 : memref<!tpu.dma_semaphore, #tpu.memory_space<semaphore_mem>>) src(%dma_wait3A_55 : memref<10240x128xf32, #tpu.memory_space<hbm>>) dst(%arg19 : memref<80x128xf32, #tpu.memory_space<vmem>>)
        "tpu.region"() ({
          %run_scoped3A = tpu.sem_alloc : memref<!tpu.dma_semaphore, #tpu.memory_space<semaphore_mem>>
          %dma_start3A_74 = arith.constant 0 : i32
          %dma_start3A_75 = tpu.memref_slice %arg18[%add3A_43, %dma_start3A_74] : memref<125x80xi32, #tpu.memory_space<vmem>> -> memref<1x80xi32, #tpu.memory_space<vmem>>
          %dma_start3A_76 = tpu.memref_squeeze %dma_start3A_75 : memref<1x80xi32, #tpu.memory_space<vmem>> -> memref<80xi32, #tpu.memory_space<vmem>>
          %dma_start3A_77 = arith.constant 0 : i32
          %dma_start3A_78 = arith.constant 0 : i32
          %dma_start3A_79 = tpu.memref_slice %arg21[%dma_start3A_77, %dma_start3A_78] : memref<10240x128xf32, #tpu.memory_space<vmem_shared>> -> memref<10240x128xf32, #tpu.memory_space<vmem_shared>>
          tpu.enqueue_indirect_dma source(%arg19 : memref<80x128xf32, #tpu.memory_space<vmem>>) target(%dma_start3A_79 : memref<10240x128xf32, #tpu.memory_space<vmem_shared>>) offsets(%dma_start3A_76 : memref<80xi32, #tpu.memory_space<vmem>>) semaphore(%run_scoped3A : memref<!tpu.dma_semaphore, #tpu.memory_space<semaphore_mem>>) {add = true}
          %dma_wait3A_80 = arith.constant 0 : i32
          %dma_wait3A_81 = tpu.memref_slice %arg18[%add3A_43, %dma_wait3A_80] : memref<125x80xi32, #tpu.memory_space<vmem>> -> memref<1x80xi32, #tpu.memory_space<vmem>>
          %dma_wait3A_82 = tpu.memref_squeeze %dma_wait3A_81 : memref<1x80xi32, #tpu.memory_space<vmem>> -> memref<80xi32, #tpu.memory_space<vmem>>
          %dma_wait3A_83 = arith.constant 0 : i32
          %dma_wait3A_84 = arith.constant 0 : i32
          %dma_wait3A_85 = tpu.memref_slice %arg21[%dma_wait3A_83, %dma_wait3A_84] : memref<10240x128xf32, #tpu.memory_space<vmem_shared>> -> memref<10240x128xf32, #tpu.memory_space<vmem_shared>>
          tpu.wait_indirect_dma semaphore(%run_scoped3A : memref<!tpu.dma_semaphore, #tpu.memory_space<semaphore_mem>>) src(%arg19 : memref<80x128xf32, #tpu.memory_space<vmem>>) dst(%dma_wait3A_85 : memref<10240x128xf32, #tpu.memory_space<vmem_shared>>)
          tpu.yield
        }) : () -> ()
        %mul3A_56 = arith.constant 2 : i32
        %mul3A_57 = arith.muli %mul3A_56, %scan3A_40 : i32
        %add3A_58 = arith.constant 2 : i32
        %add3A_59 = arith.addi %mul3A_57, %add3A_58 : i32
        %lt3A_60 = arith.constant 125 : i32
        %lt3A_61 = arith.cmpi slt, %add3A_59, %lt3A_60 : i32
        %convert_element_type3A_62 = arith.extui %lt3A_61 : i1 to i32
        %cond3A_63 = arith.constant 0 : i32
        %cond3A_64 = arith.cmpi ne, %convert_element_type3A_62, %cond3A_63 : i32
        scf.if %cond3A_64 {
          %add3A_74 = arith.constant 2 : i32
          %add3A_75 = arith.addi %add3A_43, %add3A_74 : i32
          %mul3A_76 = arith.constant 80 : i32
          %mul3A_77 = arith.muli %add3A_75, %mul3A_76 : i32
          %dma_start3A_78 = tpu.memref_slice %arg17[%mul3A_77] : memref<10000xi32, #tpu.memory_space<vmem>> -> memref<80xi32, #tpu.memory_space<vmem>>
          %dma_start3A_79 = arith.constant 0 : i32
          %dma_start3A_80 = arith.constant 0 : i32
          %dma_start3A_81 = tpu.memref_slice %arg4[%dma_start3A_79, %dma_start3A_80] : memref<10240x128xf32, #tpu.memory_space<hbm>> -> memref<10240x128xf32, #tpu.memory_space<hbm>>
          tpu.enqueue_indirect_dma source(%dma_start3A_81 : memref<10240x128xf32, #tpu.memory_space<hbm>>) target(%arg19 : memref<80x128xf32, #tpu.memory_space<vmem>>) offsets(%dma_start3A_78 : memref<80xi32, #tpu.memory_space<vmem>>) semaphore(%arg22 : memref<!tpu.dma_semaphore, #tpu.memory_space<semaphore_mem>>)
        } else {
        }
        %mul3A_65 = arith.constant 2 : i32
        %mul3A_66 = arith.muli %mul3A_65, %scan3A_40 : i32
        %add3A_67 = arith.constant 1 : i32
        %add3A_68 = arith.addi %mul3A_66, %add3A_67 : i32
        %lt3A_69 = arith.constant 125 : i32
        %lt3A_70 = arith.cmpi slt, %add3A_68, %lt3A_69 : i32
        %convert_element_type3A_71 = arith.extui %lt3A_70 : i1 to i32
        %cond3A_72 = arith.constant 0 : i32
        %cond3A_73 = arith.cmpi ne, %convert_element_type3A_71, %cond3A_72 : i32
        scf.if %cond3A_73 {
          %dma_wait3A_74 = arith.constant 0 : i32
          %dma_wait3A_75 = tpu.memref_slice %arg17[%dma_wait3A_74] : memref<10000xi32, #tpu.memory_space<vmem>> -> memref<80xi32, #tpu.memory_space<vmem>>
          %dma_wait3A_76 = arith.constant 0 : i32
          %dma_wait3A_77 = arith.constant 0 : i32
          %dma_wait3A_78 = tpu.memref_slice %arg4[%dma_wait3A_76, %dma_wait3A_77] : memref<10240x128xf32, #tpu.memory_space<hbm>> -> memref<10240x128xf32, #tpu.memory_space<hbm>>
          tpu.wait_indirect_dma semaphore(%arg23 : memref<!tpu.dma_semaphore, #tpu.memory_space<semaphore_mem>>) src(%dma_wait3A_78 : memref<10240x128xf32, #tpu.memory_space<hbm>>) dst(%arg20 : memref<80x128xf32, #tpu.memory_space<vmem>>)
          %add3A_79 = arith.constant 1 : i32
          %add3A_80 = arith.addi %add3A_43, %add3A_79 : i32
          "tpu.region"() ({
            %run_scoped3A = tpu.sem_alloc : memref<!tpu.dma_semaphore, #tpu.memory_space<semaphore_mem>>
            %dma_start3A_81 = arith.constant 0 : i32
            %dma_start3A_82 = tpu.memref_slice %arg18[%add3A_80, %dma_start3A_81] : memref<125x80xi32, #tpu.memory_space<vmem>> -> memref<1x80xi32, #tpu.memory_space<vmem>>
            %dma_start3A_83 = tpu.memref_squeeze %dma_start3A_82 : memref<1x80xi32, #tpu.memory_space<vmem>> -> memref<80xi32, #tpu.memory_space<vmem>>
            %dma_start3A_84 = arith.constant 0 : i32
            %dma_start3A_85 = arith.constant 0 : i32
            %dma_start3A_86 = tpu.memref_slice %arg21[%dma_start3A_84, %dma_start3A_85] : memref<10240x128xf32, #tpu.memory_space<vmem_shared>> -> memref<10240x128xf32, #tpu.memory_space<vmem_shared>>
            tpu.enqueue_indirect_dma source(%arg20 : memref<80x128xf32, #tpu.memory_space<vmem>>) target(%dma_start3A_86 : memref<10240x128xf32, #tpu.memory_space<vmem_shared>>) offsets(%dma_start3A_83 : memref<80xi32, #tpu.memory_space<vmem>>) semaphore(%run_scoped3A : memref<!tpu.dma_semaphore, #tpu.memory_space<semaphore_mem>>) {add = true}
            %dma_wait3A_87 = arith.constant 0 : i32
            %dma_wait3A_88 = tpu.memref_slice %arg18[%add3A_80, %dma_wait3A_87] : memref<125x80xi32, #tpu.memory_space<vmem>> -> memref<1x80xi32, #tpu.memory_space<vmem>>
            %dma_wait3A_89 = tpu.memref_squeeze %dma_wait3A_88 : memref<1x80xi32, #tpu.memory_space<vmem>> -> memref<80xi32, #tpu.memory_space<vmem>>
            %dma_wait3A_90 = arith.constant 0 : i32
            %dma_wait3A_91 = arith.constant 0 : i32
            %dma_wait3A_92 = tpu.memref_slice %arg21[%dma_wait3A_90, %dma_wait3A_91] : memref<10240x128xf32, #tpu.memory_space<vmem_shared>> -> memref<10240x128xf32, #tpu.memory_space<vmem_shared>>
            tpu.wait_indirect_dma semaphore(%run_scoped3A : memref<!tpu.dma_semaphore, #tpu.memory_space<semaphore_mem>>) src(%arg20 : memref<80x128xf32, #tpu.memory_space<vmem>>) dst(%dma_wait3A_92 : memref<10240x128xf32, #tpu.memory_space<vmem_shared>>)
            tpu.yield
          }) : () -> ()
        } else {
        }
      }
      %scan3A_38 = arith.constant 63 : i32
      %barrier3A_39 = arith.constant 0 : index
      tpu.barrier barrier_id(%barrier3A_39)
      "tpu.region"() ({
        %run_scoped3A = tpu.sem_alloc : memref<!tpu.dma_semaphore, #tpu.memory_space<semaphore_mem>>
        %dma_start3A_40 = arith.constant 0 : i32
        %dma_start3A_41 = tpu.memref_slice %arg13[%mul3A_0, %dma_start3A_40] : memref<10240x128xf32, #tpu.memory_space<hbm>> -> memref<640x128xf32, #tpu.memory_space<hbm>>
        %dma_start3A_42 = arith.constant 0 : i32
        %dma_start3A_43 = tpu.memref_slice %arg21[%mul3A_0, %dma_start3A_42] : memref<10240x128xf32, #tpu.memory_space<vmem_shared>> -> memref<640x128xf32, #tpu.memory_space<vmem_shared>>
        tpu.enqueue_dma source(%dma_start3A_43 : memref<640x128xf32, #tpu.memory_space<vmem_shared>>) target(%dma_start3A_41 : memref<640x128xf32, #tpu.memory_space<hbm>>) target_semaphore(%run_scoped3A : memref<!tpu.dma_semaphore, #tpu.memory_space<semaphore_mem>>)
        %dma_wait3A = arith.constant 0 : i32
        %dma_wait3A_44 = tpu.memref_slice %arg13[%mul3A_0, %dma_wait3A] : memref<10240x128xf32, #tpu.memory_space<hbm>> -> memref<640x128xf32, #tpu.memory_space<hbm>>
        %dma_wait3A_45 = arith.constant 0 : i32
        %dma_wait3A_46 = tpu.memref_slice %arg21[%mul3A_0, %dma_wait3A_45] : memref<10240x128xf32, #tpu.memory_space<vmem_shared>> -> memref<640x128xf32, #tpu.memory_space<vmem_shared>>
        tpu.wait_dma2 semaphore(%run_scoped3A : memref<!tpu.dma_semaphore, #tpu.memory_space<semaphore_mem>>) src(%dma_wait3A_46 : memref<640x128xf32, #tpu.memory_space<vmem_shared>>) dst(%dma_wait3A_44 : memref<640x128xf32, #tpu.memory_space<hbm>>)
        tpu.yield
      }) : () -> ()
    } else {
    }
    %eq3A_15 = arith.constant 1 : i32
    %eq3A_16 = arith.cmpi eq, %arg0, %eq3A_15 : i32
    %convert_element_type3A_17 = arith.extui %eq3A_16 : i1 to i32
    %cond3A_18 = arith.constant 0 : i32
    %cond3A_19 = arith.cmpi ne, %convert_element_type3A_17, %cond3A_18 : i32
    scf.if %cond3A_19 {
      "tpu.region"() ({
        %run_scoped3A = tpu.sem_alloc : memref<!tpu.dma_semaphore, #tpu.memory_space<semaphore_mem>>
        %dma_start3A_40 = arith.constant 0 : i32
        %dma_start3A_41 = tpu.memref_slice %arg21[%mul3A_0, %dma_start3A_40] : memref<10240x128xf32, #tpu.memory_space<vmem_shared>> -> memref<640x128xf32, #tpu.memory_space<vmem_shared>>
        %dma_start3A_42 = arith.constant 0 : i32
        %dma_start3A_43 = tpu.memref_slice %arg9[%mul3A_0, %dma_start3A_42] : memref<10240x128xf32, #tpu.memory_space<hbm>> -> memref<640x128xf32, #tpu.memory_space<hbm>>
        tpu.enqueue_dma source(%dma_start3A_43 : memref<640x128xf32, #tpu.memory_space<hbm>>) target(%dma_start3A_41 : memref<640x128xf32, #tpu.memory_space<vmem_shared>>) target_semaphore(%run_scoped3A : memref<!tpu.dma_semaphore, #tpu.memory_space<semaphore_mem>>)
        %dma_wait3A = arith.constant 0 : i32
        %dma_wait3A_44 = tpu.memref_slice %arg21[%mul3A_0, %dma_wait3A] : memref<10240x128xf32, #tpu.memory_space<vmem_shared>> -> memref<640x128xf32, #tpu.memory_space<vmem_shared>>
        %dma_wait3A_45 = arith.constant 0 : i32
        %dma_wait3A_46 = tpu.memref_slice %arg9[%mul3A_0, %dma_wait3A_45] : memref<10240x128xf32, #tpu.memory_space<hbm>> -> memref<640x128xf32, #tpu.memory_space<hbm>>
        tpu.wait_dma2 semaphore(%run_scoped3A : memref<!tpu.dma_semaphore, #tpu.memory_space<semaphore_mem>>) src(%dma_wait3A_46 : memref<640x128xf32, #tpu.memory_space<hbm>>) dst(%dma_wait3A_44 : memref<640x128xf32, #tpu.memory_space<vmem_shared>>)
        tpu.yield
      }) : () -> ()
      %barrier3A = arith.constant 0 : index
      tpu.barrier barrier_id(%barrier3A)
      %dma_start3A = arith.constant 0 : i32
      %dma_start3A_30 = tpu.memref_slice %arg17[%dma_start3A] : memref<10000xi32, #tpu.memory_space<vmem>> -> memref<80xi32, #tpu.memory_space<vmem>>
      %dma_start3A_31 = arith.constant 0 : i32
      %dma_start3A_32 = arith.constant 0 : i32
      %dma_start3A_33 = tpu.memref_slice %arg5[%dma_start3A_31, %dma_start3A_32] : memref<10240x128xf32, #tpu.memory_space<hbm>> -> memref<10240x128xf32, #tpu.memory_space<hbm>>
      tpu.enqueue_indirect_dma source(%dma_start3A_33 : memref<10240x128xf32, #tpu.memory_space<hbm>>) target(%arg19 : memref<80x128xf32, #tpu.memory_space<vmem>>) offsets(%dma_start3A_30 : memref<80xi32, #tpu.memory_space<vmem>>) semaphore(%arg22 : memref<!tpu.dma_semaphore, #tpu.memory_space<semaphore_mem>>)
      %scan3A = arith.constant 0 : i32
      %scan3A_34 = arith.constant 0 : i32
      %scan3A_35 = arith.constant 63 : i32
      %scan3A_36 = arith.addi %scan3A_34, %scan3A_35 : i32
      %scan3A_37 = arith.constant 1 : i32
      scf.for %scan3A_40 = %scan3A_34 to %scan3A_36 step %scan3A_37  : i32 {
        %mul3A_41 = arith.constant 2 : i32
        %mul3A_42 = arith.muli %mul3A_41, %scan3A_40 : i32
        %add3A = arith.constant 0 : i32
        %add3A_43 = arith.addi %add3A, %mul3A_42 : i32
        %mul3A_44 = arith.constant 2 : i32
        %mul3A_45 = arith.muli %mul3A_44, %scan3A_40 : i32
        %add3A_46 = arith.constant 1 : i32
        %add3A_47 = arith.addi %mul3A_45, %add3A_46 : i32
        %lt3A = arith.constant 125 : i32
        %lt3A_48 = arith.cmpi slt, %add3A_47, %lt3A : i32
        %convert_element_type3A_49 = arith.extui %lt3A_48 : i1 to i32
        %cond3A_50 = arith.constant 0 : i32
        %cond3A_51 = arith.cmpi ne, %convert_element_type3A_49, %cond3A_50 : i32
        scf.if %cond3A_51 {
          %add3A_74 = arith.constant 1 : i32
          %add3A_75 = arith.addi %add3A_43, %add3A_74 : i32
          %mul3A_76 = arith.constant 80 : i32
          %mul3A_77 = arith.muli %add3A_75, %mul3A_76 : i32
          %dma_start3A_78 = tpu.memref_slice %arg17[%mul3A_77] : memref<10000xi32, #tpu.memory_space<vmem>> -> memref<80xi32, #tpu.memory_space<vmem>>
          %dma_start3A_79 = arith.constant 0 : i32
          %dma_start3A_80 = arith.constant 0 : i32
          %dma_start3A_81 = tpu.memref_slice %arg5[%dma_start3A_79, %dma_start3A_80] : memref<10240x128xf32, #tpu.memory_space<hbm>> -> memref<10240x128xf32, #tpu.memory_space<hbm>>
          tpu.enqueue_indirect_dma source(%dma_start3A_81 : memref<10240x128xf32, #tpu.memory_space<hbm>>) target(%arg20 : memref<80x128xf32, #tpu.memory_space<vmem>>) offsets(%dma_start3A_78 : memref<80xi32, #tpu.memory_space<vmem>>) semaphore(%arg23 : memref<!tpu.dma_semaphore, #tpu.memory_space<semaphore_mem>>)
        } else {
        }
        %dma_wait3A = arith.constant 0 : i32
        %dma_wait3A_52 = tpu.memref_slice %arg17[%dma_wait3A] : memref<10000xi32, #tpu.memory_space<vmem>> -> memref<80xi32, #tpu.memory_space<vmem>>
        %dma_wait3A_53 = arith.constant 0 : i32
        %dma_wait3A_54 = arith.constant 0 : i32
        %dma_wait3A_55 = tpu.memref_slice %arg5[%dma_wait3A_53, %dma_wait3A_54] : memref<10240x128xf32, #tpu.memory_space<hbm>> -> memref<10240x128xf32, #tpu.memory_space<hbm>>
        tpu.wait_indirect_dma semaphore(%arg22 : memref<!tpu.dma_semaphore, #tpu.memory_space<semaphore_mem>>) src(%dma_wait3A_55 : memref<10240x128xf32, #tpu.memory_space<hbm>>) dst(%arg19 : memref<80x128xf32, #tpu.memory_space<vmem>>)
        "tpu.region"() ({
          %run_scoped3A = tpu.sem_alloc : memref<!tpu.dma_semaphore, #tpu.memory_space<semaphore_mem>>
          %dma_start3A_74 = arith.constant 0 : i32
          %dma_start3A_75 = tpu.memref_slice %arg18[%add3A_43, %dma_start3A_74] : memref<125x80xi32, #tpu.memory_space<vmem>> -> memref<1x80xi32, #tpu.memory_space<vmem>>
          %dma_start3A_76 = tpu.memref_squeeze %dma_start3A_75 : memref<1x80xi32, #tpu.memory_space<vmem>> -> memref<80xi32, #tpu.memory_space<vmem>>
          %dma_start3A_77 = arith.constant 0 : i32
          %dma_start3A_78 = arith.constant 0 : i32
          %dma_start3A_79 = tpu.memref_slice %arg21[%dma_start3A_77, %dma_start3A_78] : memref<10240x128xf32, #tpu.memory_space<vmem_shared>> -> memref<10240x128xf32, #tpu.memory_space<vmem_shared>>
          tpu.enqueue_indirect_dma source(%arg19 : memref<80x128xf32, #tpu.memory_space<vmem>>) target(%dma_start3A_79 : memref<10240x128xf32, #tpu.memory_space<vmem_shared>>) offsets(%dma_start3A_76 : memref<80xi32, #tpu.memory_space<vmem>>) semaphore(%run_scoped3A : memref<!tpu.dma_semaphore, #tpu.memory_space<semaphore_mem>>) {add = true}
          %dma_wait3A_80 = arith.constant 0 : i32
          %dma_wait3A_81 = tpu.memref_slice %arg18[%add3A_43, %dma_wait3A_80] : memref<125x80xi32, #tpu.memory_space<vmem>> -> memref<1x80xi32, #tpu.memory_space<vmem>>
          %dma_wait3A_82 = tpu.memref_squeeze %dma_wait3A_81 : memref<1x80xi32, #tpu.memory_space<vmem>> -> memref<80xi32, #tpu.memory_space<vmem>>
          %dma_wait3A_83 = arith.constant 0 : i32
          %dma_wait3A_84 = arith.constant 0 : i32
          %dma_wait3A_85 = tpu.memref_slice %arg21[%dma_wait3A_83, %dma_wait3A_84] : memref<10240x128xf32, #tpu.memory_space<vmem_shared>> -> memref<10240x128xf32, #tpu.memory_space<vmem_shared>>
          tpu.wait_indirect_dma semaphore(%run_scoped3A : memref<!tpu.dma_semaphore, #tpu.memory_space<semaphore_mem>>) src(%arg19 : memref<80x128xf32, #tpu.memory_space<vmem>>) dst(%dma_wait3A_85 : memref<10240x128xf32, #tpu.memory_space<vmem_shared>>)
          tpu.yield
        }) : () -> ()
        %mul3A_56 = arith.constant 2 : i32
        %mul3A_57 = arith.muli %mul3A_56, %scan3A_40 : i32
        %add3A_58 = arith.constant 2 : i32
        %add3A_59 = arith.addi %mul3A_57, %add3A_58 : i32
        %lt3A_60 = arith.constant 125 : i32
        %lt3A_61 = arith.cmpi slt, %add3A_59, %lt3A_60 : i32
        %convert_element_type3A_62 = arith.extui %lt3A_61 : i1 to i32
        %cond3A_63 = arith.constant 0 : i32
        %cond3A_64 = arith.cmpi ne, %convert_element_type3A_62, %cond3A_63 : i32
        scf.if %cond3A_64 {
          %add3A_74 = arith.constant 2 : i32
          %add3A_75 = arith.addi %add3A_43, %add3A_74 : i32
          %mul3A_76 = arith.constant 80 : i32
          %mul3A_77 = arith.muli %add3A_75, %mul3A_76 : i32
          %dma_start3A_78 = tpu.memref_slice %arg17[%mul3A_77] : memref<10000xi32, #tpu.memory_space<vmem>> -> memref<80xi32, #tpu.memory_space<vmem>>
          %dma_start3A_79 = arith.constant 0 : i32
          %dma_start3A_80 = arith.constant 0 : i32
          %dma_start3A_81 = tpu.memref_slice %arg5[%dma_start3A_79, %dma_start3A_80] : memref<10240x128xf32, #tpu.memory_space<hbm>> -> memref<10240x128xf32, #tpu.memory_space<hbm>>
          tpu.enqueue_indirect_dma source(%dma_start3A_81 : memref<10240x128xf32, #tpu.memory_space<hbm>>) target(%arg19 : memref<80x128xf32, #tpu.memory_space<vmem>>) offsets(%dma_start3A_78 : memref<80xi32, #tpu.memory_space<vmem>>) semaphore(%arg22 : memref<!tpu.dma_semaphore, #tpu.memory_space<semaphore_mem>>)
        } else {
        }
        %mul3A_65 = arith.constant 2 : i32
        %mul3A_66 = arith.muli %mul3A_65, %scan3A_40 : i32
        %add3A_67 = arith.constant 1 : i32
        %add3A_68 = arith.addi %mul3A_66, %add3A_67 : i32
        %lt3A_69 = arith.constant 125 : i32
        %lt3A_70 = arith.cmpi slt, %add3A_68, %lt3A_69 : i32
        %convert_element_type3A_71 = arith.extui %lt3A_70 : i1 to i32
        %cond3A_72 = arith.constant 0 : i32
        %cond3A_73 = arith.cmpi ne, %convert_element_type3A_71, %cond3A_72 : i32
        scf.if %cond3A_73 {
          %dma_wait3A_74 = arith.constant 0 : i32
          %dma_wait3A_75 = tpu.memref_slice %arg17[%dma_wait3A_74] : memref<10000xi32, #tpu.memory_space<vmem>> -> memref<80xi32, #tpu.memory_space<vmem>>
          %dma_wait3A_76 = arith.constant 0 : i32
          %dma_wait3A_77 = arith.constant 0 : i32
          %dma_wait3A_78 = tpu.memref_slice %arg5[%dma_wait3A_76, %dma_wait3A_77] : memref<10240x128xf32, #tpu.memory_space<hbm>> -> memref<10240x128xf32, #tpu.memory_space<hbm>>
          tpu.wait_indirect_dma semaphore(%arg23 : memref<!tpu.dma_semaphore, #tpu.memory_space<semaphore_mem>>) src(%dma_wait3A_78 : memref<10240x128xf32, #tpu.memory_space<hbm>>) dst(%arg20 : memref<80x128xf32, #tpu.memory_space<vmem>>)
          %add3A_79 = arith.constant 1 : i32
          %add3A_80 = arith.addi %add3A_43, %add3A_79 : i32
          "tpu.region"() ({
            %run_scoped3A = tpu.sem_alloc : memref<!tpu.dma_semaphore, #tpu.memory_space<semaphore_mem>>
            %dma_start3A_81 = arith.constant 0 : i32
            %dma_start3A_82 = tpu.memref_slice %arg18[%add3A_80, %dma_start3A_81] : memref<125x80xi32, #tpu.memory_space<vmem>> -> memref<1x80xi32, #tpu.memory_space<vmem>>
            %dma_start3A_83 = tpu.memref_squeeze %dma_start3A_82 : memref<1x80xi32, #tpu.memory_space<vmem>> -> memref<80xi32, #tpu.memory_space<vmem>>
            %dma_start3A_84 = arith.constant 0 : i32
            %dma_start3A_85 = arith.constant 0 : i32
            %dma_start3A_86 = tpu.memref_slice %arg21[%dma_start3A_84, %dma_start3A_85] : memref<10240x128xf32, #tpu.memory_space<vmem_shared>> -> memref<10240x128xf32, #tpu.memory_space<vmem_shared>>
            tpu.enqueue_indirect_dma source(%arg20 : memref<80x128xf32, #tpu.memory_space<vmem>>) target(%dma_start3A_86 : memref<10240x128xf32, #tpu.memory_space<vmem_shared>>) offsets(%dma_start3A_83 : memref<80xi32, #tpu.memory_space<vmem>>) semaphore(%run_scoped3A : memref<!tpu.dma_semaphore, #tpu.memory_space<semaphore_mem>>) {add = true}
            %dma_wait3A_87 = arith.constant 0 : i32
            %dma_wait3A_88 = tpu.memref_slice %arg18[%add3A_80, %dma_wait3A_87] : memref<125x80xi32, #tpu.memory_space<vmem>> -> memref<1x80xi32, #tpu.memory_space<vmem>>
            %dma_wait3A_89 = tpu.memref_squeeze %dma_wait3A_88 : memref<1x80xi32, #tpu.memory_space<vmem>> -> memref<80xi32, #tpu.memory_space<vmem>>
            %dma_wait3A_90 = arith.constant 0 : i32
            %dma_wait3A_91 = arith.constant 0 : i32
            %dma_wait3A_92 = tpu.memref_slice %arg21[%dma_wait3A_90, %dma_wait3A_91] : memref<10240x128xf32, #tpu.memory_space<vmem_shared>> -> memref<10240x128xf32, #tpu.memory_space<vmem_shared>>
            tpu.wait_indirect_dma semaphore(%run_scoped3A : memref<!tpu.dma_semaphore, #tpu.memory_space<semaphore_mem>>) src(%arg20 : memref<80x128xf32, #tpu.memory_space<vmem>>) dst(%dma_wait3A_92 : memref<10240x128xf32, #tpu.memory_space<vmem_shared>>)
            tpu.yield
          }) : () -> ()
        } else {
        }
      }
      %scan3A_38 = arith.constant 63 : i32
      %barrier3A_39 = arith.constant 0 : index
      tpu.barrier barrier_id(%barrier3A_39)
      "tpu.region"() ({
        %run_scoped3A = tpu.sem_alloc : memref<!tpu.dma_semaphore, #tpu.memory_space<semaphore_mem>>
        %dma_start3A_40 = arith.constant 0 : i32
        %dma_start3A_41 = tpu.memref_slice %arg14[%mul3A_0, %dma_start3A_40] : memref<10240x128xf32, #tpu.memory_space<hbm>> -> memref<640x128xf32, #tpu.memory_space<hbm>>
        %dma_start3A_42 = arith.constant 0 : i32
        %dma_start3A_43 = tpu.memref_slice %arg21[%mul3A_0, %dma_start3A_42] : memref<10240x128xf32, #tpu.memory_space<vmem_shared>> -> memref<640x128xf32, #tpu.memory_space<vmem_shared>>
        tpu.enqueue_dma source(%dma_start3A_43 : memref<640x128xf32, #tpu.memory_space<vmem_shared>>) target(%dma_start3A_41 : memref<640x128xf32, #tpu.memory_space<hbm>>) target_semaphore(%run_scoped3A : memref<!tpu.dma_semaphore, #tpu.memory_space<semaphore_mem>>)
        %dma_wait3A = arith.constant 0 : i32
        %dma_wait3A_44 = tpu.memref_slice %arg14[%mul3A_0, %dma_wait3A] : memref<10240x128xf32, #tpu.memory_space<hbm>> -> memref<640x128xf32, #tpu.memory_space<hbm>>
        %dma_wait3A_45 = arith.constant 0 : i32
        %dma_wait3A_46 = tpu.memref_slice %arg21[%mul3A_0, %dma_wait3A_45] : memref<10240x128xf32, #tpu.memory_space<vmem_shared>> -> memref<640x128xf32, #tpu.memory_space<vmem_shared>>
        tpu.wait_dma2 semaphore(%run_scoped3A : memref<!tpu.dma_semaphore, #tpu.memory_space<semaphore_mem>>) src(%dma_wait3A_46 : memref<640x128xf32, #tpu.memory_space<vmem_shared>>) dst(%dma_wait3A_44 : memref<640x128xf32, #tpu.memory_space<hbm>>)
        tpu.yield
      }) : () -> ()
    } else {
    }
    %eq3A_20 = arith.constant 0 : i32
    %eq3A_21 = arith.cmpi eq, %arg0, %eq3A_20 : i32
    %convert_element_type3A_22 = arith.extui %eq3A_21 : i1 to i32
    %cond3A_23 = arith.constant 0 : i32
    %cond3A_24 = arith.cmpi ne, %convert_element_type3A_22, %cond3A_23 : i32
    scf.if %cond3A_24 {
      "tpu.region"() ({
        %run_scoped3A = tpu.sem_alloc : memref<!tpu.dma_semaphore, #tpu.memory_space<semaphore_mem>>
        %dma_start3A_40 = arith.constant 0 : i32
        %dma_start3A_41 = tpu.memref_slice %arg21[%mul3A_0, %dma_start3A_40] : memref<10240x128xf32, #tpu.memory_space<vmem_shared>> -> memref<640x128xf32, #tpu.memory_space<vmem_shared>>
        %dma_start3A_42 = arith.constant 0 : i32
        %dma_start3A_43 = tpu.memref_slice %arg9[%mul3A_0, %dma_start3A_42] : memref<10240x128xf32, #tpu.memory_space<hbm>> -> memref<640x128xf32, #tpu.memory_space<hbm>>
        tpu.enqueue_dma source(%dma_start3A_43 : memref<640x128xf32, #tpu.memory_space<hbm>>) target(%dma_start3A_41 : memref<640x128xf32, #tpu.memory_space<vmem_shared>>) target_semaphore(%run_scoped3A : memref<!tpu.dma_semaphore, #tpu.memory_space<semaphore_mem>>)
        %dma_wait3A = arith.constant 0 : i32
        %dma_wait3A_44 = tpu.memref_slice %arg21[%mul3A_0, %dma_wait3A] : memref<10240x128xf32, #tpu.memory_space<vmem_shared>> -> memref<640x128xf32, #tpu.memory_space<vmem_shared>>
        %dma_wait3A_45 = arith.constant 0 : i32
        %dma_wait3A_46 = tpu.memref_slice %arg9[%mul3A_0, %dma_wait3A_45] : memref<10240x128xf32, #tpu.memory_space<hbm>> -> memref<640x128xf32, #tpu.memory_space<hbm>>
        tpu.wait_dma2 semaphore(%run_scoped3A : memref<!tpu.dma_semaphore, #tpu.memory_space<semaphore_mem>>) src(%dma_wait3A_46 : memref<640x128xf32, #tpu.memory_space<hbm>>) dst(%dma_wait3A_44 : memref<640x128xf32, #tpu.memory_space<vmem_shared>>)
        tpu.yield
      }) : () -> ()
      %barrier3A = arith.constant 0 : index
      tpu.barrier barrier_id(%barrier3A)
      %dma_start3A = arith.constant 0 : i32
      %dma_start3A_30 = tpu.memref_slice %arg17[%dma_start3A] : memref<10000xi32, #tpu.memory_space<vmem>> -> memref<80xi32, #tpu.memory_space<vmem>>
      %dma_start3A_31 = arith.constant 0 : i32
      %dma_start3A_32 = arith.constant 0 : i32
      %dma_start3A_33 = tpu.memref_slice %arg6[%dma_start3A_31, %dma_start3A_32] : memref<10240x128xf32, #tpu.memory_space<hbm>> -> memref<10240x128xf32, #tpu.memory_space<hbm>>
      tpu.enqueue_indirect_dma source(%dma_start3A_33 : memref<10240x128xf32, #tpu.memory_space<hbm>>) target(%arg19 : memref<80x128xf32, #tpu.memory_space<vmem>>) offsets(%dma_start3A_30 : memref<80xi32, #tpu.memory_space<vmem>>) semaphore(%arg22 : memref<!tpu.dma_semaphore, #tpu.memory_space<semaphore_mem>>)
      %scan3A = arith.constant 0 : i32
      %scan3A_34 = arith.constant 0 : i32
      %scan3A_35 = arith.constant 32 : i32
      %scan3A_36 = arith.addi %scan3A_34, %scan3A_35 : i32
      %scan3A_37 = arith.constant 1 : i32
      scf.for %scan3A_40 = %scan3A_34 to %scan3A_36 step %scan3A_37  : i32 {
        %mul3A_41 = arith.constant 2 : i32
        %mul3A_42 = arith.muli %mul3A_41, %scan3A_40 : i32
        %add3A = arith.constant 0 : i32
        %add3A_43 = arith.addi %add3A, %mul3A_42 : i32
        %mul3A_44 = arith.constant 2 : i32
        %mul3A_45 = arith.muli %mul3A_44, %scan3A_40 : i32
        %add3A_46 = arith.constant 1 : i32
        %add3A_47 = arith.addi %mul3A_45, %add3A_46 : i32
        %lt3A = arith.constant 63 : i32
        %lt3A_48 = arith.cmpi slt, %add3A_47, %lt3A : i32
        %convert_element_type3A_49 = arith.extui %lt3A_48 : i1 to i32
        %cond3A_50 = arith.constant 0 : i32
        %cond3A_51 = arith.cmpi ne, %convert_element_type3A_49, %cond3A_50 : i32
        scf.if %cond3A_51 {
          %add3A_74 = arith.constant 1 : i32
          %add3A_75 = arith.addi %add3A_43, %add3A_74 : i32
          %mul3A_76 = arith.constant 80 : i32
          %mul3A_77 = arith.muli %add3A_75, %mul3A_76 : i32
          %dma_start3A_78 = tpu.memref_slice %arg17[%mul3A_77] : memref<10000xi32, #tpu.memory_space<vmem>> -> memref<80xi32, #tpu.memory_space<vmem>>
          %dma_start3A_79 = arith.constant 0 : i32
          %dma_start3A_80 = arith.constant 0 : i32
          %dma_start3A_81 = tpu.memref_slice %arg6[%dma_start3A_79, %dma_start3A_80] : memref<10240x128xf32, #tpu.memory_space<hbm>> -> memref<10240x128xf32, #tpu.memory_space<hbm>>
          tpu.enqueue_indirect_dma source(%dma_start3A_81 : memref<10240x128xf32, #tpu.memory_space<hbm>>) target(%arg20 : memref<80x128xf32, #tpu.memory_space<vmem>>) offsets(%dma_start3A_78 : memref<80xi32, #tpu.memory_space<vmem>>) semaphore(%arg23 : memref<!tpu.dma_semaphore, #tpu.memory_space<semaphore_mem>>)
        } else {
        }
        %dma_wait3A = arith.constant 0 : i32
        %dma_wait3A_52 = tpu.memref_slice %arg17[%dma_wait3A] : memref<10000xi32, #tpu.memory_space<vmem>> -> memref<80xi32, #tpu.memory_space<vmem>>
        %dma_wait3A_53 = arith.constant 0 : i32
        %dma_wait3A_54 = arith.constant 0 : i32
        %dma_wait3A_55 = tpu.memref_slice %arg6[%dma_wait3A_53, %dma_wait3A_54] : memref<10240x128xf32, #tpu.memory_space<hbm>> -> memref<10240x128xf32, #tpu.memory_space<hbm>>
        tpu.wait_indirect_dma semaphore(%arg22 : memref<!tpu.dma_semaphore, #tpu.memory_space<semaphore_mem>>) src(%dma_wait3A_55 : memref<10240x128xf32, #tpu.memory_space<hbm>>) dst(%arg19 : memref<80x128xf32, #tpu.memory_space<vmem>>)
        "tpu.region"() ({
          %run_scoped3A = tpu.sem_alloc : memref<!tpu.dma_semaphore, #tpu.memory_space<semaphore_mem>>
          %dma_start3A_74 = arith.constant 0 : i32
          %dma_start3A_75 = tpu.memref_slice %arg18[%add3A_43, %dma_start3A_74] : memref<125x80xi32, #tpu.memory_space<vmem>> -> memref<1x80xi32, #tpu.memory_space<vmem>>
          %dma_start3A_76 = tpu.memref_squeeze %dma_start3A_75 : memref<1x80xi32, #tpu.memory_space<vmem>> -> memref<80xi32, #tpu.memory_space<vmem>>
          %dma_start3A_77 = arith.constant 0 : i32
          %dma_start3A_78 = arith.constant 0 : i32
          %dma_start3A_79 = tpu.memref_slice %arg21[%dma_start3A_77, %dma_start3A_78] : memref<10240x128xf32, #tpu.memory_space<vmem_shared>> -> memref<10240x128xf32, #tpu.memory_space<vmem_shared>>
          tpu.enqueue_indirect_dma source(%arg19 : memref<80x128xf32, #tpu.memory_space<vmem>>) target(%dma_start3A_79 : memref<10240x128xf32, #tpu.memory_space<vmem_shared>>) offsets(%dma_start3A_76 : memref<80xi32, #tpu.memory_space<vmem>>) semaphore(%run_scoped3A : memref<!tpu.dma_semaphore, #tpu.memory_space<semaphore_mem>>) {add = true}
          %dma_wait3A_80 = arith.constant 0 : i32
          %dma_wait3A_81 = tpu.memref_slice %arg18[%add3A_43, %dma_wait3A_80] : memref<125x80xi32, #tpu.memory_space<vmem>> -> memref<1x80xi32, #tpu.memory_space<vmem>>
          %dma_wait3A_82 = tpu.memref_squeeze %dma_wait3A_81 : memref<1x80xi32, #tpu.memory_space<vmem>> -> memref<80xi32, #tpu.memory_space<vmem>>
          %dma_wait3A_83 = arith.constant 0 : i32
          %dma_wait3A_84 = arith.constant 0 : i32
          %dma_wait3A_85 = tpu.memref_slice %arg21[%dma_wait3A_83, %dma_wait3A_84] : memref<10240x128xf32, #tpu.memory_space<vmem_shared>> -> memref<10240x128xf32, #tpu.memory_space<vmem_shared>>
          tpu.wait_indirect_dma semaphore(%run_scoped3A : memref<!tpu.dma_semaphore, #tpu.memory_space<semaphore_mem>>) src(%arg19 : memref<80x128xf32, #tpu.memory_space<vmem>>) dst(%dma_wait3A_85 : memref<10240x128xf32, #tpu.memory_space<vmem_shared>>)
          tpu.yield
        }) : () -> ()
        %mul3A_56 = arith.constant 2 : i32
        %mul3A_57 = arith.muli %mul3A_56, %scan3A_40 : i32
        %add3A_58 = arith.constant 2 : i32
        %add3A_59 = arith.addi %mul3A_57, %add3A_58 : i32
        %lt3A_60 = arith.constant 63 : i32
        %lt3A_61 = arith.cmpi slt, %add3A_59, %lt3A_60 : i32
        %convert_element_type3A_62 = arith.extui %lt3A_61 : i1 to i32
        %cond3A_63 = arith.constant 0 : i32
        %cond3A_64 = arith.cmpi ne, %convert_element_type3A_62, %cond3A_63 : i32
        scf.if %cond3A_64 {
          %add3A_74 = arith.constant 2 : i32
          %add3A_75 = arith.addi %add3A_43, %add3A_74 : i32
          %mul3A_76 = arith.constant 80 : i32
          %mul3A_77 = arith.muli %add3A_75, %mul3A_76 : i32
          %dma_start3A_78 = tpu.memref_slice %arg17[%mul3A_77] : memref<10000xi32, #tpu.memory_space<vmem>> -> memref<80xi32, #tpu.memory_space<vmem>>
          %dma_start3A_79 = arith.constant 0 : i32
          %dma_start3A_80 = arith.constant 0 : i32
          %dma_start3A_81 = tpu.memref_slice %arg6[%dma_start3A_79, %dma_start3A_80] : memref<10240x128xf32, #tpu.memory_space<hbm>> -> memref<10240x128xf32, #tpu.memory_space<hbm>>
          tpu.enqueue_indirect_dma source(%dma_start3A_81 : memref<10240x128xf32, #tpu.memory_space<hbm>>) target(%arg19 : memref<80x128xf32, #tpu.memory_space<vmem>>) offsets(%dma_start3A_78 : memref<80xi32, #tpu.memory_space<vmem>>) semaphore(%arg22 : memref<!tpu.dma_semaphore, #tpu.memory_space<semaphore_mem>>)
        } else {
        }
        %mul3A_65 = arith.constant 2 : i32
        %mul3A_66 = arith.muli %mul3A_65, %scan3A_40 : i32
        %add3A_67 = arith.constant 1 : i32
        %add3A_68 = arith.addi %mul3A_66, %add3A_67 : i32
        %lt3A_69 = arith.constant 63 : i32
        %lt3A_70 = arith.cmpi slt, %add3A_68, %lt3A_69 : i32
        %convert_element_type3A_71 = arith.extui %lt3A_70 : i1 to i32
        %cond3A_72 = arith.constant 0 : i32
        %cond3A_73 = arith.cmpi ne, %convert_element_type3A_71, %cond3A_72 : i32
        scf.if %cond3A_73 {
          %dma_wait3A_74 = arith.constant 0 : i32
          %dma_wait3A_75 = tpu.memref_slice %arg17[%dma_wait3A_74] : memref<10000xi32, #tpu.memory_space<vmem>> -> memref<80xi32, #tpu.memory_space<vmem>>
          %dma_wait3A_76 = arith.constant 0 : i32
          %dma_wait3A_77 = arith.constant 0 : i32
          %dma_wait3A_78 = tpu.memref_slice %arg6[%dma_wait3A_76, %dma_wait3A_77] : memref<10240x128xf32, #tpu.memory_space<hbm>> -> memref<10240x128xf32, #tpu.memory_space<hbm>>
          tpu.wait_indirect_dma semaphore(%arg23 : memref<!tpu.dma_semaphore, #tpu.memory_space<semaphore_mem>>) src(%dma_wait3A_78 : memref<10240x128xf32, #tpu.memory_space<hbm>>) dst(%arg20 : memref<80x128xf32, #tpu.memory_space<vmem>>)
          %add3A_79 = arith.constant 1 : i32
          %add3A_80 = arith.addi %add3A_43, %add3A_79 : i32
          "tpu.region"() ({
            %run_scoped3A = tpu.sem_alloc : memref<!tpu.dma_semaphore, #tpu.memory_space<semaphore_mem>>
            %dma_start3A_81 = arith.constant 0 : i32
            %dma_start3A_82 = tpu.memref_slice %arg18[%add3A_80, %dma_start3A_81] : memref<125x80xi32, #tpu.memory_space<vmem>> -> memref<1x80xi32, #tpu.memory_space<vmem>>
            %dma_start3A_83 = tpu.memref_squeeze %dma_start3A_82 : memref<1x80xi32, #tpu.memory_space<vmem>> -> memref<80xi32, #tpu.memory_space<vmem>>
            %dma_start3A_84 = arith.constant 0 : i32
            %dma_start3A_85 = arith.constant 0 : i32
            %dma_start3A_86 = tpu.memref_slice %arg21[%dma_start3A_84, %dma_start3A_85] : memref<10240x128xf32, #tpu.memory_space<vmem_shared>> -> memref<10240x128xf32, #tpu.memory_space<vmem_shared>>
            tpu.enqueue_indirect_dma source(%arg20 : memref<80x128xf32, #tpu.memory_space<vmem>>) target(%dma_start3A_86 : memref<10240x128xf32, #tpu.memory_space<vmem_shared>>) offsets(%dma_start3A_83 : memref<80xi32, #tpu.memory_space<vmem>>) semaphore(%run_scoped3A : memref<!tpu.dma_semaphore, #tpu.memory_space<semaphore_mem>>) {add = true}
            %dma_wait3A_87 = arith.constant 0 : i32
            %dma_wait3A_88 = tpu.memref_slice %arg18[%add3A_80, %dma_wait3A_87] : memref<125x80xi32, #tpu.memory_space<vmem>> -> memref<1x80xi32, #tpu.memory_space<vmem>>
            %dma_wait3A_89 = tpu.memref_squeeze %dma_wait3A_88 : memref<1x80xi32, #tpu.memory_space<vmem>> -> memref<80xi32, #tpu.memory_space<vmem>>
            %dma_wait3A_90 = arith.constant 0 : i32
            %dma_wait3A_91 = arith.constant 0 : i32
            %dma_wait3A_92 = tpu.memref_slice %arg21[%dma_wait3A_90, %dma_wait3A_91] : memref<10240x128xf32, #tpu.memory_space<vmem_shared>> -> memref<10240x128xf32, #tpu.memory_space<vmem_shared>>
            tpu.wait_indirect_dma semaphore(%run_scoped3A : memref<!tpu.dma_semaphore, #tpu.memory_space<semaphore_mem>>) src(%arg20 : memref<80x128xf32, #tpu.memory_space<vmem>>) dst(%dma_wait3A_92 : memref<10240x128xf32, #tpu.memory_space<vmem_shared>>)
            tpu.yield
          }) : () -> ()
        } else {
        }
      }
      %scan3A_38 = arith.constant 32 : i32
      %barrier3A_39 = arith.constant 0 : index
      tpu.barrier barrier_id(%barrier3A_39)
      "tpu.region"() ({
        %run_scoped3A = tpu.sem_alloc : memref<!tpu.dma_semaphore, #tpu.memory_space<semaphore_mem>>
        %dma_start3A_40 = arith.constant 0 : i32
        %dma_start3A_41 = tpu.memref_slice %arg15[%mul3A_0, %dma_start3A_40] : memref<10240x128xf32, #tpu.memory_space<hbm>> -> memref<640x128xf32, #tpu.memory_space<hbm>>
        %dma_start3A_42 = arith.constant 0 : i32
        %dma_start3A_43 = tpu.memref_slice %arg21[%mul3A_0, %dma_start3A_42] : memref<10240x128xf32, #tpu.memory_space<vmem_shared>> -> memref<640x128xf32, #tpu.memory_space<vmem_shared>>
        tpu.enqueue_dma source(%dma_start3A_43 : memref<640x128xf32, #tpu.memory_space<vmem_shared>>) target(%dma_start3A_41 : memref<640x128xf32, #tpu.memory_space<hbm>>) target_semaphore(%run_scoped3A : memref<!tpu.dma_semaphore, #tpu.memory_space<semaphore_mem>>)
        %dma_wait3A = arith.constant 0 : i32
        %dma_wait3A_44 = tpu.memref_slice %arg15[%mul3A_0, %dma_wait3A] : memref<10240x128xf32, #tpu.memory_space<hbm>> -> memref<640x128xf32, #tpu.memory_space<hbm>>
        %dma_wait3A_45 = arith.constant 0 : i32
        %dma_wait3A_46 = tpu.memref_slice %arg21[%mul3A_0, %dma_wait3A_45] : memref<10240x128xf32, #tpu.memory_space<vmem_shared>> -> memref<640x128xf32, #tpu.memory_space<vmem_shared>>
        tpu.wait_dma2 semaphore(%run_scoped3A : memref<!tpu.dma_semaphore, #tpu.memory_space<semaphore_mem>>) src(%dma_wait3A_46 : memref<640x128xf32, #tpu.memory_space<vmem_shared>>) dst(%dma_wait3A_44 : memref<640x128xf32, #tpu.memory_space<hbm>>)
        tpu.yield
      }) : () -> ()
    } else {
    }
    %eq3A_25 = arith.constant 1 : i32
    %eq3A_26 = arith.cmpi eq, %arg0, %eq3A_25 : i32
    %convert_element_type3A_27 = arith.extui %eq3A_26 : i1 to i32
    %cond3A_28 = arith.constant 0 : i32
    %cond3A_29 = arith.cmpi ne, %convert_element_type3A_27, %cond3A_28 : i32
    scf.if %cond3A_29 {
      "tpu.region"() ({
        %run_scoped3A = tpu.sem_alloc : memref<!tpu.dma_semaphore, #tpu.memory_space<semaphore_mem>>
        %dma_start3A_40 = arith.constant 0 : i32
        %dma_start3A_41 = tpu.memref_slice %arg21[%mul3A_0, %dma_start3A_40] : memref<10240x128xf32, #tpu.memory_space<vmem_shared>> -> memref<640x128xf32, #tpu.memory_space<vmem_shared>>
        %dma_start3A_42 = arith.constant 0 : i32
        %dma_start3A_43 = tpu.memref_slice %arg9[%mul3A_0, %dma_start3A_42] : memref<10240x128xf32, #tpu.memory_space<hbm>> -> memref<640x128xf32, #tpu.memory_space<hbm>>
        tpu.enqueue_dma source(%dma_start3A_43 : memref<640x128xf32, #tpu.memory_space<hbm>>) target(%dma_start3A_41 : memref<640x128xf32, #tpu.memory_space<vmem_shared>>) target_semaphore(%run_scoped3A : memref<!tpu.dma_semaphore, #tpu.memory_space<semaphore_mem>>)
        %dma_wait3A = arith.constant 0 : i32
        %dma_wait3A_44 = tpu.memref_slice %arg21[%mul3A_0, %dma_wait3A] : memref<10240x128xf32, #tpu.memory_space<vmem_shared>> -> memref<640x128xf32, #tpu.memory_space<vmem_shared>>
        %dma_wait3A_45 = arith.constant 0 : i32
        %dma_wait3A_46 = tpu.memref_slice %arg9[%mul3A_0, %dma_wait3A_45] : memref<10240x128xf32, #tpu.memory_space<hbm>> -> memref<640x128xf32, #tpu.memory_space<hbm>>
        tpu.wait_dma2 semaphore(%run_scoped3A : memref<!tpu.dma_semaphore, #tpu.memory_space<semaphore_mem>>) src(%dma_wait3A_46 : memref<640x128xf32, #tpu.memory_space<hbm>>) dst(%dma_wait3A_44 : memref<640x128xf32, #tpu.memory_space<vmem_shared>>)
        tpu.yield
      }) : () -> ()
      %barrier3A = arith.constant 0 : index
      tpu.barrier barrier_id(%barrier3A)
      %dma_start3A = arith.constant 5040 : i32
      %dma_start3A_30 = tpu.memref_slice %arg17[%dma_start3A] : memref<10000xi32, #tpu.memory_space<vmem>> -> memref<80xi32, #tpu.memory_space<vmem>>
      %dma_start3A_31 = arith.constant 0 : i32
      %dma_start3A_32 = arith.constant 0 : i32
      %dma_start3A_33 = tpu.memref_slice %arg6[%dma_start3A_31, %dma_start3A_32] : memref<10240x128xf32, #tpu.memory_space<hbm>> -> memref<10240x128xf32, #tpu.memory_space<hbm>>
      tpu.enqueue_indirect_dma source(%dma_start3A_33 : memref<10240x128xf32, #tpu.memory_space<hbm>>) target(%arg19 : memref<80x128xf32, #tpu.memory_space<vmem>>) offsets(%dma_start3A_30 : memref<80xi32, #tpu.memory_space<vmem>>) semaphore(%arg22 : memref<!tpu.dma_semaphore, #tpu.memory_space<semaphore_mem>>)
      %scan3A = arith.constant 0 : i32
      %scan3A_34 = arith.constant 0 : i32
      %scan3A_35 = arith.constant 31 : i32
      %scan3A_36 = arith.addi %scan3A_34, %scan3A_35 : i32
      %scan3A_37 = arith.constant 1 : i32
      scf.for %scan3A_40 = %scan3A_34 to %scan3A_36 step %scan3A_37  : i32 {
        %mul3A_41 = arith.constant 2 : i32
        %mul3A_42 = arith.muli %mul3A_41, %scan3A_40 : i32
        %add3A = arith.constant 63 : i32
        %add3A_43 = arith.addi %add3A, %mul3A_42 : i32
        %mul3A_44 = arith.constant 2 : i32
        %mul3A_45 = arith.muli %mul3A_44, %scan3A_40 : i32
        %add3A_46 = arith.constant 1 : i32
        %add3A_47 = arith.addi %mul3A_45, %add3A_46 : i32
        %lt3A = arith.constant 62 : i32
        %lt3A_48 = arith.cmpi slt, %add3A_47, %lt3A : i32
        %convert_element_type3A_49 = arith.extui %lt3A_48 : i1 to i32
        %cond3A_50 = arith.constant 0 : i32
        %cond3A_51 = arith.cmpi ne, %convert_element_type3A_49, %cond3A_50 : i32
        scf.if %cond3A_51 {
          %add3A_74 = arith.constant 1 : i32
          %add3A_75 = arith.addi %add3A_43, %add3A_74 : i32
          %mul3A_76 = arith.constant 80 : i32
          %mul3A_77 = arith.muli %add3A_75, %mul3A_76 : i32
          %dma_start3A_78 = tpu.memref_slice %arg17[%mul3A_77] : memref<10000xi32, #tpu.memory_space<vmem>> -> memref<80xi32, #tpu.memory_space<vmem>>
          %dma_start3A_79 = arith.constant 0 : i32
          %dma_start3A_80 = arith.constant 0 : i32
          %dma_start3A_81 = tpu.memref_slice %arg6[%dma_start3A_79, %dma_start3A_80] : memref<10240x128xf32, #tpu.memory_space<hbm>> -> memref<10240x128xf32, #tpu.memory_space<hbm>>
          tpu.enqueue_indirect_dma source(%dma_start3A_81 : memref<10240x128xf32, #tpu.memory_space<hbm>>) target(%arg20 : memref<80x128xf32, #tpu.memory_space<vmem>>) offsets(%dma_start3A_78 : memref<80xi32, #tpu.memory_space<vmem>>) semaphore(%arg23 : memref<!tpu.dma_semaphore, #tpu.memory_space<semaphore_mem>>)
        } else {
        }
        %dma_wait3A = arith.constant 0 : i32
        %dma_wait3A_52 = tpu.memref_slice %arg17[%dma_wait3A] : memref<10000xi32, #tpu.memory_space<vmem>> -> memref<80xi32, #tpu.memory_space<vmem>>
        %dma_wait3A_53 = arith.constant 0 : i32
        %dma_wait3A_54 = arith.constant 0 : i32
        %dma_wait3A_55 = tpu.memref_slice %arg6[%dma_wait3A_53, %dma_wait3A_54] : memref<10240x128xf32, #tpu.memory_space<hbm>> -> memref<10240x128xf32, #tpu.memory_space<hbm>>
        tpu.wait_indirect_dma semaphore(%arg22 : memref<!tpu.dma_semaphore, #tpu.memory_space<semaphore_mem>>) src(%dma_wait3A_55 : memref<10240x128xf32, #tpu.memory_space<hbm>>) dst(%arg19 : memref<80x128xf32, #tpu.memory_space<vmem>>)
        "tpu.region"() ({
          %run_scoped3A = tpu.sem_alloc : memref<!tpu.dma_semaphore, #tpu.memory_space<semaphore_mem>>
          %dma_start3A_74 = arith.constant 0 : i32
          %dma_start3A_75 = tpu.memref_slice %arg18[%add3A_43, %dma_start3A_74] : memref<125x80xi32, #tpu.memory_space<vmem>> -> memref<1x80xi32, #tpu.memory_space<vmem>>
          %dma_start3A_76 = tpu.memref_squeeze %dma_start3A_75 : memref<1x80xi32, #tpu.memory_space<vmem>> -> memref<80xi32, #tpu.memory_space<vmem>>
          %dma_start3A_77 = arith.constant 0 : i32
          %dma_start3A_78 = arith.constant 0 : i32
          %dma_start3A_79 = tpu.memref_slice %arg21[%dma_start3A_77, %dma_start3A_78] : memref<10240x128xf32, #tpu.memory_space<vmem_shared>> -> memref<10240x128xf32, #tpu.memory_space<vmem_shared>>
          tpu.enqueue_indirect_dma source(%arg19 : memref<80x128xf32, #tpu.memory_space<vmem>>) target(%dma_start3A_79 : memref<10240x128xf32, #tpu.memory_space<vmem_shared>>) offsets(%dma_start3A_76 : memref<80xi32, #tpu.memory_space<vmem>>) semaphore(%run_scoped3A : memref<!tpu.dma_semaphore, #tpu.memory_space<semaphore_mem>>) {add = true}
          %dma_wait3A_80 = arith.constant 0 : i32
          %dma_wait3A_81 = tpu.memref_slice %arg18[%add3A_43, %dma_wait3A_80] : memref<125x80xi32, #tpu.memory_space<vmem>> -> memref<1x80xi32, #tpu.memory_space<vmem>>
          %dma_wait3A_82 = tpu.memref_squeeze %dma_wait3A_81 : memref<1x80xi32, #tpu.memory_space<vmem>> -> memref<80xi32, #tpu.memory_space<vmem>>
          %dma_wait3A_83 = arith.constant 0 : i32
          %dma_wait3A_84 = arith.constant 0 : i32
          %dma_wait3A_85 = tpu.memref_slice %arg21[%dma_wait3A_83, %dma_wait3A_84] : memref<10240x128xf32, #tpu.memory_space<vmem_shared>> -> memref<10240x128xf32, #tpu.memory_space<vmem_shared>>
          tpu.wait_indirect_dma semaphore(%run_scoped3A : memref<!tpu.dma_semaphore, #tpu.memory_space<semaphore_mem>>) src(%arg19 : memref<80x128xf32, #tpu.memory_space<vmem>>) dst(%dma_wait3A_85 : memref<10240x128xf32, #tpu.memory_space<vmem_shared>>)
          tpu.yield
        }) : () -> ()
        %mul3A_56 = arith.constant 2 : i32
        %mul3A_57 = arith.muli %mul3A_56, %scan3A_40 : i32
        %add3A_58 = arith.constant 2 : i32
        %add3A_59 = arith.addi %mul3A_57, %add3A_58 : i32
        %lt3A_60 = arith.constant 62 : i32
        %lt3A_61 = arith.cmpi slt, %add3A_59, %lt3A_60 : i32
        %convert_element_type3A_62 = arith.extui %lt3A_61 : i1 to i32
        %cond3A_63 = arith.constant 0 : i32
        %cond3A_64 = arith.cmpi ne, %convert_element_type3A_62, %cond3A_63 : i32
        scf.if %cond3A_64 {
          %add3A_74 = arith.constant 2 : i32
          %add3A_75 = arith.addi %add3A_43, %add3A_74 : i32
          %mul3A_76 = arith.constant 80 : i32
          %mul3A_77 = arith.muli %add3A_75, %mul3A_76 : i32
          %dma_start3A_78 = tpu.memref_slice %arg17[%mul3A_77] : memref<10000xi32, #tpu.memory_space<vmem>> -> memref<80xi32, #tpu.memory_space<vmem>>
          %dma_start3A_79 = arith.constant 0 : i32
          %dma_start3A_80 = arith.constant 0 : i32
          %dma_start3A_81 = tpu.memref_slice %arg6[%dma_start3A_79, %dma_start3A_80] : memref<10240x128xf32, #tpu.memory_space<hbm>> -> memref<10240x128xf32, #tpu.memory_space<hbm>>
          tpu.enqueue_indirect_dma source(%dma_start3A_81 : memref<10240x128xf32, #tpu.memory_space<hbm>>) target(%arg19 : memref<80x128xf32, #tpu.memory_space<vmem>>) offsets(%dma_start3A_78 : memref<80xi32, #tpu.memory_space<vmem>>) semaphore(%arg22 : memref<!tpu.dma_semaphore, #tpu.memory_space<semaphore_mem>>)
        } else {
        }
        %mul3A_65 = arith.constant 2 : i32
        %mul3A_66 = arith.muli %mul3A_65, %scan3A_40 : i32
        %add3A_67 = arith.constant 1 : i32
        %add3A_68 = arith.addi %mul3A_66, %add3A_67 : i32
        %lt3A_69 = arith.constant 62 : i32
        %lt3A_70 = arith.cmpi slt, %add3A_68, %lt3A_69 : i32
        %convert_element_type3A_71 = arith.extui %lt3A_70 : i1 to i32
        %cond3A_72 = arith.constant 0 : i32
        %cond3A_73 = arith.cmpi ne, %convert_element_type3A_71, %cond3A_72 : i32
        scf.if %cond3A_73 {
          %dma_wait3A_74 = arith.constant 0 : i32
          %dma_wait3A_75 = tpu.memref_slice %arg17[%dma_wait3A_74] : memref<10000xi32, #tpu.memory_space<vmem>> -> memref<80xi32, #tpu.memory_space<vmem>>
          %dma_wait3A_76 = arith.constant 0 : i32
          %dma_wait3A_77 = arith.constant 0 : i32
          %dma_wait3A_78 = tpu.memref_slice %arg6[%dma_wait3A_76, %dma_wait3A_77] : memref<10240x128xf32, #tpu.memory_space<hbm>> -> memref<10240x128xf32, #tpu.memory_space<hbm>>
          tpu.wait_indirect_dma semaphore(%arg23 : memref<!tpu.dma_semaphore, #tpu.memory_space<semaphore_mem>>) src(%dma_wait3A_78 : memref<10240x128xf32, #tpu.memory_space<hbm>>) dst(%arg20 : memref<80x128xf32, #tpu.memory_space<vmem>>)
          %add3A_79 = arith.constant 1 : i32
          %add3A_80 = arith.addi %add3A_43, %add3A_79 : i32
          "tpu.region"() ({
            %run_scoped3A = tpu.sem_alloc : memref<!tpu.dma_semaphore, #tpu.memory_space<semaphore_mem>>
            %dma_start3A_81 = arith.constant 0 : i32
            %dma_start3A_82 = tpu.memref_slice %arg18[%add3A_80, %dma_start3A_81] : memref<125x80xi32, #tpu.memory_space<vmem>> -> memref<1x80xi32, #tpu.memory_space<vmem>>
            %dma_start3A_83 = tpu.memref_squeeze %dma_start3A_82 : memref<1x80xi32, #tpu.memory_space<vmem>> -> memref<80xi32, #tpu.memory_space<vmem>>
            %dma_start3A_84 = arith.constant 0 : i32
            %dma_start3A_85 = arith.constant 0 : i32
            %dma_start3A_86 = tpu.memref_slice %arg21[%dma_start3A_84, %dma_start3A_85] : memref<10240x128xf32, #tpu.memory_space<vmem_shared>> -> memref<10240x128xf32, #tpu.memory_space<vmem_shared>>
            tpu.enqueue_indirect_dma source(%arg20 : memref<80x128xf32, #tpu.memory_space<vmem>>) target(%dma_start3A_86 : memref<10240x128xf32, #tpu.memory_space<vmem_shared>>) offsets(%dma_start3A_83 : memref<80xi32, #tpu.memory_space<vmem>>) semaphore(%run_scoped3A : memref<!tpu.dma_semaphore, #tpu.memory_space<semaphore_mem>>) {add = true}
            %dma_wait3A_87 = arith.constant 0 : i32
            %dma_wait3A_88 = tpu.memref_slice %arg18[%add3A_80, %dma_wait3A_87] : memref<125x80xi32, #tpu.memory_space<vmem>> -> memref<1x80xi32, #tpu.memory_space<vmem>>
            %dma_wait3A_89 = tpu.memref_squeeze %dma_wait3A_88 : memref<1x80xi32, #tpu.memory_space<vmem>> -> memref<80xi32, #tpu.memory_space<vmem>>
            %dma_wait3A_90 = arith.constant 0 : i32
            %dma_wait3A_91 = arith.constant 0 : i32
            %dma_wait3A_92 = tpu.memref_slice %arg21[%dma_wait3A_90, %dma_wait3A_91] : memref<10240x128xf32, #tpu.memory_space<vmem_shared>> -> memref<10240x128xf32, #tpu.memory_space<vmem_shared>>
            tpu.wait_indirect_dma semaphore(%run_scoped3A : memref<!tpu.dma_semaphore, #tpu.memory_space<semaphore_mem>>) src(%arg20 : memref<80x128xf32, #tpu.memory_space<vmem>>) dst(%dma_wait3A_92 : memref<10240x128xf32, #tpu.memory_space<vmem_shared>>)
            tpu.yield
          }) : () -> ()
        } else {
        }
      }
      %scan3A_38 = arith.constant 31 : i32
      %barrier3A_39 = arith.constant 0 : index
      tpu.barrier barrier_id(%barrier3A_39)
      "tpu.region"() ({
        %run_scoped3A = tpu.sem_alloc : memref<!tpu.dma_semaphore, #tpu.memory_space<semaphore_mem>>
        %dma_start3A_40 = arith.constant 0 : i32
        %dma_start3A_41 = tpu.memref_slice %arg16[%mul3A_0, %dma_start3A_40] : memref<10240x128xf32, #tpu.memory_space<hbm>> -> memref<640x128xf32, #tpu.memory_space<hbm>>
        %dma_start3A_42 = arith.constant 0 : i32
        %dma_start3A_43 = tpu.memref_slice %arg21[%mul3A_0, %dma_start3A_42] : memref<10240x128xf32, #tpu.memory_space<vmem_shared>> -> memref<640x128xf32, #tpu.memory_space<vmem_shared>>
        tpu.enqueue_dma source(%dma_start3A_43 : memref<640x128xf32, #tpu.memory_space<vmem_shared>>) target(%dma_start3A_41 : memref<640x128xf32, #tpu.memory_space<hbm>>) target_semaphore(%run_scoped3A : memref<!tpu.dma_semaphore, #tpu.memory_space<semaphore_mem>>)
        %dma_wait3A = arith.constant 0 : i32
        %dma_wait3A_44 = tpu.memref_slice %arg16[%mul3A_0, %dma_wait3A] : memref<10240x128xf32, #tpu.memory_space<hbm>> -> memref<640x128xf32, #tpu.memory_space<hbm>>
        %dma_wait3A_45 = arith.constant 0 : i32
        %dma_wait3A_46 = tpu.memref_slice %arg21[%mul3A_0, %dma_wait3A_45] : memref<10240x128xf32, #tpu.memory_space<vmem_shared>> -> memref<640x128xf32, #tpu.memory_space<vmem_shared>>
        tpu.wait_dma2 semaphore(%run_scoped3A : memref<!tpu.dma_semaphore, #tpu.memory_space<semaphore_mem>>) src(%dma_wait3A_46 : memref<640x128xf32, #tpu.memory_space<vmem_shared>>) dst(%dma_wait3A_44 : memref<640x128xf32, #tpu.memory_space<hbm>>)
        tpu.yield
      }) : () -> ()
    } else {
    }
    return
  }
}

#map = affine_map<(d0, d1) -> (0, 0)>
#map1 = affine_map<(d0, d1) -> (0)>
#map2 = affine_map<(d0, d1) -> (0, 0, 0)>
module attributes {stable_mosaic.version = 14 : i64} {
  func.func @seg(%arg0: i32, %arg1: i32, %arg2: memref<10240x128xf32, #tpu.memory_space<hbm>>, %arg3: memref<10240x128xf32, #tpu.memory_space<hbm>>, %arg4: memref<160000xi32, #tpu.memory_space<hbm>>, %arg5: memref<16x125x80xi32, #tpu.memory_space<hbm>>, %arg6: memref<10240x128xf32, #tpu.memory_space<hbm>>, %arg7: memref<80x128xf32, #tpu.memory_space<hbm>>, %arg8: memref<10240x128xf32, #tpu.memory_space<hbm>>, %arg9: memref<10240x128xf32, #tpu.memory_space<hbm>>, %arg10: memref<10240x128xf32, #tpu.memory_space<hbm>>, %arg11: memref<10240x128xf32, #tpu.memory_space<hbm>>, %arg12: memref<10000xi32, #tpu.memory_space<vmem>>, %arg13: memref<125x80xi32, #tpu.memory_space<vmem>>, %arg14: memref<80x128xf32, #tpu.memory_space<vmem>>, %arg15: memref<80x128xf32, #tpu.memory_space<vmem>>, %arg16: memref<10240x128xf32, #tpu.memory_space<vmem_shared>>, %arg17: memref<!tpu.dma_semaphore, #tpu.memory_space<semaphore_mem>>, %arg18: memref<!tpu.dma_semaphore, #tpu.memory_space<semaphore_mem>>) attributes {dimension_semantics = [#tpu.dimension_semantics<core_parallel>, #tpu.dimension_semantics<subcore_parallel>], iteration_bounds = array<i64: 2, 16>, scalar_prefetch = 0 : i64, scratch_operands = 7 : i64, tpu.core_type = #tpu.core_type<sc_vector_subcore>, window_params = [{transform_indices = #map}, {transform_indices = #map}, {transform_indices = #map1}, {transform_indices = #map2}, {transform_indices = #map}, {transform_indices = #map}, {transform_indices = #map}, {transform_indices = #map}, {transform_indices = #map}, {transform_indices = #map}]} {
    %mul3A = arith.constant 640 : i32
    %mul3A_0 = arith.muli %arg1, %mul3A : i32
    %mul3A_1 = arith.constant 10000 : i32
    %mul3A_2 = arith.muli %arg1, %mul3A_1 : i32
    "tpu.region"() ({
      %run_scoped3A = tpu.sem_alloc : memref<!tpu.dma_semaphore, #tpu.memory_space<semaphore_mem>>
      %dma_start3A = tpu.memref_slice %arg4[%mul3A_2] : memref<160000xi32, #tpu.memory_space<hbm>> -> memref<10000xi32, #tpu.memory_space<hbm>>
      %dma_start3A_20 = tpu.memref_slice %arg4[%mul3A_2] : memref<160000xi32, #tpu.memory_space<hbm>> -> memref<10000xi32, #tpu.memory_space<hbm>>
      tpu.enqueue_dma source(%dma_start3A_20 : memref<10000xi32, #tpu.memory_space<hbm>>) target(%arg12 : memref<10000xi32, #tpu.memory_space<vmem>>) target_semaphore(%run_scoped3A : memref<!tpu.dma_semaphore, #tpu.memory_space<semaphore_mem>>)
      %dma_wait3A = tpu.memref_slice %arg4[%mul3A_2] : memref<160000xi32, #tpu.memory_space<hbm>> -> memref<10000xi32, #tpu.memory_space<hbm>>
      %dma_wait3A_21 = tpu.memref_slice %arg4[%mul3A_2] : memref<160000xi32, #tpu.memory_space<hbm>> -> memref<10000xi32, #tpu.memory_space<hbm>>
      tpu.wait_dma2 semaphore(%run_scoped3A : memref<!tpu.dma_semaphore, #tpu.memory_space<semaphore_mem>>) src(%dma_wait3A_21 : memref<10000xi32, #tpu.memory_space<hbm>>) dst(%arg12 : memref<10000xi32, #tpu.memory_space<vmem>>)
      tpu.yield
    }) : () -> ()
    "tpu.region"() ({
      %run_scoped3A = tpu.sem_alloc : memref<!tpu.dma_semaphore, #tpu.memory_space<semaphore_mem>>
      %dma_start3A = arith.constant 0 : i32
      %dma_start3A_20 = arith.constant 0 : i32
      %dma_start3A_21 = tpu.memref_slice %arg5[%arg1, %dma_start3A, %dma_start3A_20] : memref<16x125x80xi32, #tpu.memory_space<hbm>> -> memref<1x125x80xi32, #tpu.memory_space<hbm>>
      %dma_start3A_22 = tpu.memref_squeeze %dma_start3A_21 : memref<1x125x80xi32, #tpu.memory_space<hbm>> -> memref<125x80xi32, #tpu.memory_space<hbm>>
      %dma_start3A_23 = arith.constant 0 : i32
      %dma_start3A_24 = arith.constant 0 : i32
      %dma_start3A_25 = tpu.memref_slice %arg5[%arg1, %dma_start3A_23, %dma_start3A_24] : memref<16x125x80xi32, #tpu.memory_space<hbm>> -> memref<1x125x80xi32, #tpu.memory_space<hbm>>
      %dma_start3A_26 = tpu.memref_squeeze %dma_start3A_25 : memref<1x125x80xi32, #tpu.memory_space<hbm>> -> memref<125x80xi32, #tpu.memory_space<hbm>>
      tpu.enqueue_dma source(%dma_start3A_26 : memref<125x80xi32, #tpu.memory_space<hbm>>) target(%arg13 : memref<125x80xi32, #tpu.memory_space<vmem>>) target_semaphore(%run_scoped3A : memref<!tpu.dma_semaphore, #tpu.memory_space<semaphore_mem>>)
      %dma_wait3A = arith.constant 0 : i32
      %dma_wait3A_27 = arith.constant 0 : i32
      %dma_wait3A_28 = tpu.memref_slice %arg5[%arg1, %dma_wait3A, %dma_wait3A_27] : memref<16x125x80xi32, #tpu.memory_space<hbm>> -> memref<1x125x80xi32, #tpu.memory_space<hbm>>
      %dma_wait3A_29 = tpu.memref_squeeze %dma_wait3A_28 : memref<1x125x80xi32, #tpu.memory_space<hbm>> -> memref<125x80xi32, #tpu.memory_space<hbm>>
      %dma_wait3A_30 = arith.constant 0 : i32
      %dma_wait3A_31 = arith.constant 0 : i32
      %dma_wait3A_32 = tpu.memref_slice %arg5[%arg1, %dma_wait3A_30, %dma_wait3A_31] : memref<16x125x80xi32, #tpu.memory_space<hbm>> -> memref<1x125x80xi32, #tpu.memory_space<hbm>>
      %dma_wait3A_33 = tpu.memref_squeeze %dma_wait3A_32 : memref<1x125x80xi32, #tpu.memory_space<hbm>> -> memref<125x80xi32, #tpu.memory_space<hbm>>
      tpu.wait_dma2 semaphore(%run_scoped3A : memref<!tpu.dma_semaphore, #tpu.memory_space<semaphore_mem>>) src(%dma_wait3A_33 : memref<125x80xi32, #tpu.memory_space<hbm>>) dst(%arg13 : memref<125x80xi32, #tpu.memory_space<vmem>>)
      tpu.yield
    }) : () -> ()
    %eq3A = arith.constant 0 : i32
    %eq3A_3 = arith.cmpi eq, %arg0, %eq3A : i32
    %convert_element_type3A = arith.extui %eq3A_3 : i1 to i32
    %cond3A = arith.constant 0 : i32
    %cond3A_4 = arith.cmpi ne, %convert_element_type3A, %cond3A : i32
    scf.if %cond3A_4 {
      "tpu.region"() ({
        %run_scoped3A = tpu.sem_alloc : memref<!tpu.dma_semaphore, #tpu.memory_space<semaphore_mem>>
        %dma_start3A_30 = arith.constant 0 : i32
        %dma_start3A_31 = tpu.memref_slice %arg16[%mul3A_0, %dma_start3A_30] : memref<10240x128xf32, #tpu.memory_space<vmem_shared>> -> memref<640x128xf32, #tpu.memory_space<vmem_shared>>
        %dma_start3A_32 = arith.constant 0 : i32
        %dma_start3A_33 = tpu.memref_slice %arg6[%mul3A_0, %dma_start3A_32] : memref<10240x128xf32, #tpu.memory_space<hbm>> -> memref<640x128xf32, #tpu.memory_space<hbm>>
        tpu.enqueue_dma source(%dma_start3A_33 : memref<640x128xf32, #tpu.memory_space<hbm>>) target(%dma_start3A_31 : memref<640x128xf32, #tpu.memory_space<vmem_shared>>) target_semaphore(%run_scoped3A : memref<!tpu.dma_semaphore, #tpu.memory_space<semaphore_mem>>)
        %dma_wait3A = arith.constant 0 : i32
        %dma_wait3A_34 = tpu.memref_slice %arg16[%mul3A_0, %dma_wait3A] : memref<10240x128xf32, #tpu.memory_space<vmem_shared>> -> memref<640x128xf32, #tpu.memory_space<vmem_shared>>
        %dma_wait3A_35 = arith.constant 0 : i32
        %dma_wait3A_36 = tpu.memref_slice %arg6[%mul3A_0, %dma_wait3A_35] : memref<10240x128xf32, #tpu.memory_space<hbm>> -> memref<640x128xf32, #tpu.memory_space<hbm>>
        tpu.wait_dma2 semaphore(%run_scoped3A : memref<!tpu.dma_semaphore, #tpu.memory_space<semaphore_mem>>) src(%dma_wait3A_36 : memref<640x128xf32, #tpu.memory_space<hbm>>) dst(%dma_wait3A_34 : memref<640x128xf32, #tpu.memory_space<vmem_shared>>)
        tpu.yield
      }) : () -> ()
      %barrier3A = arith.constant 0 : index
      tpu.barrier barrier_id(%barrier3A)
      %dma_start3A = arith.constant 0 : i32
      %dma_start3A_20 = tpu.memref_slice %arg12[%dma_start3A] : memref<10000xi32, #tpu.memory_space<vmem>> -> memref<80xi32, #tpu.memory_space<vmem>>
      %dma_start3A_21 = arith.constant 0 : i32
      %dma_start3A_22 = arith.constant 0 : i32
      %dma_start3A_23 = tpu.memref_slice %arg2[%dma_start3A_21, %dma_start3A_22] : memref<10240x128xf32, #tpu.memory_space<hbm>> -> memref<10240x128xf32, #tpu.memory_space<hbm>>
      tpu.enqueue_indirect_dma source(%dma_start3A_23 : memref<10240x128xf32, #tpu.memory_space<hbm>>) target(%arg14 : memref<80x128xf32, #tpu.memory_space<vmem>>) offsets(%dma_start3A_20 : memref<80xi32, #tpu.memory_space<vmem>>) semaphore(%arg17 : memref<!tpu.dma_semaphore, #tpu.memory_space<semaphore_mem>>)
      %scan3A = arith.constant 0 : i32
      %scan3A_24 = arith.constant 0 : i32
      %scan3A_25 = arith.constant 63 : i32
      %scan3A_26 = arith.addi %scan3A_24, %scan3A_25 : i32
      %scan3A_27 = arith.constant 1 : i32
      scf.for %scan3A_30 = %scan3A_24 to %scan3A_26 step %scan3A_27  : i32 {
        %mul3A_31 = arith.constant 2 : i32
        %mul3A_32 = arith.muli %mul3A_31, %scan3A_30 : i32
        %add3A = arith.constant 0 : i32
        %add3A_33 = arith.addi %add3A, %mul3A_32 : i32
        %mul3A_34 = arith.constant 2 : i32
        %mul3A_35 = arith.muli %mul3A_34, %scan3A_30 : i32
        %add3A_36 = arith.constant 1 : i32
        %add3A_37 = arith.addi %mul3A_35, %add3A_36 : i32
        %lt3A = arith.constant 125 : i32
        %lt3A_38 = arith.cmpi slt, %add3A_37, %lt3A : i32
        %convert_element_type3A_39 = arith.extui %lt3A_38 : i1 to i32
        %cond3A_40 = arith.constant 0 : i32
        %cond3A_41 = arith.cmpi ne, %convert_element_type3A_39, %cond3A_40 : i32
        scf.if %cond3A_41 {
          %add3A_64 = arith.constant 1 : i32
          %add3A_65 = arith.addi %add3A_33, %add3A_64 : i32
          %mul3A_66 = arith.constant 80 : i32
          %mul3A_67 = arith.muli %add3A_65, %mul3A_66 : i32
          %dma_start3A_68 = tpu.memref_slice %arg12[%mul3A_67] : memref<10000xi32, #tpu.memory_space<vmem>> -> memref<80xi32, #tpu.memory_space<vmem>>
          %dma_start3A_69 = arith.constant 0 : i32
          %dma_start3A_70 = arith.constant 0 : i32
          %dma_start3A_71 = tpu.memref_slice %arg2[%dma_start3A_69, %dma_start3A_70] : memref<10240x128xf32, #tpu.memory_space<hbm>> -> memref<10240x128xf32, #tpu.memory_space<hbm>>
          tpu.enqueue_indirect_dma source(%dma_start3A_71 : memref<10240x128xf32, #tpu.memory_space<hbm>>) target(%arg15 : memref<80x128xf32, #tpu.memory_space<vmem>>) offsets(%dma_start3A_68 : memref<80xi32, #tpu.memory_space<vmem>>) semaphore(%arg18 : memref<!tpu.dma_semaphore, #tpu.memory_space<semaphore_mem>>)
        } else {
        }
        %dma_wait3A = arith.constant 0 : i32
        %dma_wait3A_42 = tpu.memref_slice %arg12[%dma_wait3A] : memref<10000xi32, #tpu.memory_space<vmem>> -> memref<80xi32, #tpu.memory_space<vmem>>
        %dma_wait3A_43 = arith.constant 0 : i32
        %dma_wait3A_44 = arith.constant 0 : i32
        %dma_wait3A_45 = tpu.memref_slice %arg2[%dma_wait3A_43, %dma_wait3A_44] : memref<10240x128xf32, #tpu.memory_space<hbm>> -> memref<10240x128xf32, #tpu.memory_space<hbm>>
        tpu.wait_indirect_dma semaphore(%arg17 : memref<!tpu.dma_semaphore, #tpu.memory_space<semaphore_mem>>) src(%dma_wait3A_45 : memref<10240x128xf32, #tpu.memory_space<hbm>>) dst(%arg14 : memref<80x128xf32, #tpu.memory_space<vmem>>)
        "tpu.region"() ({
          %run_scoped3A = tpu.sem_alloc : memref<!tpu.dma_semaphore, #tpu.memory_space<semaphore_mem>>
          %dma_start3A_64 = arith.constant 0 : i32
          %dma_start3A_65 = tpu.memref_slice %arg13[%add3A_33, %dma_start3A_64] : memref<125x80xi32, #tpu.memory_space<vmem>> -> memref<1x80xi32, #tpu.memory_space<vmem>>
          %dma_start3A_66 = tpu.memref_squeeze %dma_start3A_65 : memref<1x80xi32, #tpu.memory_space<vmem>> -> memref<80xi32, #tpu.memory_space<vmem>>
          %dma_start3A_67 = arith.constant 0 : i32
          %dma_start3A_68 = arith.constant 0 : i32
          %dma_start3A_69 = tpu.memref_slice %arg16[%dma_start3A_67, %dma_start3A_68] : memref<10240x128xf32, #tpu.memory_space<vmem_shared>> -> memref<10240x128xf32, #tpu.memory_space<vmem_shared>>
          tpu.enqueue_indirect_dma source(%arg14 : memref<80x128xf32, #tpu.memory_space<vmem>>) target(%dma_start3A_69 : memref<10240x128xf32, #tpu.memory_space<vmem_shared>>) offsets(%dma_start3A_66 : memref<80xi32, #tpu.memory_space<vmem>>) semaphore(%run_scoped3A : memref<!tpu.dma_semaphore, #tpu.memory_space<semaphore_mem>>) {add = true}
          %dma_wait3A_70 = arith.constant 0 : i32
          %dma_wait3A_71 = tpu.memref_slice %arg13[%add3A_33, %dma_wait3A_70] : memref<125x80xi32, #tpu.memory_space<vmem>> -> memref<1x80xi32, #tpu.memory_space<vmem>>
          %dma_wait3A_72 = tpu.memref_squeeze %dma_wait3A_71 : memref<1x80xi32, #tpu.memory_space<vmem>> -> memref<80xi32, #tpu.memory_space<vmem>>
          %dma_wait3A_73 = arith.constant 0 : i32
          %dma_wait3A_74 = arith.constant 0 : i32
          %dma_wait3A_75 = tpu.memref_slice %arg16[%dma_wait3A_73, %dma_wait3A_74] : memref<10240x128xf32, #tpu.memory_space<vmem_shared>> -> memref<10240x128xf32, #tpu.memory_space<vmem_shared>>
          tpu.wait_indirect_dma semaphore(%run_scoped3A : memref<!tpu.dma_semaphore, #tpu.memory_space<semaphore_mem>>) src(%arg14 : memref<80x128xf32, #tpu.memory_space<vmem>>) dst(%dma_wait3A_75 : memref<10240x128xf32, #tpu.memory_space<vmem_shared>>)
          tpu.yield
        }) : () -> ()
        %mul3A_46 = arith.constant 2 : i32
        %mul3A_47 = arith.muli %mul3A_46, %scan3A_30 : i32
        %add3A_48 = arith.constant 2 : i32
        %add3A_49 = arith.addi %mul3A_47, %add3A_48 : i32
        %lt3A_50 = arith.constant 125 : i32
        %lt3A_51 = arith.cmpi slt, %add3A_49, %lt3A_50 : i32
        %convert_element_type3A_52 = arith.extui %lt3A_51 : i1 to i32
        %cond3A_53 = arith.constant 0 : i32
        %cond3A_54 = arith.cmpi ne, %convert_element_type3A_52, %cond3A_53 : i32
        scf.if %cond3A_54 {
          %add3A_64 = arith.constant 2 : i32
          %add3A_65 = arith.addi %add3A_33, %add3A_64 : i32
          %mul3A_66 = arith.constant 80 : i32
          %mul3A_67 = arith.muli %add3A_65, %mul3A_66 : i32
          %dma_start3A_68 = tpu.memref_slice %arg12[%mul3A_67] : memref<10000xi32, #tpu.memory_space<vmem>> -> memref<80xi32, #tpu.memory_space<vmem>>
          %dma_start3A_69 = arith.constant 0 : i32
          %dma_start3A_70 = arith.constant 0 : i32
          %dma_start3A_71 = tpu.memref_slice %arg2[%dma_start3A_69, %dma_start3A_70] : memref<10240x128xf32, #tpu.memory_space<hbm>> -> memref<10240x128xf32, #tpu.memory_space<hbm>>
          tpu.enqueue_indirect_dma source(%dma_start3A_71 : memref<10240x128xf32, #tpu.memory_space<hbm>>) target(%arg14 : memref<80x128xf32, #tpu.memory_space<vmem>>) offsets(%dma_start3A_68 : memref<80xi32, #tpu.memory_space<vmem>>) semaphore(%arg17 : memref<!tpu.dma_semaphore, #tpu.memory_space<semaphore_mem>>)
        } else {
        }
        %mul3A_55 = arith.constant 2 : i32
        %mul3A_56 = arith.muli %mul3A_55, %scan3A_30 : i32
        %add3A_57 = arith.constant 1 : i32
        %add3A_58 = arith.addi %mul3A_56, %add3A_57 : i32
        %lt3A_59 = arith.constant 125 : i32
        %lt3A_60 = arith.cmpi slt, %add3A_58, %lt3A_59 : i32
        %convert_element_type3A_61 = arith.extui %lt3A_60 : i1 to i32
        %cond3A_62 = arith.constant 0 : i32
        %cond3A_63 = arith.cmpi ne, %convert_element_type3A_61, %cond3A_62 : i32
        scf.if %cond3A_63 {
          %dma_wait3A_64 = arith.constant 0 : i32
          %dma_wait3A_65 = tpu.memref_slice %arg12[%dma_wait3A_64] : memref<10000xi32, #tpu.memory_space<vmem>> -> memref<80xi32, #tpu.memory_space<vmem>>
          %dma_wait3A_66 = arith.constant 0 : i32
          %dma_wait3A_67 = arith.constant 0 : i32
          %dma_wait3A_68 = tpu.memref_slice %arg2[%dma_wait3A_66, %dma_wait3A_67] : memref<10240x128xf32, #tpu.memory_space<hbm>> -> memref<10240x128xf32, #tpu.memory_space<hbm>>
          tpu.wait_indirect_dma semaphore(%arg18 : memref<!tpu.dma_semaphore, #tpu.memory_space<semaphore_mem>>) src(%dma_wait3A_68 : memref<10240x128xf32, #tpu.memory_space<hbm>>) dst(%arg15 : memref<80x128xf32, #tpu.memory_space<vmem>>)
          %add3A_69 = arith.constant 1 : i32
          %add3A_70 = arith.addi %add3A_33, %add3A_69 : i32
          "tpu.region"() ({
            %run_scoped3A = tpu.sem_alloc : memref<!tpu.dma_semaphore, #tpu.memory_space<semaphore_mem>>
            %dma_start3A_71 = arith.constant 0 : i32
            %dma_start3A_72 = tpu.memref_slice %arg13[%add3A_70, %dma_start3A_71] : memref<125x80xi32, #tpu.memory_space<vmem>> -> memref<1x80xi32, #tpu.memory_space<vmem>>
            %dma_start3A_73 = tpu.memref_squeeze %dma_start3A_72 : memref<1x80xi32, #tpu.memory_space<vmem>> -> memref<80xi32, #tpu.memory_space<vmem>>
            %dma_start3A_74 = arith.constant 0 : i32
            %dma_start3A_75 = arith.constant 0 : i32
            %dma_start3A_76 = tpu.memref_slice %arg16[%dma_start3A_74, %dma_start3A_75] : memref<10240x128xf32, #tpu.memory_space<vmem_shared>> -> memref<10240x128xf32, #tpu.memory_space<vmem_shared>>
            tpu.enqueue_indirect_dma source(%arg15 : memref<80x128xf32, #tpu.memory_space<vmem>>) target(%dma_start3A_76 : memref<10240x128xf32, #tpu.memory_space<vmem_shared>>) offsets(%dma_start3A_73 : memref<80xi32, #tpu.memory_space<vmem>>) semaphore(%run_scoped3A : memref<!tpu.dma_semaphore, #tpu.memory_space<semaphore_mem>>) {add = true}
            %dma_wait3A_77 = arith.constant 0 : i32
            %dma_wait3A_78 = tpu.memref_slice %arg13[%add3A_70, %dma_wait3A_77] : memref<125x80xi32, #tpu.memory_space<vmem>> -> memref<1x80xi32, #tpu.memory_space<vmem>>
            %dma_wait3A_79 = tpu.memref_squeeze %dma_wait3A_78 : memref<1x80xi32, #tpu.memory_space<vmem>> -> memref<80xi32, #tpu.memory_space<vmem>>
            %dma_wait3A_80 = arith.constant 0 : i32
            %dma_wait3A_81 = arith.constant 0 : i32
            %dma_wait3A_82 = tpu.memref_slice %arg16[%dma_wait3A_80, %dma_wait3A_81] : memref<10240x128xf32, #tpu.memory_space<vmem_shared>> -> memref<10240x128xf32, #tpu.memory_space<vmem_shared>>
            tpu.wait_indirect_dma semaphore(%run_scoped3A : memref<!tpu.dma_semaphore, #tpu.memory_space<semaphore_mem>>) src(%arg15 : memref<80x128xf32, #tpu.memory_space<vmem>>) dst(%dma_wait3A_82 : memref<10240x128xf32, #tpu.memory_space<vmem_shared>>)
            tpu.yield
          }) : () -> ()
        } else {
        }
      }
      %scan3A_28 = arith.constant 63 : i32
      %barrier3A_29 = arith.constant 0 : index
      tpu.barrier barrier_id(%barrier3A_29)
      "tpu.region"() ({
        %run_scoped3A = tpu.sem_alloc : memref<!tpu.dma_semaphore, #tpu.memory_space<semaphore_mem>>
        %dma_start3A_30 = arith.constant 0 : i32
        %dma_start3A_31 = tpu.memref_slice %arg8[%mul3A_0, %dma_start3A_30] : memref<10240x128xf32, #tpu.memory_space<hbm>> -> memref<640x128xf32, #tpu.memory_space<hbm>>
        %dma_start3A_32 = arith.constant 0 : i32
        %dma_start3A_33 = tpu.memref_slice %arg16[%mul3A_0, %dma_start3A_32] : memref<10240x128xf32, #tpu.memory_space<vmem_shared>> -> memref<640x128xf32, #tpu.memory_space<vmem_shared>>
        tpu.enqueue_dma source(%dma_start3A_33 : memref<640x128xf32, #tpu.memory_space<vmem_shared>>) target(%dma_start3A_31 : memref<640x128xf32, #tpu.memory_space<hbm>>) target_semaphore(%run_scoped3A : memref<!tpu.dma_semaphore, #tpu.memory_space<semaphore_mem>>)
        %dma_wait3A = arith.constant 0 : i32
        %dma_wait3A_34 = tpu.memref_slice %arg8[%mul3A_0, %dma_wait3A] : memref<10240x128xf32, #tpu.memory_space<hbm>> -> memref<640x128xf32, #tpu.memory_space<hbm>>
        %dma_wait3A_35 = arith.constant 0 : i32
        %dma_wait3A_36 = tpu.memref_slice %arg16[%mul3A_0, %dma_wait3A_35] : memref<10240x128xf32, #tpu.memory_space<vmem_shared>> -> memref<640x128xf32, #tpu.memory_space<vmem_shared>>
        tpu.wait_dma2 semaphore(%run_scoped3A : memref<!tpu.dma_semaphore, #tpu.memory_space<semaphore_mem>>) src(%dma_wait3A_36 : memref<640x128xf32, #tpu.memory_space<vmem_shared>>) dst(%dma_wait3A_34 : memref<640x128xf32, #tpu.memory_space<hbm>>)
        tpu.yield
      }) : () -> ()
    } else {
    }
    %eq3A_5 = arith.constant 1 : i32
    %eq3A_6 = arith.cmpi eq, %arg0, %eq3A_5 : i32
    %convert_element_type3A_7 = arith.extui %eq3A_6 : i1 to i32
    %cond3A_8 = arith.constant 0 : i32
    %cond3A_9 = arith.cmpi ne, %convert_element_type3A_7, %cond3A_8 : i32
    scf.if %cond3A_9 {
      "tpu.region"() ({
        %run_scoped3A = tpu.sem_alloc : memref<!tpu.dma_semaphore, #tpu.memory_space<semaphore_mem>>
        %dma_start3A_30 = arith.constant 0 : i32
        %dma_start3A_31 = tpu.memref_slice %arg16[%mul3A_0, %dma_start3A_30] : memref<10240x128xf32, #tpu.memory_space<vmem_shared>> -> memref<640x128xf32, #tpu.memory_space<vmem_shared>>
        %dma_start3A_32 = arith.constant 0 : i32
        %dma_start3A_33 = tpu.memref_slice %arg6[%mul3A_0, %dma_start3A_32] : memref<10240x128xf32, #tpu.memory_space<hbm>> -> memref<640x128xf32, #tpu.memory_space<hbm>>
        tpu.enqueue_dma source(%dma_start3A_33 : memref<640x128xf32, #tpu.memory_space<hbm>>) target(%dma_start3A_31 : memref<640x128xf32, #tpu.memory_space<vmem_shared>>) target_semaphore(%run_scoped3A : memref<!tpu.dma_semaphore, #tpu.memory_space<semaphore_mem>>)
        %dma_wait3A = arith.constant 0 : i32
        %dma_wait3A_34 = tpu.memref_slice %arg16[%mul3A_0, %dma_wait3A] : memref<10240x128xf32, #tpu.memory_space<vmem_shared>> -> memref<640x128xf32, #tpu.memory_space<vmem_shared>>
        %dma_wait3A_35 = arith.constant 0 : i32
        %dma_wait3A_36 = tpu.memref_slice %arg6[%mul3A_0, %dma_wait3A_35] : memref<10240x128xf32, #tpu.memory_space<hbm>> -> memref<640x128xf32, #tpu.memory_space<hbm>>
        tpu.wait_dma2 semaphore(%run_scoped3A : memref<!tpu.dma_semaphore, #tpu.memory_space<semaphore_mem>>) src(%dma_wait3A_36 : memref<640x128xf32, #tpu.memory_space<hbm>>) dst(%dma_wait3A_34 : memref<640x128xf32, #tpu.memory_space<vmem_shared>>)
        tpu.yield
      }) : () -> ()
      %barrier3A = arith.constant 0 : index
      tpu.barrier barrier_id(%barrier3A)
      %dma_start3A = arith.constant 0 : i32
      %dma_start3A_20 = tpu.memref_slice %arg12[%dma_start3A] : memref<10000xi32, #tpu.memory_space<vmem>> -> memref<80xi32, #tpu.memory_space<vmem>>
      %dma_start3A_21 = arith.constant 0 : i32
      %dma_start3A_22 = arith.constant 0 : i32
      %dma_start3A_23 = tpu.memref_slice %arg3[%dma_start3A_21, %dma_start3A_22] : memref<10240x128xf32, #tpu.memory_space<hbm>> -> memref<10240x128xf32, #tpu.memory_space<hbm>>
      tpu.enqueue_indirect_dma source(%dma_start3A_23 : memref<10240x128xf32, #tpu.memory_space<hbm>>) target(%arg14 : memref<80x128xf32, #tpu.memory_space<vmem>>) offsets(%dma_start3A_20 : memref<80xi32, #tpu.memory_space<vmem>>) semaphore(%arg17 : memref<!tpu.dma_semaphore, #tpu.memory_space<semaphore_mem>>)
      %scan3A = arith.constant 0 : i32
      %scan3A_24 = arith.constant 0 : i32
      %scan3A_25 = arith.constant 63 : i32
      %scan3A_26 = arith.addi %scan3A_24, %scan3A_25 : i32
      %scan3A_27 = arith.constant 1 : i32
      scf.for %scan3A_30 = %scan3A_24 to %scan3A_26 step %scan3A_27  : i32 {
        %mul3A_31 = arith.constant 2 : i32
        %mul3A_32 = arith.muli %mul3A_31, %scan3A_30 : i32
        %add3A = arith.constant 0 : i32
        %add3A_33 = arith.addi %add3A, %mul3A_32 : i32
        %mul3A_34 = arith.constant 2 : i32
        %mul3A_35 = arith.muli %mul3A_34, %scan3A_30 : i32
        %add3A_36 = arith.constant 1 : i32
        %add3A_37 = arith.addi %mul3A_35, %add3A_36 : i32
        %lt3A = arith.constant 125 : i32
        %lt3A_38 = arith.cmpi slt, %add3A_37, %lt3A : i32
        %convert_element_type3A_39 = arith.extui %lt3A_38 : i1 to i32
        %cond3A_40 = arith.constant 0 : i32
        %cond3A_41 = arith.cmpi ne, %convert_element_type3A_39, %cond3A_40 : i32
        scf.if %cond3A_41 {
          %add3A_64 = arith.constant 1 : i32
          %add3A_65 = arith.addi %add3A_33, %add3A_64 : i32
          %mul3A_66 = arith.constant 80 : i32
          %mul3A_67 = arith.muli %add3A_65, %mul3A_66 : i32
          %dma_start3A_68 = tpu.memref_slice %arg12[%mul3A_67] : memref<10000xi32, #tpu.memory_space<vmem>> -> memref<80xi32, #tpu.memory_space<vmem>>
          %dma_start3A_69 = arith.constant 0 : i32
          %dma_start3A_70 = arith.constant 0 : i32
          %dma_start3A_71 = tpu.memref_slice %arg3[%dma_start3A_69, %dma_start3A_70] : memref<10240x128xf32, #tpu.memory_space<hbm>> -> memref<10240x128xf32, #tpu.memory_space<hbm>>
          tpu.enqueue_indirect_dma source(%dma_start3A_71 : memref<10240x128xf32, #tpu.memory_space<hbm>>) target(%arg15 : memref<80x128xf32, #tpu.memory_space<vmem>>) offsets(%dma_start3A_68 : memref<80xi32, #tpu.memory_space<vmem>>) semaphore(%arg18 : memref<!tpu.dma_semaphore, #tpu.memory_space<semaphore_mem>>)
        } else {
        }
        %dma_wait3A = arith.constant 0 : i32
        %dma_wait3A_42 = tpu.memref_slice %arg12[%dma_wait3A] : memref<10000xi32, #tpu.memory_space<vmem>> -> memref<80xi32, #tpu.memory_space<vmem>>
        %dma_wait3A_43 = arith.constant 0 : i32
        %dma_wait3A_44 = arith.constant 0 : i32
        %dma_wait3A_45 = tpu.memref_slice %arg3[%dma_wait3A_43, %dma_wait3A_44] : memref<10240x128xf32, #tpu.memory_space<hbm>> -> memref<10240x128xf32, #tpu.memory_space<hbm>>
        tpu.wait_indirect_dma semaphore(%arg17 : memref<!tpu.dma_semaphore, #tpu.memory_space<semaphore_mem>>) src(%dma_wait3A_45 : memref<10240x128xf32, #tpu.memory_space<hbm>>) dst(%arg14 : memref<80x128xf32, #tpu.memory_space<vmem>>)
        "tpu.region"() ({
          %run_scoped3A = tpu.sem_alloc : memref<!tpu.dma_semaphore, #tpu.memory_space<semaphore_mem>>
          %dma_start3A_64 = arith.constant 0 : i32
          %dma_start3A_65 = tpu.memref_slice %arg13[%add3A_33, %dma_start3A_64] : memref<125x80xi32, #tpu.memory_space<vmem>> -> memref<1x80xi32, #tpu.memory_space<vmem>>
          %dma_start3A_66 = tpu.memref_squeeze %dma_start3A_65 : memref<1x80xi32, #tpu.memory_space<vmem>> -> memref<80xi32, #tpu.memory_space<vmem>>
          %dma_start3A_67 = arith.constant 0 : i32
          %dma_start3A_68 = arith.constant 0 : i32
          %dma_start3A_69 = tpu.memref_slice %arg16[%dma_start3A_67, %dma_start3A_68] : memref<10240x128xf32, #tpu.memory_space<vmem_shared>> -> memref<10240x128xf32, #tpu.memory_space<vmem_shared>>
          tpu.enqueue_indirect_dma source(%arg14 : memref<80x128xf32, #tpu.memory_space<vmem>>) target(%dma_start3A_69 : memref<10240x128xf32, #tpu.memory_space<vmem_shared>>) offsets(%dma_start3A_66 : memref<80xi32, #tpu.memory_space<vmem>>) semaphore(%run_scoped3A : memref<!tpu.dma_semaphore, #tpu.memory_space<semaphore_mem>>) {add = true}
          %dma_wait3A_70 = arith.constant 0 : i32
          %dma_wait3A_71 = tpu.memref_slice %arg13[%add3A_33, %dma_wait3A_70] : memref<125x80xi32, #tpu.memory_space<vmem>> -> memref<1x80xi32, #tpu.memory_space<vmem>>
          %dma_wait3A_72 = tpu.memref_squeeze %dma_wait3A_71 : memref<1x80xi32, #tpu.memory_space<vmem>> -> memref<80xi32, #tpu.memory_space<vmem>>
          %dma_wait3A_73 = arith.constant 0 : i32
          %dma_wait3A_74 = arith.constant 0 : i32
          %dma_wait3A_75 = tpu.memref_slice %arg16[%dma_wait3A_73, %dma_wait3A_74] : memref<10240x128xf32, #tpu.memory_space<vmem_shared>> -> memref<10240x128xf32, #tpu.memory_space<vmem_shared>>
          tpu.wait_indirect_dma semaphore(%run_scoped3A : memref<!tpu.dma_semaphore, #tpu.memory_space<semaphore_mem>>) src(%arg14 : memref<80x128xf32, #tpu.memory_space<vmem>>) dst(%dma_wait3A_75 : memref<10240x128xf32, #tpu.memory_space<vmem_shared>>)
          tpu.yield
        }) : () -> ()
        %mul3A_46 = arith.constant 2 : i32
        %mul3A_47 = arith.muli %mul3A_46, %scan3A_30 : i32
        %add3A_48 = arith.constant 2 : i32
        %add3A_49 = arith.addi %mul3A_47, %add3A_48 : i32
        %lt3A_50 = arith.constant 125 : i32
        %lt3A_51 = arith.cmpi slt, %add3A_49, %lt3A_50 : i32
        %convert_element_type3A_52 = arith.extui %lt3A_51 : i1 to i32
        %cond3A_53 = arith.constant 0 : i32
        %cond3A_54 = arith.cmpi ne, %convert_element_type3A_52, %cond3A_53 : i32
        scf.if %cond3A_54 {
          %add3A_64 = arith.constant 2 : i32
          %add3A_65 = arith.addi %add3A_33, %add3A_64 : i32
          %mul3A_66 = arith.constant 80 : i32
          %mul3A_67 = arith.muli %add3A_65, %mul3A_66 : i32
          %dma_start3A_68 = tpu.memref_slice %arg12[%mul3A_67] : memref<10000xi32, #tpu.memory_space<vmem>> -> memref<80xi32, #tpu.memory_space<vmem>>
          %dma_start3A_69 = arith.constant 0 : i32
          %dma_start3A_70 = arith.constant 0 : i32
          %dma_start3A_71 = tpu.memref_slice %arg3[%dma_start3A_69, %dma_start3A_70] : memref<10240x128xf32, #tpu.memory_space<hbm>> -> memref<10240x128xf32, #tpu.memory_space<hbm>>
          tpu.enqueue_indirect_dma source(%dma_start3A_71 : memref<10240x128xf32, #tpu.memory_space<hbm>>) target(%arg14 : memref<80x128xf32, #tpu.memory_space<vmem>>) offsets(%dma_start3A_68 : memref<80xi32, #tpu.memory_space<vmem>>) semaphore(%arg17 : memref<!tpu.dma_semaphore, #tpu.memory_space<semaphore_mem>>)
        } else {
        }
        %mul3A_55 = arith.constant 2 : i32
        %mul3A_56 = arith.muli %mul3A_55, %scan3A_30 : i32
        %add3A_57 = arith.constant 1 : i32
        %add3A_58 = arith.addi %mul3A_56, %add3A_57 : i32
        %lt3A_59 = arith.constant 125 : i32
        %lt3A_60 = arith.cmpi slt, %add3A_58, %lt3A_59 : i32
        %convert_element_type3A_61 = arith.extui %lt3A_60 : i1 to i32
        %cond3A_62 = arith.constant 0 : i32
        %cond3A_63 = arith.cmpi ne, %convert_element_type3A_61, %cond3A_62 : i32
        scf.if %cond3A_63 {
          %dma_wait3A_64 = arith.constant 0 : i32
          %dma_wait3A_65 = tpu.memref_slice %arg12[%dma_wait3A_64] : memref<10000xi32, #tpu.memory_space<vmem>> -> memref<80xi32, #tpu.memory_space<vmem>>
          %dma_wait3A_66 = arith.constant 0 : i32
          %dma_wait3A_67 = arith.constant 0 : i32
          %dma_wait3A_68 = tpu.memref_slice %arg3[%dma_wait3A_66, %dma_wait3A_67] : memref<10240x128xf32, #tpu.memory_space<hbm>> -> memref<10240x128xf32, #tpu.memory_space<hbm>>
          tpu.wait_indirect_dma semaphore(%arg18 : memref<!tpu.dma_semaphore, #tpu.memory_space<semaphore_mem>>) src(%dma_wait3A_68 : memref<10240x128xf32, #tpu.memory_space<hbm>>) dst(%arg15 : memref<80x128xf32, #tpu.memory_space<vmem>>)
          %add3A_69 = arith.constant 1 : i32
          %add3A_70 = arith.addi %add3A_33, %add3A_69 : i32
          "tpu.region"() ({
            %run_scoped3A = tpu.sem_alloc : memref<!tpu.dma_semaphore, #tpu.memory_space<semaphore_mem>>
            %dma_start3A_71 = arith.constant 0 : i32
            %dma_start3A_72 = tpu.memref_slice %arg13[%add3A_70, %dma_start3A_71] : memref<125x80xi32, #tpu.memory_space<vmem>> -> memref<1x80xi32, #tpu.memory_space<vmem>>
            %dma_start3A_73 = tpu.memref_squeeze %dma_start3A_72 : memref<1x80xi32, #tpu.memory_space<vmem>> -> memref<80xi32, #tpu.memory_space<vmem>>
            %dma_start3A_74 = arith.constant 0 : i32
            %dma_start3A_75 = arith.constant 0 : i32
            %dma_start3A_76 = tpu.memref_slice %arg16[%dma_start3A_74, %dma_start3A_75] : memref<10240x128xf32, #tpu.memory_space<vmem_shared>> -> memref<10240x128xf32, #tpu.memory_space<vmem_shared>>
            tpu.enqueue_indirect_dma source(%arg15 : memref<80x128xf32, #tpu.memory_space<vmem>>) target(%dma_start3A_76 : memref<10240x128xf32, #tpu.memory_space<vmem_shared>>) offsets(%dma_start3A_73 : memref<80xi32, #tpu.memory_space<vmem>>) semaphore(%run_scoped3A : memref<!tpu.dma_semaphore, #tpu.memory_space<semaphore_mem>>) {add = true}
            %dma_wait3A_77 = arith.constant 0 : i32
            %dma_wait3A_78 = tpu.memref_slice %arg13[%add3A_70, %dma_wait3A_77] : memref<125x80xi32, #tpu.memory_space<vmem>> -> memref<1x80xi32, #tpu.memory_space<vmem>>
            %dma_wait3A_79 = tpu.memref_squeeze %dma_wait3A_78 : memref<1x80xi32, #tpu.memory_space<vmem>> -> memref<80xi32, #tpu.memory_space<vmem>>
            %dma_wait3A_80 = arith.constant 0 : i32
            %dma_wait3A_81 = arith.constant 0 : i32
            %dma_wait3A_82 = tpu.memref_slice %arg16[%dma_wait3A_80, %dma_wait3A_81] : memref<10240x128xf32, #tpu.memory_space<vmem_shared>> -> memref<10240x128xf32, #tpu.memory_space<vmem_shared>>
            tpu.wait_indirect_dma semaphore(%run_scoped3A : memref<!tpu.dma_semaphore, #tpu.memory_space<semaphore_mem>>) src(%arg15 : memref<80x128xf32, #tpu.memory_space<vmem>>) dst(%dma_wait3A_82 : memref<10240x128xf32, #tpu.memory_space<vmem_shared>>)
            tpu.yield
          }) : () -> ()
        } else {
        }
      }
      %scan3A_28 = arith.constant 63 : i32
      %barrier3A_29 = arith.constant 0 : index
      tpu.barrier barrier_id(%barrier3A_29)
      "tpu.region"() ({
        %run_scoped3A = tpu.sem_alloc : memref<!tpu.dma_semaphore, #tpu.memory_space<semaphore_mem>>
        %dma_start3A_30 = arith.constant 0 : i32
        %dma_start3A_31 = tpu.memref_slice %arg9[%mul3A_0, %dma_start3A_30] : memref<10240x128xf32, #tpu.memory_space<hbm>> -> memref<640x128xf32, #tpu.memory_space<hbm>>
        %dma_start3A_32 = arith.constant 0 : i32
        %dma_start3A_33 = tpu.memref_slice %arg16[%mul3A_0, %dma_start3A_32] : memref<10240x128xf32, #tpu.memory_space<vmem_shared>> -> memref<640x128xf32, #tpu.memory_space<vmem_shared>>
        tpu.enqueue_dma source(%dma_start3A_33 : memref<640x128xf32, #tpu.memory_space<vmem_shared>>) target(%dma_start3A_31 : memref<640x128xf32, #tpu.memory_space<hbm>>) target_semaphore(%run_scoped3A : memref<!tpu.dma_semaphore, #tpu.memory_space<semaphore_mem>>)
        %dma_wait3A = arith.constant 0 : i32
        %dma_wait3A_34 = tpu.memref_slice %arg9[%mul3A_0, %dma_wait3A] : memref<10240x128xf32, #tpu.memory_space<hbm>> -> memref<640x128xf32, #tpu.memory_space<hbm>>
        %dma_wait3A_35 = arith.constant 0 : i32
        %dma_wait3A_36 = tpu.memref_slice %arg16[%mul3A_0, %dma_wait3A_35] : memref<10240x128xf32, #tpu.memory_space<vmem_shared>> -> memref<640x128xf32, #tpu.memory_space<vmem_shared>>
        tpu.wait_dma2 semaphore(%run_scoped3A : memref<!tpu.dma_semaphore, #tpu.memory_space<semaphore_mem>>) src(%dma_wait3A_36 : memref<640x128xf32, #tpu.memory_space<vmem_shared>>) dst(%dma_wait3A_34 : memref<640x128xf32, #tpu.memory_space<hbm>>)
        tpu.yield
      }) : () -> ()
    } else {
    }
    %eq3A_10 = arith.constant 0 : i32
    %eq3A_11 = arith.cmpi eq, %arg0, %eq3A_10 : i32
    %convert_element_type3A_12 = arith.extui %eq3A_11 : i1 to i32
    %cond3A_13 = arith.constant 0 : i32
    %cond3A_14 = arith.cmpi ne, %convert_element_type3A_12, %cond3A_13 : i32
    scf.if %cond3A_14 {
      "tpu.region"() ({
        %run_scoped3A = tpu.sem_alloc : memref<!tpu.dma_semaphore, #tpu.memory_space<semaphore_mem>>
        %dma_start3A = arith.constant 0 : i32
        %dma_start3A_26 = tpu.memref_slice %arg16[%mul3A_0, %dma_start3A] : memref<10240x128xf32, #tpu.memory_space<vmem_shared>> -> memref<640x128xf32, #tpu.memory_space<vmem_shared>>
        %dma_start3A_27 = arith.constant 0 : i32
        %dma_start3A_28 = tpu.memref_slice %arg6[%mul3A_0, %dma_start3A_27] : memref<10240x128xf32, #tpu.memory_space<hbm>> -> memref<640x128xf32, #tpu.memory_space<hbm>>
        tpu.enqueue_dma source(%dma_start3A_28 : memref<640x128xf32, #tpu.memory_space<hbm>>) target(%dma_start3A_26 : memref<640x128xf32, #tpu.memory_space<vmem_shared>>) target_semaphore(%run_scoped3A : memref<!tpu.dma_semaphore, #tpu.memory_space<semaphore_mem>>)
        %dma_wait3A = arith.constant 0 : i32
        %dma_wait3A_29 = tpu.memref_slice %arg16[%mul3A_0, %dma_wait3A] : memref<10240x128xf32, #tpu.memory_space<vmem_shared>> -> memref<640x128xf32, #tpu.memory_space<vmem_shared>>
        %dma_wait3A_30 = arith.constant 0 : i32
        %dma_wait3A_31 = tpu.memref_slice %arg6[%mul3A_0, %dma_wait3A_30] : memref<10240x128xf32, #tpu.memory_space<hbm>> -> memref<640x128xf32, #tpu.memory_space<hbm>>
        tpu.wait_dma2 semaphore(%run_scoped3A : memref<!tpu.dma_semaphore, #tpu.memory_space<semaphore_mem>>) src(%dma_wait3A_31 : memref<640x128xf32, #tpu.memory_space<hbm>>) dst(%dma_wait3A_29 : memref<640x128xf32, #tpu.memory_space<vmem_shared>>)
        tpu.yield
      }) : () -> ()
      %barrier3A = arith.constant 0 : index
      tpu.barrier barrier_id(%barrier3A)
      "tpu.region"() ({
        %run_scoped3A = tpu.sem_alloc : memref<!tpu.dma_semaphore, #tpu.memory_space<semaphore_mem>>
        tpu.enqueue_dma source(%arg7 : memref<80x128xf32, #tpu.memory_space<hbm>>) target(%arg14 : memref<80x128xf32, #tpu.memory_space<vmem>>) target_semaphore(%run_scoped3A : memref<!tpu.dma_semaphore, #tpu.memory_space<semaphore_mem>>)
        tpu.wait_dma2 semaphore(%run_scoped3A : memref<!tpu.dma_semaphore, #tpu.memory_space<semaphore_mem>>) src(%arg7 : memref<80x128xf32, #tpu.memory_space<hbm>>) dst(%arg14 : memref<80x128xf32, #tpu.memory_space<vmem>>)
        tpu.yield
      }) : () -> ()
      %scan3A = arith.constant 0 : i32
      %scan3A_20 = arith.constant 0 : i32
      %scan3A_21 = arith.constant 63 : i32
      %scan3A_22 = arith.addi %scan3A_20, %scan3A_21 : i32
      %scan3A_23 = arith.constant 1 : i32
      scf.for %scan3A_26 = %scan3A_20 to %scan3A_22 step %scan3A_23  : i32 {
        %add3A = arith.constant 0 : i32
        %add3A_27 = arith.addi %add3A, %scan3A_26 : i32
        "tpu.region"() ({
          %run_scoped3A = tpu.sem_alloc : memref<!tpu.dma_semaphore, #tpu.memory_space<semaphore_mem>>
          %dma_start3A = arith.constant 0 : i32
          %dma_start3A_28 = tpu.memref_slice %arg13[%add3A_27, %dma_start3A] : memref<125x80xi32, #tpu.memory_space<vmem>> -> memref<1x80xi32, #tpu.memory_space<vmem>>
          %dma_start3A_29 = tpu.memref_squeeze %dma_start3A_28 : memref<1x80xi32, #tpu.memory_space<vmem>> -> memref<80xi32, #tpu.memory_space<vmem>>
          %dma_start3A_30 = arith.constant 0 : i32
          %dma_start3A_31 = arith.constant 0 : i32
          %dma_start3A_32 = tpu.memref_slice %arg16[%dma_start3A_30, %dma_start3A_31] : memref<10240x128xf32, #tpu.memory_space<vmem_shared>> -> memref<10240x128xf32, #tpu.memory_space<vmem_shared>>
          tpu.enqueue_indirect_dma source(%arg14 : memref<80x128xf32, #tpu.memory_space<vmem>>) target(%dma_start3A_32 : memref<10240x128xf32, #tpu.memory_space<vmem_shared>>) offsets(%dma_start3A_29 : memref<80xi32, #tpu.memory_space<vmem>>) semaphore(%run_scoped3A : memref<!tpu.dma_semaphore, #tpu.memory_space<semaphore_mem>>) {add = true}
          %dma_wait3A = arith.constant 0 : i32
          %dma_wait3A_33 = tpu.memref_slice %arg13[%add3A_27, %dma_wait3A] : memref<125x80xi32, #tpu.memory_space<vmem>> -> memref<1x80xi32, #tpu.memory_space<vmem>>
          %dma_wait3A_34 = tpu.memref_squeeze %dma_wait3A_33 : memref<1x80xi32, #tpu.memory_space<vmem>> -> memref<80xi32, #tpu.memory_space<vmem>>
          %dma_wait3A_35 = arith.constant 0 : i32
          %dma_wait3A_36 = arith.constant 0 : i32
          %dma_wait3A_37 = tpu.memref_slice %arg16[%dma_wait3A_35, %dma_wait3A_36] : memref<10240x128xf32, #tpu.memory_space<vmem_shared>> -> memref<10240x128xf32, #tpu.memory_space<vmem_shared>>
          tpu.wait_indirect_dma semaphore(%run_scoped3A : memref<!tpu.dma_semaphore, #tpu.memory_space<semaphore_mem>>) src(%arg14 : memref<80x128xf32, #tpu.memory_space<vmem>>) dst(%dma_wait3A_37 : memref<10240x128xf32, #tpu.memory_space<vmem_shared>>)
          tpu.yield
        }) : () -> ()
      }
      %scan3A_24 = arith.constant 63 : i32
      %barrier3A_25 = arith.constant 0 : index
      tpu.barrier barrier_id(%barrier3A_25)
      "tpu.region"() ({
        %run_scoped3A = tpu.sem_alloc : memref<!tpu.dma_semaphore, #tpu.memory_space<semaphore_mem>>
        %dma_start3A = arith.constant 0 : i32
        %dma_start3A_26 = tpu.memref_slice %arg10[%mul3A_0, %dma_start3A] : memref<10240x128xf32, #tpu.memory_space<hbm>> -> memref<640x128xf32, #tpu.memory_space<hbm>>
        %dma_start3A_27 = arith.constant 0 : i32
        %dma_start3A_28 = tpu.memref_slice %arg16[%mul3A_0, %dma_start3A_27] : memref<10240x128xf32, #tpu.memory_space<vmem_shared>> -> memref<640x128xf32, #tpu.memory_space<vmem_shared>>
        tpu.enqueue_dma source(%dma_start3A_28 : memref<640x128xf32, #tpu.memory_space<vmem_shared>>) target(%dma_start3A_26 : memref<640x128xf32, #tpu.memory_space<hbm>>) target_semaphore(%run_scoped3A : memref<!tpu.dma_semaphore, #tpu.memory_space<semaphore_mem>>)
        %dma_wait3A = arith.constant 0 : i32
        %dma_wait3A_29 = tpu.memref_slice %arg10[%mul3A_0, %dma_wait3A] : memref<10240x128xf32, #tpu.memory_space<hbm>> -> memref<640x128xf32, #tpu.memory_space<hbm>>
        %dma_wait3A_30 = arith.constant 0 : i32
        %dma_wait3A_31 = tpu.memref_slice %arg16[%mul3A_0, %dma_wait3A_30] : memref<10240x128xf32, #tpu.memory_space<vmem_shared>> -> memref<640x128xf32, #tpu.memory_space<vmem_shared>>
        tpu.wait_dma2 semaphore(%run_scoped3A : memref<!tpu.dma_semaphore, #tpu.memory_space<semaphore_mem>>) src(%dma_wait3A_31 : memref<640x128xf32, #tpu.memory_space<vmem_shared>>) dst(%dma_wait3A_29 : memref<640x128xf32, #tpu.memory_space<hbm>>)
        tpu.yield
      }) : () -> ()
    } else {
    }
    %eq3A_15 = arith.constant 1 : i32
    %eq3A_16 = arith.cmpi eq, %arg0, %eq3A_15 : i32
    %convert_element_type3A_17 = arith.extui %eq3A_16 : i1 to i32
    %cond3A_18 = arith.constant 0 : i32
    %cond3A_19 = arith.cmpi ne, %convert_element_type3A_17, %cond3A_18 : i32
    scf.if %cond3A_19 {
      "tpu.region"() ({
        %run_scoped3A = tpu.sem_alloc : memref<!tpu.dma_semaphore, #tpu.memory_space<semaphore_mem>>
        %dma_start3A = arith.constant 0 : i32
        %dma_start3A_26 = tpu.memref_slice %arg16[%mul3A_0, %dma_start3A] : memref<10240x128xf32, #tpu.memory_space<vmem_shared>> -> memref<640x128xf32, #tpu.memory_space<vmem_shared>>
        %dma_start3A_27 = arith.constant 0 : i32
        %dma_start3A_28 = tpu.memref_slice %arg6[%mul3A_0, %dma_start3A_27] : memref<10240x128xf32, #tpu.memory_space<hbm>> -> memref<640x128xf32, #tpu.memory_space<hbm>>
        tpu.enqueue_dma source(%dma_start3A_28 : memref<640x128xf32, #tpu.memory_space<hbm>>) target(%dma_start3A_26 : memref<640x128xf32, #tpu.memory_space<vmem_shared>>) target_semaphore(%run_scoped3A : memref<!tpu.dma_semaphore, #tpu.memory_space<semaphore_mem>>)
        %dma_wait3A = arith.constant 0 : i32
        %dma_wait3A_29 = tpu.memref_slice %arg16[%mul3A_0, %dma_wait3A] : memref<10240x128xf32, #tpu.memory_space<vmem_shared>> -> memref<640x128xf32, #tpu.memory_space<vmem_shared>>
        %dma_wait3A_30 = arith.constant 0 : i32
        %dma_wait3A_31 = tpu.memref_slice %arg6[%mul3A_0, %dma_wait3A_30] : memref<10240x128xf32, #tpu.memory_space<hbm>> -> memref<640x128xf32, #tpu.memory_space<hbm>>
        tpu.wait_dma2 semaphore(%run_scoped3A : memref<!tpu.dma_semaphore, #tpu.memory_space<semaphore_mem>>) src(%dma_wait3A_31 : memref<640x128xf32, #tpu.memory_space<hbm>>) dst(%dma_wait3A_29 : memref<640x128xf32, #tpu.memory_space<vmem_shared>>)
        tpu.yield
      }) : () -> ()
      %barrier3A = arith.constant 0 : index
      tpu.barrier barrier_id(%barrier3A)
      "tpu.region"() ({
        %run_scoped3A = tpu.sem_alloc : memref<!tpu.dma_semaphore, #tpu.memory_space<semaphore_mem>>
        tpu.enqueue_dma source(%arg7 : memref<80x128xf32, #tpu.memory_space<hbm>>) target(%arg14 : memref<80x128xf32, #tpu.memory_space<vmem>>) target_semaphore(%run_scoped3A : memref<!tpu.dma_semaphore, #tpu.memory_space<semaphore_mem>>)
        tpu.wait_dma2 semaphore(%run_scoped3A : memref<!tpu.dma_semaphore, #tpu.memory_space<semaphore_mem>>) src(%arg7 : memref<80x128xf32, #tpu.memory_space<hbm>>) dst(%arg14 : memref<80x128xf32, #tpu.memory_space<vmem>>)
        tpu.yield
      }) : () -> ()
      %scan3A = arith.constant 0 : i32
      %scan3A_20 = arith.constant 0 : i32
      %scan3A_21 = arith.constant 62 : i32
      %scan3A_22 = arith.addi %scan3A_20, %scan3A_21 : i32
      %scan3A_23 = arith.constant 1 : i32
      scf.for %scan3A_26 = %scan3A_20 to %scan3A_22 step %scan3A_23  : i32 {
        %add3A = arith.constant 63 : i32
        %add3A_27 = arith.addi %add3A, %scan3A_26 : i32
        "tpu.region"() ({
          %run_scoped3A = tpu.sem_alloc : memref<!tpu.dma_semaphore, #tpu.memory_space<semaphore_mem>>
          %dma_start3A = arith.constant 0 : i32
          %dma_start3A_28 = tpu.memref_slice %arg13[%add3A_27, %dma_start3A] : memref<125x80xi32, #tpu.memory_space<vmem>> -> memref<1x80xi32, #tpu.memory_space<vmem>>
          %dma_start3A_29 = tpu.memref_squeeze %dma_start3A_28 : memref<1x80xi32, #tpu.memory_space<vmem>> -> memref<80xi32, #tpu.memory_space<vmem>>
          %dma_start3A_30 = arith.constant 0 : i32
          %dma_start3A_31 = arith.constant 0 : i32
          %dma_start3A_32 = tpu.memref_slice %arg16[%dma_start3A_30, %dma_start3A_31] : memref<10240x128xf32, #tpu.memory_space<vmem_shared>> -> memref<10240x128xf32, #tpu.memory_space<vmem_shared>>
          tpu.enqueue_indirect_dma source(%arg14 : memref<80x128xf32, #tpu.memory_space<vmem>>) target(%dma_start3A_32 : memref<10240x128xf32, #tpu.memory_space<vmem_shared>>) offsets(%dma_start3A_29 : memref<80xi32, #tpu.memory_space<vmem>>) semaphore(%run_scoped3A : memref<!tpu.dma_semaphore, #tpu.memory_space<semaphore_mem>>) {add = true}
          %dma_wait3A = arith.constant 0 : i32
          %dma_wait3A_33 = tpu.memref_slice %arg13[%add3A_27, %dma_wait3A] : memref<125x80xi32, #tpu.memory_space<vmem>> -> memref<1x80xi32, #tpu.memory_space<vmem>>
          %dma_wait3A_34 = tpu.memref_squeeze %dma_wait3A_33 : memref<1x80xi32, #tpu.memory_space<vmem>> -> memref<80xi32, #tpu.memory_space<vmem>>
          %dma_wait3A_35 = arith.constant 0 : i32
          %dma_wait3A_36 = arith.constant 0 : i32
          %dma_wait3A_37 = tpu.memref_slice %arg16[%dma_wait3A_35, %dma_wait3A_36] : memref<10240x128xf32, #tpu.memory_space<vmem_shared>> -> memref<10240x128xf32, #tpu.memory_space<vmem_shared>>
          tpu.wait_indirect_dma semaphore(%run_scoped3A : memref<!tpu.dma_semaphore, #tpu.memory_space<semaphore_mem>>) src(%arg14 : memref<80x128xf32, #tpu.memory_space<vmem>>) dst(%dma_wait3A_37 : memref<10240x128xf32, #tpu.memory_space<vmem_shared>>)
          tpu.yield
        }) : () -> ()
      }
      %scan3A_24 = arith.constant 62 : i32
      %barrier3A_25 = arith.constant 0 : index
      tpu.barrier barrier_id(%barrier3A_25)
      "tpu.region"() ({
        %run_scoped3A = tpu.sem_alloc : memref<!tpu.dma_semaphore, #tpu.memory_space<semaphore_mem>>
        %dma_start3A = arith.constant 0 : i32
        %dma_start3A_26 = tpu.memref_slice %arg11[%mul3A_0, %dma_start3A] : memref<10240x128xf32, #tpu.memory_space<hbm>> -> memref<640x128xf32, #tpu.memory_space<hbm>>
        %dma_start3A_27 = arith.constant 0 : i32
        %dma_start3A_28 = tpu.memref_slice %arg16[%mul3A_0, %dma_start3A_27] : memref<10240x128xf32, #tpu.memory_space<vmem_shared>> -> memref<640x128xf32, #tpu.memory_space<vmem_shared>>
        tpu.enqueue_dma source(%dma_start3A_28 : memref<640x128xf32, #tpu.memory_space<vmem_shared>>) target(%dma_start3A_26 : memref<640x128xf32, #tpu.memory_space<hbm>>) target_semaphore(%run_scoped3A : memref<!tpu.dma_semaphore, #tpu.memory_space<semaphore_mem>>)
        %dma_wait3A = arith.constant 0 : i32
        %dma_wait3A_29 = tpu.memref_slice %arg11[%mul3A_0, %dma_wait3A] : memref<10240x128xf32, #tpu.memory_space<hbm>> -> memref<640x128xf32, #tpu.memory_space<hbm>>
        %dma_wait3A_30 = arith.constant 0 : i32
        %dma_wait3A_31 = tpu.memref_slice %arg16[%mul3A_0, %dma_wait3A_30] : memref<10240x128xf32, #tpu.memory_space<vmem_shared>> -> memref<640x128xf32, #tpu.memory_space<vmem_shared>>
        tpu.wait_dma2 semaphore(%run_scoped3A : memref<!tpu.dma_semaphore, #tpu.memory_space<semaphore_mem>>) src(%dma_wait3A_31 : memref<640x128xf32, #tpu.memory_space<vmem_shared>>) dst(%dma_wait3A_29 : memref<640x128xf32, #tpu.memory_space<hbm>>)
        tpu.yield
      }) : () -> ()
    } else {
    }
    return
  }
}

#map = affine_map<(d0, d1) -> (0, 0)>
#map1 = affine_map<(d0, d1) -> (0)>
#map2 = affine_map<(d0, d1) -> (0, 0, 0)>
module attributes {stable_mosaic.version = 14 : i64} {
  func.func @seg(%arg0: i32, %arg1: i32, %arg2: memref<10240x128xf32, #tpu.memory_space<hbm>>, %arg3: memref<10240x128xf32, #tpu.memory_space<hbm>>, %arg4: memref<10240x128xf32, #tpu.memory_space<hbm>>, %arg5: memref<10240x128xf32, #tpu.memory_space<hbm>>, %arg6: memref<160000xi32, #tpu.memory_space<hbm>>, %arg7: memref<16x125x80xi32, #tpu.memory_space<hbm>>, %arg8: memref<10240x128xf32, #tpu.memory_space<hbm>>, %arg9: memref<80x128xf32, #tpu.memory_space<hbm>>, %arg10: memref<10240x128xf32, #tpu.memory_space<hbm>>, %arg11: memref<10240x128xf32, #tpu.memory_space<hbm>>, %arg12: memref<10240x128xf32, #tpu.memory_space<hbm>>, %arg13: memref<10240x128xf32, #tpu.memory_space<hbm>>, %arg14: memref<10000xi32, #tpu.memory_space<vmem>>, %arg15: memref<125x80xi32, #tpu.memory_space<vmem>>, %arg16: memref<80x128xf32, #tpu.memory_space<vmem>>, %arg17: memref<80x128xf32, #tpu.memory_space<vmem>>, %arg18: memref<10240x128xf32, #tpu.memory_space<vmem_shared>>, %arg19: memref<!tpu.dma_semaphore, #tpu.memory_space<semaphore_mem>>, %arg20: memref<!tpu.dma_semaphore, #tpu.memory_space<semaphore_mem>>) attributes {dimension_semantics = [#tpu.dimension_semantics<core_parallel>, #tpu.dimension_semantics<subcore_parallel>], iteration_bounds = array<i64: 2, 16>, scalar_prefetch = 0 : i64, scratch_operands = 7 : i64, tpu.core_type = #tpu.core_type<sc_vector_subcore>, window_params = [{transform_indices = #map}, {transform_indices = #map}, {transform_indices = #map}, {transform_indices = #map}, {transform_indices = #map1}, {transform_indices = #map2}, {transform_indices = #map}, {transform_indices = #map}, {transform_indices = #map}, {transform_indices = #map}, {transform_indices = #map}, {transform_indices = #map}]} {
    %mul3A = arith.constant 640 : i32
    %mul3A_0 = arith.muli %arg1, %mul3A : i32
    %mul3A_1 = arith.constant 10000 : i32
    %mul3A_2 = arith.muli %arg1, %mul3A_1 : i32
    "tpu.region"() ({
      %run_scoped3A = tpu.sem_alloc : memref<!tpu.dma_semaphore, #tpu.memory_space<semaphore_mem>>
      %dma_start3A = tpu.memref_slice %arg6[%mul3A_2] : memref<160000xi32, #tpu.memory_space<hbm>> -> memref<10000xi32, #tpu.memory_space<hbm>>
      %dma_start3A_20 = tpu.memref_slice %arg6[%mul3A_2] : memref<160000xi32, #tpu.memory_space<hbm>> -> memref<10000xi32, #tpu.memory_space<hbm>>
      tpu.enqueue_dma source(%dma_start3A_20 : memref<10000xi32, #tpu.memory_space<hbm>>) target(%arg14 : memref<10000xi32, #tpu.memory_space<vmem>>) target_semaphore(%run_scoped3A : memref<!tpu.dma_semaphore, #tpu.memory_space<semaphore_mem>>)
      %dma_wait3A = tpu.memref_slice %arg6[%mul3A_2] : memref<160000xi32, #tpu.memory_space<hbm>> -> memref<10000xi32, #tpu.memory_space<hbm>>
      %dma_wait3A_21 = tpu.memref_slice %arg6[%mul3A_2] : memref<160000xi32, #tpu.memory_space<hbm>> -> memref<10000xi32, #tpu.memory_space<hbm>>
      tpu.wait_dma2 semaphore(%run_scoped3A : memref<!tpu.dma_semaphore, #tpu.memory_space<semaphore_mem>>) src(%dma_wait3A_21 : memref<10000xi32, #tpu.memory_space<hbm>>) dst(%arg14 : memref<10000xi32, #tpu.memory_space<vmem>>)
      tpu.yield
    }) : () -> ()
    "tpu.region"() ({
      %run_scoped3A = tpu.sem_alloc : memref<!tpu.dma_semaphore, #tpu.memory_space<semaphore_mem>>
      %dma_start3A = arith.constant 0 : i32
      %dma_start3A_20 = arith.constant 0 : i32
      %dma_start3A_21 = tpu.memref_slice %arg7[%arg1, %dma_start3A, %dma_start3A_20] : memref<16x125x80xi32, #tpu.memory_space<hbm>> -> memref<1x125x80xi32, #tpu.memory_space<hbm>>
      %dma_start3A_22 = tpu.memref_squeeze %dma_start3A_21 : memref<1x125x80xi32, #tpu.memory_space<hbm>> -> memref<125x80xi32, #tpu.memory_space<hbm>>
      %dma_start3A_23 = arith.constant 0 : i32
      %dma_start3A_24 = arith.constant 0 : i32
      %dma_start3A_25 = tpu.memref_slice %arg7[%arg1, %dma_start3A_23, %dma_start3A_24] : memref<16x125x80xi32, #tpu.memory_space<hbm>> -> memref<1x125x80xi32, #tpu.memory_space<hbm>>
      %dma_start3A_26 = tpu.memref_squeeze %dma_start3A_25 : memref<1x125x80xi32, #tpu.memory_space<hbm>> -> memref<125x80xi32, #tpu.memory_space<hbm>>
      tpu.enqueue_dma source(%dma_start3A_26 : memref<125x80xi32, #tpu.memory_space<hbm>>) target(%arg15 : memref<125x80xi32, #tpu.memory_space<vmem>>) target_semaphore(%run_scoped3A : memref<!tpu.dma_semaphore, #tpu.memory_space<semaphore_mem>>)
      %dma_wait3A = arith.constant 0 : i32
      %dma_wait3A_27 = arith.constant 0 : i32
      %dma_wait3A_28 = tpu.memref_slice %arg7[%arg1, %dma_wait3A, %dma_wait3A_27] : memref<16x125x80xi32, #tpu.memory_space<hbm>> -> memref<1x125x80xi32, #tpu.memory_space<hbm>>
      %dma_wait3A_29 = tpu.memref_squeeze %dma_wait3A_28 : memref<1x125x80xi32, #tpu.memory_space<hbm>> -> memref<125x80xi32, #tpu.memory_space<hbm>>
      %dma_wait3A_30 = arith.constant 0 : i32
      %dma_wait3A_31 = arith.constant 0 : i32
      %dma_wait3A_32 = tpu.memref_slice %arg7[%arg1, %dma_wait3A_30, %dma_wait3A_31] : memref<16x125x80xi32, #tpu.memory_space<hbm>> -> memref<1x125x80xi32, #tpu.memory_space<hbm>>
      %dma_wait3A_33 = tpu.memref_squeeze %dma_wait3A_32 : memref<1x125x80xi32, #tpu.memory_space<hbm>> -> memref<125x80xi32, #tpu.memory_space<hbm>>
      tpu.wait_dma2 semaphore(%run_scoped3A : memref<!tpu.dma_semaphore, #tpu.memory_space<semaphore_mem>>) src(%dma_wait3A_33 : memref<125x80xi32, #tpu.memory_space<hbm>>) dst(%arg15 : memref<125x80xi32, #tpu.memory_space<vmem>>)
      tpu.yield
    }) : () -> ()
    %eq3A = arith.constant 0 : i32
    %eq3A_3 = arith.cmpi eq, %arg0, %eq3A : i32
    %convert_element_type3A = arith.extui %eq3A_3 : i1 to i32
    %cond3A = arith.constant 0 : i32
    %cond3A_4 = arith.cmpi ne, %convert_element_type3A, %cond3A : i32
    scf.if %cond3A_4 {
      "tpu.region"() ({
        %run_scoped3A = tpu.sem_alloc : memref<!tpu.dma_semaphore, #tpu.memory_space<semaphore_mem>>
        %dma_start3A_30 = arith.constant 0 : i32
        %dma_start3A_31 = tpu.memref_slice %arg18[%mul3A_0, %dma_start3A_30] : memref<10240x128xf32, #tpu.memory_space<vmem_shared>> -> memref<640x128xf32, #tpu.memory_space<vmem_shared>>
        %dma_start3A_32 = arith.constant 0 : i32
        %dma_start3A_33 = tpu.memref_slice %arg8[%mul3A_0, %dma_start3A_32] : memref<10240x128xf32, #tpu.memory_space<hbm>> -> memref<640x128xf32, #tpu.memory_space<hbm>>
        tpu.enqueue_dma source(%dma_start3A_33 : memref<640x128xf32, #tpu.memory_space<hbm>>) target(%dma_start3A_31 : memref<640x128xf32, #tpu.memory_space<vmem_shared>>) target_semaphore(%run_scoped3A : memref<!tpu.dma_semaphore, #tpu.memory_space<semaphore_mem>>)
        %dma_wait3A = arith.constant 0 : i32
        %dma_wait3A_34 = tpu.memref_slice %arg18[%mul3A_0, %dma_wait3A] : memref<10240x128xf32, #tpu.memory_space<vmem_shared>> -> memref<640x128xf32, #tpu.memory_space<vmem_shared>>
        %dma_wait3A_35 = arith.constant 0 : i32
        %dma_wait3A_36 = tpu.memref_slice %arg8[%mul3A_0, %dma_wait3A_35] : memref<10240x128xf32, #tpu.memory_space<hbm>> -> memref<640x128xf32, #tpu.memory_space<hbm>>
        tpu.wait_dma2 semaphore(%run_scoped3A : memref<!tpu.dma_semaphore, #tpu.memory_space<semaphore_mem>>) src(%dma_wait3A_36 : memref<640x128xf32, #tpu.memory_space<hbm>>) dst(%dma_wait3A_34 : memref<640x128xf32, #tpu.memory_space<vmem_shared>>)
        tpu.yield
      }) : () -> ()
      %barrier3A = arith.constant 0 : index
      tpu.barrier barrier_id(%barrier3A)
      %dma_start3A = arith.constant 0 : i32
      %dma_start3A_20 = tpu.memref_slice %arg14[%dma_start3A] : memref<10000xi32, #tpu.memory_space<vmem>> -> memref<80xi32, #tpu.memory_space<vmem>>
      %dma_start3A_21 = arith.constant 0 : i32
      %dma_start3A_22 = arith.constant 0 : i32
      %dma_start3A_23 = tpu.memref_slice %arg2[%dma_start3A_21, %dma_start3A_22] : memref<10240x128xf32, #tpu.memory_space<hbm>> -> memref<10240x128xf32, #tpu.memory_space<hbm>>
      tpu.enqueue_indirect_dma source(%dma_start3A_23 : memref<10240x128xf32, #tpu.memory_space<hbm>>) target(%arg16 : memref<80x128xf32, #tpu.memory_space<vmem>>) offsets(%dma_start3A_20 : memref<80xi32, #tpu.memory_space<vmem>>) semaphore(%arg19 : memref<!tpu.dma_semaphore, #tpu.memory_space<semaphore_mem>>)
      %scan3A = arith.constant 0 : i32
      %scan3A_24 = arith.constant 0 : i32
      %scan3A_25 = arith.constant 63 : i32
      %scan3A_26 = arith.addi %scan3A_24, %scan3A_25 : i32
      %scan3A_27 = arith.constant 1 : i32
      scf.for %scan3A_30 = %scan3A_24 to %scan3A_26 step %scan3A_27  : i32 {
        %mul3A_31 = arith.constant 2 : i32
        %mul3A_32 = arith.muli %mul3A_31, %scan3A_30 : i32
        %add3A = arith.constant 0 : i32
        %add3A_33 = arith.addi %add3A, %mul3A_32 : i32
        %mul3A_34 = arith.constant 2 : i32
        %mul3A_35 = arith.muli %mul3A_34, %scan3A_30 : i32
        %add3A_36 = arith.constant 1 : i32
        %add3A_37 = arith.addi %mul3A_35, %add3A_36 : i32
        %lt3A = arith.constant 125 : i32
        %lt3A_38 = arith.cmpi slt, %add3A_37, %lt3A : i32
        %convert_element_type3A_39 = arith.extui %lt3A_38 : i1 to i32
        %cond3A_40 = arith.constant 0 : i32
        %cond3A_41 = arith.cmpi ne, %convert_element_type3A_39, %cond3A_40 : i32
        scf.if %cond3A_41 {
          %add3A_64 = arith.constant 1 : i32
          %add3A_65 = arith.addi %add3A_33, %add3A_64 : i32
          %mul3A_66 = arith.constant 80 : i32
          %mul3A_67 = arith.muli %add3A_65, %mul3A_66 : i32
          %dma_start3A_68 = tpu.memref_slice %arg14[%mul3A_67] : memref<10000xi32, #tpu.memory_space<vmem>> -> memref<80xi32, #tpu.memory_space<vmem>>
          %dma_start3A_69 = arith.constant 0 : i32
          %dma_start3A_70 = arith.constant 0 : i32
          %dma_start3A_71 = tpu.memref_slice %arg2[%dma_start3A_69, %dma_start3A_70] : memref<10240x128xf32, #tpu.memory_space<hbm>> -> memref<10240x128xf32, #tpu.memory_space<hbm>>
          tpu.enqueue_indirect_dma source(%dma_start3A_71 : memref<10240x128xf32, #tpu.memory_space<hbm>>) target(%arg17 : memref<80x128xf32, #tpu.memory_space<vmem>>) offsets(%dma_start3A_68 : memref<80xi32, #tpu.memory_space<vmem>>) semaphore(%arg20 : memref<!tpu.dma_semaphore, #tpu.memory_space<semaphore_mem>>)
        } else {
        }
        %dma_wait3A = arith.constant 0 : i32
        %dma_wait3A_42 = tpu.memref_slice %arg14[%dma_wait3A] : memref<10000xi32, #tpu.memory_space<vmem>> -> memref<80xi32, #tpu.memory_space<vmem>>
        %dma_wait3A_43 = arith.constant 0 : i32
        %dma_wait3A_44 = arith.constant 0 : i32
        %dma_wait3A_45 = tpu.memref_slice %arg2[%dma_wait3A_43, %dma_wait3A_44] : memref<10240x128xf32, #tpu.memory_space<hbm>> -> memref<10240x128xf32, #tpu.memory_space<hbm>>
        tpu.wait_indirect_dma semaphore(%arg19 : memref<!tpu.dma_semaphore, #tpu.memory_space<semaphore_mem>>) src(%dma_wait3A_45 : memref<10240x128xf32, #tpu.memory_space<hbm>>) dst(%arg16 : memref<80x128xf32, #tpu.memory_space<vmem>>)
        "tpu.region"() ({
          %run_scoped3A = tpu.sem_alloc : memref<!tpu.dma_semaphore, #tpu.memory_space<semaphore_mem>>
          %dma_start3A_64 = arith.constant 0 : i32
          %dma_start3A_65 = tpu.memref_slice %arg15[%add3A_33, %dma_start3A_64] : memref<125x80xi32, #tpu.memory_space<vmem>> -> memref<1x80xi32, #tpu.memory_space<vmem>>
          %dma_start3A_66 = tpu.memref_squeeze %dma_start3A_65 : memref<1x80xi32, #tpu.memory_space<vmem>> -> memref<80xi32, #tpu.memory_space<vmem>>
          %dma_start3A_67 = arith.constant 0 : i32
          %dma_start3A_68 = arith.constant 0 : i32
          %dma_start3A_69 = tpu.memref_slice %arg18[%dma_start3A_67, %dma_start3A_68] : memref<10240x128xf32, #tpu.memory_space<vmem_shared>> -> memref<10240x128xf32, #tpu.memory_space<vmem_shared>>
          tpu.enqueue_indirect_dma source(%arg16 : memref<80x128xf32, #tpu.memory_space<vmem>>) target(%dma_start3A_69 : memref<10240x128xf32, #tpu.memory_space<vmem_shared>>) offsets(%dma_start3A_66 : memref<80xi32, #tpu.memory_space<vmem>>) semaphore(%run_scoped3A : memref<!tpu.dma_semaphore, #tpu.memory_space<semaphore_mem>>) {add = true}
          %dma_wait3A_70 = arith.constant 0 : i32
          %dma_wait3A_71 = tpu.memref_slice %arg15[%add3A_33, %dma_wait3A_70] : memref<125x80xi32, #tpu.memory_space<vmem>> -> memref<1x80xi32, #tpu.memory_space<vmem>>
          %dma_wait3A_72 = tpu.memref_squeeze %dma_wait3A_71 : memref<1x80xi32, #tpu.memory_space<vmem>> -> memref<80xi32, #tpu.memory_space<vmem>>
          %dma_wait3A_73 = arith.constant 0 : i32
          %dma_wait3A_74 = arith.constant 0 : i32
          %dma_wait3A_75 = tpu.memref_slice %arg18[%dma_wait3A_73, %dma_wait3A_74] : memref<10240x128xf32, #tpu.memory_space<vmem_shared>> -> memref<10240x128xf32, #tpu.memory_space<vmem_shared>>
          tpu.wait_indirect_dma semaphore(%run_scoped3A : memref<!tpu.dma_semaphore, #tpu.memory_space<semaphore_mem>>) src(%arg16 : memref<80x128xf32, #tpu.memory_space<vmem>>) dst(%dma_wait3A_75 : memref<10240x128xf32, #tpu.memory_space<vmem_shared>>)
          tpu.yield
        }) : () -> ()
        %mul3A_46 = arith.constant 2 : i32
        %mul3A_47 = arith.muli %mul3A_46, %scan3A_30 : i32
        %add3A_48 = arith.constant 2 : i32
        %add3A_49 = arith.addi %mul3A_47, %add3A_48 : i32
        %lt3A_50 = arith.constant 125 : i32
        %lt3A_51 = arith.cmpi slt, %add3A_49, %lt3A_50 : i32
        %convert_element_type3A_52 = arith.extui %lt3A_51 : i1 to i32
        %cond3A_53 = arith.constant 0 : i32
        %cond3A_54 = arith.cmpi ne, %convert_element_type3A_52, %cond3A_53 : i32
        scf.if %cond3A_54 {
          %add3A_64 = arith.constant 2 : i32
          %add3A_65 = arith.addi %add3A_33, %add3A_64 : i32
          %mul3A_66 = arith.constant 80 : i32
          %mul3A_67 = arith.muli %add3A_65, %mul3A_66 : i32
          %dma_start3A_68 = tpu.memref_slice %arg14[%mul3A_67] : memref<10000xi32, #tpu.memory_space<vmem>> -> memref<80xi32, #tpu.memory_space<vmem>>
          %dma_start3A_69 = arith.constant 0 : i32
          %dma_start3A_70 = arith.constant 0 : i32
          %dma_start3A_71 = tpu.memref_slice %arg2[%dma_start3A_69, %dma_start3A_70] : memref<10240x128xf32, #tpu.memory_space<hbm>> -> memref<10240x128xf32, #tpu.memory_space<hbm>>
          tpu.enqueue_indirect_dma source(%dma_start3A_71 : memref<10240x128xf32, #tpu.memory_space<hbm>>) target(%arg16 : memref<80x128xf32, #tpu.memory_space<vmem>>) offsets(%dma_start3A_68 : memref<80xi32, #tpu.memory_space<vmem>>) semaphore(%arg19 : memref<!tpu.dma_semaphore, #tpu.memory_space<semaphore_mem>>)
        } else {
        }
        %mul3A_55 = arith.constant 2 : i32
        %mul3A_56 = arith.muli %mul3A_55, %scan3A_30 : i32
        %add3A_57 = arith.constant 1 : i32
        %add3A_58 = arith.addi %mul3A_56, %add3A_57 : i32
        %lt3A_59 = arith.constant 125 : i32
        %lt3A_60 = arith.cmpi slt, %add3A_58, %lt3A_59 : i32
        %convert_element_type3A_61 = arith.extui %lt3A_60 : i1 to i32
        %cond3A_62 = arith.constant 0 : i32
        %cond3A_63 = arith.cmpi ne, %convert_element_type3A_61, %cond3A_62 : i32
        scf.if %cond3A_63 {
          %dma_wait3A_64 = arith.constant 0 : i32
          %dma_wait3A_65 = tpu.memref_slice %arg14[%dma_wait3A_64] : memref<10000xi32, #tpu.memory_space<vmem>> -> memref<80xi32, #tpu.memory_space<vmem>>
          %dma_wait3A_66 = arith.constant 0 : i32
          %dma_wait3A_67 = arith.constant 0 : i32
          %dma_wait3A_68 = tpu.memref_slice %arg2[%dma_wait3A_66, %dma_wait3A_67] : memref<10240x128xf32, #tpu.memory_space<hbm>> -> memref<10240x128xf32, #tpu.memory_space<hbm>>
          tpu.wait_indirect_dma semaphore(%arg20 : memref<!tpu.dma_semaphore, #tpu.memory_space<semaphore_mem>>) src(%dma_wait3A_68 : memref<10240x128xf32, #tpu.memory_space<hbm>>) dst(%arg17 : memref<80x128xf32, #tpu.memory_space<vmem>>)
          %add3A_69 = arith.constant 1 : i32
          %add3A_70 = arith.addi %add3A_33, %add3A_69 : i32
          "tpu.region"() ({
            %run_scoped3A = tpu.sem_alloc : memref<!tpu.dma_semaphore, #tpu.memory_space<semaphore_mem>>
            %dma_start3A_71 = arith.constant 0 : i32
            %dma_start3A_72 = tpu.memref_slice %arg15[%add3A_70, %dma_start3A_71] : memref<125x80xi32, #tpu.memory_space<vmem>> -> memref<1x80xi32, #tpu.memory_space<vmem>>
            %dma_start3A_73 = tpu.memref_squeeze %dma_start3A_72 : memref<1x80xi32, #tpu.memory_space<vmem>> -> memref<80xi32, #tpu.memory_space<vmem>>
            %dma_start3A_74 = arith.constant 0 : i32
            %dma_start3A_75 = arith.constant 0 : i32
            %dma_start3A_76 = tpu.memref_slice %arg18[%dma_start3A_74, %dma_start3A_75] : memref<10240x128xf32, #tpu.memory_space<vmem_shared>> -> memref<10240x128xf32, #tpu.memory_space<vmem_shared>>
            tpu.enqueue_indirect_dma source(%arg17 : memref<80x128xf32, #tpu.memory_space<vmem>>) target(%dma_start3A_76 : memref<10240x128xf32, #tpu.memory_space<vmem_shared>>) offsets(%dma_start3A_73 : memref<80xi32, #tpu.memory_space<vmem>>) semaphore(%run_scoped3A : memref<!tpu.dma_semaphore, #tpu.memory_space<semaphore_mem>>) {add = true}
            %dma_wait3A_77 = arith.constant 0 : i32
            %dma_wait3A_78 = tpu.memref_slice %arg15[%add3A_70, %dma_wait3A_77] : memref<125x80xi32, #tpu.memory_space<vmem>> -> memref<1x80xi32, #tpu.memory_space<vmem>>
            %dma_wait3A_79 = tpu.memref_squeeze %dma_wait3A_78 : memref<1x80xi32, #tpu.memory_space<vmem>> -> memref<80xi32, #tpu.memory_space<vmem>>
            %dma_wait3A_80 = arith.constant 0 : i32
            %dma_wait3A_81 = arith.constant 0 : i32
            %dma_wait3A_82 = tpu.memref_slice %arg18[%dma_wait3A_80, %dma_wait3A_81] : memref<10240x128xf32, #tpu.memory_space<vmem_shared>> -> memref<10240x128xf32, #tpu.memory_space<vmem_shared>>
            tpu.wait_indirect_dma semaphore(%run_scoped3A : memref<!tpu.dma_semaphore, #tpu.memory_space<semaphore_mem>>) src(%arg17 : memref<80x128xf32, #tpu.memory_space<vmem>>) dst(%dma_wait3A_82 : memref<10240x128xf32, #tpu.memory_space<vmem_shared>>)
            tpu.yield
          }) : () -> ()
        } else {
        }
      }
      %scan3A_28 = arith.constant 63 : i32
      %barrier3A_29 = arith.constant 0 : index
      tpu.barrier barrier_id(%barrier3A_29)
      "tpu.region"() ({
        %run_scoped3A = tpu.sem_alloc : memref<!tpu.dma_semaphore, #tpu.memory_space<semaphore_mem>>
        %dma_start3A_30 = arith.constant 0 : i32
        %dma_start3A_31 = tpu.memref_slice %arg10[%mul3A_0, %dma_start3A_30] : memref<10240x128xf32, #tpu.memory_space<hbm>> -> memref<640x128xf32, #tpu.memory_space<hbm>>
        %dma_start3A_32 = arith.constant 0 : i32
        %dma_start3A_33 = tpu.memref_slice %arg18[%mul3A_0, %dma_start3A_32] : memref<10240x128xf32, #tpu.memory_space<vmem_shared>> -> memref<640x128xf32, #tpu.memory_space<vmem_shared>>
        tpu.enqueue_dma source(%dma_start3A_33 : memref<640x128xf32, #tpu.memory_space<vmem_shared>>) target(%dma_start3A_31 : memref<640x128xf32, #tpu.memory_space<hbm>>) target_semaphore(%run_scoped3A : memref<!tpu.dma_semaphore, #tpu.memory_space<semaphore_mem>>)
        %dma_wait3A = arith.constant 0 : i32
        %dma_wait3A_34 = tpu.memref_slice %arg10[%mul3A_0, %dma_wait3A] : memref<10240x128xf32, #tpu.memory_space<hbm>> -> memref<640x128xf32, #tpu.memory_space<hbm>>
        %dma_wait3A_35 = arith.constant 0 : i32
        %dma_wait3A_36 = tpu.memref_slice %arg18[%mul3A_0, %dma_wait3A_35] : memref<10240x128xf32, #tpu.memory_space<vmem_shared>> -> memref<640x128xf32, #tpu.memory_space<vmem_shared>>
        tpu.wait_dma2 semaphore(%run_scoped3A : memref<!tpu.dma_semaphore, #tpu.memory_space<semaphore_mem>>) src(%dma_wait3A_36 : memref<640x128xf32, #tpu.memory_space<vmem_shared>>) dst(%dma_wait3A_34 : memref<640x128xf32, #tpu.memory_space<hbm>>)
        tpu.yield
      }) : () -> ()
    } else {
    }
    %eq3A_5 = arith.constant 1 : i32
    %eq3A_6 = arith.cmpi eq, %arg0, %eq3A_5 : i32
    %convert_element_type3A_7 = arith.extui %eq3A_6 : i1 to i32
    %cond3A_8 = arith.constant 0 : i32
    %cond3A_9 = arith.cmpi ne, %convert_element_type3A_7, %cond3A_8 : i32
    scf.if %cond3A_9 {
      "tpu.region"() ({
        %run_scoped3A = tpu.sem_alloc : memref<!tpu.dma_semaphore, #tpu.memory_space<semaphore_mem>>
        %dma_start3A_30 = arith.constant 0 : i32
        %dma_start3A_31 = tpu.memref_slice %arg18[%mul3A_0, %dma_start3A_30] : memref<10240x128xf32, #tpu.memory_space<vmem_shared>> -> memref<640x128xf32, #tpu.memory_space<vmem_shared>>
        %dma_start3A_32 = arith.constant 0 : i32
        %dma_start3A_33 = tpu.memref_slice %arg8[%mul3A_0, %dma_start3A_32] : memref<10240x128xf32, #tpu.memory_space<hbm>> -> memref<640x128xf32, #tpu.memory_space<hbm>>
        tpu.enqueue_dma source(%dma_start3A_33 : memref<640x128xf32, #tpu.memory_space<hbm>>) target(%dma_start3A_31 : memref<640x128xf32, #tpu.memory_space<vmem_shared>>) target_semaphore(%run_scoped3A : memref<!tpu.dma_semaphore, #tpu.memory_space<semaphore_mem>>)
        %dma_wait3A = arith.constant 0 : i32
        %dma_wait3A_34 = tpu.memref_slice %arg18[%mul3A_0, %dma_wait3A] : memref<10240x128xf32, #tpu.memory_space<vmem_shared>> -> memref<640x128xf32, #tpu.memory_space<vmem_shared>>
        %dma_wait3A_35 = arith.constant 0 : i32
        %dma_wait3A_36 = tpu.memref_slice %arg8[%mul3A_0, %dma_wait3A_35] : memref<10240x128xf32, #tpu.memory_space<hbm>> -> memref<640x128xf32, #tpu.memory_space<hbm>>
        tpu.wait_dma2 semaphore(%run_scoped3A : memref<!tpu.dma_semaphore, #tpu.memory_space<semaphore_mem>>) src(%dma_wait3A_36 : memref<640x128xf32, #tpu.memory_space<hbm>>) dst(%dma_wait3A_34 : memref<640x128xf32, #tpu.memory_space<vmem_shared>>)
        tpu.yield
      }) : () -> ()
      %barrier3A = arith.constant 0 : index
      tpu.barrier barrier_id(%barrier3A)
      %dma_start3A = arith.constant 0 : i32
      %dma_start3A_20 = tpu.memref_slice %arg14[%dma_start3A] : memref<10000xi32, #tpu.memory_space<vmem>> -> memref<80xi32, #tpu.memory_space<vmem>>
      %dma_start3A_21 = arith.constant 0 : i32
      %dma_start3A_22 = arith.constant 0 : i32
      %dma_start3A_23 = tpu.memref_slice %arg3[%dma_start3A_21, %dma_start3A_22] : memref<10240x128xf32, #tpu.memory_space<hbm>> -> memref<10240x128xf32, #tpu.memory_space<hbm>>
      tpu.enqueue_indirect_dma source(%dma_start3A_23 : memref<10240x128xf32, #tpu.memory_space<hbm>>) target(%arg16 : memref<80x128xf32, #tpu.memory_space<vmem>>) offsets(%dma_start3A_20 : memref<80xi32, #tpu.memory_space<vmem>>) semaphore(%arg19 : memref<!tpu.dma_semaphore, #tpu.memory_space<semaphore_mem>>)
      %scan3A = arith.constant 0 : i32
      %scan3A_24 = arith.constant 0 : i32
      %scan3A_25 = arith.constant 63 : i32
      %scan3A_26 = arith.addi %scan3A_24, %scan3A_25 : i32
      %scan3A_27 = arith.constant 1 : i32
      scf.for %scan3A_30 = %scan3A_24 to %scan3A_26 step %scan3A_27  : i32 {
        %mul3A_31 = arith.constant 2 : i32
        %mul3A_32 = arith.muli %mul3A_31, %scan3A_30 : i32
        %add3A = arith.constant 0 : i32
        %add3A_33 = arith.addi %add3A, %mul3A_32 : i32
        %mul3A_34 = arith.constant 2 : i32
        %mul3A_35 = arith.muli %mul3A_34, %scan3A_30 : i32
        %add3A_36 = arith.constant 1 : i32
        %add3A_37 = arith.addi %mul3A_35, %add3A_36 : i32
        %lt3A = arith.constant 125 : i32
        %lt3A_38 = arith.cmpi slt, %add3A_37, %lt3A : i32
        %convert_element_type3A_39 = arith.extui %lt3A_38 : i1 to i32
        %cond3A_40 = arith.constant 0 : i32
        %cond3A_41 = arith.cmpi ne, %convert_element_type3A_39, %cond3A_40 : i32
        scf.if %cond3A_41 {
          %add3A_64 = arith.constant 1 : i32
          %add3A_65 = arith.addi %add3A_33, %add3A_64 : i32
          %mul3A_66 = arith.constant 80 : i32
          %mul3A_67 = arith.muli %add3A_65, %mul3A_66 : i32
          %dma_start3A_68 = tpu.memref_slice %arg14[%mul3A_67] : memref<10000xi32, #tpu.memory_space<vmem>> -> memref<80xi32, #tpu.memory_space<vmem>>
          %dma_start3A_69 = arith.constant 0 : i32
          %dma_start3A_70 = arith.constant 0 : i32
          %dma_start3A_71 = tpu.memref_slice %arg3[%dma_start3A_69, %dma_start3A_70] : memref<10240x128xf32, #tpu.memory_space<hbm>> -> memref<10240x128xf32, #tpu.memory_space<hbm>>
          tpu.enqueue_indirect_dma source(%dma_start3A_71 : memref<10240x128xf32, #tpu.memory_space<hbm>>) target(%arg17 : memref<80x128xf32, #tpu.memory_space<vmem>>) offsets(%dma_start3A_68 : memref<80xi32, #tpu.memory_space<vmem>>) semaphore(%arg20 : memref<!tpu.dma_semaphore, #tpu.memory_space<semaphore_mem>>)
        } else {
        }
        %dma_wait3A = arith.constant 0 : i32
        %dma_wait3A_42 = tpu.memref_slice %arg14[%dma_wait3A] : memref<10000xi32, #tpu.memory_space<vmem>> -> memref<80xi32, #tpu.memory_space<vmem>>
        %dma_wait3A_43 = arith.constant 0 : i32
        %dma_wait3A_44 = arith.constant 0 : i32
        %dma_wait3A_45 = tpu.memref_slice %arg3[%dma_wait3A_43, %dma_wait3A_44] : memref<10240x128xf32, #tpu.memory_space<hbm>> -> memref<10240x128xf32, #tpu.memory_space<hbm>>
        tpu.wait_indirect_dma semaphore(%arg19 : memref<!tpu.dma_semaphore, #tpu.memory_space<semaphore_mem>>) src(%dma_wait3A_45 : memref<10240x128xf32, #tpu.memory_space<hbm>>) dst(%arg16 : memref<80x128xf32, #tpu.memory_space<vmem>>)
        "tpu.region"() ({
          %run_scoped3A = tpu.sem_alloc : memref<!tpu.dma_semaphore, #tpu.memory_space<semaphore_mem>>
          %dma_start3A_64 = arith.constant 0 : i32
          %dma_start3A_65 = tpu.memref_slice %arg15[%add3A_33, %dma_start3A_64] : memref<125x80xi32, #tpu.memory_space<vmem>> -> memref<1x80xi32, #tpu.memory_space<vmem>>
          %dma_start3A_66 = tpu.memref_squeeze %dma_start3A_65 : memref<1x80xi32, #tpu.memory_space<vmem>> -> memref<80xi32, #tpu.memory_space<vmem>>
          %dma_start3A_67 = arith.constant 0 : i32
          %dma_start3A_68 = arith.constant 0 : i32
          %dma_start3A_69 = tpu.memref_slice %arg18[%dma_start3A_67, %dma_start3A_68] : memref<10240x128xf32, #tpu.memory_space<vmem_shared>> -> memref<10240x128xf32, #tpu.memory_space<vmem_shared>>
          tpu.enqueue_indirect_dma source(%arg16 : memref<80x128xf32, #tpu.memory_space<vmem>>) target(%dma_start3A_69 : memref<10240x128xf32, #tpu.memory_space<vmem_shared>>) offsets(%dma_start3A_66 : memref<80xi32, #tpu.memory_space<vmem>>) semaphore(%run_scoped3A : memref<!tpu.dma_semaphore, #tpu.memory_space<semaphore_mem>>) {add = true}
          %dma_wait3A_70 = arith.constant 0 : i32
          %dma_wait3A_71 = tpu.memref_slice %arg15[%add3A_33, %dma_wait3A_70] : memref<125x80xi32, #tpu.memory_space<vmem>> -> memref<1x80xi32, #tpu.memory_space<vmem>>
          %dma_wait3A_72 = tpu.memref_squeeze %dma_wait3A_71 : memref<1x80xi32, #tpu.memory_space<vmem>> -> memref<80xi32, #tpu.memory_space<vmem>>
          %dma_wait3A_73 = arith.constant 0 : i32
          %dma_wait3A_74 = arith.constant 0 : i32
          %dma_wait3A_75 = tpu.memref_slice %arg18[%dma_wait3A_73, %dma_wait3A_74] : memref<10240x128xf32, #tpu.memory_space<vmem_shared>> -> memref<10240x128xf32, #tpu.memory_space<vmem_shared>>
          tpu.wait_indirect_dma semaphore(%run_scoped3A : memref<!tpu.dma_semaphore, #tpu.memory_space<semaphore_mem>>) src(%arg16 : memref<80x128xf32, #tpu.memory_space<vmem>>) dst(%dma_wait3A_75 : memref<10240x128xf32, #tpu.memory_space<vmem_shared>>)
          tpu.yield
        }) : () -> ()
        %mul3A_46 = arith.constant 2 : i32
        %mul3A_47 = arith.muli %mul3A_46, %scan3A_30 : i32
        %add3A_48 = arith.constant 2 : i32
        %add3A_49 = arith.addi %mul3A_47, %add3A_48 : i32
        %lt3A_50 = arith.constant 125 : i32
        %lt3A_51 = arith.cmpi slt, %add3A_49, %lt3A_50 : i32
        %convert_element_type3A_52 = arith.extui %lt3A_51 : i1 to i32
        %cond3A_53 = arith.constant 0 : i32
        %cond3A_54 = arith.cmpi ne, %convert_element_type3A_52, %cond3A_53 : i32
        scf.if %cond3A_54 {
          %add3A_64 = arith.constant 2 : i32
          %add3A_65 = arith.addi %add3A_33, %add3A_64 : i32
          %mul3A_66 = arith.constant 80 : i32
          %mul3A_67 = arith.muli %add3A_65, %mul3A_66 : i32
          %dma_start3A_68 = tpu.memref_slice %arg14[%mul3A_67] : memref<10000xi32, #tpu.memory_space<vmem>> -> memref<80xi32, #tpu.memory_space<vmem>>
          %dma_start3A_69 = arith.constant 0 : i32
          %dma_start3A_70 = arith.constant 0 : i32
          %dma_start3A_71 = tpu.memref_slice %arg3[%dma_start3A_69, %dma_start3A_70] : memref<10240x128xf32, #tpu.memory_space<hbm>> -> memref<10240x128xf32, #tpu.memory_space<hbm>>
          tpu.enqueue_indirect_dma source(%dma_start3A_71 : memref<10240x128xf32, #tpu.memory_space<hbm>>) target(%arg16 : memref<80x128xf32, #tpu.memory_space<vmem>>) offsets(%dma_start3A_68 : memref<80xi32, #tpu.memory_space<vmem>>) semaphore(%arg19 : memref<!tpu.dma_semaphore, #tpu.memory_space<semaphore_mem>>)
        } else {
        }
        %mul3A_55 = arith.constant 2 : i32
        %mul3A_56 = arith.muli %mul3A_55, %scan3A_30 : i32
        %add3A_57 = arith.constant 1 : i32
        %add3A_58 = arith.addi %mul3A_56, %add3A_57 : i32
        %lt3A_59 = arith.constant 125 : i32
        %lt3A_60 = arith.cmpi slt, %add3A_58, %lt3A_59 : i32
        %convert_element_type3A_61 = arith.extui %lt3A_60 : i1 to i32
        %cond3A_62 = arith.constant 0 : i32
        %cond3A_63 = arith.cmpi ne, %convert_element_type3A_61, %cond3A_62 : i32
        scf.if %cond3A_63 {
          %dma_wait3A_64 = arith.constant 0 : i32
          %dma_wait3A_65 = tpu.memref_slice %arg14[%dma_wait3A_64] : memref<10000xi32, #tpu.memory_space<vmem>> -> memref<80xi32, #tpu.memory_space<vmem>>
          %dma_wait3A_66 = arith.constant 0 : i32
          %dma_wait3A_67 = arith.constant 0 : i32
          %dma_wait3A_68 = tpu.memref_slice %arg3[%dma_wait3A_66, %dma_wait3A_67] : memref<10240x128xf32, #tpu.memory_space<hbm>> -> memref<10240x128xf32, #tpu.memory_space<hbm>>
          tpu.wait_indirect_dma semaphore(%arg20 : memref<!tpu.dma_semaphore, #tpu.memory_space<semaphore_mem>>) src(%dma_wait3A_68 : memref<10240x128xf32, #tpu.memory_space<hbm>>) dst(%arg17 : memref<80x128xf32, #tpu.memory_space<vmem>>)
          %add3A_69 = arith.constant 1 : i32
          %add3A_70 = arith.addi %add3A_33, %add3A_69 : i32
          "tpu.region"() ({
            %run_scoped3A = tpu.sem_alloc : memref<!tpu.dma_semaphore, #tpu.memory_space<semaphore_mem>>
            %dma_start3A_71 = arith.constant 0 : i32
            %dma_start3A_72 = tpu.memref_slice %arg15[%add3A_70, %dma_start3A_71] : memref<125x80xi32, #tpu.memory_space<vmem>> -> memref<1x80xi32, #tpu.memory_space<vmem>>
            %dma_start3A_73 = tpu.memref_squeeze %dma_start3A_72 : memref<1x80xi32, #tpu.memory_space<vmem>> -> memref<80xi32, #tpu.memory_space<vmem>>
            %dma_start3A_74 = arith.constant 0 : i32
            %dma_start3A_75 = arith.constant 0 : i32
            %dma_start3A_76 = tpu.memref_slice %arg18[%dma_start3A_74, %dma_start3A_75] : memref<10240x128xf32, #tpu.memory_space<vmem_shared>> -> memref<10240x128xf32, #tpu.memory_space<vmem_shared>>
            tpu.enqueue_indirect_dma source(%arg17 : memref<80x128xf32, #tpu.memory_space<vmem>>) target(%dma_start3A_76 : memref<10240x128xf32, #tpu.memory_space<vmem_shared>>) offsets(%dma_start3A_73 : memref<80xi32, #tpu.memory_space<vmem>>) semaphore(%run_scoped3A : memref<!tpu.dma_semaphore, #tpu.memory_space<semaphore_mem>>) {add = true}
            %dma_wait3A_77 = arith.constant 0 : i32
            %dma_wait3A_78 = tpu.memref_slice %arg15[%add3A_70, %dma_wait3A_77] : memref<125x80xi32, #tpu.memory_space<vmem>> -> memref<1x80xi32, #tpu.memory_space<vmem>>
            %dma_wait3A_79 = tpu.memref_squeeze %dma_wait3A_78 : memref<1x80xi32, #tpu.memory_space<vmem>> -> memref<80xi32, #tpu.memory_space<vmem>>
            %dma_wait3A_80 = arith.constant 0 : i32
            %dma_wait3A_81 = arith.constant 0 : i32
            %dma_wait3A_82 = tpu.memref_slice %arg18[%dma_wait3A_80, %dma_wait3A_81] : memref<10240x128xf32, #tpu.memory_space<vmem_shared>> -> memref<10240x128xf32, #tpu.memory_space<vmem_shared>>
            tpu.wait_indirect_dma semaphore(%run_scoped3A : memref<!tpu.dma_semaphore, #tpu.memory_space<semaphore_mem>>) src(%arg17 : memref<80x128xf32, #tpu.memory_space<vmem>>) dst(%dma_wait3A_82 : memref<10240x128xf32, #tpu.memory_space<vmem_shared>>)
            tpu.yield
          }) : () -> ()
        } else {
        }
      }
      %scan3A_28 = arith.constant 63 : i32
      %barrier3A_29 = arith.constant 0 : index
      tpu.barrier barrier_id(%barrier3A_29)
      "tpu.region"() ({
        %run_scoped3A = tpu.sem_alloc : memref<!tpu.dma_semaphore, #tpu.memory_space<semaphore_mem>>
        %dma_start3A_30 = arith.constant 0 : i32
        %dma_start3A_31 = tpu.memref_slice %arg11[%mul3A_0, %dma_start3A_30] : memref<10240x128xf32, #tpu.memory_space<hbm>> -> memref<640x128xf32, #tpu.memory_space<hbm>>
        %dma_start3A_32 = arith.constant 0 : i32
        %dma_start3A_33 = tpu.memref_slice %arg18[%mul3A_0, %dma_start3A_32] : memref<10240x128xf32, #tpu.memory_space<vmem_shared>> -> memref<640x128xf32, #tpu.memory_space<vmem_shared>>
        tpu.enqueue_dma source(%dma_start3A_33 : memref<640x128xf32, #tpu.memory_space<vmem_shared>>) target(%dma_start3A_31 : memref<640x128xf32, #tpu.memory_space<hbm>>) target_semaphore(%run_scoped3A : memref<!tpu.dma_semaphore, #tpu.memory_space<semaphore_mem>>)
        %dma_wait3A = arith.constant 0 : i32
        %dma_wait3A_34 = tpu.memref_slice %arg11[%mul3A_0, %dma_wait3A] : memref<10240x128xf32, #tpu.memory_space<hbm>> -> memref<640x128xf32, #tpu.memory_space<hbm>>
        %dma_wait3A_35 = arith.constant 0 : i32
        %dma_wait3A_36 = tpu.memref_slice %arg18[%mul3A_0, %dma_wait3A_35] : memref<10240x128xf32, #tpu.memory_space<vmem_shared>> -> memref<640x128xf32, #tpu.memory_space<vmem_shared>>
        tpu.wait_dma2 semaphore(%run_scoped3A : memref<!tpu.dma_semaphore, #tpu.memory_space<semaphore_mem>>) src(%dma_wait3A_36 : memref<640x128xf32, #tpu.memory_space<vmem_shared>>) dst(%dma_wait3A_34 : memref<640x128xf32, #tpu.memory_space<hbm>>)
        tpu.yield
      }) : () -> ()
    } else {
    }
    %eq3A_10 = arith.constant 0 : i32
    %eq3A_11 = arith.cmpi eq, %arg0, %eq3A_10 : i32
    %convert_element_type3A_12 = arith.extui %eq3A_11 : i1 to i32
    %cond3A_13 = arith.constant 0 : i32
    %cond3A_14 = arith.cmpi ne, %convert_element_type3A_12, %cond3A_13 : i32
    scf.if %cond3A_14 {
      "tpu.region"() ({
        %run_scoped3A = tpu.sem_alloc : memref<!tpu.dma_semaphore, #tpu.memory_space<semaphore_mem>>
        %dma_start3A_30 = arith.constant 0 : i32
        %dma_start3A_31 = tpu.memref_slice %arg18[%mul3A_0, %dma_start3A_30] : memref<10240x128xf32, #tpu.memory_space<vmem_shared>> -> memref<640x128xf32, #tpu.memory_space<vmem_shared>>
        %dma_start3A_32 = arith.constant 0 : i32
        %dma_start3A_33 = tpu.memref_slice %arg8[%mul3A_0, %dma_start3A_32] : memref<10240x128xf32, #tpu.memory_space<hbm>> -> memref<640x128xf32, #tpu.memory_space<hbm>>
        tpu.enqueue_dma source(%dma_start3A_33 : memref<640x128xf32, #tpu.memory_space<hbm>>) target(%dma_start3A_31 : memref<640x128xf32, #tpu.memory_space<vmem_shared>>) target_semaphore(%run_scoped3A : memref<!tpu.dma_semaphore, #tpu.memory_space<semaphore_mem>>)
        %dma_wait3A = arith.constant 0 : i32
        %dma_wait3A_34 = tpu.memref_slice %arg18[%mul3A_0, %dma_wait3A] : memref<10240x128xf32, #tpu.memory_space<vmem_shared>> -> memref<640x128xf32, #tpu.memory_space<vmem_shared>>
        %dma_wait3A_35 = arith.constant 0 : i32
        %dma_wait3A_36 = tpu.memref_slice %arg8[%mul3A_0, %dma_wait3A_35] : memref<10240x128xf32, #tpu.memory_space<hbm>> -> memref<640x128xf32, #tpu.memory_space<hbm>>
        tpu.wait_dma2 semaphore(%run_scoped3A : memref<!tpu.dma_semaphore, #tpu.memory_space<semaphore_mem>>) src(%dma_wait3A_36 : memref<640x128xf32, #tpu.memory_space<hbm>>) dst(%dma_wait3A_34 : memref<640x128xf32, #tpu.memory_space<vmem_shared>>)
        tpu.yield
      }) : () -> ()
      %barrier3A = arith.constant 0 : index
      tpu.barrier barrier_id(%barrier3A)
      %dma_start3A = arith.constant 0 : i32
      %dma_start3A_20 = tpu.memref_slice %arg14[%dma_start3A] : memref<10000xi32, #tpu.memory_space<vmem>> -> memref<80xi32, #tpu.memory_space<vmem>>
      %dma_start3A_21 = arith.constant 0 : i32
      %dma_start3A_22 = arith.constant 0 : i32
      %dma_start3A_23 = tpu.memref_slice %arg4[%dma_start3A_21, %dma_start3A_22] : memref<10240x128xf32, #tpu.memory_space<hbm>> -> memref<10240x128xf32, #tpu.memory_space<hbm>>
      tpu.enqueue_indirect_dma source(%dma_start3A_23 : memref<10240x128xf32, #tpu.memory_space<hbm>>) target(%arg16 : memref<80x128xf32, #tpu.memory_space<vmem>>) offsets(%dma_start3A_20 : memref<80xi32, #tpu.memory_space<vmem>>) semaphore(%arg19 : memref<!tpu.dma_semaphore, #tpu.memory_space<semaphore_mem>>)
      %scan3A = arith.constant 0 : i32
      %scan3A_24 = arith.constant 0 : i32
      %scan3A_25 = arith.constant 63 : i32
      %scan3A_26 = arith.addi %scan3A_24, %scan3A_25 : i32
      %scan3A_27 = arith.constant 1 : i32
      scf.for %scan3A_30 = %scan3A_24 to %scan3A_26 step %scan3A_27  : i32 {
        %mul3A_31 = arith.constant 2 : i32
        %mul3A_32 = arith.muli %mul3A_31, %scan3A_30 : i32
        %add3A = arith.constant 0 : i32
        %add3A_33 = arith.addi %add3A, %mul3A_32 : i32
        %mul3A_34 = arith.constant 2 : i32
        %mul3A_35 = arith.muli %mul3A_34, %scan3A_30 : i32
        %add3A_36 = arith.constant 1 : i32
        %add3A_37 = arith.addi %mul3A_35, %add3A_36 : i32
        %lt3A = arith.constant 125 : i32
        %lt3A_38 = arith.cmpi slt, %add3A_37, %lt3A : i32
        %convert_element_type3A_39 = arith.extui %lt3A_38 : i1 to i32
        %cond3A_40 = arith.constant 0 : i32
        %cond3A_41 = arith.cmpi ne, %convert_element_type3A_39, %cond3A_40 : i32
        scf.if %cond3A_41 {
          %add3A_64 = arith.constant 1 : i32
          %add3A_65 = arith.addi %add3A_33, %add3A_64 : i32
          %mul3A_66 = arith.constant 80 : i32
          %mul3A_67 = arith.muli %add3A_65, %mul3A_66 : i32
          %dma_start3A_68 = tpu.memref_slice %arg14[%mul3A_67] : memref<10000xi32, #tpu.memory_space<vmem>> -> memref<80xi32, #tpu.memory_space<vmem>>
          %dma_start3A_69 = arith.constant 0 : i32
          %dma_start3A_70 = arith.constant 0 : i32
          %dma_start3A_71 = tpu.memref_slice %arg4[%dma_start3A_69, %dma_start3A_70] : memref<10240x128xf32, #tpu.memory_space<hbm>> -> memref<10240x128xf32, #tpu.memory_space<hbm>>
          tpu.enqueue_indirect_dma source(%dma_start3A_71 : memref<10240x128xf32, #tpu.memory_space<hbm>>) target(%arg17 : memref<80x128xf32, #tpu.memory_space<vmem>>) offsets(%dma_start3A_68 : memref<80xi32, #tpu.memory_space<vmem>>) semaphore(%arg20 : memref<!tpu.dma_semaphore, #tpu.memory_space<semaphore_mem>>)
        } else {
        }
        %dma_wait3A = arith.constant 0 : i32
        %dma_wait3A_42 = tpu.memref_slice %arg14[%dma_wait3A] : memref<10000xi32, #tpu.memory_space<vmem>> -> memref<80xi32, #tpu.memory_space<vmem>>
        %dma_wait3A_43 = arith.constant 0 : i32
        %dma_wait3A_44 = arith.constant 0 : i32
        %dma_wait3A_45 = tpu.memref_slice %arg4[%dma_wait3A_43, %dma_wait3A_44] : memref<10240x128xf32, #tpu.memory_space<hbm>> -> memref<10240x128xf32, #tpu.memory_space<hbm>>
        tpu.wait_indirect_dma semaphore(%arg19 : memref<!tpu.dma_semaphore, #tpu.memory_space<semaphore_mem>>) src(%dma_wait3A_45 : memref<10240x128xf32, #tpu.memory_space<hbm>>) dst(%arg16 : memref<80x128xf32, #tpu.memory_space<vmem>>)
        "tpu.region"() ({
          %run_scoped3A = tpu.sem_alloc : memref<!tpu.dma_semaphore, #tpu.memory_space<semaphore_mem>>
          %dma_start3A_64 = arith.constant 0 : i32
          %dma_start3A_65 = tpu.memref_slice %arg15[%add3A_33, %dma_start3A_64] : memref<125x80xi32, #tpu.memory_space<vmem>> -> memref<1x80xi32, #tpu.memory_space<vmem>>
          %dma_start3A_66 = tpu.memref_squeeze %dma_start3A_65 : memref<1x80xi32, #tpu.memory_space<vmem>> -> memref<80xi32, #tpu.memory_space<vmem>>
          %dma_start3A_67 = arith.constant 0 : i32
          %dma_start3A_68 = arith.constant 0 : i32
          %dma_start3A_69 = tpu.memref_slice %arg18[%dma_start3A_67, %dma_start3A_68] : memref<10240x128xf32, #tpu.memory_space<vmem_shared>> -> memref<10240x128xf32, #tpu.memory_space<vmem_shared>>
          tpu.enqueue_indirect_dma source(%arg16 : memref<80x128xf32, #tpu.memory_space<vmem>>) target(%dma_start3A_69 : memref<10240x128xf32, #tpu.memory_space<vmem_shared>>) offsets(%dma_start3A_66 : memref<80xi32, #tpu.memory_space<vmem>>) semaphore(%run_scoped3A : memref<!tpu.dma_semaphore, #tpu.memory_space<semaphore_mem>>) {add = true}
          %dma_wait3A_70 = arith.constant 0 : i32
          %dma_wait3A_71 = tpu.memref_slice %arg15[%add3A_33, %dma_wait3A_70] : memref<125x80xi32, #tpu.memory_space<vmem>> -> memref<1x80xi32, #tpu.memory_space<vmem>>
          %dma_wait3A_72 = tpu.memref_squeeze %dma_wait3A_71 : memref<1x80xi32, #tpu.memory_space<vmem>> -> memref<80xi32, #tpu.memory_space<vmem>>
          %dma_wait3A_73 = arith.constant 0 : i32
          %dma_wait3A_74 = arith.constant 0 : i32
          %dma_wait3A_75 = tpu.memref_slice %arg18[%dma_wait3A_73, %dma_wait3A_74] : memref<10240x128xf32, #tpu.memory_space<vmem_shared>> -> memref<10240x128xf32, #tpu.memory_space<vmem_shared>>
          tpu.wait_indirect_dma semaphore(%run_scoped3A : memref<!tpu.dma_semaphore, #tpu.memory_space<semaphore_mem>>) src(%arg16 : memref<80x128xf32, #tpu.memory_space<vmem>>) dst(%dma_wait3A_75 : memref<10240x128xf32, #tpu.memory_space<vmem_shared>>)
          tpu.yield
        }) : () -> ()
        %mul3A_46 = arith.constant 2 : i32
        %mul3A_47 = arith.muli %mul3A_46, %scan3A_30 : i32
        %add3A_48 = arith.constant 2 : i32
        %add3A_49 = arith.addi %mul3A_47, %add3A_48 : i32
        %lt3A_50 = arith.constant 125 : i32
        %lt3A_51 = arith.cmpi slt, %add3A_49, %lt3A_50 : i32
        %convert_element_type3A_52 = arith.extui %lt3A_51 : i1 to i32
        %cond3A_53 = arith.constant 0 : i32
        %cond3A_54 = arith.cmpi ne, %convert_element_type3A_52, %cond3A_53 : i32
        scf.if %cond3A_54 {
          %add3A_64 = arith.constant 2 : i32
          %add3A_65 = arith.addi %add3A_33, %add3A_64 : i32
          %mul3A_66 = arith.constant 80 : i32
          %mul3A_67 = arith.muli %add3A_65, %mul3A_66 : i32
          %dma_start3A_68 = tpu.memref_slice %arg14[%mul3A_67] : memref<10000xi32, #tpu.memory_space<vmem>> -> memref<80xi32, #tpu.memory_space<vmem>>
          %dma_start3A_69 = arith.constant 0 : i32
          %dma_start3A_70 = arith.constant 0 : i32
          %dma_start3A_71 = tpu.memref_slice %arg4[%dma_start3A_69, %dma_start3A_70] : memref<10240x128xf32, #tpu.memory_space<hbm>> -> memref<10240x128xf32, #tpu.memory_space<hbm>>
          tpu.enqueue_indirect_dma source(%dma_start3A_71 : memref<10240x128xf32, #tpu.memory_space<hbm>>) target(%arg16 : memref<80x128xf32, #tpu.memory_space<vmem>>) offsets(%dma_start3A_68 : memref<80xi32, #tpu.memory_space<vmem>>) semaphore(%arg19 : memref<!tpu.dma_semaphore, #tpu.memory_space<semaphore_mem>>)
        } else {
        }
        %mul3A_55 = arith.constant 2 : i32
        %mul3A_56 = arith.muli %mul3A_55, %scan3A_30 : i32
        %add3A_57 = arith.constant 1 : i32
        %add3A_58 = arith.addi %mul3A_56, %add3A_57 : i32
        %lt3A_59 = arith.constant 125 : i32
        %lt3A_60 = arith.cmpi slt, %add3A_58, %lt3A_59 : i32
        %convert_element_type3A_61 = arith.extui %lt3A_60 : i1 to i32
        %cond3A_62 = arith.constant 0 : i32
        %cond3A_63 = arith.cmpi ne, %convert_element_type3A_61, %cond3A_62 : i32
        scf.if %cond3A_63 {
          %dma_wait3A_64 = arith.constant 0 : i32
          %dma_wait3A_65 = tpu.memref_slice %arg14[%dma_wait3A_64] : memref<10000xi32, #tpu.memory_space<vmem>> -> memref<80xi32, #tpu.memory_space<vmem>>
          %dma_wait3A_66 = arith.constant 0 : i32
          %dma_wait3A_67 = arith.constant 0 : i32
          %dma_wait3A_68 = tpu.memref_slice %arg4[%dma_wait3A_66, %dma_wait3A_67] : memref<10240x128xf32, #tpu.memory_space<hbm>> -> memref<10240x128xf32, #tpu.memory_space<hbm>>
          tpu.wait_indirect_dma semaphore(%arg20 : memref<!tpu.dma_semaphore, #tpu.memory_space<semaphore_mem>>) src(%dma_wait3A_68 : memref<10240x128xf32, #tpu.memory_space<hbm>>) dst(%arg17 : memref<80x128xf32, #tpu.memory_space<vmem>>)
          %add3A_69 = arith.constant 1 : i32
          %add3A_70 = arith.addi %add3A_33, %add3A_69 : i32
          "tpu.region"() ({
            %run_scoped3A = tpu.sem_alloc : memref<!tpu.dma_semaphore, #tpu.memory_space<semaphore_mem>>
            %dma_start3A_71 = arith.constant 0 : i32
            %dma_start3A_72 = tpu.memref_slice %arg15[%add3A_70, %dma_start3A_71] : memref<125x80xi32, #tpu.memory_space<vmem>> -> memref<1x80xi32, #tpu.memory_space<vmem>>
            %dma_start3A_73 = tpu.memref_squeeze %dma_start3A_72 : memref<1x80xi32, #tpu.memory_space<vmem>> -> memref<80xi32, #tpu.memory_space<vmem>>
            %dma_start3A_74 = arith.constant 0 : i32
            %dma_start3A_75 = arith.constant 0 : i32
            %dma_start3A_76 = tpu.memref_slice %arg18[%dma_start3A_74, %dma_start3A_75] : memref<10240x128xf32, #tpu.memory_space<vmem_shared>> -> memref<10240x128xf32, #tpu.memory_space<vmem_shared>>
            tpu.enqueue_indirect_dma source(%arg17 : memref<80x128xf32, #tpu.memory_space<vmem>>) target(%dma_start3A_76 : memref<10240x128xf32, #tpu.memory_space<vmem_shared>>) offsets(%dma_start3A_73 : memref<80xi32, #tpu.memory_space<vmem>>) semaphore(%run_scoped3A : memref<!tpu.dma_semaphore, #tpu.memory_space<semaphore_mem>>) {add = true}
            %dma_wait3A_77 = arith.constant 0 : i32
            %dma_wait3A_78 = tpu.memref_slice %arg15[%add3A_70, %dma_wait3A_77] : memref<125x80xi32, #tpu.memory_space<vmem>> -> memref<1x80xi32, #tpu.memory_space<vmem>>
            %dma_wait3A_79 = tpu.memref_squeeze %dma_wait3A_78 : memref<1x80xi32, #tpu.memory_space<vmem>> -> memref<80xi32, #tpu.memory_space<vmem>>
            %dma_wait3A_80 = arith.constant 0 : i32
            %dma_wait3A_81 = arith.constant 0 : i32
            %dma_wait3A_82 = tpu.memref_slice %arg18[%dma_wait3A_80, %dma_wait3A_81] : memref<10240x128xf32, #tpu.memory_space<vmem_shared>> -> memref<10240x128xf32, #tpu.memory_space<vmem_shared>>
            tpu.wait_indirect_dma semaphore(%run_scoped3A : memref<!tpu.dma_semaphore, #tpu.memory_space<semaphore_mem>>) src(%arg17 : memref<80x128xf32, #tpu.memory_space<vmem>>) dst(%dma_wait3A_82 : memref<10240x128xf32, #tpu.memory_space<vmem_shared>>)
            tpu.yield
          }) : () -> ()
        } else {
        }
      }
      %scan3A_28 = arith.constant 63 : i32
      %barrier3A_29 = arith.constant 0 : index
      tpu.barrier barrier_id(%barrier3A_29)
      "tpu.region"() ({
        %run_scoped3A = tpu.sem_alloc : memref<!tpu.dma_semaphore, #tpu.memory_space<semaphore_mem>>
        %dma_start3A_30 = arith.constant 0 : i32
        %dma_start3A_31 = tpu.memref_slice %arg12[%mul3A_0, %dma_start3A_30] : memref<10240x128xf32, #tpu.memory_space<hbm>> -> memref<640x128xf32, #tpu.memory_space<hbm>>
        %dma_start3A_32 = arith.constant 0 : i32
        %dma_start3A_33 = tpu.memref_slice %arg18[%mul3A_0, %dma_start3A_32] : memref<10240x128xf32, #tpu.memory_space<vmem_shared>> -> memref<640x128xf32, #tpu.memory_space<vmem_shared>>
        tpu.enqueue_dma source(%dma_start3A_33 : memref<640x128xf32, #tpu.memory_space<vmem_shared>>) target(%dma_start3A_31 : memref<640x128xf32, #tpu.memory_space<hbm>>) target_semaphore(%run_scoped3A : memref<!tpu.dma_semaphore, #tpu.memory_space<semaphore_mem>>)
        %dma_wait3A = arith.constant 0 : i32
        %dma_wait3A_34 = tpu.memref_slice %arg12[%mul3A_0, %dma_wait3A] : memref<10240x128xf32, #tpu.memory_space<hbm>> -> memref<640x128xf32, #tpu.memory_space<hbm>>
        %dma_wait3A_35 = arith.constant 0 : i32
        %dma_wait3A_36 = tpu.memref_slice %arg18[%mul3A_0, %dma_wait3A_35] : memref<10240x128xf32, #tpu.memory_space<vmem_shared>> -> memref<640x128xf32, #tpu.memory_space<vmem_shared>>
        tpu.wait_dma2 semaphore(%run_scoped3A : memref<!tpu.dma_semaphore, #tpu.memory_space<semaphore_mem>>) src(%dma_wait3A_36 : memref<640x128xf32, #tpu.memory_space<vmem_shared>>) dst(%dma_wait3A_34 : memref<640x128xf32, #tpu.memory_space<hbm>>)
        tpu.yield
      }) : () -> ()
    } else {
    }
    %eq3A_15 = arith.constant 1 : i32
    %eq3A_16 = arith.cmpi eq, %arg0, %eq3A_15 : i32
    %convert_element_type3A_17 = arith.extui %eq3A_16 : i1 to i32
    %cond3A_18 = arith.constant 0 : i32
    %cond3A_19 = arith.cmpi ne, %convert_element_type3A_17, %cond3A_18 : i32
    scf.if %cond3A_19 {
      "tpu.region"() ({
        %run_scoped3A = tpu.sem_alloc : memref<!tpu.dma_semaphore, #tpu.memory_space<semaphore_mem>>
        %dma_start3A_30 = arith.constant 0 : i32
        %dma_start3A_31 = tpu.memref_slice %arg18[%mul3A_0, %dma_start3A_30] : memref<10240x128xf32, #tpu.memory_space<vmem_shared>> -> memref<640x128xf32, #tpu.memory_space<vmem_shared>>
        %dma_start3A_32 = arith.constant 0 : i32
        %dma_start3A_33 = tpu.memref_slice %arg8[%mul3A_0, %dma_start3A_32] : memref<10240x128xf32, #tpu.memory_space<hbm>> -> memref<640x128xf32, #tpu.memory_space<hbm>>
        tpu.enqueue_dma source(%dma_start3A_33 : memref<640x128xf32, #tpu.memory_space<hbm>>) target(%dma_start3A_31 : memref<640x128xf32, #tpu.memory_space<vmem_shared>>) target_semaphore(%run_scoped3A : memref<!tpu.dma_semaphore, #tpu.memory_space<semaphore_mem>>)
        %dma_wait3A = arith.constant 0 : i32
        %dma_wait3A_34 = tpu.memref_slice %arg18[%mul3A_0, %dma_wait3A] : memref<10240x128xf32, #tpu.memory_space<vmem_shared>> -> memref<640x128xf32, #tpu.memory_space<vmem_shared>>
        %dma_wait3A_35 = arith.constant 0 : i32
        %dma_wait3A_36 = tpu.memref_slice %arg8[%mul3A_0, %dma_wait3A_35] : memref<10240x128xf32, #tpu.memory_space<hbm>> -> memref<640x128xf32, #tpu.memory_space<hbm>>
        tpu.wait_dma2 semaphore(%run_scoped3A : memref<!tpu.dma_semaphore, #tpu.memory_space<semaphore_mem>>) src(%dma_wait3A_36 : memref<640x128xf32, #tpu.memory_space<hbm>>) dst(%dma_wait3A_34 : memref<640x128xf32, #tpu.memory_space<vmem_shared>>)
        tpu.yield
      }) : () -> ()
      %barrier3A = arith.constant 0 : index
      tpu.barrier barrier_id(%barrier3A)
      %dma_start3A = arith.constant 0 : i32
      %dma_start3A_20 = tpu.memref_slice %arg14[%dma_start3A] : memref<10000xi32, #tpu.memory_space<vmem>> -> memref<80xi32, #tpu.memory_space<vmem>>
      %dma_start3A_21 = arith.constant 0 : i32
      %dma_start3A_22 = arith.constant 0 : i32
      %dma_start3A_23 = tpu.memref_slice %arg5[%dma_start3A_21, %dma_start3A_22] : memref<10240x128xf32, #tpu.memory_space<hbm>> -> memref<10240x128xf32, #tpu.memory_space<hbm>>
      tpu.enqueue_indirect_dma source(%dma_start3A_23 : memref<10240x128xf32, #tpu.memory_space<hbm>>) target(%arg16 : memref<80x128xf32, #tpu.memory_space<vmem>>) offsets(%dma_start3A_20 : memref<80xi32, #tpu.memory_space<vmem>>) semaphore(%arg19 : memref<!tpu.dma_semaphore, #tpu.memory_space<semaphore_mem>>)
      %scan3A = arith.constant 0 : i32
      %scan3A_24 = arith.constant 0 : i32
      %scan3A_25 = arith.constant 63 : i32
      %scan3A_26 = arith.addi %scan3A_24, %scan3A_25 : i32
      %scan3A_27 = arith.constant 1 : i32
      scf.for %scan3A_30 = %scan3A_24 to %scan3A_26 step %scan3A_27  : i32 {
        %mul3A_31 = arith.constant 2 : i32
        %mul3A_32 = arith.muli %mul3A_31, %scan3A_30 : i32
        %add3A = arith.constant 0 : i32
        %add3A_33 = arith.addi %add3A, %mul3A_32 : i32
        %mul3A_34 = arith.constant 2 : i32
        %mul3A_35 = arith.muli %mul3A_34, %scan3A_30 : i32
        %add3A_36 = arith.constant 1 : i32
        %add3A_37 = arith.addi %mul3A_35, %add3A_36 : i32
        %lt3A = arith.constant 125 : i32
        %lt3A_38 = arith.cmpi slt, %add3A_37, %lt3A : i32
        %convert_element_type3A_39 = arith.extui %lt3A_38 : i1 to i32
        %cond3A_40 = arith.constant 0 : i32
        %cond3A_41 = arith.cmpi ne, %convert_element_type3A_39, %cond3A_40 : i32
        scf.if %cond3A_41 {
          %add3A_64 = arith.constant 1 : i32
          %add3A_65 = arith.addi %add3A_33, %add3A_64 : i32
          %mul3A_66 = arith.constant 80 : i32
          %mul3A_67 = arith.muli %add3A_65, %mul3A_66 : i32
          %dma_start3A_68 = tpu.memref_slice %arg14[%mul3A_67] : memref<10000xi32, #tpu.memory_space<vmem>> -> memref<80xi32, #tpu.memory_space<vmem>>
          %dma_start3A_69 = arith.constant 0 : i32
          %dma_start3A_70 = arith.constant 0 : i32
          %dma_start3A_71 = tpu.memref_slice %arg5[%dma_start3A_69, %dma_start3A_70] : memref<10240x128xf32, #tpu.memory_space<hbm>> -> memref<10240x128xf32, #tpu.memory_space<hbm>>
          tpu.enqueue_indirect_dma source(%dma_start3A_71 : memref<10240x128xf32, #tpu.memory_space<hbm>>) target(%arg17 : memref<80x128xf32, #tpu.memory_space<vmem>>) offsets(%dma_start3A_68 : memref<80xi32, #tpu.memory_space<vmem>>) semaphore(%arg20 : memref<!tpu.dma_semaphore, #tpu.memory_space<semaphore_mem>>)
        } else {
        }
        %dma_wait3A = arith.constant 0 : i32
        %dma_wait3A_42 = tpu.memref_slice %arg14[%dma_wait3A] : memref<10000xi32, #tpu.memory_space<vmem>> -> memref<80xi32, #tpu.memory_space<vmem>>
        %dma_wait3A_43 = arith.constant 0 : i32
        %dma_wait3A_44 = arith.constant 0 : i32
        %dma_wait3A_45 = tpu.memref_slice %arg5[%dma_wait3A_43, %dma_wait3A_44] : memref<10240x128xf32, #tpu.memory_space<hbm>> -> memref<10240x128xf32, #tpu.memory_space<hbm>>
        tpu.wait_indirect_dma semaphore(%arg19 : memref<!tpu.dma_semaphore, #tpu.memory_space<semaphore_mem>>) src(%dma_wait3A_45 : memref<10240x128xf32, #tpu.memory_space<hbm>>) dst(%arg16 : memref<80x128xf32, #tpu.memory_space<vmem>>)
        "tpu.region"() ({
          %run_scoped3A = tpu.sem_alloc : memref<!tpu.dma_semaphore, #tpu.memory_space<semaphore_mem>>
          %dma_start3A_64 = arith.constant 0 : i32
          %dma_start3A_65 = tpu.memref_slice %arg15[%add3A_33, %dma_start3A_64] : memref<125x80xi32, #tpu.memory_space<vmem>> -> memref<1x80xi32, #tpu.memory_space<vmem>>
          %dma_start3A_66 = tpu.memref_squeeze %dma_start3A_65 : memref<1x80xi32, #tpu.memory_space<vmem>> -> memref<80xi32, #tpu.memory_space<vmem>>
          %dma_start3A_67 = arith.constant 0 : i32
          %dma_start3A_68 = arith.constant 0 : i32
          %dma_start3A_69 = tpu.memref_slice %arg18[%dma_start3A_67, %dma_start3A_68] : memref<10240x128xf32, #tpu.memory_space<vmem_shared>> -> memref<10240x128xf32, #tpu.memory_space<vmem_shared>>
          tpu.enqueue_indirect_dma source(%arg16 : memref<80x128xf32, #tpu.memory_space<vmem>>) target(%dma_start3A_69 : memref<10240x128xf32, #tpu.memory_space<vmem_shared>>) offsets(%dma_start3A_66 : memref<80xi32, #tpu.memory_space<vmem>>) semaphore(%run_scoped3A : memref<!tpu.dma_semaphore, #tpu.memory_space<semaphore_mem>>) {add = true}
          %dma_wait3A_70 = arith.constant 0 : i32
          %dma_wait3A_71 = tpu.memref_slice %arg15[%add3A_33, %dma_wait3A_70] : memref<125x80xi32, #tpu.memory_space<vmem>> -> memref<1x80xi32, #tpu.memory_space<vmem>>
          %dma_wait3A_72 = tpu.memref_squeeze %dma_wait3A_71 : memref<1x80xi32, #tpu.memory_space<vmem>> -> memref<80xi32, #tpu.memory_space<vmem>>
          %dma_wait3A_73 = arith.constant 0 : i32
          %dma_wait3A_74 = arith.constant 0 : i32
          %dma_wait3A_75 = tpu.memref_slice %arg18[%dma_wait3A_73, %dma_wait3A_74] : memref<10240x128xf32, #tpu.memory_space<vmem_shared>> -> memref<10240x128xf32, #tpu.memory_space<vmem_shared>>
          tpu.wait_indirect_dma semaphore(%run_scoped3A : memref<!tpu.dma_semaphore, #tpu.memory_space<semaphore_mem>>) src(%arg16 : memref<80x128xf32, #tpu.memory_space<vmem>>) dst(%dma_wait3A_75 : memref<10240x128xf32, #tpu.memory_space<vmem_shared>>)
          tpu.yield
        }) : () -> ()
        %mul3A_46 = arith.constant 2 : i32
        %mul3A_47 = arith.muli %mul3A_46, %scan3A_30 : i32
        %add3A_48 = arith.constant 2 : i32
        %add3A_49 = arith.addi %mul3A_47, %add3A_48 : i32
        %lt3A_50 = arith.constant 125 : i32
        %lt3A_51 = arith.cmpi slt, %add3A_49, %lt3A_50 : i32
        %convert_element_type3A_52 = arith.extui %lt3A_51 : i1 to i32
        %cond3A_53 = arith.constant 0 : i32
        %cond3A_54 = arith.cmpi ne, %convert_element_type3A_52, %cond3A_53 : i32
        scf.if %cond3A_54 {
          %add3A_64 = arith.constant 2 : i32
          %add3A_65 = arith.addi %add3A_33, %add3A_64 : i32
          %mul3A_66 = arith.constant 80 : i32
          %mul3A_67 = arith.muli %add3A_65, %mul3A_66 : i32
          %dma_start3A_68 = tpu.memref_slice %arg14[%mul3A_67] : memref<10000xi32, #tpu.memory_space<vmem>> -> memref<80xi32, #tpu.memory_space<vmem>>
          %dma_start3A_69 = arith.constant 0 : i32
          %dma_start3A_70 = arith.constant 0 : i32
          %dma_start3A_71 = tpu.memref_slice %arg5[%dma_start3A_69, %dma_start3A_70] : memref<10240x128xf32, #tpu.memory_space<hbm>> -> memref<10240x128xf32, #tpu.memory_space<hbm>>
          tpu.enqueue_indirect_dma source(%dma_start3A_71 : memref<10240x128xf32, #tpu.memory_space<hbm>>) target(%arg16 : memref<80x128xf32, #tpu.memory_space<vmem>>) offsets(%dma_start3A_68 : memref<80xi32, #tpu.memory_space<vmem>>) semaphore(%arg19 : memref<!tpu.dma_semaphore, #tpu.memory_space<semaphore_mem>>)
        } else {
        }
        %mul3A_55 = arith.constant 2 : i32
        %mul3A_56 = arith.muli %mul3A_55, %scan3A_30 : i32
        %add3A_57 = arith.constant 1 : i32
        %add3A_58 = arith.addi %mul3A_56, %add3A_57 : i32
        %lt3A_59 = arith.constant 125 : i32
        %lt3A_60 = arith.cmpi slt, %add3A_58, %lt3A_59 : i32
        %convert_element_type3A_61 = arith.extui %lt3A_60 : i1 to i32
        %cond3A_62 = arith.constant 0 : i32
        %cond3A_63 = arith.cmpi ne, %convert_element_type3A_61, %cond3A_62 : i32
        scf.if %cond3A_63 {
          %dma_wait3A_64 = arith.constant 0 : i32
          %dma_wait3A_65 = tpu.memref_slice %arg14[%dma_wait3A_64] : memref<10000xi32, #tpu.memory_space<vmem>> -> memref<80xi32, #tpu.memory_space<vmem>>
          %dma_wait3A_66 = arith.constant 0 : i32
          %dma_wait3A_67 = arith.constant 0 : i32
          %dma_wait3A_68 = tpu.memref_slice %arg5[%dma_wait3A_66, %dma_wait3A_67] : memref<10240x128xf32, #tpu.memory_space<hbm>> -> memref<10240x128xf32, #tpu.memory_space<hbm>>
          tpu.wait_indirect_dma semaphore(%arg20 : memref<!tpu.dma_semaphore, #tpu.memory_space<semaphore_mem>>) src(%dma_wait3A_68 : memref<10240x128xf32, #tpu.memory_space<hbm>>) dst(%arg17 : memref<80x128xf32, #tpu.memory_space<vmem>>)
          %add3A_69 = arith.constant 1 : i32
          %add3A_70 = arith.addi %add3A_33, %add3A_69 : i32
          "tpu.region"() ({
            %run_scoped3A = tpu.sem_alloc : memref<!tpu.dma_semaphore, #tpu.memory_space<semaphore_mem>>
            %dma_start3A_71 = arith.constant 0 : i32
            %dma_start3A_72 = tpu.memref_slice %arg15[%add3A_70, %dma_start3A_71] : memref<125x80xi32, #tpu.memory_space<vmem>> -> memref<1x80xi32, #tpu.memory_space<vmem>>
            %dma_start3A_73 = tpu.memref_squeeze %dma_start3A_72 : memref<1x80xi32, #tpu.memory_space<vmem>> -> memref<80xi32, #tpu.memory_space<vmem>>
            %dma_start3A_74 = arith.constant 0 : i32
            %dma_start3A_75 = arith.constant 0 : i32
            %dma_start3A_76 = tpu.memref_slice %arg18[%dma_start3A_74, %dma_start3A_75] : memref<10240x128xf32, #tpu.memory_space<vmem_shared>> -> memref<10240x128xf32, #tpu.memory_space<vmem_shared>>
            tpu.enqueue_indirect_dma source(%arg17 : memref<80x128xf32, #tpu.memory_space<vmem>>) target(%dma_start3A_76 : memref<10240x128xf32, #tpu.memory_space<vmem_shared>>) offsets(%dma_start3A_73 : memref<80xi32, #tpu.memory_space<vmem>>) semaphore(%run_scoped3A : memref<!tpu.dma_semaphore, #tpu.memory_space<semaphore_mem>>) {add = true}
            %dma_wait3A_77 = arith.constant 0 : i32
            %dma_wait3A_78 = tpu.memref_slice %arg15[%add3A_70, %dma_wait3A_77] : memref<125x80xi32, #tpu.memory_space<vmem>> -> memref<1x80xi32, #tpu.memory_space<vmem>>
            %dma_wait3A_79 = tpu.memref_squeeze %dma_wait3A_78 : memref<1x80xi32, #tpu.memory_space<vmem>> -> memref<80xi32, #tpu.memory_space<vmem>>
            %dma_wait3A_80 = arith.constant 0 : i32
            %dma_wait3A_81 = arith.constant 0 : i32
            %dma_wait3A_82 = tpu.memref_slice %arg18[%dma_wait3A_80, %dma_wait3A_81] : memref<10240x128xf32, #tpu.memory_space<vmem_shared>> -> memref<10240x128xf32, #tpu.memory_space<vmem_shared>>
            tpu.wait_indirect_dma semaphore(%run_scoped3A : memref<!tpu.dma_semaphore, #tpu.memory_space<semaphore_mem>>) src(%arg17 : memref<80x128xf32, #tpu.memory_space<vmem>>) dst(%dma_wait3A_82 : memref<10240x128xf32, #tpu.memory_space<vmem_shared>>)
            tpu.yield
          }) : () -> ()
        } else {
        }
      }
      %scan3A_28 = arith.constant 63 : i32
      %barrier3A_29 = arith.constant 0 : index
      tpu.barrier barrier_id(%barrier3A_29)
      "tpu.region"() ({
        %run_scoped3A = tpu.sem_alloc : memref<!tpu.dma_semaphore, #tpu.memory_space<semaphore_mem>>
        %dma_start3A_30 = arith.constant 0 : i32
        %dma_start3A_31 = tpu.memref_slice %arg13[%mul3A_0, %dma_start3A_30] : memref<10240x128xf32, #tpu.memory_space<hbm>> -> memref<640x128xf32, #tpu.memory_space<hbm>>
        %dma_start3A_32 = arith.constant 0 : i32
        %dma_start3A_33 = tpu.memref_slice %arg18[%mul3A_0, %dma_start3A_32] : memref<10240x128xf32, #tpu.memory_space<vmem_shared>> -> memref<640x128xf32, #tpu.memory_space<vmem_shared>>
        tpu.enqueue_dma source(%dma_start3A_33 : memref<640x128xf32, #tpu.memory_space<vmem_shared>>) target(%dma_start3A_31 : memref<640x128xf32, #tpu.memory_space<hbm>>) target_semaphore(%run_scoped3A : memref<!tpu.dma_semaphore, #tpu.memory_space<semaphore_mem>>)
        %dma_wait3A = arith.constant 0 : i32
        %dma_wait3A_34 = tpu.memref_slice %arg13[%mul3A_0, %dma_wait3A] : memref<10240x128xf32, #tpu.memory_space<hbm>> -> memref<640x128xf32, #tpu.memory_space<hbm>>
        %dma_wait3A_35 = arith.constant 0 : i32
        %dma_wait3A_36 = tpu.memref_slice %arg18[%mul3A_0, %dma_wait3A_35] : memref<10240x128xf32, #tpu.memory_space<vmem_shared>> -> memref<640x128xf32, #tpu.memory_space<vmem_shared>>
        tpu.wait_dma2 semaphore(%run_scoped3A : memref<!tpu.dma_semaphore, #tpu.memory_space<semaphore_mem>>) src(%dma_wait3A_36 : memref<640x128xf32, #tpu.memory_space<vmem_shared>>) dst(%dma_wait3A_34 : memref<640x128xf32, #tpu.memory_space<hbm>>)
        tpu.yield
      }) : () -> ()
    } else {
    }
    return
  }
}

module attributes {stable_mosaic.version = 14 : i64} {
  func.func @body(%arg0: i32, %arg1: memref<2048x128xf32, #tpu.memory_space<vmem>>, %arg2: memref<2048x128xf32, #tpu.memory_space<vmem>>, %arg3: memref<256x512xf32, #tpu.memory_space<vmem>>, %arg4: memref<1x512xf32, #tpu.memory_space<vmem>>, %arg5: memref<2048x512xf32, #tpu.memory_space<vmem>>) attributes {dimension_semantics = [#tpu.dimension_semantics<arbitrary>], iteration_bounds = array<i64: 5>, scalar_prefetch = 0 : i64, scratch_operands = 0 : i64, tpu.core_type = #tpu.core_type<tc>, window_params = [{transform_indices = @transform_0, window_bounds = array<i64: 2048, 128>}, {transform_indices = @transform_1, window_bounds = array<i64: 2048, 128>}, {pipeline_mode = #tpu.pipeline_mode<synchronous>, transform_indices = @transform_2, window_bounds = array<i64: 256, 512>}, {pipeline_mode = #tpu.pipeline_mode<synchronous>, transform_indices = @transform_3, window_bounds = array<i64: 1, 512>}, {transform_indices = @transform_4, window_bounds = array<i64: 2048, 512>}]} {
    %broadcast_in_dim3A = arith.constant 0.000000e+00 : f32
    %broadcast_in_dim3A_0 = vector.broadcast %broadcast_in_dim3A : f32 to vector<2048x512xf32>
    %get3A = arith.constant 0 : index
    %get3A_1 = arith.constant 0 : index
    %get3A_2 = vector.load %arg4[%get3A, %get3A_1] : memref<1x512xf32, #tpu.memory_space<vmem>>, vector<1x512xf32>
    %add3A = vector.broadcast %get3A_2 : vector<1x512xf32> to vector<2048x512xf32>
    %add3A_3 = arith.addf %broadcast_in_dim3A_0, %add3A : vector<2048x512xf32>
    %get3A_4 = arith.constant 0 : index
    %get3A_5 = arith.constant 0 : index
    %get3A_6 = vector.load %arg1[%get3A_4, %get3A_5] : memref<2048x128xf32, #tpu.memory_space<vmem>>, vector<2048x128xf32>
    %get3A_7 = arith.constant 0 : index
    %get3A_8 = arith.constant 0 : index
    %get3A_9 = vector.load %arg3[%get3A_7, %get3A_8] : memref<256x512xf32, #tpu.memory_space<vmem>>, vector<128x512xf32>
    %dot_general3A = arith.constant dense<0.000000e+00> : vector<2048x512xf32>
    %dot_general3A_10 = tpu.matmul %get3A_6, %get3A_9, %dot_general3A {dimension_numbers = #tpu.dot_dimension_numbers<[1], [0], [0], [1], [0, 0, 1, 1], [], []>, transpose_lhs_hint = false} : vector<2048x128xf32>, vector<128x512xf32>, vector<2048x512xf32> -> vector<2048x512xf32>
    %add3A_11 = arith.addf %add3A_3, %dot_general3A_10 : vector<2048x512xf32>
    %get3A_12 = arith.constant 0 : index
    %get3A_13 = arith.constant 0 : index
    %get3A_14 = vector.load %arg2[%get3A_12, %get3A_13] : memref<2048x128xf32, #tpu.memory_space<vmem>>, vector<2048x128xf32>
    %get3A_15 = arith.constant 128 : index
    %get3A_16 = arith.constant 0 : index
    %get3A_17 = vector.load %arg3[%get3A_15, %get3A_16] : memref<256x512xf32, #tpu.memory_space<vmem>>, vector<128x512xf32>
    %dot_general3A_18 = arith.constant dense<0.000000e+00> : vector<2048x512xf32>
    %dot_general3A_19 = tpu.matmul %get3A_14, %get3A_17, %dot_general3A_18 {dimension_numbers = #tpu.dot_dimension_numbers<[1], [0], [0], [1], [0, 0, 1, 1], [], []>, transpose_lhs_hint = false} : vector<2048x128xf32>, vector<128x512xf32>, vector<2048x512xf32> -> vector<2048x512xf32>
    %add3A_20 = arith.addf %add3A_11, %dot_general3A_19 : vector<2048x512xf32>
    %swap3A = arith.constant 0 : index
    %swap3A_21 = arith.constant 0 : index
    %swap3A_22 = vector.load %arg5[%swap3A, %swap3A_21] : memref<2048x512xf32, #tpu.memory_space<vmem>>, vector<2048x512xf32>
    tpu.vector_store %arg5[%swap3A, %swap3A_21], %add3A_20 {strides = array<i32>} : memref<2048x512xf32, #tpu.memory_space<vmem>>, vector<2048x512xf32>,
    return
  }
  func.func @transform_0(%arg0: i32) -> (i32, i32) {
    %c0_i32 = arith.constant 0 : i32
    %c0_i32_0 = arith.constant 0 : i32
    return %arg0, %c0_i32 : i32, i32
  }
  func.func @transform_1(%arg0: i32) -> (i32, i32) {
    %c0_i32 = arith.constant 0 : i32
    %c0_i32_0 = arith.constant 0 : i32
    return %arg0, %c0_i32 : i32, i32
  }
  func.func @transform_2(%arg0: i32) -> (i32, i32) {
    %c0_i32 = arith.constant 0 : i32
    %c0_i32_0 = arith.constant 0 : i32
    %c0_i32_1 = arith.constant 0 : i32
    return %c0_i32, %c0_i32_0 : i32, i32
  }
  func.func @transform_3(%arg0: i32) -> (i32, i32) {
    %c0_i32 = arith.constant 0 : i32
    %c0_i32_0 = arith.constant 0 : i32
    %c0_i32_1 = arith.constant 0 : i32
    return %c0_i32, %c0_i32_0 : i32, i32
  }
  func.func @transform_4(%arg0: i32) -> (i32, i32) {
    %c0_i32 = arith.constant 0 : i32
    %c0_i32_0 = arith.constant 0 : i32
    return %arg0, %c0_i32 : i32, i32
  }
}

module attributes {stable_mosaic.version = 14 : i64} {
  func.func @body(%arg0: i32, %arg1: memref<2048x128xf32, #tpu.memory_space<vmem>>, %arg2: memref<2048x128xf32, #tpu.memory_space<vmem>>, %arg3: memref<2048x128xf32, #tpu.memory_space<vmem>>, %arg4: memref<2048x128xf32, #tpu.memory_space<vmem>>, %arg5: memref<2048x512xf32, #tpu.memory_space<vmem>>, %arg6: memref<256x512xf32, #tpu.memory_space<vmem>>, %arg7: memref<1x512xf32, #tpu.memory_space<vmem>>, %arg8: memref<2048x128xf32, #tpu.memory_space<vmem>>, %arg9: memref<2048x128xf32, #tpu.memory_space<vmem>>, %arg10: memref<2048x128xf32, #tpu.memory_space<vmem>>, %arg11: memref<2048x128xf32, #tpu.memory_space<vmem>>, %arg12: memref<1x512xf32, #tpu.memory_space<vmem>>) attributes {dimension_semantics = [#tpu.dimension_semantics<arbitrary>], iteration_bounds = array<i64: 5>, scalar_prefetch = 0 : i64, scratch_operands = 0 : i64, tpu.core_type = #tpu.core_type<tc>, window_params = [{transform_indices = @transform_0, window_bounds = array<i64: 2048, 128>}, {transform_indices = @transform_1, window_bounds = array<i64: 2048, 128>}, {transform_indices = @transform_2, window_bounds = array<i64: 2048, 128>}, {transform_indices = @transform_3, window_bounds = array<i64: 2048, 128>}, {transform_indices = @transform_4, window_bounds = array<i64: 2048, 512>}, {pipeline_mode = #tpu.pipeline_mode<synchronous>, transform_indices = @transform_5, window_bounds = array<i64: 256, 512>}, {pipeline_mode = #tpu.pipeline_mode<synchronous>, transform_indices = @transform_6, window_bounds = array<i64: 1, 512>}, {transform_indices = @transform_7, window_bounds = array<i64: 2048, 128>}, {transform_indices = @transform_8, window_bounds = array<i64: 2048, 128>}, {transform_indices = @transform_9, window_bounds = array<i64: 2048, 128>}, {transform_indices = @transform_10, window_bounds = array<i64: 2048, 128>}, {pipeline_mode = #tpu.pipeline_mode<synchronous>, transform_indices = @transform_11, window_bounds = array<i64: 1, 512>}]} {
    %get3A = arith.constant 0 : index
    %get3A_0 = arith.constant 0 : index
    %get3A_1 = vector.load %arg3[%get3A, %get3A_0] : memref<2048x128xf32, #tpu.memory_space<vmem>>, vector<2048x128xf32>
    %slice3A = vector.extract_strided_slice %get3A_1 {offsets = [0, 0], sizes = [2048, 1], strides = [1, 1]} : vector<2048x128xf32> to vector<2048x1xf32>
    %get3A_2 = arith.constant 0 : index
    %get3A_3 = arith.constant 0 : index
    %get3A_4 = vector.load %arg4[%get3A_2, %get3A_3] : memref<2048x128xf32, #tpu.memory_space<vmem>>, vector<2048x128xf32>
    %slice3A_5 = vector.extract_strided_slice %get3A_4 {offsets = [0, 0], sizes = [2048, 1], strides = [1, 1]} : vector<2048x128xf32> to vector<2048x1xf32>
    %add3A = arith.addf %slice3A, %slice3A_5 : vector<2048x1xf32>
    %max3A = arith.constant 1.000000e+00 : f32
    %max3A_6 = vector.broadcast %max3A : f32 to vector<2048x1xf32>
    %max3A_7 = arith.maximumf %add3A, %max3A_6 : vector<2048x1xf32>
    %div3A = arith.constant 1.000000e+00 : f32
    %div3A_8 = vector.broadcast %div3A : f32 to vector<2048x1xf32>
    %div3A_9 = arith.divf %div3A_8, %max3A_7 : vector<2048x1xf32>
    %get3A_10 = arith.constant 0 : index
    %get3A_11 = arith.constant 0 : index
    %get3A_12 = vector.load %arg5[%get3A_10, %get3A_11] : memref<2048x512xf32, #tpu.memory_space<vmem>>, vector<2048x512xf32>
    %get3A_13 = arith.constant 0 : index
    %get3A_14 = arith.constant 0 : index
    %get3A_15 = vector.load %arg1[%get3A_13, %get3A_14] : memref<2048x128xf32, #tpu.memory_space<vmem>>, vector<2048x128xf32>
    %mul3A = vector.broadcast %div3A_9 : vector<2048x1xf32> to vector<2048x128xf32>
    %mul3A_16 = arith.mulf %get3A_15, %mul3A : vector<2048x128xf32>
    %get3A_17 = arith.constant 0 : index
    %get3A_18 = arith.constant 0 : index
    %get3A_19 = vector.load %arg6[%get3A_17, %get3A_18] : memref<256x512xf32, #tpu.memory_space<vmem>>, vector<128x512xf32>
    %dot_general3A = arith.constant dense<0.000000e+00> : vector<2048x512xf32>
    %dot_general3A_20 = tpu.matmul %mul3A_16, %get3A_19, %dot_general3A {dimension_numbers = #tpu.dot_dimension_numbers<[1], [0], [0], [1], [0, 0, 1, 1], [], []>, transpose_lhs_hint = false} : vector<2048x128xf32>, vector<128x512xf32>, vector<2048x512xf32> -> vector<2048x512xf32>
    %add3A_21 = arith.addf %get3A_12, %dot_general3A_20 : vector<2048x512xf32>
    %get3A_22 = arith.constant 0 : index
    %get3A_23 = arith.constant 0 : index
    %get3A_24 = vector.load %arg2[%get3A_22, %get3A_23] : memref<2048x128xf32, #tpu.memory_space<vmem>>, vector<2048x128xf32>
    %mul3A_25 = vector.broadcast %div3A_9 : vector<2048x1xf32> to vector<2048x128xf32>
    %mul3A_26 = arith.mulf %get3A_24, %mul3A_25 : vector<2048x128xf32>
    %get3A_27 = arith.constant 128 : index
    %get3A_28 = arith.constant 0 : index
    %get3A_29 = vector.load %arg6[%get3A_27, %get3A_28] : memref<256x512xf32, #tpu.memory_space<vmem>>, vector<128x512xf32>
    %dot_general3A_30 = arith.constant dense<0.000000e+00> : vector<2048x512xf32>
    %dot_general3A_31 = tpu.matmul %mul3A_26, %get3A_29, %dot_general3A_30 {dimension_numbers = #tpu.dot_dimension_numbers<[1], [0], [0], [1], [0, 0, 1, 1], [], []>, transpose_lhs_hint = false} : vector<2048x128xf32>, vector<128x512xf32>, vector<2048x512xf32> -> vector<2048x512xf32>
    %add3A_32 = arith.addf %add3A_21, %dot_general3A_31 : vector<2048x512xf32>
    %max3A_33 = arith.constant 0.000000e+00 : f32
    %max3A_34 = vector.broadcast %max3A_33 : f32 to vector<2048x512xf32>
    %max3A_35 = arith.maximumf %add3A_32, %max3A_34 : vector<2048x512xf32>
    %slice3A_36 = vector.extract_strided_slice %max3A_35 {offsets = [0, 0], sizes = [2048, 128], strides = [1, 1]} : vector<2048x512xf32> to vector<2048x128xf32>
    %swap3A = arith.constant 0 : index
    %swap3A_37 = arith.constant 0 : index
    %swap3A_38 = vector.load %arg8[%swap3A, %swap3A_37] : memref<2048x128xf32, #tpu.memory_space<vmem>>, vector<2048x128xf32>
    tpu.vector_store %arg8[%swap3A, %swap3A_37], %slice3A_36 {strides = array<i32>} : memref<2048x128xf32, #tpu.memory_space<vmem>>, vector<2048x128xf32>,
    %slice3A_39 = vector.extract_strided_slice %max3A_35 {offsets = [0, 128], sizes = [2048, 128], strides = [1, 1]} : vector<2048x512xf32> to vector<2048x128xf32>
    %swap3A_40 = arith.constant 0 : index
    %swap3A_41 = arith.constant 0 : index
    %swap3A_42 = vector.load %arg9[%swap3A_40, %swap3A_41] : memref<2048x128xf32, #tpu.memory_space<vmem>>, vector<2048x128xf32>
    tpu.vector_store %arg9[%swap3A_40, %swap3A_41], %slice3A_39 {strides = array<i32>} : memref<2048x128xf32, #tpu.memory_space<vmem>>, vector<2048x128xf32>,
    %slice3A_43 = vector.extract_strided_slice %max3A_35 {offsets = [0, 256], sizes = [2048, 128], strides = [1, 1]} : vector<2048x512xf32> to vector<2048x128xf32>
    %swap3A_44 = arith.constant 0 : index
    %swap3A_45 = arith.constant 0 : index
    %swap3A_46 = vector.load %arg10[%swap3A_44, %swap3A_45] : memref<2048x128xf32, #tpu.memory_space<vmem>>, vector<2048x128xf32>
    tpu.vector_store %arg10[%swap3A_44, %swap3A_45], %slice3A_43 {strides = array<i32>} : memref<2048x128xf32, #tpu.memory_space<vmem>>, vector<2048x128xf32>,
    %slice3A_47 = vector.extract_strided_slice %max3A_35 {offsets = [0, 384], sizes = [2048, 128], strides = [1, 1]} : vector<2048x512xf32> to vector<2048x128xf32>
    %swap3A_48 = arith.constant 0 : index
    %swap3A_49 = arith.constant 0 : index
    %swap3A_50 = vector.load %arg11[%swap3A_48, %swap3A_49] : memref<2048x128xf32, #tpu.memory_space<vmem>>, vector<2048x128xf32>
    tpu.vector_store %arg11[%swap3A_48, %swap3A_49], %slice3A_47 {strides = array<i32>} : memref<2048x128xf32, #tpu.memory_space<vmem>>, vector<2048x128xf32>,
    %iota3A = tpu.iota {dimensions = array<i32: 0>} : vector<2048x1xi32>
    %mul3A_51 = arith.constant 2048 : i32
    %mul3A_52 = arith.muli %arg0, %mul3A_51 : i32
    %add3A_53 = vector.broadcast %mul3A_52 : i32 to vector<2048x1xi32>
    %add3A_54 = arith.addi %iota3A, %add3A_53 : vector<2048x1xi32>
    %lt3A = arith.constant 10000 : i32
    %lt3A_55 = vector.broadcast %lt3A : i32 to vector<2048x1xi32>
    %lt3A_56 = arith.cmpi slt, %add3A_54, %lt3A_55 : vector<2048x1xi32>
    %convert_element_type3A = arith.extui %lt3A_56 : vector<2048x1xi1> to vector<2048x1xi32>
    %convert_element_type3A_57 = arith.sitofp %convert_element_type3A : vector<2048x1xi32> to vector<2048x1xf32>
    %mul3A_58 = vector.broadcast %convert_element_type3A_57 : vector<2048x1xf32> to vector<2048x512xf32>
    %mul3A_59 = arith.mulf %max3A_35, %mul3A_58 : vector<2048x512xf32>
    %reduce_sum3A = arith.constant dense<0.000000e+00> : vector<512xf32>
    %reduce_sum3A_60 = vector.multi_reduction <add>, %mul3A_59, %reduce_sum3A [0] : vector<2048x512xf32> to vector<512xf32>
    %broadcast_in_dim3A = vector.shape_cast %reduce_sum3A_60 : vector<512xf32> to vector<1x512xf32>
    %eq3A = arith.constant 0 : i32
    %eq3A_61 = arith.cmpi eq, %arg0, %eq3A : i32
    %convert_element_type3A_62 = arith.extui %eq3A_61 : i1 to i32
    %cond3A = arith.constant 0 : i32
    %cond3A_63 = arith.cmpi ne, %convert_element_type3A_62, %cond3A : i32
    scf.if %cond3A_63 {
      %broadcast_in_dim3A_71 = arith.constant 0.000000e+00 : f32
      %broadcast_in_dim3A_72 = vector.broadcast %broadcast_in_dim3A_71 : f32 to vector<1x512xf32>
      %swap3A_73 = arith.constant 0 : index
      %swap3A_74 = arith.constant 0 : index
      %swap3A_75 = vector.load %arg12[%swap3A_73, %swap3A_74] : memref<1x512xf32, #tpu.memory_space<vmem>>, vector<1x512xf32>
      tpu.vector_store %arg12[%swap3A_73, %swap3A_74], %broadcast_in_dim3A_72 {strides = array<i32>} : memref<1x512xf32, #tpu.memory_space<vmem>>, vector<1x512xf32>,
    } else {
    }
    %get3A_64 = arith.constant 0 : index
    %get3A_65 = arith.constant 0 : index
    %get3A_66 = vector.load %arg12[%get3A_64, %get3A_65] : memref<1x512xf32, #tpu.memory_space<vmem>>, vector<1x512xf32>
    %add3A_67 = arith.addf %get3A_66, %broadcast_in_dim3A : vector<1x512xf32>
    %swap3A_68 = arith.constant 0 : index
    %swap3A_69 = arith.constant 0 : index
    %swap3A_70 = vector.load %arg12[%swap3A_68, %swap3A_69] : memref<1x512xf32, #tpu.memory_space<vmem>>, vector<1x512xf32>
    tpu.vector_store %arg12[%swap3A_68, %swap3A_69], %add3A_67 {strides = array<i32>} : memref<1x512xf32, #tpu.memory_space<vmem>>, vector<1x512xf32>,
    return
  }
  func.func @transform_0(%arg0: i32) -> (i32, i32) {
    %c0_i32 = arith.constant 0 : i32
    %c0_i32_0 = arith.constant 0 : i32
    return %arg0, %c0_i32 : i32, i32
  }
  func.func @transform_1(%arg0: i32) -> (i32, i32) {
    %c0_i32 = arith.constant 0 : i32
    %c0_i32_0 = arith.constant 0 : i32
    return %arg0, %c0_i32 : i32, i32
  }
  func.func @transform_2(%arg0: i32) -> (i32, i32) {
    %c0_i32 = arith.constant 0 : i32
    %c0_i32_0 = arith.constant 0 : i32
    return %arg0, %c0_i32 : i32, i32
  }
  func.func @transform_3(%arg0: i32) -> (i32, i32) {
    %c0_i32 = arith.constant 0 : i32
    %c0_i32_0 = arith.constant 0 : i32
    return %arg0, %c0_i32 : i32, i32
  }
  func.func @transform_4(%arg0: i32) -> (i32, i32) {
    %c0_i32 = arith.constant 0 : i32
    %c0_i32_0 = arith.constant 0 : i32
    return %arg0, %c0_i32 : i32, i32
  }
  func.func @transform_5(%arg0: i32) -> (i32, i32) {
    %c0_i32 = arith.constant 0 : i32
    %c0_i32_0 = arith.constant 0 : i32
    %c0_i32_1 = arith.constant 0 : i32
    return %c0_i32, %c0_i32_0 : i32, i32
  }
  func.func @transform_6(%arg0: i32) -> (i32, i32) {
    %c0_i32 = arith.constant 0 : i32
    %c0_i32_0 = arith.constant 0 : i32
    %c0_i32_1 = arith.constant 0 : i32
    return %c0_i32, %c0_i32_0 : i32, i32
  }
  func.func @transform_7(%arg0: i32) -> (i32, i32) {
    %c0_i32 = arith.constant 0 : i32
    %c0_i32_0 = arith.constant 0 : i32
    return %arg0, %c0_i32 : i32, i32
  }
  func.func @transform_8(%arg0: i32) -> (i32, i32) {
    %c0_i32 = arith.constant 0 : i32
    %c0_i32_0 = arith.constant 0 : i32
    return %arg0, %c0_i32 : i32, i32
  }
  func.func @transform_9(%arg0: i32) -> (i32, i32) {
    %c0_i32 = arith.constant 0 : i32
    %c0_i32_0 = arith.constant 0 : i32
    return %arg0, %c0_i32 : i32, i32
  }
  func.func @transform_10(%arg0: i32) -> (i32, i32) {
    %c0_i32 = arith.constant 0 : i32
    %c0_i32_0 = arith.constant 0 : i32
    return %arg0, %c0_i32 : i32, i32
  }
  func.func @transform_11(%arg0: i32) -> (i32, i32) {
    %c0_i32 = arith.constant 0 : i32
    %c0_i32_0 = arith.constant 0 : i32
    %c0_i32_1 = arith.constant 0 : i32
    return %c0_i32, %c0_i32_0 : i32, i32
  }
}

module attributes {stable_mosaic.version = 14 : i64} {
  func.func @body(%arg0: i32, %arg1: memref<2048x128xf32, #tpu.memory_space<vmem>>, %arg2: memref<2048x128xf32, #tpu.memory_space<vmem>>, %arg3: memref<2048x128xf32, #tpu.memory_space<vmem>>, %arg4: memref<2048x128xf32, #tpu.memory_space<vmem>>, %arg5: memref<512x512xf32, #tpu.memory_space<vmem>>, %arg6: memref<1x512xf32, #tpu.memory_space<vmem>>, %arg7: memref<2048x512xf32, #tpu.memory_space<vmem>>) attributes {dimension_semantics = [#tpu.dimension_semantics<arbitrary>], iteration_bounds = array<i64: 5>, scalar_prefetch = 0 : i64, scratch_operands = 0 : i64, tpu.core_type = #tpu.core_type<tc>, window_params = [{transform_indices = @transform_0, window_bounds = array<i64: 2048, 128>}, {transform_indices = @transform_1, window_bounds = array<i64: 2048, 128>}, {transform_indices = @transform_2, window_bounds = array<i64: 2048, 128>}, {transform_indices = @transform_3, window_bounds = array<i64: 2048, 128>}, {pipeline_mode = #tpu.pipeline_mode<synchronous>, transform_indices = @transform_4, window_bounds = array<i64: 512, 512>}, {pipeline_mode = #tpu.pipeline_mode<synchronous>, transform_indices = @transform_5, window_bounds = array<i64: 1, 512>}, {transform_indices = @transform_6, window_bounds = array<i64: 2048, 512>}]} {
    %broadcast_in_dim3A = arith.constant 0.000000e+00 : f32
    %broadcast_in_dim3A_0 = vector.broadcast %broadcast_in_dim3A : f32 to vector<2048x512xf32>
    %get3A = arith.constant 0 : index
    %get3A_1 = arith.constant 0 : index
    %get3A_2 = vector.load %arg6[%get3A, %get3A_1] : memref<1x512xf32, #tpu.memory_space<vmem>>, vector<1x512xf32>
    %add3A = vector.broadcast %get3A_2 : vector<1x512xf32> to vector<2048x512xf32>
    %add3A_3 = arith.addf %broadcast_in_dim3A_0, %add3A : vector<2048x512xf32>
    %get3A_4 = arith.constant 0 : index
    %get3A_5 = arith.constant 0 : index
    %get3A_6 = vector.load %arg1[%get3A_4, %get3A_5] : memref<2048x128xf32, #tpu.memory_space<vmem>>, vector<2048x128xf32>
    %get3A_7 = arith.constant 0 : index
    %get3A_8 = arith.constant 0 : index
    %get3A_9 = vector.load %arg5[%get3A_7, %get3A_8] : memref<512x512xf32, #tpu.memory_space<vmem>>, vector<128x512xf32>
    %dot_general3A = arith.constant dense<0.000000e+00> : vector<2048x512xf32>
    %dot_general3A_10 = tpu.matmul %get3A_6, %get3A_9, %dot_general3A {dimension_numbers = #tpu.dot_dimension_numbers<[1], [0], [0], [1], [0, 0, 1, 1], [], []>, transpose_lhs_hint = false} : vector<2048x128xf32>, vector<128x512xf32>, vector<2048x512xf32> -> vector<2048x512xf32>
    %add3A_11 = arith.addf %add3A_3, %dot_general3A_10 : vector<2048x512xf32>
    %get3A_12 = arith.constant 0 : index
    %get3A_13 = arith.constant 0 : index
    %get3A_14 = vector.load %arg2[%get3A_12, %get3A_13] : memref<2048x128xf32, #tpu.memory_space<vmem>>, vector<2048x128xf32>
    %get3A_15 = arith.constant 128 : index
    %get3A_16 = arith.constant 0 : index
    %get3A_17 = vector.load %arg5[%get3A_15, %get3A_16] : memref<512x512xf32, #tpu.memory_space<vmem>>, vector<128x512xf32>
    %dot_general3A_18 = arith.constant dense<0.000000e+00> : vector<2048x512xf32>
    %dot_general3A_19 = tpu.matmul %get3A_14, %get3A_17, %dot_general3A_18 {dimension_numbers = #tpu.dot_dimension_numbers<[1], [0], [0], [1], [0, 0, 1, 1], [], []>, transpose_lhs_hint = false} : vector<2048x128xf32>, vector<128x512xf32>, vector<2048x512xf32> -> vector<2048x512xf32>
    %add3A_20 = arith.addf %add3A_11, %dot_general3A_19 : vector<2048x512xf32>
    %get3A_21 = arith.constant 0 : index
    %get3A_22 = arith.constant 0 : index
    %get3A_23 = vector.load %arg3[%get3A_21, %get3A_22] : memref<2048x128xf32, #tpu.memory_space<vmem>>, vector<2048x128xf32>
    %get3A_24 = arith.constant 256 : index
    %get3A_25 = arith.constant 0 : index
    %get3A_26 = vector.load %arg5[%get3A_24, %get3A_25] : memref<512x512xf32, #tpu.memory_space<vmem>>, vector<128x512xf32>
    %dot_general3A_27 = arith.constant dense<0.000000e+00> : vector<2048x512xf32>
    %dot_general3A_28 = tpu.matmul %get3A_23, %get3A_26, %dot_general3A_27 {dimension_numbers = #tpu.dot_dimension_numbers<[1], [0], [0], [1], [0, 0, 1, 1], [], []>, transpose_lhs_hint = false} : vector<2048x128xf32>, vector<128x512xf32>, vector<2048x512xf32> -> vector<2048x512xf32>
    %add3A_29 = arith.addf %add3A_20, %dot_general3A_28 : vector<2048x512xf32>
    %get3A_30 = arith.constant 0 : index
    %get3A_31 = arith.constant 0 : index
    %get3A_32 = vector.load %arg4[%get3A_30, %get3A_31] : memref<2048x128xf32, #tpu.memory_space<vmem>>, vector<2048x128xf32>
    %get3A_33 = arith.constant 384 : index
    %get3A_34 = arith.constant 0 : index
    %get3A_35 = vector.load %arg5[%get3A_33, %get3A_34] : memref<512x512xf32, #tpu.memory_space<vmem>>, vector<128x512xf32>
    %dot_general3A_36 = arith.constant dense<0.000000e+00> : vector<2048x512xf32>
    %dot_general3A_37 = tpu.matmul %get3A_32, %get3A_35, %dot_general3A_36 {dimension_numbers = #tpu.dot_dimension_numbers<[1], [0], [0], [1], [0, 0, 1, 1], [], []>, transpose_lhs_hint = false} : vector<2048x128xf32>, vector<128x512xf32>, vector<2048x512xf32> -> vector<2048x512xf32>
    %add3A_38 = arith.addf %add3A_29, %dot_general3A_37 : vector<2048x512xf32>
    %swap3A = arith.constant 0 : index
    %swap3A_39 = arith.constant 0 : index
    %swap3A_40 = vector.load %arg7[%swap3A, %swap3A_39] : memref<2048x512xf32, #tpu.memory_space<vmem>>, vector<2048x512xf32>
    tpu.vector_store %arg7[%swap3A, %swap3A_39], %add3A_38 {strides = array<i32>} : memref<2048x512xf32, #tpu.memory_space<vmem>>, vector<2048x512xf32>,
    return
  }
  func.func @transform_0(%arg0: i32) -> (i32, i32) {
    %c0_i32 = arith.constant 0 : i32
    %c0_i32_0 = arith.constant 0 : i32
    return %arg0, %c0_i32 : i32, i32
  }
  func.func @transform_1(%arg0: i32) -> (i32, i32) {
    %c0_i32 = arith.constant 0 : i32
    %c0_i32_0 = arith.constant 0 : i32
    return %arg0, %c0_i32 : i32, i32
  }
  func.func @transform_2(%arg0: i32) -> (i32, i32) {
    %c0_i32 = arith.constant 0 : i32
    %c0_i32_0 = arith.constant 0 : i32
    return %arg0, %c0_i32 : i32, i32
  }
  func.func @transform_3(%arg0: i32) -> (i32, i32) {
    %c0_i32 = arith.constant 0 : i32
    %c0_i32_0 = arith.constant 0 : i32
    return %arg0, %c0_i32 : i32, i32
  }
  func.func @transform_4(%arg0: i32) -> (i32, i32) {
    %c0_i32 = arith.constant 0 : i32
    %c0_i32_0 = arith.constant 0 : i32
    %c0_i32_1 = arith.constant 0 : i32
    return %c0_i32, %c0_i32_0 : i32, i32
  }
  func.func @transform_5(%arg0: i32) -> (i32, i32) {
    %c0_i32 = arith.constant 0 : i32
    %c0_i32_0 = arith.constant 0 : i32
    %c0_i32_1 = arith.constant 0 : i32
    return %c0_i32, %c0_i32_0 : i32, i32
  }
  func.func @transform_6(%arg0: i32) -> (i32, i32) {
    %c0_i32 = arith.constant 0 : i32
    %c0_i32_0 = arith.constant 0 : i32
    return %arg0, %c0_i32 : i32, i32
  }
}

module attributes {stable_mosaic.version = 14 : i64} {
  func.func @body(%arg0: i32, %arg1: memref<2048x128xf32, #tpu.memory_space<vmem>>, %arg2: memref<2048x128xf32, #tpu.memory_space<vmem>>, %arg3: memref<2048x128xf32, #tpu.memory_space<vmem>>, %arg4: memref<2048x128xf32, #tpu.memory_space<vmem>>, %arg5: memref<2048x128xf32, #tpu.memory_space<vmem>>, %arg6: memref<2048x128xf32, #tpu.memory_space<vmem>>, %arg7: memref<2048x512xf32, #tpu.memory_space<vmem>>, %arg8: memref<512x512xf32, #tpu.memory_space<vmem>>, %arg9: memref<1x512xf32, #tpu.memory_space<vmem>>, %arg10: memref<2048x128xf32, #tpu.memory_space<vmem>>, %arg11: memref<2048x128xf32, #tpu.memory_space<vmem>>, %arg12: memref<2048x128xf32, #tpu.memory_space<vmem>>, %arg13: memref<2048x128xf32, #tpu.memory_space<vmem>>, %arg14: memref<1x512xf32, #tpu.memory_space<vmem>>, %arg15: memref<16x128xf32, #tpu.memory_space<vmem>>) attributes {dimension_semantics = [#tpu.dimension_semantics<arbitrary>], iteration_bounds = array<i64: 5>, scalar_prefetch = 0 : i64, scratch_operands = 0 : i64, tpu.core_type = #tpu.core_type<tc>, window_params = [{transform_indices = @transform_0, window_bounds = array<i64: 2048, 128>}, {transform_indices = @transform_1, window_bounds = array<i64: 2048, 128>}, {transform_indices = @transform_2, window_bounds = array<i64: 2048, 128>}, {transform_indices = @transform_3, window_bounds = array<i64: 2048, 128>}, {transform_indices = @transform_4, window_bounds = array<i64: 2048, 128>}, {transform_indices = @transform_5, window_bounds = array<i64: 2048, 128>}, {transform_indices = @transform_6, window_bounds = array<i64: 2048, 512>}, {pipeline_mode = #tpu.pipeline_mode<synchronous>, transform_indices = @transform_7, window_bounds = array<i64: 512, 512>}, {pipeline_mode = #tpu.pipeline_mode<synchronous>, transform_indices = @transform_8, window_bounds = array<i64: 1, 512>}, {transform_indices = @transform_9, window_bounds = array<i64: 2048, 128>}, {transform_indices = @transform_10, window_bounds = array<i64: 2048, 128>}, {transform_indices = @transform_11, window_bounds = array<i64: 2048, 128>}, {transform_indices = @transform_12, window_bounds = array<i64: 2048, 128>}, {pipeline_mode = #tpu.pipeline_mode<synchronous>, transform_indices = @transform_13, window_bounds = array<i64: 1, 512>}, {transform_indices = @transform_14, window_bounds = array<i64: 16, 128>}]} {
    %get3A = arith.constant 0 : index
    %get3A_0 = arith.constant 0 : index
    %get3A_1 = vector.load %arg5[%get3A, %get3A_0] : memref<2048x128xf32, #tpu.memory_space<vmem>>, vector<2048x128xf32>
    %slice3A = vector.extract_strided_slice %get3A_1 {offsets = [0, 0], sizes = [2048, 1], strides = [1, 1]} : vector<2048x128xf32> to vector<2048x1xf32>
    %get3A_2 = arith.constant 0 : index
    %get3A_3 = arith.constant 0 : index
    %get3A_4 = vector.load %arg6[%get3A_2, %get3A_3] : memref<2048x128xf32, #tpu.memory_space<vmem>>, vector<2048x128xf32>
    %slice3A_5 = vector.extract_strided_slice %get3A_4 {offsets = [0, 0], sizes = [2048, 1], strides = [1, 1]} : vector<2048x128xf32> to vector<2048x1xf32>
    %add3A = arith.addf %slice3A, %slice3A_5 : vector<2048x1xf32>
    %max3A = arith.constant 1.000000e+00 : f32
    %max3A_6 = vector.broadcast %max3A : f32 to vector<2048x1xf32>
    %max3A_7 = arith.maximumf %add3A, %max3A_6 : vector<2048x1xf32>
    %div3A = arith.constant 1.000000e+00 : f32
    %div3A_8 = vector.broadcast %div3A : f32 to vector<2048x1xf32>
    %div3A_9 = arith.divf %div3A_8, %max3A_7 : vector<2048x1xf32>
    %get3A_10 = arith.constant 0 : index
    %get3A_11 = arith.constant 0 : index
    %get3A_12 = vector.load %arg7[%get3A_10, %get3A_11] : memref<2048x512xf32, #tpu.memory_space<vmem>>, vector<2048x512xf32>
    %get3A_13 = arith.constant 0 : index
    %get3A_14 = arith.constant 0 : index
    %get3A_15 = vector.load %arg1[%get3A_13, %get3A_14] : memref<2048x128xf32, #tpu.memory_space<vmem>>, vector<2048x128xf32>
    %mul3A = vector.broadcast %div3A_9 : vector<2048x1xf32> to vector<2048x128xf32>
    %mul3A_16 = arith.mulf %get3A_15, %mul3A : vector<2048x128xf32>
    %get3A_17 = arith.constant 0 : index
    %get3A_18 = arith.constant 0 : index
    %get3A_19 = vector.load %arg8[%get3A_17, %get3A_18] : memref<512x512xf32, #tpu.memory_space<vmem>>, vector<128x512xf32>
    %dot_general3A = arith.constant dense<0.000000e+00> : vector<2048x512xf32>
    %dot_general3A_20 = tpu.matmul %mul3A_16, %get3A_19, %dot_general3A {dimension_numbers = #tpu.dot_dimension_numbers<[1], [0], [0], [1], [0, 0, 1, 1], [], []>, transpose_lhs_hint = false} : vector<2048x128xf32>, vector<128x512xf32>, vector<2048x512xf32> -> vector<2048x512xf32>
    %add3A_21 = arith.addf %get3A_12, %dot_general3A_20 : vector<2048x512xf32>
    %get3A_22 = arith.constant 0 : index
    %get3A_23 = arith.constant 0 : index
    %get3A_24 = vector.load %arg2[%get3A_22, %get3A_23] : memref<2048x128xf32, #tpu.memory_space<vmem>>, vector<2048x128xf32>
    %mul3A_25 = vector.broadcast %div3A_9 : vector<2048x1xf32> to vector<2048x128xf32>
    %mul3A_26 = arith.mulf %get3A_24, %mul3A_25 : vector<2048x128xf32>
    %get3A_27 = arith.constant 128 : index
    %get3A_28 = arith.constant 0 : index
    %get3A_29 = vector.load %arg8[%get3A_27, %get3A_28] : memref<512x512xf32, #tpu.memory_space<vmem>>, vector<128x512xf32>
    %dot_general3A_30 = arith.constant dense<0.000000e+00> : vector<2048x512xf32>
    %dot_general3A_31 = tpu.matmul %mul3A_26, %get3A_29, %dot_general3A_30 {dimension_numbers = #tpu.dot_dimension_numbers<[1], [0], [0], [1], [0, 0, 1, 1], [], []>, transpose_lhs_hint = false} : vector<2048x128xf32>, vector<128x512xf32>, vector<2048x512xf32> -> vector<2048x512xf32>
    %add3A_32 = arith.addf %add3A_21, %dot_general3A_31 : vector<2048x512xf32>
    %get3A_33 = arith.constant 0 : index
    %get3A_34 = arith.constant 0 : index
    %get3A_35 = vector.load %arg3[%get3A_33, %get3A_34] : memref<2048x128xf32, #tpu.memory_space<vmem>>, vector<2048x128xf32>
    %mul3A_36 = vector.broadcast %div3A_9 : vector<2048x1xf32> to vector<2048x128xf32>
    %mul3A_37 = arith.mulf %get3A_35, %mul3A_36 : vector<2048x128xf32>
    %get3A_38 = arith.constant 256 : index
    %get3A_39 = arith.constant 0 : index
    %get3A_40 = vector.load %arg8[%get3A_38, %get3A_39] : memref<512x512xf32, #tpu.memory_space<vmem>>, vector<128x512xf32>
    %dot_general3A_41 = arith.constant dense<0.000000e+00> : vector<2048x512xf32>
    %dot_general3A_42 = tpu.matmul %mul3A_37, %get3A_40, %dot_general3A_41 {dimension_numbers = #tpu.dot_dimension_numbers<[1], [0], [0], [1], [0, 0, 1, 1], [], []>, transpose_lhs_hint = false} : vector<2048x128xf32>, vector<128x512xf32>, vector<2048x512xf32> -> vector<2048x512xf32>
    %add3A_43 = arith.addf %add3A_32, %dot_general3A_42 : vector<2048x512xf32>
    %get3A_44 = arith.constant 0 : index
    %get3A_45 = arith.constant 0 : index
    %get3A_46 = vector.load %arg4[%get3A_44, %get3A_45] : memref<2048x128xf32, #tpu.memory_space<vmem>>, vector<2048x128xf32>
    %mul3A_47 = vector.broadcast %div3A_9 : vector<2048x1xf32> to vector<2048x128xf32>
    %mul3A_48 = arith.mulf %get3A_46, %mul3A_47 : vector<2048x128xf32>
    %get3A_49 = arith.constant 384 : index
    %get3A_50 = arith.constant 0 : index
    %get3A_51 = vector.load %arg8[%get3A_49, %get3A_50] : memref<512x512xf32, #tpu.memory_space<vmem>>, vector<128x512xf32>
    %dot_general3A_52 = arith.constant dense<0.000000e+00> : vector<2048x512xf32>
    %dot_general3A_53 = tpu.matmul %mul3A_48, %get3A_51, %dot_general3A_52 {dimension_numbers = #tpu.dot_dimension_numbers<[1], [0], [0], [1], [0, 0, 1, 1], [], []>, transpose_lhs_hint = false} : vector<2048x128xf32>, vector<128x512xf32>, vector<2048x512xf32> -> vector<2048x512xf32>
    %add3A_54 = arith.addf %add3A_43, %dot_general3A_53 : vector<2048x512xf32>
    %max3A_55 = arith.constant 0.000000e+00 : f32
    %max3A_56 = vector.broadcast %max3A_55 : f32 to vector<2048x512xf32>
    %max3A_57 = arith.maximumf %add3A_54, %max3A_56 : vector<2048x512xf32>
    %slice3A_58 = vector.extract_strided_slice %max3A_57 {offsets = [0, 0], sizes = [2048, 128], strides = [1, 1]} : vector<2048x512xf32> to vector<2048x128xf32>
    %swap3A = arith.constant 0 : index
    %swap3A_59 = arith.constant 0 : index
    %swap3A_60 = vector.load %arg10[%swap3A, %swap3A_59] : memref<2048x128xf32, #tpu.memory_space<vmem>>, vector<2048x128xf32>
    tpu.vector_store %arg10[%swap3A, %swap3A_59], %slice3A_58 {strides = array<i32>} : memref<2048x128xf32, #tpu.memory_space<vmem>>, vector<2048x128xf32>,
    %slice3A_61 = vector.extract_strided_slice %max3A_57 {offsets = [0, 128], sizes = [2048, 128], strides = [1, 1]} : vector<2048x512xf32> to vector<2048x128xf32>
    %swap3A_62 = arith.constant 0 : index
    %swap3A_63 = arith.constant 0 : index
    %swap3A_64 = vector.load %arg11[%swap3A_62, %swap3A_63] : memref<2048x128xf32, #tpu.memory_space<vmem>>, vector<2048x128xf32>
    tpu.vector_store %arg11[%swap3A_62, %swap3A_63], %slice3A_61 {strides = array<i32>} : memref<2048x128xf32, #tpu.memory_space<vmem>>, vector<2048x128xf32>,
    %slice3A_65 = vector.extract_strided_slice %max3A_57 {offsets = [0, 256], sizes = [2048, 128], strides = [1, 1]} : vector<2048x512xf32> to vector<2048x128xf32>
    %swap3A_66 = arith.constant 0 : index
    %swap3A_67 = arith.constant 0 : index
    %swap3A_68 = vector.load %arg12[%swap3A_66, %swap3A_67] : memref<2048x128xf32, #tpu.memory_space<vmem>>, vector<2048x128xf32>
    tpu.vector_store %arg12[%swap3A_66, %swap3A_67], %slice3A_65 {strides = array<i32>} : memref<2048x128xf32, #tpu.memory_space<vmem>>, vector<2048x128xf32>,
    %slice3A_69 = vector.extract_strided_slice %max3A_57 {offsets = [0, 384], sizes = [2048, 128], strides = [1, 1]} : vector<2048x512xf32> to vector<2048x128xf32>
    %swap3A_70 = arith.constant 0 : index
    %swap3A_71 = arith.constant 0 : index
    %swap3A_72 = vector.load %arg13[%swap3A_70, %swap3A_71] : memref<2048x128xf32, #tpu.memory_space<vmem>>, vector<2048x128xf32>
    tpu.vector_store %arg13[%swap3A_70, %swap3A_71], %slice3A_69 {strides = array<i32>} : memref<2048x128xf32, #tpu.memory_space<vmem>>, vector<2048x128xf32>,
    %iota3A = tpu.iota {dimensions = array<i32: 0>} : vector<2048x1xi32>
    %mul3A_73 = arith.constant 2048 : i32
    %mul3A_74 = arith.muli %arg0, %mul3A_73 : i32
    %add3A_75 = vector.broadcast %mul3A_74 : i32 to vector<2048x1xi32>
    %add3A_76 = arith.addi %iota3A, %add3A_75 : vector<2048x1xi32>
    %lt3A = arith.constant 10000 : i32
    %lt3A_77 = vector.broadcast %lt3A : i32 to vector<2048x1xi32>
    %lt3A_78 = arith.cmpi slt, %add3A_76, %lt3A_77 : vector<2048x1xi32>
    %convert_element_type3A = arith.extui %lt3A_78 : vector<2048x1xi1> to vector<2048x1xi32>
    %convert_element_type3A_79 = arith.sitofp %convert_element_type3A : vector<2048x1xi32> to vector<2048x1xf32>
    %mul3A_80 = vector.broadcast %convert_element_type3A_79 : vector<2048x1xf32> to vector<2048x512xf32>
    %mul3A_81 = arith.mulf %max3A_57, %mul3A_80 : vector<2048x512xf32>
    %reduce_sum3A = arith.constant dense<0.000000e+00> : vector<512xf32>
    %reduce_sum3A_82 = vector.multi_reduction <add>, %mul3A_81, %reduce_sum3A [0] : vector<2048x512xf32> to vector<512xf32>
    %broadcast_in_dim3A = vector.shape_cast %reduce_sum3A_82 : vector<512xf32> to vector<1x512xf32>
    %eq3A = arith.constant 0 : i32
    %eq3A_83 = arith.cmpi eq, %arg0, %eq3A : i32
    %convert_element_type3A_84 = arith.extui %eq3A_83 : i1 to i32
    %cond3A = arith.constant 0 : i32
    %cond3A_85 = arith.cmpi ne, %convert_element_type3A_84, %cond3A : i32
    scf.if %cond3A_85 {
      %broadcast_in_dim3A_104 = arith.constant 0.000000e+00 : f32
      %broadcast_in_dim3A_105 = vector.broadcast %broadcast_in_dim3A_104 : f32 to vector<1x512xf32>
      %swap3A_106 = arith.constant 0 : index
      %swap3A_107 = arith.constant 0 : index
      %swap3A_108 = vector.load %arg14[%swap3A_106, %swap3A_107] : memref<1x512xf32, #tpu.memory_space<vmem>>, vector<1x512xf32>
      tpu.vector_store %arg14[%swap3A_106, %swap3A_107], %broadcast_in_dim3A_105 {strides = array<i32>} : memref<1x512xf32, #tpu.memory_space<vmem>>, vector<1x512xf32>,
    } else {
    }
    %get3A_86 = arith.constant 0 : index
    %get3A_87 = arith.constant 0 : index
    %get3A_88 = vector.load %arg14[%get3A_86, %get3A_87] : memref<1x512xf32, #tpu.memory_space<vmem>>, vector<1x512xf32>
    %add3A_89 = arith.addf %get3A_88, %broadcast_in_dim3A : vector<1x512xf32>
    %swap3A_90 = arith.constant 0 : index
    %swap3A_91 = arith.constant 0 : index
    %swap3A_92 = vector.load %arg14[%swap3A_90, %swap3A_91] : memref<1x512xf32, #tpu.memory_space<vmem>>, vector<1x512xf32>
    tpu.vector_store %arg14[%swap3A_90, %swap3A_91], %add3A_89 {strides = array<i32>} : memref<1x512xf32, #tpu.memory_space<vmem>>, vector<1x512xf32>,
    %reshape3A = vector.shape_cast %max3A_57 : vector<2048x512xf32> to vector<16x128x512xf32>
    %get3A_93 = arith.constant 0 : index
    %get3A_94 = arith.constant 0 : index
    %get3A_95 = vector.load %arg9[%get3A_93, %get3A_94] : memref<1x512xf32, #tpu.memory_space<vmem>>, vector<1x512xf32>
    %broadcast_in_dim3A_96 = vector.shape_cast %get3A_95 : vector<1x512xf32> to vector<1x1x512xf32>
    %mul3A_97 = vector.broadcast %broadcast_in_dim3A_96 : vector<1x1x512xf32> to vector<16x128x512xf32>
    %mul3A_98 = arith.mulf %reshape3A, %mul3A_97 : vector<16x128x512xf32>
    %reduce_sum3A_99 = arith.constant dense<0.000000e+00> : vector<16x128xf32>
    %reduce_sum3A_100 = vector.multi_reduction <add>, %mul3A_98, %reduce_sum3A_99 [2] : vector<16x128x512xf32> to vector<16x128xf32>
    %swap3A_101 = arith.constant 0 : index
    %swap3A_102 = arith.constant 0 : index
    %swap3A_103 = vector.load %arg15[%swap3A_101, %swap3A_102] : memref<16x128xf32, #tpu.memory_space<vmem>>, vector<16x128xf32>
    tpu.vector_store %arg15[%swap3A_101, %swap3A_102], %reduce_sum3A_100 {strides = array<i32>} : memref<16x128xf32, #tpu.memory_space<vmem>>, vector<16x128xf32>,
    return
  }
  func.func @transform_0(%arg0: i32) -> (i32, i32) {
    %c0_i32 = arith.constant 0 : i32
    %c0_i32_0 = arith.constant 0 : i32
    return %arg0, %c0_i32 : i32, i32
  }
  func.func @transform_1(%arg0: i32) -> (i32, i32) {
    %c0_i32 = arith.constant 0 : i32
    %c0_i32_0 = arith.constant 0 : i32
    return %arg0, %c0_i32 : i32, i32
  }
  func.func @transform_2(%arg0: i32) -> (i32, i32) {
    %c0_i32 = arith.constant 0 : i32
    %c0_i32_0 = arith.constant 0 : i32
    return %arg0, %c0_i32 : i32, i32
  }
  func.func @transform_3(%arg0: i32) -> (i32, i32) {
    %c0_i32 = arith.constant 0 : i32
    %c0_i32_0 = arith.constant 0 : i32
    return %arg0, %c0_i32 : i32, i32
  }
  func.func @transform_4(%arg0: i32) -> (i32, i32) {
    %c0_i32 = arith.constant 0 : i32
    %c0_i32_0 = arith.constant 0 : i32
    return %arg0, %c0_i32 : i32, i32
  }
  func.func @transform_5(%arg0: i32) -> (i32, i32) {
    %c0_i32 = arith.constant 0 : i32
    %c0_i32_0 = arith.constant 0 : i32
    return %arg0, %c0_i32 : i32, i32
  }
  func.func @transform_6(%arg0: i32) -> (i32, i32) {
    %c0_i32 = arith.constant 0 : i32
    %c0_i32_0 = arith.constant 0 : i32
    return %arg0, %c0_i32 : i32, i32
  }
  func.func @transform_7(%arg0: i32) -> (i32, i32) {
    %c0_i32 = arith.constant 0 : i32
    %c0_i32_0 = arith.constant 0 : i32
    %c0_i32_1 = arith.constant 0 : i32
    return %c0_i32, %c0_i32_0 : i32, i32
  }
  func.func @transform_8(%arg0: i32) -> (i32, i32) {
    %c0_i32 = arith.constant 0 : i32
    %c0_i32_0 = arith.constant 0 : i32
    %c0_i32_1 = arith.constant 0 : i32
    return %c0_i32, %c0_i32_0 : i32, i32
  }
  func.func @transform_9(%arg0: i32) -> (i32, i32) {
    %c0_i32 = arith.constant 0 : i32
    %c0_i32_0 = arith.constant 0 : i32
    return %arg0, %c0_i32 : i32, i32
  }
  func.func @transform_10(%arg0: i32) -> (i32, i32) {
    %c0_i32 = arith.constant 0 : i32
    %c0_i32_0 = arith.constant 0 : i32
    return %arg0, %c0_i32 : i32, i32
  }
  func.func @transform_11(%arg0: i32) -> (i32, i32) {
    %c0_i32 = arith.constant 0 : i32
    %c0_i32_0 = arith.constant 0 : i32
    return %arg0, %c0_i32 : i32, i32
  }
  func.func @transform_12(%arg0: i32) -> (i32, i32) {
    %c0_i32 = arith.constant 0 : i32
    %c0_i32_0 = arith.constant 0 : i32
    return %arg0, %c0_i32 : i32, i32
  }
  func.func @transform_13(%arg0: i32) -> (i32, i32) {
    %c0_i32 = arith.constant 0 : i32
    %c0_i32_0 = arith.constant 0 : i32
    %c0_i32_1 = arith.constant 0 : i32
    return %c0_i32, %c0_i32_0 : i32, i32
  }
  func.func @transform_14(%arg0: i32) -> (i32, i32) {
    %c0_i32 = arith.constant 0 : i32
    %c0_i32_0 = arith.constant 0 : i32
    return %arg0, %c0_i32 : i32, i32
  }
}

module attributes {stable_mosaic.version = 14 : i64} {
  func.func @_topk_scale_body(%arg0: i32, %arg1: memref<80x128xf32, #tpu.memory_space<vmem>>, %arg2: memref<1x512xf32, #tpu.memory_space<vmem>>, %arg3: memref<2048x128xf32, #tpu.memory_space<vmem>>, %arg4: memref<2048x128xf32, #tpu.memory_space<vmem>>, %arg5: memref<2048x128xf32, #tpu.memory_space<vmem>>, %arg6: memref<2048x128xf32, #tpu.memory_space<vmem>>, %arg7: memref<2048x128xf32, #tpu.memory_space<vmem>>, %arg8: memref<2048x128xf32, #tpu.memory_space<vmem>>, %arg9: memref<2048x128xf32, #tpu.memory_space<vmem>>, %arg10: memref<2048x128xf32, #tpu.memory_space<vmem>>, %arg11: memref<2048x128xf32, #tpu.memory_space<vmem>>, %arg12: memref<80x128xf32, #tpu.memory_space<vmem>>, %arg13: memref<80x128xf32, #tpu.memory_space<vmem>>, %arg14: memref<80x128xf32, #tpu.memory_space<vmem>>) attributes {dimension_semantics = [#tpu.dimension_semantics<arbitrary>], iteration_bounds = array<i64: 5>, scalar_prefetch = 0 : i64, scratch_operands = 2 : i64, tpu.core_type = #tpu.core_type<tc>, window_params = [{pipeline_mode = #tpu.pipeline_mode<synchronous>, transform_indices = @transform_0, window_bounds = array<i64: 80, 128>}, {pipeline_mode = #tpu.pipeline_mode<synchronous>, transform_indices = @transform_1, window_bounds = array<i64: 1, 512>}, {transform_indices = @transform_2, window_bounds = array<i64: 2048, 128>}, {transform_indices = @transform_3, window_bounds = array<i64: 2048, 128>}, {transform_indices = @transform_4, window_bounds = array<i64: 2048, 128>}, {transform_indices = @transform_5, window_bounds = array<i64: 2048, 128>}, {transform_indices = @transform_6, window_bounds = array<i64: 2048, 128>}, {transform_indices = @transform_7, window_bounds = array<i64: 2048, 128>}, {transform_indices = @transform_8, window_bounds = array<i64: 2048, 128>}, {transform_indices = @transform_9, window_bounds = array<i64: 2048, 128>}, {transform_indices = @transform_10, window_bounds = array<i64: 2048, 128>}, {pipeline_mode = #tpu.pipeline_mode<synchronous>, transform_indices = @transform_11, window_bounds = array<i64: 80, 128>}]} {
    %eq3A = arith.constant 0 : i32
    %eq3A_0 = arith.cmpi eq, %arg0, %eq3A : i32
    %convert_element_type3A = arith.extui %eq3A_0 : i1 to i32
    %cond3A = arith.constant 0 : i32
    %cond3A_1 = arith.cmpi ne, %convert_element_type3A, %cond3A : i32
    scf.if %cond3A_1 {
      %get3A_59 = arith.constant 0 : index
      %get3A_60 = arith.constant 0 : index
      %get3A_61 = vector.load %arg2[%get3A_59, %get3A_60] : memref<1x512xf32, #tpu.memory_space<vmem>>, vector<1x512xf32>
      %mul3A_62 = arith.mulf %get3A_61, %get3A_61 : vector<1x512xf32>
      %reduce_sum3A = vector.shape_cast %mul3A_62 : vector<1x512xf32> to vector<1x1x512xf32>
      %reduce_sum3A_63 = arith.constant dense<0.000000e+00> : vector<1xf32>
      %reduce_sum3A_64 = vector.multi_reduction <add>, %reduce_sum3A, %reduce_sum3A_63 [1, 2] : vector<1x1x512xf32> to vector<1xf32>
      %reduce_sum3A_65 = vector.shape_cast %reduce_sum3A_64 : vector<1xf32> to vector<1x1x1xf32>
      %reduce_sum3A_66 = vector.extract %reduce_sum3A_65[0, 0, 0] : f32 from vector<1x1x1xf32>
      %rsqrt3A = math.rsqrt %reduce_sum3A_66 : f32
      %get3A_67 = arith.constant 0 : index
      %get3A_68 = arith.constant 0 : index
      %get3A_69 = vector.load %arg1[%get3A_67, %get3A_68] : memref<80x128xf32, #tpu.memory_space<vmem>>, vector<80x128xf32>
      %mul3A_70 = vector.broadcast %rsqrt3A : f32 to vector<80x128xf32>
      %mul3A_71 = arith.mulf %get3A_69, %mul3A_70 : vector<80x128xf32>
      %tanh3A = math.tanh %mul3A_71 : vector<80x128xf32>
      %iota3A_72 = tpu.iota {dimensions = array<i32: 0>} : vector<80x128xi32>
      %mul3A_73 = arith.constant 128 : i32
      %mul3A_74 = vector.broadcast %mul3A_73 : i32 to vector<80x128xi32>
      %mul3A_75 = arith.muli %iota3A_72, %mul3A_74 : vector<80x128xi32>
      %iota3A_76 = tpu.iota {dimensions = array<i32: 1>} : vector<80x128xi32>
      %add3A = arith.addi %mul3A_75, %iota3A_76 : vector<80x128xi32>
      %lt3A = arith.constant 10000 : i32
      %lt3A_77 = vector.broadcast %lt3A : i32 to vector<80x128xi32>
      %lt3A_78 = arith.cmpi slt, %add3A, %lt3A_77 : vector<80x128xi32>
      %bitcast_convert_type3A = tpu.bitcast %tanh3A : vector<80x128xf32> -> vector<80x128xi32>
      %lt3A_79 = arith.constant 0 : i32
      %lt3A_80 = vector.broadcast %lt3A_79 : i32 to vector<80x128xi32>
      %lt3A_81 = arith.cmpi slt, %bitcast_convert_type3A, %lt3A_80 : vector<80x128xi32>
      %not3A = arith.constant dense<-1> : vector<80x128xi32>
      %not3A_82 = arith.xori %bitcast_convert_type3A, %not3A : vector<80x128xi32>
      %or3A = arith.constant -2147483648 : i32
      %or3A_83 = vector.broadcast %or3A : i32 to vector<80x128xi32>
      %or3A_84 = arith.ori %bitcast_convert_type3A, %or3A_83 : vector<80x128xi32>
      %select_n3A_85 = arith.select %lt3A_81, %not3A_82, %or3A_84 : vector<80x128xi1>, vector<80x128xi32>
      %xor3A = arith.constant -2147483648 : i32
      %xor3A_86 = vector.broadcast %xor3A : i32 to vector<80x128xi32>
      %xor3A_87 = arith.xori %select_n3A_85, %xor3A_86 : vector<80x128xi32>
      %jit3A_88 = arith.constant -2147483648 : i32
      %broadcast_in_dim3A_89 = vector.broadcast %jit3A_88 : i32 to vector<80x128xi32>
      %select_n3A_90 = arith.select %lt3A_78, %xor3A_87, %broadcast_in_dim3A_89 : vector<80x128xi1>, vector<80x128xi32>
      %scan3A = arith.constant -2147483648 : i32
      %scan3A_91 = arith.constant 0 : i32
      %scan3A_92 = arith.constant 0 : i32
      %scan3A_93 = arith.constant 32 : i32
      %scan3A_94 = arith.addi %scan3A_92, %scan3A_93 : i32
      %scan3A_95 = arith.constant 1 : i32
      %scan3A_96 = scf.for %scan3A_208 = %scan3A_92 to %scan3A_94 step %scan3A_95 iter_args(%scan3A_209 = %scan3A_91) -> (i32)  : i32 {
        %sub3A_210 = arith.constant 31 : i32
        %sub3A_211 = arith.subi %sub3A_210, %scan3A_208 : i32
        %shift_left3A = arith.constant 1 : i32
        %shift_left3A_212 = arith.shli %shift_left3A, %sub3A_211 : i32
        %or3A_213 = arith.ori %scan3A_209, %shift_left3A_212 : i32
        %xor3A_214 = arith.xori %or3A_213, %scan3A : i32
        %ge3A = vector.broadcast %xor3A_214 : i32 to vector<80x128xi32>
        %ge3A_215 = arith.cmpi sge, %select_n3A_90, %ge3A : vector<80x128xi32>
        %jit3A_216 = arith.constant 1 : i32
        %jit3A_217 = arith.constant 0 : i32
        %broadcast_in_dim3A_218 = vector.broadcast %jit3A_216 : i32 to vector<80x128xi32>
        %broadcast_in_dim3A_219 = vector.broadcast %jit3A_217 : i32 to vector<80x128xi32>
        %select_n3A_220 = arith.select %ge3A_215, %broadcast_in_dim3A_218, %broadcast_in_dim3A_219 : vector<80x128xi1>, vector<80x128xi32>
        %reduce_sum3A_221 = vector.shape_cast %select_n3A_220 : vector<80x128xi32> to vector<1x80x128xi32>
        %reduce_sum3A_222 = arith.constant dense<0> : vector<1xi32>
        %reduce_sum3A_223 = vector.multi_reduction <add>, %reduce_sum3A_221, %reduce_sum3A_222 [1, 2] : vector<1x80x128xi32> to vector<1xi32>
        %reduce_sum3A_224 = vector.shape_cast %reduce_sum3A_223 : vector<1xi32> to vector<1x1x1xi32>
        %reduce_sum3A_225 = vector.extract %reduce_sum3A_224[0, 0, 0] : i32 from vector<1x1x1xi32>
        %ge3A_226 = arith.constant 8000 : i32
        %ge3A_227 = arith.cmpi sge, %reduce_sum3A_225, %ge3A_226 : i32
        %select_n3A_228 = arith.select %ge3A_227, %or3A_213, %scan3A_209 : i32
        scf.yield %select_n3A_228 : i32
      }
      %scan3A_97 = arith.constant 32 : i32
      %xor3A_98 = arith.constant -2147483648 : i32
      %xor3A_99 = arith.xori %scan3A_96, %xor3A_98 : i32
      %gt3A = vector.broadcast %xor3A_99 : i32 to vector<80x128xi32>
      %gt3A_100 = arith.cmpi sgt, %select_n3A_90, %gt3A : vector<80x128xi32>
      %jit3A_101 = arith.constant 1 : i32
      %jit3A_102 = arith.constant 0 : i32
      %broadcast_in_dim3A_103 = vector.broadcast %jit3A_101 : i32 to vector<80x128xi32>
      %broadcast_in_dim3A_104 = vector.broadcast %jit3A_102 : i32 to vector<80x128xi32>
      %select_n3A_105 = arith.select %gt3A_100, %broadcast_in_dim3A_103, %broadcast_in_dim3A_104 : vector<80x128xi1>, vector<80x128xi32>
      %reduce_sum3A_106 = vector.shape_cast %select_n3A_105 : vector<80x128xi32> to vector<1x80x128xi32>
      %reduce_sum3A_107 = arith.constant dense<0> : vector<1xi32>
      %reduce_sum3A_108 = vector.multi_reduction <add>, %reduce_sum3A_106, %reduce_sum3A_107 [1, 2] : vector<1x80x128xi32> to vector<1xi32>
      %reduce_sum3A_109 = vector.shape_cast %reduce_sum3A_108 : vector<1xi32> to vector<1x1x1xi32>
      %reduce_sum3A_110 = vector.extract %reduce_sum3A_109[0, 0, 0] : i32 from vector<1x1x1xi32>
      %sub3A = arith.constant 8000 : i32
      %sub3A_111 = arith.subi %sub3A, %reduce_sum3A_110 : i32
      %eq3A_112 = vector.broadcast %xor3A_99 : i32 to vector<80x128xi32>
      %eq3A_113 = arith.cmpi eq, %select_n3A_90, %eq3A_112 : vector<80x128xi32>
      %convert_element_type3A_114 = arith.extui %eq3A_113 : vector<80x128xi1> to vector<80x128xi32>
      %broadcast_in_dim3A_115 = arith.constant 0 : i32
      %broadcast_in_dim3A_116 = vector.broadcast %broadcast_in_dim3A_115 : i32 to vector<80x1xi32>
      %slice3A = vector.extract_strided_slice %convert_element_type3A_114 {offsets = [0, 0], sizes = [80, 127], strides = [1, 1]} : vector<80x128xi32> to vector<80x127xi32>
      %concatenate3A = tpu.concatenate %broadcast_in_dim3A_116, %slice3A in 1 : vector<80x1xi32>, vector<80x127xi32> -> vector<80x128xi32>
      %add3A_117 = arith.addi %convert_element_type3A_114, %concatenate3A : vector<80x128xi32>
      %broadcast_in_dim3A_118 = arith.constant 0 : i32
      %broadcast_in_dim3A_119 = vector.broadcast %broadcast_in_dim3A_118 : i32 to vector<80x2xi32>
      %slice3A_120 = vector.extract_strided_slice %add3A_117 {offsets = [0, 0], sizes = [80, 126], strides = [1, 1]} : vector<80x128xi32> to vector<80x126xi32>
      %concatenate3A_121 = tpu.concatenate %broadcast_in_dim3A_119, %slice3A_120 in 1 : vector<80x2xi32>, vector<80x126xi32> -> vector<80x128xi32>
      %add3A_122 = arith.addi %add3A_117, %concatenate3A_121 : vector<80x128xi32>
      %broadcast_in_dim3A_123 = arith.constant 0 : i32
      %broadcast_in_dim3A_124 = vector.broadcast %broadcast_in_dim3A_123 : i32 to vector<80x4xi32>
      %slice3A_125 = vector.extract_strided_slice %add3A_122 {offsets = [0, 0], sizes = [80, 124], strides = [1, 1]} : vector<80x128xi32> to vector<80x124xi32>
      %concatenate3A_126 = tpu.concatenate %broadcast_in_dim3A_124, %slice3A_125 in 1 : vector<80x4xi32>, vector<80x124xi32> -> vector<80x128xi32>
      %add3A_127 = arith.addi %add3A_122, %concatenate3A_126 : vector<80x128xi32>
      %broadcast_in_dim3A_128 = arith.constant 0 : i32
      %broadcast_in_dim3A_129 = vector.broadcast %broadcast_in_dim3A_128 : i32 to vector<80x8xi32>
      %slice3A_130 = vector.extract_strided_slice %add3A_127 {offsets = [0, 0], sizes = [80, 120], strides = [1, 1]} : vector<80x128xi32> to vector<80x120xi32>
      %concatenate3A_131 = tpu.concatenate %broadcast_in_dim3A_129, %slice3A_130 in 1 : vector<80x8xi32>, vector<80x120xi32> -> vector<80x128xi32>
      %add3A_132 = arith.addi %add3A_127, %concatenate3A_131 : vector<80x128xi32>
      %broadcast_in_dim3A_133 = arith.constant 0 : i32
      %broadcast_in_dim3A_134 = vector.broadcast %broadcast_in_dim3A_133 : i32 to vector<80x16xi32>
      %slice3A_135 = vector.extract_strided_slice %add3A_132 {offsets = [0, 0], sizes = [80, 112], strides = [1, 1]} : vector<80x128xi32> to vector<80x112xi32>
      %concatenate3A_136 = tpu.concatenate %broadcast_in_dim3A_134, %slice3A_135 in 1 : vector<80x16xi32>, vector<80x112xi32> -> vector<80x128xi32>
      %add3A_137 = arith.addi %add3A_132, %concatenate3A_136 : vector<80x128xi32>
      %broadcast_in_dim3A_138 = arith.constant 0 : i32
      %broadcast_in_dim3A_139 = vector.broadcast %broadcast_in_dim3A_138 : i32 to vector<80x32xi32>
      %slice3A_140 = vector.extract_strided_slice %add3A_137 {offsets = [0, 0], sizes = [80, 96], strides = [1, 1]} : vector<80x128xi32> to vector<80x96xi32>
      %concatenate3A_141 = tpu.concatenate %broadcast_in_dim3A_139, %slice3A_140 in 1 : vector<80x32xi32>, vector<80x96xi32> -> vector<80x128xi32>
      %add3A_142 = arith.addi %add3A_137, %concatenate3A_141 : vector<80x128xi32>
      %broadcast_in_dim3A_143 = arith.constant 0 : i32
      %broadcast_in_dim3A_144 = vector.broadcast %broadcast_in_dim3A_143 : i32 to vector<80x64xi32>
      %slice3A_145 = vector.extract_strided_slice %add3A_142 {offsets = [0, 0], sizes = [80, 64], strides = [1, 1]} : vector<80x128xi32> to vector<80x64xi32>
      %concatenate3A_146 = tpu.concatenate %broadcast_in_dim3A_144, %slice3A_145 in 1 : vector<80x64xi32>, vector<80x64xi32> -> vector<80x128xi32>
      %add3A_147 = arith.addi %add3A_142, %concatenate3A_146 : vector<80x128xi32>
      %slice3A_148 = vector.extract_strided_slice %add3A_147 {offsets = [0, 127], sizes = [80, 1], strides = [1, 1]} : vector<80x128xi32> to vector<80x1xi32>
      %broadcast_in_dim3A_149 = arith.constant 0 : i32
      %broadcast_in_dim3A_150 = vector.broadcast %broadcast_in_dim3A_149 : i32 to vector<1x1xi32>
      %slice3A_151 = vector.extract_strided_slice %slice3A_148 {offsets = [0, 0], sizes = [79, 1], strides = [1, 1]} : vector<80x1xi32> to vector<79x1xi32>
      %concatenate3A_152 = tpu.concatenate %broadcast_in_dim3A_150, %slice3A_151 in 0 : vector<1x1xi32>, vector<79x1xi32> -> vector<80x1xi32>
      %add3A_153 = arith.addi %slice3A_148, %concatenate3A_152 : vector<80x1xi32>
      %broadcast_in_dim3A_154 = arith.constant 0 : i32
      %broadcast_in_dim3A_155 = vector.broadcast %broadcast_in_dim3A_154 : i32 to vector<2x1xi32>
      %slice3A_156 = vector.extract_strided_slice %add3A_153 {offsets = [0, 0], sizes = [78, 1], strides = [1, 1]} : vector<80x1xi32> to vector<78x1xi32>
      %concatenate3A_157 = tpu.concatenate %broadcast_in_dim3A_155, %slice3A_156 in 0 : vector<2x1xi32>, vector<78x1xi32> -> vector<80x1xi32>
      %add3A_158 = arith.addi %add3A_153, %concatenate3A_157 : vector<80x1xi32>
      %broadcast_in_dim3A_159 = arith.constant 0 : i32
      %broadcast_in_dim3A_160 = vector.broadcast %broadcast_in_dim3A_159 : i32 to vector<4x1xi32>
      %slice3A_161 = vector.extract_strided_slice %add3A_158 {offsets = [0, 0], sizes = [76, 1], strides = [1, 1]} : vector<80x1xi32> to vector<76x1xi32>
      %concatenate3A_162 = tpu.concatenate %broadcast_in_dim3A_160, %slice3A_161 in 0 : vector<4x1xi32>, vector<76x1xi32> -> vector<80x1xi32>
      %add3A_163 = arith.addi %add3A_158, %concatenate3A_162 : vector<80x1xi32>
      %broadcast_in_dim3A_164 = arith.constant 0 : i32
      %broadcast_in_dim3A_165 = vector.broadcast %broadcast_in_dim3A_164 : i32 to vector<8x1xi32>
      %slice3A_166 = vector.extract_strided_slice %add3A_163 {offsets = [0, 0], sizes = [72, 1], strides = [1, 1]} : vector<80x1xi32> to vector<72x1xi32>
      %concatenate3A_167 = tpu.concatenate %broadcast_in_dim3A_165, %slice3A_166 in 0 : vector<8x1xi32>, vector<72x1xi32> -> vector<80x1xi32>
      %add3A_168 = arith.addi %add3A_163, %concatenate3A_167 : vector<80x1xi32>
      %broadcast_in_dim3A_169 = arith.constant 0 : i32
      %broadcast_in_dim3A_170 = vector.broadcast %broadcast_in_dim3A_169 : i32 to vector<16x1xi32>
      %slice3A_171 = vector.extract_strided_slice %add3A_168 {offsets = [0, 0], sizes = [64, 1], strides = [1, 1]} : vector<80x1xi32> to vector<64x1xi32>
      %concatenate3A_172 = tpu.concatenate %broadcast_in_dim3A_170, %slice3A_171 in 0 : vector<16x1xi32>, vector<64x1xi32> -> vector<80x1xi32>
      %add3A_173 = arith.addi %add3A_168, %concatenate3A_172 : vector<80x1xi32>
      %broadcast_in_dim3A_174 = arith.constant 0 : i32
      %broadcast_in_dim3A_175 = vector.broadcast %broadcast_in_dim3A_174 : i32 to vector<32x1xi32>
      %slice3A_176 = vector.extract_strided_slice %add3A_173 {offsets = [0, 0], sizes = [48, 1], strides = [1, 1]} : vector<80x1xi32> to vector<48x1xi32>
      %concatenate3A_177 = tpu.concatenate %broadcast_in_dim3A_175, %slice3A_176 in 0 : vector<32x1xi32>, vector<48x1xi32> -> vector<80x1xi32>
      %add3A_178 = arith.addi %add3A_173, %concatenate3A_177 : vector<80x1xi32>
      %broadcast_in_dim3A_179 = arith.constant 0 : i32
      %broadcast_in_dim3A_180 = vector.broadcast %broadcast_in_dim3A_179 : i32 to vector<64x1xi32>
      %slice3A_181 = vector.extract_strided_slice %add3A_178 {offsets = [0, 0], sizes = [16, 1], strides = [1, 1]} : vector<80x1xi32> to vector<16x1xi32>
      %concatenate3A_182 = tpu.concatenate %broadcast_in_dim3A_180, %slice3A_181 in 0 : vector<64x1xi32>, vector<16x1xi32> -> vector<80x1xi32>
      %add3A_183 = arith.addi %add3A_178, %concatenate3A_182 : vector<80x1xi32>
      %sub3A_184 = arith.subi %add3A_183, %slice3A_148 : vector<80x1xi32>
      %sub3A_185 = arith.subi %add3A_147, %convert_element_type3A_114 : vector<80x128xi32>
      %add3A_186 = vector.broadcast %sub3A_184 : vector<80x1xi32> to vector<80x128xi32>
      %add3A_187 = arith.addi %sub3A_185, %add3A_186 : vector<80x128xi32>
      %gt3A_188 = vector.broadcast %xor3A_99 : i32 to vector<80x128xi32>
      %gt3A_189 = arith.cmpi sgt, %select_n3A_90, %gt3A_188 : vector<80x128xi32>
      %gt3A_190 = arith.constant 0 : i32
      %gt3A_191 = vector.broadcast %gt3A_190 : i32 to vector<80x128xi32>
      %gt3A_192 = arith.cmpi sgt, %convert_element_type3A_114, %gt3A_191 : vector<80x128xi32>
      %lt3A_193 = vector.broadcast %sub3A_111 : i32 to vector<80x128xi32>
      %lt3A_194 = arith.cmpi slt, %add3A_187, %lt3A_193 : vector<80x128xi32>
      %and3A = arith.andi %gt3A_192, %lt3A_194 : vector<80x128xi1>
      %or3A_195 = arith.ori %gt3A_189, %and3A : vector<80x128xi1>
      %convert_element_type3A_196 = arith.extui %or3A_195 : vector<80x128xi1> to vector<80x128xi32>
      %convert_element_type3A_197 = arith.sitofp %convert_element_type3A_196 : vector<80x128xi32> to vector<80x128xf32>
      %swap3A_198 = arith.constant 0 : index
      %swap3A_199 = arith.constant 0 : index
      %swap3A_200 = vector.load %arg13[%swap3A_198, %swap3A_199] : memref<80x128xf32, #tpu.memory_space<vmem>>, vector<80x128xf32>
      tpu.vector_store %arg13[%swap3A_198, %swap3A_199], %convert_element_type3A_197 {strides = array<i32>} : memref<80x128xf32, #tpu.memory_space<vmem>>, vector<80x128xf32>,
      %mul3A_201 = arith.mulf %tanh3A, %convert_element_type3A_197 : vector<80x128xf32>
      %swap3A_202 = arith.constant 0 : index
      %swap3A_203 = arith.constant 0 : index
      %swap3A_204 = vector.load %arg14[%swap3A_202, %swap3A_203] : memref<80x128xf32, #tpu.memory_space<vmem>>, vector<80x128xf32>
      tpu.vector_store %arg14[%swap3A_202, %swap3A_203], %mul3A_201 {strides = array<i32>} : memref<80x128xf32, #tpu.memory_space<vmem>>, vector<80x128xf32>,
      %swap3A_205 = arith.constant 0 : index
      %swap3A_206 = arith.constant 0 : index
      %swap3A_207 = vector.load %arg12[%swap3A_205, %swap3A_206] : memref<80x128xf32, #tpu.memory_space<vmem>>, vector<80x128xf32>
      tpu.vector_store %arg12[%swap3A_205, %swap3A_206], %convert_element_type3A_197 {strides = array<i32>} : memref<80x128xf32, #tpu.memory_space<vmem>>, vector<80x128xf32>,
    } else {
    }
    %mul3A = arith.constant 16 : i32
    %mul3A_2 = arith.muli %arg0, %mul3A : i32
    %get3A = arith.index_cast %mul3A_2 : i32 to index
    %get3A_3 = arith.constant 0 : index
    %get3A_4 = vector.load %arg14[%get3A, %get3A_3] : memref<80x128xf32, #tpu.memory_space<vmem>>, vector<16x128xf32>
    %broadcast_in_dim3A = vector.shape_cast %get3A_4 : vector<16x128xf32> to vector<16x128x1xf32>
    %mul3A_5 = arith.constant 16 : i32
    %mul3A_6 = arith.muli %arg0, %mul3A_5 : i32
    %get3A_7 = arith.index_cast %mul3A_6 : i32 to index
    %get3A_8 = arith.constant 0 : index
    %get3A_9 = vector.load %arg13[%get3A_7, %get3A_8] : memref<80x128xf32, #tpu.memory_space<vmem>>, vector<16x128xf32>
    %broadcast_in_dim3A_10 = vector.shape_cast %get3A_9 : vector<16x128xf32> to vector<16x128x1xf32>
    %get3A_11 = arith.constant 0 : index
    %get3A_12 = arith.constant 0 : index
    %get3A_13 = vector.load %arg3[%get3A_11, %get3A_12] : memref<2048x128xf32, #tpu.memory_space<vmem>>, vector<2048x128xf32>
    %reshape3A = vector.shape_cast %get3A_13 : vector<2048x128xf32> to vector<16x128x128xf32>
    %mul3A_14 = vector.broadcast %broadcast_in_dim3A : vector<16x128x1xf32> to vector<16x128x128xf32>
    %mul3A_15 = arith.mulf %reshape3A, %mul3A_14 : vector<16x128x128xf32>
    %reshape3A_16 = vector.shape_cast %mul3A_15 : vector<16x128x128xf32> to vector<2048x128xf32>
    %swap3A = arith.constant 0 : index
    %swap3A_17 = arith.constant 0 : index
    %swap3A_18 = vector.load %arg7[%swap3A, %swap3A_17] : memref<2048x128xf32, #tpu.memory_space<vmem>>, vector<2048x128xf32>
    tpu.vector_store %arg7[%swap3A, %swap3A_17], %reshape3A_16 {strides = array<i32>} : memref<2048x128xf32, #tpu.memory_space<vmem>>, vector<2048x128xf32>,
    %get3A_19 = arith.constant 0 : index
    %get3A_20 = arith.constant 0 : index
    %get3A_21 = vector.load %arg4[%get3A_19, %get3A_20] : memref<2048x128xf32, #tpu.memory_space<vmem>>, vector<2048x128xf32>
    %reshape3A_22 = vector.shape_cast %get3A_21 : vector<2048x128xf32> to vector<16x128x128xf32>
    %mul3A_23 = vector.broadcast %broadcast_in_dim3A : vector<16x128x1xf32> to vector<16x128x128xf32>
    %mul3A_24 = arith.mulf %reshape3A_22, %mul3A_23 : vector<16x128x128xf32>
    %reshape3A_25 = vector.shape_cast %mul3A_24 : vector<16x128x128xf32> to vector<2048x128xf32>
    %swap3A_26 = arith.constant 0 : index
    %swap3A_27 = arith.constant 0 : index
    %swap3A_28 = vector.load %arg8[%swap3A_26, %swap3A_27] : memref<2048x128xf32, #tpu.memory_space<vmem>>, vector<2048x128xf32>
    tpu.vector_store %arg8[%swap3A_26, %swap3A_27], %reshape3A_25 {strides = array<i32>} : memref<2048x128xf32, #tpu.memory_space<vmem>>, vector<2048x128xf32>,
    %get3A_29 = arith.constant 0 : index
    %get3A_30 = arith.constant 0 : index
    %get3A_31 = vector.load %arg5[%get3A_29, %get3A_30] : memref<2048x128xf32, #tpu.memory_space<vmem>>, vector<2048x128xf32>
    %reshape3A_32 = vector.shape_cast %get3A_31 : vector<2048x128xf32> to vector<16x128x128xf32>
    %mul3A_33 = vector.broadcast %broadcast_in_dim3A : vector<16x128x1xf32> to vector<16x128x128xf32>
    %mul3A_34 = arith.mulf %reshape3A_32, %mul3A_33 : vector<16x128x128xf32>
    %reshape3A_35 = vector.shape_cast %mul3A_34 : vector<16x128x128xf32> to vector<2048x128xf32>
    %swap3A_36 = arith.constant 0 : index
    %swap3A_37 = arith.constant 0 : index
    %swap3A_38 = vector.load %arg9[%swap3A_36, %swap3A_37] : memref<2048x128xf32, #tpu.memory_space<vmem>>, vector<2048x128xf32>
    tpu.vector_store %arg9[%swap3A_36, %swap3A_37], %reshape3A_35 {strides = array<i32>} : memref<2048x128xf32, #tpu.memory_space<vmem>>, vector<2048x128xf32>,
    %get3A_39 = arith.constant 0 : index
    %get3A_40 = arith.constant 0 : index
    %get3A_41 = vector.load %arg6[%get3A_39, %get3A_40] : memref<2048x128xf32, #tpu.memory_space<vmem>>, vector<2048x128xf32>
    %reshape3A_42 = vector.shape_cast %get3A_41 : vector<2048x128xf32> to vector<16x128x128xf32>
    %mul3A_43 = vector.broadcast %broadcast_in_dim3A : vector<16x128x1xf32> to vector<16x128x128xf32>
    %mul3A_44 = arith.mulf %reshape3A_42, %mul3A_43 : vector<16x128x128xf32>
    %reshape3A_45 = vector.shape_cast %mul3A_44 : vector<16x128x128xf32> to vector<2048x128xf32>
    %swap3A_46 = arith.constant 0 : index
    %swap3A_47 = arith.constant 0 : index
    %swap3A_48 = vector.load %arg10[%swap3A_46, %swap3A_47] : memref<2048x128xf32, #tpu.memory_space<vmem>>, vector<2048x128xf32>
    tpu.vector_store %arg10[%swap3A_46, %swap3A_47], %reshape3A_45 {strides = array<i32>} : memref<2048x128xf32, #tpu.memory_space<vmem>>, vector<2048x128xf32>,
    %iota3A = tpu.iota {dimensions = array<i32: 2>} : vector<16x128x128xi32>
    %eq3A_49 = arith.constant 0 : i32
    %eq3A_50 = vector.broadcast %eq3A_49 : i32 to vector<16x128x128xi32>
    %eq3A_51 = arith.cmpi eq, %iota3A, %eq3A_50 : vector<16x128x128xi32>
    %jit3A = arith.constant 0.000000e+00 : f32
    %broadcast_in_dim3A_52 = vector.shape_cast %broadcast_in_dim3A_10 : vector<16x128x1xf32> to vector<16x128x1xf32>
    %broadcast_in_dim3A_53 = vector.broadcast %broadcast_in_dim3A_52 : vector<16x128x1xf32> to vector<16x128x128xf32>
    %broadcast_in_dim3A_54 = vector.broadcast %jit3A : f32 to vector<16x128x128xf32>
    %select_n3A = arith.select %eq3A_51, %broadcast_in_dim3A_53, %broadcast_in_dim3A_54 : vector<16x128x128xi1>, vector<16x128x128xf32>
    %reshape3A_55 = vector.shape_cast %select_n3A : vector<16x128x128xf32> to vector<2048x128xf32>
    %swap3A_56 = arith.constant 0 : index
    %swap3A_57 = arith.constant 0 : index
    %swap3A_58 = vector.load %arg11[%swap3A_56, %swap3A_57] : memref<2048x128xf32, #tpu.memory_space<vmem>>, vector<2048x128xf32>
    tpu.vector_store %arg11[%swap3A_56, %swap3A_57], %reshape3A_55 {strides = array<i32>} : memref<2048x128xf32, #tpu.memory_space<vmem>>, vector<2048x128xf32>,
    return
  }
  func.func @transform_0(%arg0: i32) -> (i32, i32) {
    %c0_i32 = arith.constant 0 : i32
    %c0_i32_0 = arith.constant 0 : i32
    %c0_i32_1 = arith.constant 0 : i32
    return %c0_i32, %c0_i32_0 : i32, i32
  }
  func.func @transform_1(%arg0: i32) -> (i32, i32) {
    %c0_i32 = arith.constant 0 : i32
    %c0_i32_0 = arith.constant 0 : i32
    %c0_i32_1 = arith.constant 0 : i32
    return %c0_i32, %c0_i32_0 : i32, i32
  }
  func.func @transform_2(%arg0: i32) -> (i32, i32) {
    %c0_i32 = arith.constant 0 : i32
    %c0_i32_0 = arith.constant 0 : i32
    return %arg0, %c0_i32 : i32, i32
  }
  func.func @transform_3(%arg0: i32) -> (i32, i32) {
    %c0_i32 = arith.constant 0 : i32
    %c0_i32_0 = arith.constant 0 : i32
    return %arg0, %c0_i32 : i32, i32
  }
  func.func @transform_4(%arg0: i32) -> (i32, i32) {
    %c0_i32 = arith.constant 0 : i32
    %c0_i32_0 = arith.constant 0 : i32
    return %arg0, %c0_i32 : i32, i32
  }
  func.func @transform_5(%arg0: i32) -> (i32, i32) {
    %c0_i32 = arith.constant 0 : i32
    %c0_i32_0 = arith.constant 0 : i32
    return %arg0, %c0_i32 : i32, i32
  }
  func.func @transform_6(%arg0: i32) -> (i32, i32) {
    %c0_i32 = arith.constant 0 : i32
    %c0_i32_0 = arith.constant 0 : i32
    return %arg0, %c0_i32 : i32, i32
  }
  func.func @transform_7(%arg0: i32) -> (i32, i32) {
    %c0_i32 = arith.constant 0 : i32
    %c0_i32_0 = arith.constant 0 : i32
    return %arg0, %c0_i32 : i32, i32
  }
  func.func @transform_8(%arg0: i32) -> (i32, i32) {
    %c0_i32 = arith.constant 0 : i32
    %c0_i32_0 = arith.constant 0 : i32
    return %arg0, %c0_i32 : i32, i32
  }
  func.func @transform_9(%arg0: i32) -> (i32, i32) {
    %c0_i32 = arith.constant 0 : i32
    %c0_i32_0 = arith.constant 0 : i32
    return %arg0, %c0_i32 : i32, i32
  }
  func.func @transform_10(%arg0: i32) -> (i32, i32) {
    %c0_i32 = arith.constant 0 : i32
    %c0_i32_0 = arith.constant 0 : i32
    return %arg0, %c0_i32 : i32, i32
  }
  func.func @transform_11(%arg0: i32) -> (i32, i32) {
    %c0_i32 = arith.constant 0 : i32
    %c0_i32_0 = arith.constant 0 : i32
    %c0_i32_1 = arith.constant 0 : i32
    return %c0_i32, %c0_i32_0 : i32, i32
  }
}

module attributes {stable_mosaic.version = 14 : i64} {
  func.func @body(%arg0: i32, %arg1: memref<2048x128xf32, #tpu.memory_space<vmem>>, %arg2: memref<2048x128xf32, #tpu.memory_space<vmem>>, %arg3: memref<2048x128xf32, #tpu.memory_space<vmem>>, %arg4: memref<2048x128xf32, #tpu.memory_space<vmem>>, %arg5: memref<2048x128xf32, #tpu.memory_space<vmem>>, %arg6: memref<2048x128xf32, #tpu.memory_space<vmem>>, %arg7: memref<2048x512xf32, #tpu.memory_space<vmem>>, %arg8: memref<512x512xf32, #tpu.memory_space<vmem>>, %arg9: memref<1x512xf32, #tpu.memory_space<vmem>>, %arg10: memref<16x128xf32, #tpu.memory_space<vmem>>, %arg11: memref<1x512xf32, #tpu.memory_space<vmem>>) attributes {dimension_semantics = [#tpu.dimension_semantics<arbitrary>], iteration_bounds = array<i64: 5>, scalar_prefetch = 0 : i64, scratch_operands = 0 : i64, tpu.core_type = #tpu.core_type<tc>, window_params = [{transform_indices = @transform_0, window_bounds = array<i64: 2048, 128>}, {transform_indices = @transform_1, window_bounds = array<i64: 2048, 128>}, {transform_indices = @transform_2, window_bounds = array<i64: 2048, 128>}, {transform_indices = @transform_3, window_bounds = array<i64: 2048, 128>}, {transform_indices = @transform_4, window_bounds = array<i64: 2048, 128>}, {transform_indices = @transform_5, window_bounds = array<i64: 2048, 128>}, {transform_indices = @transform_6, window_bounds = array<i64: 2048, 512>}, {pipeline_mode = #tpu.pipeline_mode<synchronous>, transform_indices = @transform_7, window_bounds = array<i64: 512, 512>}, {pipeline_mode = #tpu.pipeline_mode<synchronous>, transform_indices = @transform_8, window_bounds = array<i64: 1, 512>}, {transform_indices = @transform_9, window_bounds = array<i64: 16, 128>}, {pipeline_mode = #tpu.pipeline_mode<synchronous>, transform_indices = @transform_10, window_bounds = array<i64: 1, 512>}]} {
    %get3A = arith.constant 0 : index
    %get3A_0 = arith.constant 0 : index
    %get3A_1 = vector.load %arg5[%get3A, %get3A_0] : memref<2048x128xf32, #tpu.memory_space<vmem>>, vector<2048x128xf32>
    %slice3A = vector.extract_strided_slice %get3A_1 {offsets = [0, 0], sizes = [2048, 1], strides = [1, 1]} : vector<2048x128xf32> to vector<2048x1xf32>
    %get3A_2 = arith.constant 0 : index
    %get3A_3 = arith.constant 0 : index
    %get3A_4 = vector.load %arg6[%get3A_2, %get3A_3] : memref<2048x128xf32, #tpu.memory_space<vmem>>, vector<2048x128xf32>
    %slice3A_5 = vector.extract_strided_slice %get3A_4 {offsets = [0, 0], sizes = [2048, 1], strides = [1, 1]} : vector<2048x128xf32> to vector<2048x1xf32>
    %add3A = arith.addf %slice3A, %slice3A_5 : vector<2048x1xf32>
    %max3A = arith.constant 1.000000e+00 : f32
    %max3A_6 = vector.broadcast %max3A : f32 to vector<2048x1xf32>
    %max3A_7 = arith.maximumf %add3A, %max3A_6 : vector<2048x1xf32>
    %div3A = arith.constant 1.000000e+00 : f32
    %div3A_8 = vector.broadcast %div3A : f32 to vector<2048x1xf32>
    %div3A_9 = arith.divf %div3A_8, %max3A_7 : vector<2048x1xf32>
    %get3A_10 = arith.constant 0 : index
    %get3A_11 = arith.constant 0 : index
    %get3A_12 = vector.load %arg7[%get3A_10, %get3A_11] : memref<2048x512xf32, #tpu.memory_space<vmem>>, vector<2048x512xf32>
    %get3A_13 = arith.constant 0 : index
    %get3A_14 = arith.constant 0 : index
    %get3A_15 = vector.load %arg1[%get3A_13, %get3A_14] : memref<2048x128xf32, #tpu.memory_space<vmem>>, vector<2048x128xf32>
    %mul3A = vector.broadcast %div3A_9 : vector<2048x1xf32> to vector<2048x128xf32>
    %mul3A_16 = arith.mulf %get3A_15, %mul3A : vector<2048x128xf32>
    %get3A_17 = arith.constant 0 : index
    %get3A_18 = arith.constant 0 : index
    %get3A_19 = vector.load %arg8[%get3A_17, %get3A_18] : memref<512x512xf32, #tpu.memory_space<vmem>>, vector<128x512xf32>
    %dot_general3A = arith.constant dense<0.000000e+00> : vector<2048x512xf32>
    %dot_general3A_20 = tpu.matmul %mul3A_16, %get3A_19, %dot_general3A {dimension_numbers = #tpu.dot_dimension_numbers<[1], [0], [0], [1], [0, 0, 1, 1], [], []>, transpose_lhs_hint = false} : vector<2048x128xf32>, vector<128x512xf32>, vector<2048x512xf32> -> vector<2048x512xf32>
    %add3A_21 = arith.addf %get3A_12, %dot_general3A_20 : vector<2048x512xf32>
    %get3A_22 = arith.constant 0 : index
    %get3A_23 = arith.constant 0 : index
    %get3A_24 = vector.load %arg2[%get3A_22, %get3A_23] : memref<2048x128xf32, #tpu.memory_space<vmem>>, vector<2048x128xf32>
    %mul3A_25 = vector.broadcast %div3A_9 : vector<2048x1xf32> to vector<2048x128xf32>
    %mul3A_26 = arith.mulf %get3A_24, %mul3A_25 : vector<2048x128xf32>
    %get3A_27 = arith.constant 128 : index
    %get3A_28 = arith.constant 0 : index
    %get3A_29 = vector.load %arg8[%get3A_27, %get3A_28] : memref<512x512xf32, #tpu.memory_space<vmem>>, vector<128x512xf32>
    %dot_general3A_30 = arith.constant dense<0.000000e+00> : vector<2048x512xf32>
    %dot_general3A_31 = tpu.matmul %mul3A_26, %get3A_29, %dot_general3A_30 {dimension_numbers = #tpu.dot_dimension_numbers<[1], [0], [0], [1], [0, 0, 1, 1], [], []>, transpose_lhs_hint = false} : vector<2048x128xf32>, vector<128x512xf32>, vector<2048x512xf32> -> vector<2048x512xf32>
    %add3A_32 = arith.addf %add3A_21, %dot_general3A_31 : vector<2048x512xf32>
    %get3A_33 = arith.constant 0 : index
    %get3A_34 = arith.constant 0 : index
    %get3A_35 = vector.load %arg3[%get3A_33, %get3A_34] : memref<2048x128xf32, #tpu.memory_space<vmem>>, vector<2048x128xf32>
    %mul3A_36 = vector.broadcast %div3A_9 : vector<2048x1xf32> to vector<2048x128xf32>
    %mul3A_37 = arith.mulf %get3A_35, %mul3A_36 : vector<2048x128xf32>
    %get3A_38 = arith.constant 256 : index
    %get3A_39 = arith.constant 0 : index
    %get3A_40 = vector.load %arg8[%get3A_38, %get3A_39] : memref<512x512xf32, #tpu.memory_space<vmem>>, vector<128x512xf32>
    %dot_general3A_41 = arith.constant dense<0.000000e+00> : vector<2048x512xf32>
    %dot_general3A_42 = tpu.matmul %mul3A_37, %get3A_40, %dot_general3A_41 {dimension_numbers = #tpu.dot_dimension_numbers<[1], [0], [0], [1], [0, 0, 1, 1], [], []>, transpose_lhs_hint = false} : vector<2048x128xf32>, vector<128x512xf32>, vector<2048x512xf32> -> vector<2048x512xf32>
    %add3A_43 = arith.addf %add3A_32, %dot_general3A_42 : vector<2048x512xf32>
    %get3A_44 = arith.constant 0 : index
    %get3A_45 = arith.constant 0 : index
    %get3A_46 = vector.load %arg4[%get3A_44, %get3A_45] : memref<2048x128xf32, #tpu.memory_space<vmem>>, vector<2048x128xf32>
    %mul3A_47 = vector.broadcast %div3A_9 : vector<2048x1xf32> to vector<2048x128xf32>
    %mul3A_48 = arith.mulf %get3A_46, %mul3A_47 : vector<2048x128xf32>
    %get3A_49 = arith.constant 384 : index
    %get3A_50 = arith.constant 0 : index
    %get3A_51 = vector.load %arg8[%get3A_49, %get3A_50] : memref<512x512xf32, #tpu.memory_space<vmem>>, vector<128x512xf32>
    %dot_general3A_52 = arith.constant dense<0.000000e+00> : vector<2048x512xf32>
    %dot_general3A_53 = tpu.matmul %mul3A_48, %get3A_51, %dot_general3A_52 {dimension_numbers = #tpu.dot_dimension_numbers<[1], [0], [0], [1], [0, 0, 1, 1], [], []>, transpose_lhs_hint = false} : vector<2048x128xf32>, vector<128x512xf32>, vector<2048x512xf32> -> vector<2048x512xf32>
    %add3A_54 = arith.addf %add3A_43, %dot_general3A_53 : vector<2048x512xf32>
    %max3A_55 = arith.constant 0.000000e+00 : f32
    %max3A_56 = vector.broadcast %max3A_55 : f32 to vector<2048x512xf32>
    %max3A_57 = arith.maximumf %add3A_54, %max3A_56 : vector<2048x512xf32>
    %get3A_58 = arith.constant 0 : index
    %get3A_59 = arith.constant 0 : index
    %get3A_60 = vector.load %arg10[%get3A_58, %get3A_59] : memref<16x128xf32, #tpu.memory_space<vmem>>, vector<16x128xf32>
    %broadcast_in_dim3A = vector.shape_cast %get3A_60 : vector<16x128xf32> to vector<16x128x1xf32>
    %reshape3A = vector.shape_cast %max3A_57 : vector<2048x512xf32> to vector<16x128x512xf32>
    %mul3A_61 = vector.broadcast %broadcast_in_dim3A : vector<16x128x1xf32> to vector<16x128x512xf32>
    %mul3A_62 = arith.mulf %reshape3A, %mul3A_61 : vector<16x128x512xf32>
    %reshape3A_63 = vector.shape_cast %mul3A_62 : vector<16x128x512xf32> to vector<2048x512xf32>
    %reduce_sum3A = arith.constant dense<0.000000e+00> : vector<512xf32>
    %reduce_sum3A_64 = vector.multi_reduction <add>, %reshape3A_63, %reduce_sum3A [0] : vector<2048x512xf32> to vector<512xf32>
    %broadcast_in_dim3A_65 = vector.shape_cast %reduce_sum3A_64 : vector<512xf32> to vector<1x512xf32>
    %eq3A = arith.constant 0 : i32
    %eq3A_66 = arith.cmpi eq, %arg0, %eq3A : i32
    %convert_element_type3A = arith.extui %eq3A_66 : i1 to i32
    %cond3A = arith.constant 0 : i32
    %cond3A_67 = arith.cmpi ne, %convert_element_type3A, %cond3A : i32
    scf.if %cond3A_67 {
      %broadcast_in_dim3A_74 = arith.constant 0.000000e+00 : f32
      %broadcast_in_dim3A_75 = vector.broadcast %broadcast_in_dim3A_74 : f32 to vector<1x512xf32>
      %swap3A_76 = arith.constant 0 : index
      %swap3A_77 = arith.constant 0 : index
      %swap3A_78 = vector.load %arg11[%swap3A_76, %swap3A_77] : memref<1x512xf32, #tpu.memory_space<vmem>>, vector<1x512xf32>
      tpu.vector_store %arg11[%swap3A_76, %swap3A_77], %broadcast_in_dim3A_75 {strides = array<i32>} : memref<1x512xf32, #tpu.memory_space<vmem>>, vector<1x512xf32>,
    } else {
    }
    %get3A_68 = arith.constant 0 : index
    %get3A_69 = arith.constant 0 : index
    %get3A_70 = vector.load %arg11[%get3A_68, %get3A_69] : memref<1x512xf32, #tpu.memory_space<vmem>>, vector<1x512xf32>
    %add3A_71 = arith.addf %get3A_70, %broadcast_in_dim3A_65 : vector<1x512xf32>
    %swap3A = arith.constant 0 : index
    %swap3A_72 = arith.constant 0 : index
    %swap3A_73 = vector.load %arg11[%swap3A, %swap3A_72] : memref<1x512xf32, #tpu.memory_space<vmem>>, vector<1x512xf32>
    tpu.vector_store %arg11[%swap3A, %swap3A_72], %add3A_71 {strides = array<i32>} : memref<1x512xf32, #tpu.memory_space<vmem>>, vector<1x512xf32>,
    return
  }
  func.func @transform_0(%arg0: i32) -> (i32, i32) {
    %c0_i32 = arith.constant 0 : i32
    %c0_i32_0 = arith.constant 0 : i32
    return %arg0, %c0_i32 : i32, i32
  }
  func.func @transform_1(%arg0: i32) -> (i32, i32) {
    %c0_i32 = arith.constant 0 : i32
    %c0_i32_0 = arith.constant 0 : i32
    return %arg0, %c0_i32 : i32, i32
  }
  func.func @transform_2(%arg0: i32) -> (i32, i32) {
    %c0_i32 = arith.constant 0 : i32
    %c0_i32_0 = arith.constant 0 : i32
    return %arg0, %c0_i32 : i32, i32
  }
  func.func @transform_3(%arg0: i32) -> (i32, i32) {
    %c0_i32 = arith.constant 0 : i32
    %c0_i32_0 = arith.constant 0 : i32
    return %arg0, %c0_i32 : i32, i32
  }
  func.func @transform_4(%arg0: i32) -> (i32, i32) {
    %c0_i32 = arith.constant 0 : i32
    %c0_i32_0 = arith.constant 0 : i32
    return %arg0, %c0_i32 : i32, i32
  }
  func.func @transform_5(%arg0: i32) -> (i32, i32) {
    %c0_i32 = arith.constant 0 : i32
    %c0_i32_0 = arith.constant 0 : i32
    return %arg0, %c0_i32 : i32, i32
  }
  func.func @transform_6(%arg0: i32) -> (i32, i32) {
    %c0_i32 = arith.constant 0 : i32
    %c0_i32_0 = arith.constant 0 : i32
    return %arg0, %c0_i32 : i32, i32
  }
  func.func @transform_7(%arg0: i32) -> (i32, i32) {
    %c0_i32 = arith.constant 0 : i32
    %c0_i32_0 = arith.constant 0 : i32
    %c0_i32_1 = arith.constant 0 : i32
    return %c0_i32, %c0_i32_0 : i32, i32
  }
  func.func @transform_8(%arg0: i32) -> (i32, i32) {
    %c0_i32 = arith.constant 0 : i32
    %c0_i32_0 = arith.constant 0 : i32
    %c0_i32_1 = arith.constant 0 : i32
    return %c0_i32, %c0_i32_0 : i32, i32
  }
  func.func @transform_9(%arg0: i32) -> (i32, i32) {
    %c0_i32 = arith.constant 0 : i32
    %c0_i32_0 = arith.constant 0 : i32
    return %arg0, %c0_i32 : i32, i32
  }
  func.func @transform_10(%arg0: i32) -> (i32, i32) {
    %c0_i32 = arith.constant 0 : i32
    %c0_i32_0 = arith.constant 0 : i32
    %c0_i32_1 = arith.constant 0 : i32
    return %c0_i32, %c0_i32_0 : i32, i32
  }
}

module attributes {stable_mosaic.version = 14 : i64} {
  func.func @_head_body(%arg0: memref<1x512xf32, #tpu.memory_space<vmem>>, %arg1: memref<1x512xf32, #tpu.memory_space<vmem>>, %arg2: memref<1x512xf32, #tpu.memory_space<vmem>>, %arg3: memref<1536x512xf32, #tpu.memory_space<vmem>>, %arg4: memref<1x512xf32, #tpu.memory_space<vmem>>, %arg5: memref<512x10xf32, #tpu.memory_space<vmem>>, %arg6: memref<1x10xf32, #tpu.memory_space<vmem>>, %arg7: memref<1x10xf32, #tpu.memory_space<vmem>>) attributes {dimension_semantics = [], scalar_prefetch = 0 : i64, scratch_operands = 0 : i64, tpu.core_type = #tpu.core_type<tc>} {
    %get3A = arith.constant 0 : index
    %get3A_0 = arith.constant 0 : index
    %get3A_1 = vector.load %arg0[%get3A, %get3A_0] : memref<1x512xf32, #tpu.memory_space<vmem>>, vector<1x512xf32>
    %mul3A = arith.constant 9.99999974E-5 : f32
    %mul3A_2 = vector.broadcast %mul3A : f32 to vector<1x512xf32>
    %mul3A_3 = arith.mulf %get3A_1, %mul3A_2 : vector<1x512xf32>
    %get3A_4 = arith.constant 0 : index
    %get3A_5 = arith.constant 0 : index
    %get3A_6 = vector.load %arg1[%get3A_4, %get3A_5] : memref<1x512xf32, #tpu.memory_space<vmem>>, vector<1x512xf32>
    %mul3A_7 = arith.constant 9.99999974E-5 : f32
    %mul3A_8 = vector.broadcast %mul3A_7 : f32 to vector<1x512xf32>
    %mul3A_9 = arith.mulf %get3A_6, %mul3A_8 : vector<1x512xf32>
    %get3A_10 = arith.constant 0 : index
    %get3A_11 = arith.constant 0 : index
    %get3A_12 = vector.load %arg2[%get3A_10, %get3A_11] : memref<1x512xf32, #tpu.memory_space<vmem>>, vector<1x512xf32>
    %mul3A_13 = arith.constant 1.250000e-04 : f32
    %mul3A_14 = vector.broadcast %mul3A_13 : f32 to vector<1x512xf32>
    %mul3A_15 = arith.mulf %get3A_12, %mul3A_14 : vector<1x512xf32>
    %get3A_16 = arith.constant 0 : index
    %get3A_17 = arith.constant 0 : index
    %get3A_18 = vector.load %arg3[%get3A_16, %get3A_17] : memref<1536x512xf32, #tpu.memory_space<vmem>>, vector<512x512xf32>
    %dot_general3A = arith.constant dense<0.000000e+00> : vector<1x512xf32>
    %dot_general3A_19 = tpu.matmul %mul3A_3, %get3A_18, %dot_general3A {dimension_numbers = #tpu.dot_dimension_numbers<[1], [0], [0], [1], [0, 0, 1, 1], [], []>, transpose_lhs_hint = false} : vector<1x512xf32>, vector<512x512xf32>, vector<1x512xf32> -> vector<1x512xf32>
    %get3A_20 = arith.constant 512 : index
    %get3A_21 = arith.constant 0 : index
    %get3A_22 = vector.load %arg3[%get3A_20, %get3A_21] : memref<1536x512xf32, #tpu.memory_space<vmem>>, vector<512x512xf32>
    %dot_general3A_23 = arith.constant dense<0.000000e+00> : vector<1x512xf32>
    %dot_general3A_24 = tpu.matmul %mul3A_9, %get3A_22, %dot_general3A_23 {dimension_numbers = #tpu.dot_dimension_numbers<[1], [0], [0], [1], [0, 0, 1, 1], [], []>, transpose_lhs_hint = false} : vector<1x512xf32>, vector<512x512xf32>, vector<1x512xf32> -> vector<1x512xf32>
    %add3A = arith.addf %dot_general3A_19, %dot_general3A_24 : vector<1x512xf32>
    %get3A_25 = arith.constant 1024 : index
    %get3A_26 = arith.constant 0 : index
    %get3A_27 = vector.load %arg3[%get3A_25, %get3A_26] : memref<1536x512xf32, #tpu.memory_space<vmem>>, vector<512x512xf32>
    %dot_general3A_28 = arith.constant dense<0.000000e+00> : vector<1x512xf32>
    %dot_general3A_29 = tpu.matmul %mul3A_15, %get3A_27, %dot_general3A_28 {dimension_numbers = #tpu.dot_dimension_numbers<[1], [0], [0], [1], [0, 0, 1, 1], [], []>, transpose_lhs_hint = false} : vector<1x512xf32>, vector<512x512xf32>, vector<1x512xf32> -> vector<1x512xf32>
    %add3A_30 = arith.addf %add3A, %dot_general3A_29 : vector<1x512xf32>
    %get3A_31 = arith.constant 0 : index
    %get3A_32 = arith.constant 0 : index
    %get3A_33 = vector.load %arg4[%get3A_31, %get3A_32] : memref<1x512xf32, #tpu.memory_space<vmem>>, vector<1x512xf32>
    %add3A_34 = arith.addf %add3A_30, %get3A_33 : vector<1x512xf32>
    %max3A = arith.constant 0.000000e+00 : f32
    %max3A_35 = vector.broadcast %max3A : f32 to vector<1x512xf32>
    %max3A_36 = arith.maximumf %add3A_34, %max3A_35 : vector<1x512xf32>
    %get3A_37 = arith.constant 0 : index
    %get3A_38 = arith.constant 0 : index
    %get3A_39 = vector.load %arg5[%get3A_37, %get3A_38] : memref<512x10xf32, #tpu.memory_space<vmem>>, vector<512x10xf32>
    %dot_general3A_40 = arith.constant dense<0.000000e+00> : vector<1x10xf32>
    %dot_general3A_41 = tpu.matmul %max3A_36, %get3A_39, %dot_general3A_40 {dimension_numbers = #tpu.dot_dimension_numbers<[1], [0], [0], [1], [0, 0, 1, 1], [], []>, transpose_lhs_hint = false} : vector<1x512xf32>, vector<512x10xf32>, vector<1x10xf32> -> vector<1x10xf32>
    %get3A_42 = arith.constant 0 : index
    %get3A_43 = arith.constant 0 : index
    %get3A_44 = vector.load %arg6[%get3A_42, %get3A_43] : memref<1x10xf32, #tpu.memory_space<vmem>>, vector<1x10xf32>
    %add3A_45 = arith.addf %dot_general3A_41, %get3A_44 : vector<1x10xf32>
    %reduce_max3A = arith.constant dense<0xFF800000> : vector<1xf32>
    %reduce_max3A_46 = vector.multi_reduction <maximumf>, %add3A_45, %reduce_max3A [1] : vector<1x10xf32> to vector<1xf32>
    %broadcast_in_dim3A = vector.shape_cast %reduce_max3A_46 : vector<1xf32> to vector<1x1xf32>
    %sub3A = vector.broadcast %broadcast_in_dim3A : vector<1x1xf32> to vector<1x10xf32>
    %sub3A_47 = arith.subf %add3A_45, %sub3A : vector<1x10xf32>
    %exp3A = math.exp %sub3A_47 : vector<1x10xf32>
    %reduce_sum3A = arith.constant dense<0.000000e+00> : vector<1xf32>
    %reduce_sum3A_48 = vector.multi_reduction <add>, %exp3A, %reduce_sum3A [1] : vector<1x10xf32> to vector<1xf32>
    %broadcast_in_dim3A_49 = vector.shape_cast %reduce_sum3A_48 : vector<1xf32> to vector<1x1xf32>
    %log3A = math.log %broadcast_in_dim3A_49 : vector<1x1xf32>
    %add3A_50 = arith.addf %log3A, %broadcast_in_dim3A : vector<1x1xf32>
    %sub3A_51 = vector.broadcast %add3A_50 : vector<1x1xf32> to vector<1x10xf32>
    %sub3A_52 = arith.subf %add3A_45, %sub3A_51 : vector<1x10xf32>
    %swap3A = arith.constant 0 : index
    %swap3A_53 = arith.constant 0 : index
    %swap3A_54 = vector.load %arg7[%swap3A, %swap3A_53] : memref<1x10xf32, #tpu.memory_space<vmem>>, vector<1x10xf32>
    tpu.vector_store %arg7[%swap3A, %swap3A_53], %sub3A_52 {strides = array<i32>} : memref<1x10xf32, #tpu.memory_space<vmem>>, vector<1x10xf32>,
    return
  }
}

</mosaic_0001>

<sc_bundles>
// kernel: kernel.13.cloned.1.call-start
scs
__scs_entry_jumppad:
0x0: {  	(pc) =	sbr.rel $0x88, $3  }
0x1: {  	(tag) =	ssettag $0x0;
	lr =	simm.s32 $0x1  }
0x2: {  	[smem:$0x3F91] =	sst lr;
	_ =	strace $0xD0000000  }
0x3: {  	_ = 	snop  }
0x4: {  	_ = 	snop  }
0x5: {  	_ = 	snop  }
0x6: {  	_ = 	snop  }
0x7: {  	_ = 	snop  }
__scs_overlays_trampoline_lowered:
0x8: {  	[smem:$0x3FA0] =	sst s0  }
0x9: {  	[smem:$0x3FA1] =	sst s1  }
0xa: {  	[smem:$0x3FA2] =	sst s2  }
0xb: {  	[smem:$0x3FA3] =	sst s3  }
0xc: {  	[smem:$0x3FA4] =	sst s4  }
0xd: {  	[smem:$0x3FA5] =	sst s5  }
0xe: {  	[smem:$0x3FA6] =	sst s6  }
0xf: {  	[smem:$0x3FA7] =	sst s7  }
0x10: {  	[smem:$0x3FA8] =	sst s8  }
0x11: {  	[smem:$0x3FA9] =	sst s9;
	s0 =	simm.s32 @!p0 $0x0  }
0x12: {  	s1 =	sld [smem:$0x3F8F];
	s0 =	simm.s32 @p0 $0x1  }
0x13: {  	[smem:$0x3FAA] =	sst s0;
	s0 =	simm.s32 @!p1 $0x0  }
0x14: {  	s2 =	sld [smem:$0x3F8E];
	s0 =	simm.s32 @p1 $0x1  }
0x15: {  	[smem:$0x3FAB] =	sst s0;
	s0 =	simm.s32 @!p2 $0x0  }
0x16: {  	s3 =	sld [smem:$0x3FDB];
	s0 =	simm.s32 @p2 $0x1  }
0x17: {  	s4 =	simm.s32 $0x1BF5;
	[smem:$0x3FAD] =	sst s0  }
0x18: {  	s0 =	sld [smem:$0x3F90];
	_ =	swait.ge [sflag:s4], $0x0  }
0x19: {  	s7 =	sld [smem:$0x3F91]  }
0x1a: {  	s8 =	sadd.s32 $0xFFFFE003, lr  }
0x1b: {  	s9 =	sadd.s32 $0xFFFFFEF7, lr;
	s5 =	simm.s32 $0xFFFFFFFF;
	p2 =	slt.u32 s8, $0xFFFFF086  }
0x1c: {  	p1 =	slt.u32 s9, $0xF7A;
	s5 =	simm.s32 @!p2 $0x0  }
0x1d: {  	s5 =	simm.s32 @p1 $0x1;
	p0 =	seq.s32 s7, s2  }
0x1e: {  	s7 =	smul.u32 @!p0 $0xF7A, s2;
	p2 =	seq.s32 @!p0 s5, $0x0  }
0x1f: {  	s9 =	smul.u32 $0xF7A, s1;
	s8 =	simm.s32 @!p0 $0x1BF5;
	p2 =	por !p2, p0  }
0x20: {  	[sflag:s8] =	ssyncset.s32 @!p0 $0xFFFFF086;
	s6 =	sadd.s32 @!p0 s3, s7;
	s7 =	simm.s32 @!p0 $0x108  }
0x21: {  	s3 =	sadd.s32 s3, s9;
	s6 =	sadd.s32 @!p0 $0x88, s6;
	s7 =	simm.s32 @p2 $0x1082  }
0x22: {  	[simem:s7], [sflag:s8] =	dma.local @!p0 [hbm:s6], $0xF7A  }
0x23: {  	s9 =	sor.u32 $0xD0000000, s2;
	s6 =	simm.s32 $0x108;
	_ =	swait.ge @!p0 [sflag:s8], $0x0  }
0x24: {  	s3 =	sadd.s32 $0x88, s3;
	s6 =	simm.s32 @!p1 $0x1082;
	[sflag:s4] =	ssyncset.s32 $0xFFFFF086  }
0x25: {  	[simem:s6], [sflag:s4] =	dma.local [hbm:s3], $0xF7A  }
0x26: {  	[smem:$0x3F91] =	sst s1;
	(tag) =	ssettag s2;
	_ =	strace s9  }
0x27: {  	s1 =	sld [smem:$0x3FA1]  }
0x28: {  	s2 =	sld [smem:$0x3FA2]  }
0x29: {  	s4 =	sld [smem:$0x3FA4]  }
0x2a: {  	p0 =	seq.s32 s5, $0x0;
	s5 =	sld [smem:$0x3FA5]  }
0x2b: {  	s6 =	sld [smem:$0x3FA6]  }
0x2c: {  	s7 =	sld [smem:$0x3FA7]  }
0x2d: {  	s3 =	simm.s32 $0x108;
	s8 =	sld [smem:$0x3FA8]  }
0x2e: {  	s3 =	simm.s32 @!p0 $0x1082;
	s9 =	sld [smem:$0x3FA9]  }
0x2f: {  	lr =	sadd.s32 s0, s3;
	s0 =	sld [smem:$0x3FA0]  }
0x30: {  	s3 =	sld [smem:$0x3FA3]  }
0x31: {  	[smem:$0x3FAC] =	sst s10  }
0x32: {  	s10 =	sld [smem:$0x3FAA];
	_ =	sdelay $0x3  }
0x33: {  	p0 =	seq.s32 s10, $0x1;
	s10 =	sld [smem:$0x3FAC];
	_ =	sdelay $0x3  }
0x34: {  	[smem:$0x3FAC] =	sst s10  }
0x35: {  	s10 =	sld [smem:$0x3FAB];
	_ =	sdelay $0x3  }
0x36: {  	p1 =	seq.s32 s10, $0x1;
	s10 =	sld [smem:$0x3FAC];
	_ =	sdelay $0x3  }
0x37: {  	[smem:$0x3FAC] =	sst s10  }
0x38: {  	s10 =	sld [smem:$0x3FAD]  }
0x39: {  	_ = 	snop;
	(pc) =	sbr.ind lr, $3  }
0x3a: {  	_ = 	snop  }
0x3b: {  	_ = 	snop  }
0x3c: {  	p2 =	seq.s32 s10, $0x1;
	s10 =	sld [smem:$0x3FAC]  }
0x3d: {  	_ =	shalt  }
0x3e: {  	_ =	shalt  }
0x3f: {  	_ =	shalt  }
0x40: {  	_ =	shalt  }
0x41: {  	_ =	shalt  }
0x42: {  	_ =	shalt  }
0x43: {  	_ =	shalt  }
0x44: {  	_ =	shalt  }
0x45: {  	_ =	shalt  }
0x46: {  	_ =	shalt  }
0x47: {  	_ =	shalt  }
0x48: {  	_ =	shalt  }
0x49: {  	_ =	shalt  }
0x4a: {  	_ =	shalt  }
0x4b: {  	_ =	shalt  }
0x4c: {  	_ =	shalt  }
0x4d: {  	_ =	shalt  }
0x4e: {  	_ =	shalt  }
0x4f: {  	_ =	shalt  }
0x50: {  	_ =	shalt  }
0x51: {  	_ =	shalt  }
0x52: {  	_ =	shalt  }
0x53: {  	_ =	shalt  }
0x54: {  	_ =	shalt  }
0x55: {  	_ =	shalt  }
0x56: {  	_ =	shalt  }
0x57: {  	_ =	shalt  }
0x58: {  	_ =	shalt  }
0x59: {  	_ =	shalt  }
0x5a: {  	_ =	shalt  }
0x5b: {  	_ =	shalt  }
0x5c: {  	_ =	shalt  }
0x5d: {  	_ =	shalt  }
0x5e: {  	_ =	shalt  }
0x5f: {  	_ =	shalt  }
0x60: {  	_ =	shalt  }
0x61: {  	_ =	shalt  }
0x62: {  	_ =	shalt  }
0x63: {  	_ =	shalt  }
0x64: {  	_ =	shalt  }
0x65: {  	_ =	shalt  }
0x66: {  	_ =	shalt  }
0x67: {  	_ =	shalt  }
0x68: {  	_ =	shalt  }
0x69: {  	_ =	shalt  }
0x6a: {  	_ =	shalt  }
0x6b: {  	_ =	shalt  }
0x6c: {  	_ =	shalt  }
0x6d: {  	_ =	shalt  }
0x6e: {  	_ =	shalt  }
0x6f: {  	_ =	shalt  }
0x70: {  	_ =	shalt  }
0x71: {  	_ =	shalt  }
0x72: {  	_ =	shalt  }
0x73: {  	_ =	shalt  }
0x74: {  	_ =	shalt  }
0x75: {  	_ =	shalt  }
0x76: {  	_ =	shalt  }
0x77: {  	_ =	shalt  }
0x78: {  	_ =	shalt  }
0x79: {  	_ =	shalt  }
0x7a: {  	_ =	shalt  }
0x7b: {  	_ =	shalt  }
0x7c: {  	_ =	shalt  }
0x7d: {  	_ =	shalt  }
0x7e: {  	_ =	shalt  }
0x7f: {  	_ =	shalt  }
0x80: {  	_ =	shalt  }
0x81: {  	_ =	shalt  }
0x82: {  	_ =	shalt  }
0x83: {  	_ =	shalt  }
0x84: {  	_ =	shalt  }
0x85: {  	_ =	shalt  }
0x86: {  	_ =	shalt  }
0x87: {  	_ =	shalt  }
.Lfunc_end0:
.L_simem_size_0:
called_computation_lowered:
.L_overlay_start_0:
0x88: {  	s2 =	sld [smem:$0x3FD9]  }
0x89: {  	s3 =	sld [smem:$0x3FFE];
	_ =	sdelay $0x1  }
0x8a: {  	s1 =	srdreg.scid  }
0x8b: {  	s0 =	sand.u32 $0x1, s1  }
0x8c: {  	s16 =	sshll.u32 s0, $0xA;
	s2 =	sadd.s32 s3, s2  }
0x8d: {  	s2 =	sadd.s32 s2, s16  }
0x8e: {  	[smem:$0x3FB8] =	sst s2  }
0x8f: {  	_ = 	snop  }
0x90: {  	(tm) =	ssettm $0x1  }
0x91: {  	s17 =	sld [smem:$0x3FFB];
	_ =	sdelay $0x3  }
0x92: {  	_ =	strace s17  }
0x93: {  	s2 =	sld [smem:$0x3FFC];
	_ =	sdelay $0x3  }
0x94: {  	_ =	strace s2  }
0x95: {  	s2 =	sld [smem:$0x3FFD];
	_ =	sdelay $0x3  }
0x96: {  	_ =	strace s2  }
0x97: {  	_ =	strace $0x8FFFFFFF  }
0x98: {  	s18 =	sld [smem:$0x3FDB];
	_ =	sdelay $0x1  }
0x99: {  	s19 =	simm.s32 $_scs_section_size  }
0x9a: {  	s4 =	simm.s32 $_size__tile_overlayer_lowered;
	s5 =	simm.s32 $_tile_overlayer_lowered  }
0x9b: {  	s22 =	simm.s32 $0x1BFF;
	s21 =	sshll.u32 s5, $0x1;
	s2 =	sadd.s32 s19, s18  }
0x9c: {  	s6 =	simm.s32 $0x0;
	s20 =	sshll.u32 s4, $0x1;
	s4 =	sadd.s32 s21, s2  }
0x9d: {  	[timem:s6], [sflag:s22] =	dma.local [hbm:s4], s20  }
0x9e: {  	_ =	swait.ge [sflag:s22], s20  }
0x9f: {  	s3 =	ssub.s32 $0x0, s20;
	[sflag:s22] =	ssyncset.done $0x0  }
0xa0: {  	[sflag:s22] =	ssyncadd.s32 s3;
	_ =	sdelay $0x1  }
0xa1: {  	s23 =	simm.s32 $0x1B8B  }
0xa2: {  	_ =	swait.ge [sflag:s23], $0x1  }
0xa3: {  	[sflag:s23] =	ssyncset.done $0x0  }
0xa4: {  	s25 =	simm.s32 $0x1B8E;
	s24 =	sld [smem:$0x3FFE];
	[sflag:s23] =	ssyncadd.s32 $0xFFFFFFFF  }
0xa5: {  	s26 =	simm.s32 $execute0_lowered;
	[smem:$0x3FD2] =	sst s25  }
0xa6: {  	s4 =	sshll.u32 s26, $0x1;
	_ =	strace $0x80000046;
	[dreg:$0x1] =	wrdreg $0xFFFFFFFF  }
0xa7: {  	s28 =	simm.s32 $_size_execute0_lowered;
	s2 =	sadd.s32 s2, s4;
	[dreg:$0x0] =	wrdreg $0x0  }
0xa8: {  	s4 =	sshll.u32 s28, $0x1;
	[dreg:$0x2] =	wrdreg s2  }
0xa9: {  	[dreg:$0x3] =	wrdreg s4  }
0xaa: {  	[dreg:$0x4] =	wrdreg $0xC0  }
0xab: {  	_ =	task [dreg:s6], $0x5FFFF  }
0xac: {  	[dreg:$0x1] =	wrdreg $0xFFFFFFFF  }
0xad: {  	[dreg:$0x0] =	wrdreg $0x60  }
0xae: {  	[dreg:$0x2] =	wrdreg s24  }
0xaf: {  	[dreg:$0x3] =	wrdreg $0xB7800  }
0xb0: {  	[dreg:$0x4] =	wrdreg $0x9  }
0xb1: {  	_ =	task.clear_ibuf [dreg:s6], $0x5FFFF;
	_ =	strace $0x90000046  }
0xb2: {  	s29 =	simm.s32 $0x9;
	_ =	strace $0x80000048  }
0xb3: {  	_ =	swait.ge [sflag:s29], $0x1  }
0xb4: {  	[sflag:s29] =	ssyncadd.s32 $0xFFFFFFFF  }
0xb5: {  	_ =	strace $0x90000048  }
0xb6: {  	_ =	sfence  }
0xb7: {  	s30 =	sld [smem:$0x0];
	_ =	sdelay $0x2  }
0xb8: {  	s31 =	sshll.u32 s1, $0xD;
	s1 =	sshrl.u32 s1, $0x2  }
0xb9: {  	s3 =	sand.u32 $0x4000, s31;
	s1 =	sadd.s32 s1, s30  }
0xba: {  	s0 =	sor.u32 s3, s0;
	s1 =	sshll.u32 s1, $0x11  }
0xbb: {  	s0 =	sor.u32 s1, s0  }
0xbc: {  	s0 =	sadd.s32 $0x8F2B, s0  }
0xbd: {  	[sflag:s0] =	ssyncadd.remote.s32 $0x1  }
0xbe: {  	_ =	sfence.sel $0xFFFF  }
0xbf: {  	[dreg:$0x0] =	wrdreg $0xFFFFFFFF;
	(pc) =	sbr.abs _section_cstart, $3  }
0xc0: {  	[dreg:$0x1] =	wrdreg $0xFFFFFFFF  }
0xc1: {  	_ =	task.clear_ibuf [dreg:s6], $0x2FFFF;
	_ =	strace $0x9FFFFFFF  }
0xc2: {  	(tm) =	ssettm $0x7FFFFFFF  }
0xc3: {  	_ =	shalt  }
tec
execute0_lowered:
.L_overlay_start_1:
0x0: {  	(tag) =	ssettag $0x1  }
0x1: {  	s9 =	rddreg [dreg:$0x0]  }
0x2: {  	s2 =	rddreg [dreg:$0x1];
	s3 =	simm.s32 $0x0;
	s1 =	stileid.u32  }
0x3: {  	s7 =	srdreg.scid;
	s17 =	simm.s32 $0x2780;
	s20 =	simm.s32 $0x6780  }
0x4: {  	s21 =	simm.s32 $0x50;
	s22 =	simm.s32 $0x8F80;
	s23 =	simm.s32 $0x1  }
0x5: {  	s24 =	simm.s32 $0x4;
	s25 =	simm.s32 $0x2;
	s26 =	simm.s32 $0x6580  }
0x6: {  	s28 =	simm.s32 $0x0;
	[smem:$0x7FF] =	sst s3;
	s6 =	smul.u32 $0x4E2, s1  }
0x7: {  	s4 =	sadd.s32 $0x2F600, s9;
	s5 =	sadd.s32 $0x7600, s9;
	s30 =	sshll.u32 s1, $0xB  }
0x8: {  	s16 =	sand.u32 $0x1, s7;
	s7 =	sadd.s32 $0x8C600, s9;
	s13 =	smul.u32 $0x50000, s1  }
0x9: {  	s8 =	sadd.s32 $0xDCC00, s9;
	s18 =	sshll.u32 s1, $0x6;
	_ =	strace $0x80000047  }
0xa: {  	s11 =	sadd.s32 s30, s9;
	s12 =	ssub.s32 $0x2, s16;
	p0 =	sne.s32 s16, $0x0  }
0xb: {  	s16 =	simm.s32 $0x3;
	s10 =	sadd.s32 s6, s9;
	s6 =	smul.u32 $0x2800, s1  }
.Ltmp0:
0xc: {  	s18 =	sor.u32 $0x1C03, s18;
	s15 =	sshrl.u32 s12, $0x1;
	(pc) =	sbr.rel .LBB2_1-.Ltmp0, $4  }
0xd: {  	s31 =	sshrl.u32 s13, $0x2;
	s11 =	sadd.s32 $0x5C600, s11;
	s15 =	ssub.s32 s12, s15  }
0xe: {  	s10 =	sadd.s32 $0x57600, s10;
	s19 =	sadd.s32 s31, s2;
	s14 =	sadd.s32 s6, s9  }
0xf: {  	s9 =	sadd.s32 $0x104C00, s9;
	s15 =	smax.u32 s15, $0x1;
	s19 =	sshrl.u32 s19, $0x3  }
0x10: {  	s12 =	sadd.s32 $0x64600, s14;
	s13 =	sadd.s32 $0xB4C00, s14;
	s14 =	sadd.s32 $0x8CC00, s14  }
.LBB2_11:
0x11: {  	[sflag:s16] =	ssyncset.done $0x0  }
0x12: {  	s29 =	smov.u32 s9;
	[sflag:s16] =	ssyncadd.s32 $0xFFFFD800  }
.LBB2_12:
0x13: {  	s28 =	sadd.s32 $0x1, s28  }
0x14: {  	p1 =	sne.s32 s28, s15  }
.Ltmp1:
0x15: {  	s0 =	sadd.s32 s29, s6;
	[bflag:$0x0] =	sbarrier.arrive $0xFFFF;
	(pc) =	sbr.rel @!p1 .LBB2_13-.Ltmp1, $4  }
0x16: {  	[hbm:s0], [sflag:s18] =	dma.local [spmem:s19], $0x2800  }
0x17: {  	_ =	swait.ge [sflag:s16], $0x2800  }
0x18: {  	[sflag:s16] =	ssyncset.done $0x0  }
0x19: {  	[sflag:s16] =	ssyncadd.s32 $0xFFFFD800  }
.LBB2_1:
0x1a: {  	[tilespmem:s3], [sflag:$0x3] =	stream.linear.gather [hbm4b:s10+s3], $0x2710, $0x38;
	[tilespmem:$0x1F780] =	vst v63  }
0x1b: {  	_ =	swait.ge [sflag:s16], $0x2710  }
0x1c: {  	[sflag:s16] =	ssyncset.done $0x0  }
0x1d: {  	[sflag:s16] =	ssyncadd.s32 $0xFFFFD8F0  }
0x1e: {  	[tilespmem:s17], [sflag:$0x3] =	stream.linear.gather [hbm4b:s11+s3], $0x3E80, $0x38;
	[tilespmem:$0x1F780] =	vst v63  }
0x1f: {  	_ =	swait.ge [sflag:s16], $0x3E80  }
0x20: {  	[sflag:s16] =	ssyncset.done $0x0  }
0x21: {  	[sflag:s16] =	ssyncadd.s32 $0xFFFFC180  }
0x22: {  	[spmem:s19], [sflag:s18] =	dma.local [hbm:s12], $0x2800  }
.Ltmp2:
0x23: {  	_ =	swait.ge [sflag:s16], $0x2800;
	(pc) =	sbr.rel @p0 .LBB2_7-.Ltmp2, $4  }
0x24: {  	[sflag:s16] =	ssyncset.done $0x0  }
0x25: {  	[sflag:s16] =	ssyncadd.s32 $0xFFFFD800  }
0x26: {  	[bflag:$0x0] =	sbarrier.arrive $0xFFFF  }
0x27: {  	s29 =	simm.s32 $0x50  }
0x28: {  	s30 =	simm.s32 $0x0  }
0x29: {  	[tilespmem:s20], [sflag:$0x1] =	stream.indirect.gather [hbm4b:s4+s29], $0x80, s30, s29, $0xb8;
	[tilespmem:$0x1F780] =	vst v63  }
0x2a: {  	_ = 	snop  }
0x2b: {  	[tilespmem:s22], [sflag:$0x2] =	stream.indirect.gather [hbm4b:s4+s21], $0x80, s29, s21, $0xb8;
	[tilespmem:$0x1F780] =	vst v63  }
0x2c: {  	_ =	swait.ge [sflag:s23], $0x2800  }
0x2d: {  	[sflag:s23] =	ssyncset.done $0x0  }
0x2e: {  	s30 =	simm.s32 $0x2780;
	[sflag:s23] =	ssyncadd.s32 $0xFFFFD800  }
0x2f: {  	[spmem:s2] =	stream.indirect.scatter.add.f32 [tilespmem:s20], [sflag:$0x4], $0x80, s30, s21, $0xb8;
	[tilespmem:$0x1F780] =	vst v63  }
0x30: {  	_ =	swait.ge [sflag:s24], $0x2800  }
0x31: {  	[sflag:s24] =	ssyncset.done $0x0  }
0x32: {  	s30 =	simm.s32 $0xA0;
	[sflag:s24] =	ssyncadd.s32 $0xFFFFD800  }
0x33: {  	[tilespmem:s20], [sflag:$0x1] =	stream.indirect.gather [hbm4b:s4+s21], $0x80, s30, s21, $0xb8;
	[tilespmem:$0x1F780] =	vst v63  }
0x34: {  	_ =	swait.ge [sflag:s25], $0x2800  }
0x35: {  	[sflag:s25] =	ssyncset.done $0x0  }
0x36: {  	s30 =	simm.s32 $0x2800;
	[sflag:s25] =	ssyncadd.s32 $0xFFFFD800  }
0x37: {  	[spmem:s2] =	stream.indirect.scatter.add.f32 [tilespmem:s22], [sflag:$0x3], $0x80, s30, s21, $0xb8;
	[tilespmem:$0x1F780] =	vst v63  }
0x38: {  	_ =	swait.ge [sflag:s16], $0x2800  }
0x39: {  	s30 =	simm.s32 $0x400;
	[sflag:s16] =	ssyncset.done $0x0  }
.LBB2_3:
0x3a: {  	p1 =	sne.s32 s30, $0xF400;
	[sflag:s16] =	ssyncadd.s32 $0xFFFFD800;
	s29 =	sadd.s32 $0xA0, s29  }
0x3b: {  	[tilespmem:s22], [sflag:$0x2] =	stream.indirect.gather [hbm4b:s4+s21], $0x80, s29, s21, $0xb8;
	[tilespmem:$0x1F780] =	vst v63  }
0x3c: {  	s31 =	smov.u32 s30;
	s30 =	sadd.s32 $0x400, s30;
	_ =	swait.ge [sflag:s23], $0x2800  }
0x3d: {  	s31 =	sshra.s32 s31, $0x2;
	[sflag:s23] =	ssyncset.done $0x0  }
0x3e: {  	s0 =	sadd.s32 $0x2780, s31;
	[sflag:s23] =	ssyncadd.s32 $0xFFFFD800  }
0x3f: {  	[spmem:s2] =	stream.indirect.scatter.add.f32 [tilespmem:s20], [sflag:$0x4], $0x80, s0, s21, $0xb8;
	[tilespmem:$0x1F780] =	vst v63  }
0x40: {  	_ =	swait.ge [sflag:s24], $0x2800  }
0x41: {  	[sflag:s24] =	ssyncset.done $0x0  }
0x42: {  	s0 =	sadd.s32 $0x50, s29;
	[sflag:s24] =	ssyncadd.s32 $0xFFFFD800  }
0x43: {  	[tilespmem:s20], [sflag:$0x1] =	stream.indirect.gather [hbm4b:s4+s21], $0x80, s0, s21, $0xb8;
	[tilespmem:$0x1F780] =	vst v63  }
0x44: {  	_ =	swait.ge [sflag:s25], $0x2800  }
.Ltmp3:
0x45: {  	[sflag:s25] =	ssyncset.done $0x0;
	(pc) =	sbr.rel @p1 .LBB2_3-.Ltmp3, $4  }
0x46: {  	s0 =	sadd.s32 $0x2800, s31;
	[sflag:s25] =	ssyncadd.s32 $0xFFFFD800  }
0x47: {  	[spmem:s2] =	stream.indirect.scatter.add.f32 [tilespmem:s22], [sflag:$0x3], $0x80, s0, s21, $0xb8;
	[tilespmem:$0x1F780] =	vst v63  }
0x48: {  	_ =	swait.ge [sflag:s16], $0x2800  }
0x49: {  	[sflag:s16] =	ssyncset.done $0x0  }
0x4a: {  	[sflag:s16] =	ssyncadd.s32 $0xFFFFD800  }
0x4b: {  	_ =	swait.ge [sflag:s23], $0x2800  }
0x4c: {  	[sflag:s23] =	ssyncset.done $0x0  }
0x4d: {  	[sflag:s23] =	ssyncadd.s32 $0xFFFFD800  }
0x4e: {  	[spmem:s2] =	stream.indirect.scatter.add.f32 [tilespmem:s20], [sflag:$0x4], $0x80, s26, s21, $0xb8;
	[tilespmem:$0x1F780] =	vst v63  }
0x4f: {  	_ =	swait.ge [sflag:s24], $0x2800  }
0x50: {  	[sflag:s24] =	ssyncset.done $0x0  }
0x51: {  	[sflag:s24] =	ssyncadd.s32 $0xFFFFD800  }
0x52: {  	[bflag:$0x0] =	sbarrier.arrive $0xFFFF  }
0x53: {  	[hbm:s14], [sflag:s18] =	dma.local [spmem:s19], $0x2800  }
0x54: {  	_ =	swait.ge [sflag:s16], $0x2800  }
0x55: {  	[sflag:s16] =	ssyncset.done $0x0  }
0x56: {  	[sflag:s16] =	ssyncadd.s32 $0xFFFFD800  }
0x57: {  	[spmem:s19], [sflag:s18] =	dma.local [hbm:s12], $0x2800  }
0x58: {  	_ =	swait.ge [sflag:s16], $0x2800  }
0x59: {  	[sflag:s16] =	ssyncset.done $0x0  }
0x5a: {  	[sflag:s16] =	ssyncadd.s32 $0xFFFFD800  }
0x5b: {  	s0 =	simm.s32 $0x0;
	[bflag:$0x0] =	sbarrier.arrive $0xFFFF  }
0x5c: {  	[tilespmem:s20], [sflag:$0x3] =	stream.linear.gather [hbm4b:s7+s0], $0x2800, $0x38;
	[tilespmem:$0x1F780] =	vst v63  }
0x5d: {  	_ =	swait.ge [sflag:s16], $0x2800  }
0x5e: {  	[sflag:s16] =	ssyncset.done $0x0  }
0x5f: {  	s31 =	simm.s32 $0x2780;
	[sflag:s16] =	ssyncadd.s32 $0xFFFFD800  }
0x60: {  	[spmem:s2] =	stream.indirect.scatter.add.f32 [tilespmem:s20], [sflag:$0x3], $0x80, s31, s21, $0xb8;
	[tilespmem:$0x1F780] =	vst v63  }
0x61: {  	s29 =	simm.s32 $0x200;
	_ =	swait.ge [sflag:s16], $0x2800  }
.LBB2_5:
0x62: {  	s0 =	sshra.s32 s29, $0x2;
	[sflag:s16] =	ssyncset.done $0x0;
	p1 =	seq.s32 s29, $0x7C00  }
.Ltmp4:
0x63: {  	s0 =	sadd.s32 $0x2780, s0;
	[sflag:s16] =	ssyncadd.s32 $0xFFFFD800;
	(pc) =	sbr.rel @!p1 .LBB2_5-.Ltmp4, $3  }
0x64: {  	[spmem:s2] =	stream.indirect.scatter.add.f32 [tilespmem:s20], [sflag:$0x3], $0x80, s0, s21, $0xb8;
	[tilespmem:$0x1F780] =	vst v63  }
0x65: {  	s29 =	sadd.s32 $0x200, s29;
	_ =	sdelay $0x1  }
0x66: {  	_ =	swait.ge [sflag:s16], $0x2800  }
.Ltmp5:
0x67: {  	(pc) =	sbr.rel .LBB2_12-.Ltmp5, $3  }
0x68: {  	_ =	sdelay $0x1  }
0x69: {  	[sflag:s16] =	ssyncset.done $0x0  }
0x6a: {  	s29 =	smov.u32 s8;
	[sflag:s16] =	ssyncadd.s32 $0xFFFFD800  }
.LBB2_7:
0x6b: {  	s0 =	simm.s32 $0x0  }
0x6c: {  	[tilespmem:s20], [sflag:$0x1] =	stream.indirect.gather [hbm4b:s5+s29], $0x80, s0, s29, $0xb8;
	[tilespmem:$0x1F780] =	vst v63  }
0x6d: {  	_ = 	snop  }
0x6e: {  	[tilespmem:s22], [sflag:$0x2] =	stream.indirect.gather [hbm4b:s5+s21], $0x80, s29, s21, $0xb8;
	[tilespmem:$0x1F780] =	vst v63  }
0x6f: {  	_ =	swait.ge [sflag:s23], $0x2800  }
0x70: {  	[sflag:s23] =	ssyncset.done $0x0  }
0x71: {  	s31 =	simm.s32 $0x2780;
	[sflag:s23] =	ssyncadd.s32 $0xFFFFD800  }
0x72: {  	[spmem:s2] =	stream.indirect.scatter.add.f32 [tilespmem:s20], [sflag:$0x4], $0x80, s31, s21, $0xb8;
	[tilespmem:$0x1F780] =	vst v63  }
0x73: {  	_ =	swait.ge [sflag:s24], $0x2800  }
0x74: {  	[sflag:s24] =	ssyncset.done $0x0  }
0x75: {  	s31 =	simm.s32 $0xA0;
	[sflag:s24] =	ssyncadd.s32 $0xFFFFD800  }
0x76: {  	[tilespmem:s20], [sflag:$0x1] =	stream.indirect.gather [hbm4b:s5+s21], $0x80, s31, s21, $0xb8;
	[tilespmem:$0x1F780] =	vst v63  }
0x77: {  	_ =	swait.ge [sflag:s25], $0x2800  }
0x78: {  	[sflag:s25] =	ssyncset.done $0x0  }
0x79: {  	s31 =	simm.s32 $0x2800;
	[sflag:s25] =	ssyncadd.s32 $0xFFFFD800  }
0x7a: {  	[spmem:s2] =	stream.indirect.scatter.add.f32 [tilespmem:s22], [sflag:$0x3], $0x80, s31, s21, $0xb8;
	[tilespmem:$0x1F780] =	vst v63  }
0x7b: {  	_ =	swait.ge [sflag:s16], $0x2800  }
0x7c: {  	s30 =	simm.s32 $0x400;
	[sflag:s16] =	ssyncset.done $0x0  }
.LBB2_8:
0x7d: {  	p1 =	seq.s32 s30, $0xF400;
	[sflag:s16] =	ssyncadd.s32 $0xFFFFD800;
	s29 =	sadd.s32 $0xA0, s29  }
0x7e: {  	[tilespmem:s22], [sflag:$0x2] =	stream.indirect.gather [hbm4b:s5+s21], $0x80, s29, s21, $0xb8;
	[tilespmem:$0x1F780] =	vst v63  }
0x7f: {  	s0 =	smov.u32 s30;
	s30 =	sadd.s32 $0x400, s30;
	_ =	swait.ge [sflag:s23], $0x2800  }
0x80: {  	s0 =	sshra.s32 s0, $0x2;
	[sflag:s23] =	ssyncset.done $0x0  }
0x81: {  	s31 =	sadd.s32 $0x2780, s0;
	[sflag:s23] =	ssyncadd.s32 $0xFFFFD800  }
0x82: {  	[spmem:s2] =	stream.indirect.scatter.add.f32 [tilespmem:s20], [sflag:$0x4], $0x80, s31, s21, $0xb8;
	[tilespmem:$0x1F780] =	vst v63  }
0x83: {  	_ =	swait.ge [sflag:s24], $0x2800  }
0x84: {  	[sflag:s24] =	ssyncset.done $0x0  }
0x85: {  	s31 =	sadd.s32 $0x50, s29;
	[sflag:s24] =	ssyncadd.s32 $0xFFFFD800  }
0x86: {  	[tilespmem:s20], [sflag:$0x1] =	stream.indirect.gather [hbm4b:s5+s21], $0x80, s31, s21, $0xb8;
	[tilespmem:$0x1F780] =	vst v63  }
0x87: {  	_ =	swait.ge [sflag:s25], $0x2800  }
.Ltmp6:
0x88: {  	[sflag:s25] =	ssyncset.done $0x0;
	(pc) =	sbr.rel @!p1 .LBB2_8-.Ltmp6, $4  }
0x89: {  	s0 =	sadd.s32 $0x2800, s0;
	[sflag:s25] =	ssyncadd.s32 $0xFFFFD800  }
0x8a: {  	[spmem:s2] =	stream.indirect.scatter.add.f32 [tilespmem:s22], [sflag:$0x3], $0x80, s0, s21, $0xb8;
	[tilespmem:$0x1F780] =	vst v63  }
0x8b: {  	_ =	swait.ge [sflag:s16], $0x2800  }
0x8c: {  	[sflag:s16] =	ssyncset.done $0x0  }
0x8d: {  	[sflag:s16] =	ssyncadd.s32 $0xFFFFD800  }
0x8e: {  	_ =	swait.ge [sflag:s23], $0x2800  }
0x8f: {  	[sflag:s23] =	ssyncset.done $0x0  }
0x90: {  	[sflag:s23] =	ssyncadd.s32 $0xFFFFD800  }
0x91: {  	[spmem:s2] =	stream.indirect.scatter.add.f32 [tilespmem:s20], [sflag:$0x4], $0x80, s26, s21, $0xb8;
	[tilespmem:$0x1F780] =	vst v63  }
0x92: {  	_ =	swait.ge [sflag:s24], $0x2800  }
0x93: {  	[sflag:s24] =	ssyncset.done $0x0  }
0x94: {  	[sflag:s24] =	ssyncadd.s32 $0xFFFFD800  }
0x95: {  	[bflag:$0x0] =	sbarrier.arrive $0xFFFF  }
0x96: {  	[hbm:s13], [sflag:s18] =	dma.local [spmem:s19], $0x2800  }
0x97: {  	_ =	swait.ge [sflag:s16], $0x2800  }
0x98: {  	[sflag:s16] =	ssyncset.done $0x0  }
0x99: {  	[sflag:s16] =	ssyncadd.s32 $0xFFFFD800  }
0x9a: {  	[spmem:s19], [sflag:s18] =	dma.local [hbm:s12], $0x2800  }
0x9b: {  	_ =	swait.ge [sflag:s16], $0x2800  }
0x9c: {  	[sflag:s16] =	ssyncset.done $0x0  }
0x9d: {  	[sflag:s16] =	ssyncadd.s32 $0xFFFFD800  }
0x9e: {  	s0 =	simm.s32 $0x0;
	[bflag:$0x0] =	sbarrier.arrive $0xFFFF  }
0x9f: {  	[tilespmem:s20], [sflag:$0x3] =	stream.linear.gather [hbm4b:s7+s0], $0x2800, $0x38;
	[tilespmem:$0x1F780] =	vst v63  }
0xa0: {  	_ =	swait.ge [sflag:s16], $0x2800  }
0xa1: {  	[sflag:s16] =	ssyncset.done $0x0  }
0xa2: {  	s31 =	simm.s32 $0x4700;
	[sflag:s16] =	ssyncadd.s32 $0xFFFFD800  }
0xa3: {  	[spmem:s2] =	stream.indirect.scatter.add.f32 [tilespmem:s20], [sflag:$0x3], $0x80, s31, s21, $0xb8;
	[tilespmem:$0x1F780] =	vst v63  }
0xa4: {  	s29 =	simm.s32 $0x200;
	_ =	swait.ge [sflag:s16], $0x2800  }
.LBB2_10:
0xa5: {  	s0 =	sshra.s32 s29, $0x2;
	[sflag:s16] =	ssyncset.done $0x0;
	p1 =	sne.s32 s29, $0x7A00  }
.Ltmp7:
0xa6: {  	s0 =	sadd.s32 $0x4700, s0;
	[sflag:s16] =	ssyncadd.s32 $0xFFFFD800;
	(pc) =	sbr.rel @p1 .LBB2_10-.Ltmp7, $3  }
0xa7: {  	[spmem:s2] =	stream.indirect.scatter.add.f32 [tilespmem:s20], [sflag:$0x3], $0x80, s0, s21, $0xb8;
	[tilespmem:$0x1F780] =	vst v63  }
0xa8: {  	s29 =	sadd.s32 $0x200, s29;
	_ =	sdelay $0x1  }
0xa9: {  	_ =	swait.ge [sflag:s16], $0x2800  }
.Ltmp8:
0xaa: {  	_ = 	snop;
	(pc) =	sbr.rel .LBB2_11-.Ltmp8, $1  }
0xab: {  	_ =	sdelay $0x3  }
.LBB2_13:
0xac: {  	_ =	sfence.sel $0x180000  }
0xad: {  	[bflag:$0x0] =	sbarrier.arrive $0xFFFF  }
0xae: {  	_ =	strace $0x90000047  }
0xaf: {  	[bflag:$0x2] =	sbarrier.arrive $0xFFFF  }
0xb0: {  	p0 =	sne.s32 s1, $0x0;
	s0 =	rddreg [dreg:$0x2]  }
0xb1: {  	s0 =	sadd.s32 @!p0 $0x100000, s0  }
0xb2: {  	[sflag:s0] =	ssyncadd.tile.s32 @!p0 $0x1;
	_ =	shalt  }
.Lfunc_end2:
_tile_overlayer_lowered:
.L_overlay_start_2:
0xb3: {  	(tag) =	ssettag $0x2  }
0xb4: {  	s0 =	rddreg [dreg:$0x0];
	s2 =	stileid.u32  }
0xb5: {  	s1 =	rddreg [dreg:$0x1];
	p0 =	sne.s32 s2, $0x0  }
0xb6: {  	s3 =	rddreg [dreg:$0x2];
	[bflag:$0x3] =	sbarrier.arrive $0xFFFF;
	s2 =	simm.s32 @!p0 $0x1C03  }
0xb7: {  	[timem:s3], [sflag:s2] =	dma.local @!p0 [hbm:s0], s1  }
0xb8: {  	s0 =	simm.s32 @!p0 $0x3  }
0xb9: {  	_ =	swait.ge @!p0 [sflag:s0], s1  }
0xba: {  	s1 =	ssub.s32 @!p0 $0x0, s1;
	[sflag:s0] =	ssyncset.done @!p0 $0x0  }
0xbb: {  	[sflag:s0] =	ssyncadd.s32 @!p0 s1  }
0xbc: {  	[bflag:$0x3] =	sbarrier.arrive $0xFFFF  }
0xbd: {  	_ =	shalt  }

// kernel: kernel.16.cloned.1.call-start
scs
__scs_entry_jumppad:
0x0: {  	(pc) =	sbr.rel $0x88, $3  }
0x1: {  	(tag) =	ssettag $0x0;
	lr =	simm.s32 $0x1  }
0x2: {  	[smem:$0x3F91] =	sst lr;
	_ =	strace $0xD0000000  }
0x3: {  	_ = 	snop  }
0x4: {  	_ = 	snop  }
0x5: {  	_ = 	snop  }
0x6: {  	_ = 	snop  }
0x7: {  	_ = 	snop  }
__scs_overlays_trampoline_lowered:
0x8: {  	[smem:$0x3FA0] =	sst s0  }
0x9: {  	[smem:$0x3FA1] =	sst s1  }
0xa: {  	[smem:$0x3FA2] =	sst s2  }
0xb: {  	[smem:$0x3FA3] =	sst s3  }
0xc: {  	[smem:$0x3FA4] =	sst s4  }
0xd: {  	[smem:$0x3FA5] =	sst s5  }
0xe: {  	[smem:$0x3FA6] =	sst s6  }
0xf: {  	[smem:$0x3FA7] =	sst s7  }
0x10: {  	[smem:$0x3FA8] =	sst s8  }
0x11: {  	[smem:$0x3FA9] =	sst s9;
	s0 =	simm.s32 @!p0 $0x0  }
0x12: {  	s1 =	sld [smem:$0x3F8F];
	s0 =	simm.s32 @p0 $0x1  }
0x13: {  	[smem:$0x3FAA] =	sst s0;
	s0 =	simm.s32 @!p1 $0x0  }
0x14: {  	s2 =	sld [smem:$0x3F8E];
	s0 =	simm.s32 @p1 $0x1  }
0x15: {  	[smem:$0x3FAB] =	sst s0;
	s0 =	simm.s32 @!p2 $0x0  }
0x16: {  	s3 =	sld [smem:$0x3FDB];
	s0 =	simm.s32 @p2 $0x1  }
0x17: {  	s4 =	simm.s32 $0x1BF5;
	[smem:$0x3FAD] =	sst s0  }
0x18: {  	s0 =	sld [smem:$0x3F90];
	_ =	swait.ge [sflag:s4], $0x0  }
0x19: {  	s7 =	sld [smem:$0x3F91]  }
0x1a: {  	s8 =	sadd.s32 $0xFFFFE003, lr  }
0x1b: {  	s9 =	sadd.s32 $0xFFFFFEF7, lr;
	s5 =	simm.s32 $0xFFFFFFFF;
	p2 =	slt.u32 s8, $0xFFFFF086  }
0x1c: {  	p1 =	slt.u32 s9, $0xF7A;
	s5 =	simm.s32 @!p2 $0x0  }
0x1d: {  	s5 =	simm.s32 @p1 $0x1;
	p0 =	seq.s32 s7, s2  }
0x1e: {  	s7 =	smul.u32 @!p0 $0xF7A, s2;
	p2 =	seq.s32 @!p0 s5, $0x0  }
0x1f: {  	s9 =	smul.u32 $0xF7A, s1;
	s8 =	simm.s32 @!p0 $0x1BF5;
	p2 =	por !p2, p0  }
0x20: {  	[sflag:s8] =	ssyncset.s32 @!p0 $0xFFFFF086;
	s6 =	sadd.s32 @!p0 s3, s7;
	s7 =	simm.s32 @!p0 $0x108  }
0x21: {  	s3 =	sadd.s32 s3, s9;
	s6 =	sadd.s32 @!p0 $0x88, s6;
	s7 =	simm.s32 @p2 $0x1082  }
0x22: {  	[simem:s7], [sflag:s8] =	dma.local @!p0 [hbm:s6], $0xF7A  }
0x23: {  	s9 =	sor.u32 $0xD0000000, s2;
	s6 =	simm.s32 $0x108;
	_ =	swait.ge @!p0 [sflag:s8], $0x0  }
0x24: {  	s3 =	sadd.s32 $0x88, s3;
	s6 =	simm.s32 @!p1 $0x1082;
	[sflag:s4] =	ssyncset.s32 $0xFFFFF086  }
0x25: {  	[simem:s6], [sflag:s4] =	dma.local [hbm:s3], $0xF7A  }
0x26: {  	[smem:$0x3F91] =	sst s1;
	(tag) =	ssettag s2;
	_ =	strace s9  }
0x27: {  	s1 =	sld [smem:$0x3FA1]  }
0x28: {  	s2 =	sld [smem:$0x3FA2]  }
0x29: {  	s4 =	sld [smem:$0x3FA4]  }
0x2a: {  	p0 =	seq.s32 s5, $0x0;
	s5 =	sld [smem:$0x3FA5]  }
0x2b: {  	s6 =	sld [smem:$0x3FA6]  }
0x2c: {  	s7 =	sld [smem:$0x3FA7]  }
0x2d: {  	s3 =	simm.s32 $0x108;
	s8 =	sld [smem:$0x3FA8]  }
0x2e: {  	s3 =	simm.s32 @!p0 $0x1082;
	s9 =	sld [smem:$0x3FA9]  }
0x2f: {  	lr =	sadd.s32 s0, s3;
	s0 =	sld [smem:$0x3FA0]  }
0x30: {  	s3 =	sld [smem:$0x3FA3]  }
0x31: {  	[smem:$0x3FAC] =	sst s10  }
0x32: {  	s10 =	sld [smem:$0x3FAA];
	_ =	sdelay $0x3  }
0x33: {  	p0 =	seq.s32 s10, $0x1;
	s10 =	sld [smem:$0x3FAC];
	_ =	sdelay $0x3  }
0x34: {  	[smem:$0x3FAC] =	sst s10  }
0x35: {  	s10 =	sld [smem:$0x3FAB];
	_ =	sdelay $0x3  }
0x36: {  	p1 =	seq.s32 s10, $0x1;
	s10 =	sld [smem:$0x3FAC];
	_ =	sdelay $0x3  }
0x37: {  	[smem:$0x3FAC] =	sst s10  }
0x38: {  	s10 =	sld [smem:$0x3FAD]  }
0x39: {  	_ = 	snop;
	(pc) =	sbr.ind lr, $3  }
0x3a: {  	_ = 	snop  }
0x3b: {  	_ = 	snop  }
0x3c: {  	p2 =	seq.s32 s10, $0x1;
	s10 =	sld [smem:$0x3FAC]  }
0x3d: {  	_ =	shalt  }
0x3e: {  	_ =	shalt  }
0x3f: {  	_ =	shalt  }
0x40: {  	_ =	shalt  }
0x41: {  	_ =	shalt  }
0x42: {  	_ =	shalt  }
0x43: {  	_ =	shalt  }
0x44: {  	_ =	shalt  }
0x45: {  	_ =	shalt  }
0x46: {  	_ =	shalt  }
0x47: {  	_ =	shalt  }
0x48: {  	_ =	shalt  }
0x49: {  	_ =	shalt  }
0x4a: {  	_ =	shalt  }
0x4b: {  	_ =	shalt  }
0x4c: {  	_ =	shalt  }
0x4d: {  	_ =	shalt  }
0x4e: {  	_ =	shalt  }
0x4f: {  	_ =	shalt  }
0x50: {  	_ =	shalt  }
0x51: {  	_ =	shalt  }
0x52: {  	_ =	shalt  }
0x53: {  	_ =	shalt  }
0x54: {  	_ =	shalt  }
0x55: {  	_ =	shalt  }
0x56: {  	_ =	shalt  }
0x57: {  	_ =	shalt  }
0x58: {  	_ =	shalt  }
0x59: {  	_ =	shalt  }
0x5a: {  	_ =	shalt  }
0x5b: {  	_ =	shalt  }
0x5c: {  	_ =	shalt  }
0x5d: {  	_ =	shalt  }
0x5e: {  	_ =	shalt  }
0x5f: {  	_ =	shalt  }
0x60: {  	_ =	shalt  }
0x61: {  	_ =	shalt  }
0x62: {  	_ =	shalt  }
0x63: {  	_ =	shalt  }
0x64: {  	_ =	shalt  }
0x65: {  	_ =	shalt  }
0x66: {  	_ =	shalt  }
0x67: {  	_ =	shalt  }
0x68: {  	_ =	shalt  }
0x69: {  	_ =	shalt  }
0x6a: {  	_ =	shalt  }
0x6b: {  	_ =	shalt  }
0x6c: {  	_ =	shalt  }
0x6d: {  	_ =	shalt  }
0x6e: {  	_ =	shalt  }
0x6f: {  	_ =	shalt  }
0x70: {  	_ =	shalt  }
0x71: {  	_ =	shalt  }
0x72: {  	_ =	shalt  }
0x73: {  	_ =	shalt  }
0x74: {  	_ =	shalt  }
0x75: {  	_ =	shalt  }
0x76: {  	_ =	shalt  }
0x77: {  	_ =	shalt  }
0x78: {  	_ =	shalt  }
0x79: {  	_ =	shalt  }
0x7a: {  	_ =	shalt  }
0x7b: {  	_ =	shalt  }
0x7c: {  	_ =	shalt  }
0x7d: {  	_ =	shalt  }
0x7e: {  	_ =	shalt  }
0x7f: {  	_ =	shalt  }
0x80: {  	_ =	shalt  }
0x81: {  	_ =	shalt  }
0x82: {  	_ =	shalt  }
0x83: {  	_ =	shalt  }
0x84: {  	_ =	shalt  }
0x85: {  	_ =	shalt  }
0x86: {  	_ =	shalt  }
0x87: {  	_ =	shalt  }
.Lfunc_end0:
.L_simem_size_0:
called_computation.1_lowered:
.L_overlay_start_0:
0x88: {  	s2 =	sld [smem:$0x3FD9]  }
0x89: {  	s3 =	sld [smem:$0x3FFE];
	_ =	sdelay $0x1  }
0x8a: {  	s1 =	srdreg.scid  }
0x8b: {  	s0 =	sand.u32 $0x1, s1  }
0x8c: {  	s16 =	sshll.u32 s0, $0xA;
	s2 =	sadd.s32 s3, s2  }
0x8d: {  	s2 =	sadd.s32 s2, s16  }
0x8e: {  	[smem:$0x3FB8] =	sst s2  }
0x8f: {  	_ = 	snop  }
0x90: {  	(tm) =	ssettm $0x1  }
0x91: {  	s17 =	sld [smem:$0x3FFB];
	_ =	sdelay $0x3  }
0x92: {  	_ =	strace s17  }
0x93: {  	s2 =	sld [smem:$0x3FFC];
	_ =	sdelay $0x3  }
0x94: {  	_ =	strace s2  }
0x95: {  	s2 =	sld [smem:$0x3FFD];
	_ =	sdelay $0x3  }
0x96: {  	_ =	strace s2  }
0x97: {  	_ =	strace $0x8FFFFFFF  }
0x98: {  	s18 =	sld [smem:$0x3FDB];
	_ =	sdelay $0x1  }
0x99: {  	s19 =	simm.s32 $_scs_section_size  }
0x9a: {  	s4 =	simm.s32 $_size__tile_overlayer_lowered;
	s5 =	simm.s32 $_tile_overlayer_lowered  }
0x9b: {  	s22 =	simm.s32 $0x1BFF;
	s21 =	sshll.u32 s5, $0x1;
	s2 =	sadd.s32 s19, s18  }
0x9c: {  	s6 =	simm.s32 $0x0;
	s20 =	sshll.u32 s4, $0x1;
	s4 =	sadd.s32 s21, s2  }
0x9d: {  	[timem:s6], [sflag:s22] =	dma.local [hbm:s4], s20  }
0x9e: {  	_ =	swait.ge [sflag:s22], s20  }
0x9f: {  	s3 =	ssub.s32 $0x0, s20;
	[sflag:s22] =	ssyncset.done $0x0  }
0xa0: {  	[sflag:s22] =	ssyncadd.s32 s3;
	_ =	sdelay $0x1  }
0xa1: {  	s23 =	simm.s32 $0x1B8B  }
0xa2: {  	_ =	swait.ge [sflag:s23], $0x1  }
0xa3: {  	[sflag:s23] =	ssyncset.done $0x0  }
0xa4: {  	s25 =	simm.s32 $0x1B8E;
	s24 =	sld [smem:$0x3FFE];
	[sflag:s23] =	ssyncadd.s32 $0xFFFFFFFF  }
0xa5: {  	s26 =	simm.s32 $execute0_lowered;
	[smem:$0x3FD2] =	sst s25  }
0xa6: {  	s4 =	sshll.u32 s26, $0x1;
	_ =	strace $0x80000049;
	[dreg:$0x1] =	wrdreg $0xFFFFFFFF  }
0xa7: {  	s28 =	simm.s32 $_size_execute0_lowered;
	s2 =	sadd.s32 s2, s4;
	[dreg:$0x0] =	wrdreg $0x0  }
0xa8: {  	s4 =	sshll.u32 s28, $0x1;
	[dreg:$0x2] =	wrdreg s2  }
0xa9: {  	[dreg:$0x3] =	wrdreg s4  }
0xaa: {  	[dreg:$0x4] =	wrdreg $0xC0  }
0xab: {  	_ =	task [dreg:s6], $0x5FFFF  }
0xac: {  	[dreg:$0x1] =	wrdreg $0xFFFFFFFF  }
0xad: {  	[dreg:$0x0] =	wrdreg $0x60  }
0xae: {  	[dreg:$0x2] =	wrdreg s24  }
0xaf: {  	[dreg:$0x3] =	wrdreg $0xB7800  }
0xb0: {  	[dreg:$0x4] =	wrdreg $0x9  }
0xb1: {  	_ =	task.clear_ibuf [dreg:s6], $0x5FFFF;
	_ =	strace $0x90000049  }
0xb2: {  	s29 =	simm.s32 $0x9;
	_ =	strace $0x8000004B  }
0xb3: {  	_ =	swait.ge [sflag:s29], $0x1  }
0xb4: {  	[sflag:s29] =	ssyncadd.s32 $0xFFFFFFFF  }
0xb5: {  	_ =	strace $0x9000004B  }
0xb6: {  	_ =	sfence  }
0xb7: {  	s30 =	sld [smem:$0x0];
	_ =	sdelay $0x2  }
0xb8: {  	s31 =	sshll.u32 s1, $0xD;
	s1 =	sshrl.u32 s1, $0x2  }
0xb9: {  	s3 =	sand.u32 $0x4000, s31;
	s1 =	sadd.s32 s1, s30  }
0xba: {  	s0 =	sor.u32 s3, s0;
	s1 =	sshll.u32 s1, $0x11  }
0xbb: {  	s0 =	sor.u32 s1, s0  }
0xbc: {  	s0 =	sadd.s32 $0x8F2B, s0  }
0xbd: {  	[sflag:s0] =	ssyncadd.remote.s32 $0x1  }
0xbe: {  	_ =	sfence.sel $0xFFFF  }
0xbf: {  	[dreg:$0x0] =	wrdreg $0xFFFFFFFF;
	(pc) =	sbr.abs _section_cstart, $3  }
0xc0: {  	[dreg:$0x1] =	wrdreg $0xFFFFFFFF  }
0xc1: {  	_ =	task.clear_ibuf [dreg:s6], $0x2FFFF;
	_ =	strace $0x9FFFFFFF  }
0xc2: {  	(tm) =	ssettm $0x7FFFFFFF  }
0xc3: {  	_ =	shalt  }
tec
execute0_lowered:
.L_overlay_start_1:
0x0: {  	(tag) =	ssettag $0x1  }
0x1: {  	s10 =	rddreg [dreg:$0x0]  }
0x2: {  	s1 =	rddreg [dreg:$0x1]  }
0x3: {  	s3 =	simm.s32 $0x0;
	s0 =	stileid.u32;
	s11 =	srdreg.scid  }
0x4: {  	s21 =	simm.s32 $0x6780;
	s22 =	simm.s32 $0x50;
	s23 =	simm.s32 $0x8F80  }
0x5: {  	s24 =	simm.s32 $0x1;
	s25 =	simm.s32 $0x4;
	s26 =	simm.s32 $0x2  }
0x6: {  	s28 =	simm.s32 $0x6580;
	s29 =	simm.s32 $0x0;
	[smem:$0x7FF] =	sst s3  }
0x7: {  	s4 =	sadd.s32 $0x7600, s10;
	s5 =	sadd.s32 $0x2F600, s10;
	s9 =	smul.u32 $0x4E2, s0  }
0x8: {  	s6 =	sadd.s32 $0x8CC00, s10;
	s7 =	sadd.s32 $0xB4C00, s10;
	s8 =	smul.u32 $0x2800, s0  }
0x9: {  	s30 =	sshll.u32 s0, $0xB;
	s17 =	sand.u32 $0x1, s11;
	s16 =	smul.u32 $0x50000, s0  }
0xa: {  	s19 =	sshll.u32 s0, $0x6;
	_ =	strace $0x8000004A;
	s13 =	sadd.s32 s30, s10  }
0xb: {  	s11 =	ssub.s32 $0x2, s17;
	p0 =	sne.s32 s17, $0x0;
	s17 =	simm.s32 $0x3  }
0xc: {  	s19 =	sor.u32 $0x1C03, s19;
	s12 =	sadd.s32 s9, s10;
	s15 =	sadd.s32 s8, s10  }
.Ltmp0:
0xd: {  	s9 =	sadd.s32 $0x17CC00, s10;
	s14 =	sshrl.u32 s11, $0x1;
	(pc) =	sbr.rel .LBB2_1-.Ltmp0, $4  }
0xe: {  	s10 =	sadd.s32 $0x1A4C00, s10;
	s31 =	sshrl.u32 s16, $0x2;
	s18 =	ssub.s32 s11, s14  }
0xf: {  	s11 =	sadd.s32 $0x57600, s12;
	s12 =	sadd.s32 $0x5C600, s13;
	s13 =	sadd.s32 $0x64600, s15  }
0x10: {  	s20 =	sadd.s32 s31, s1;
	s14 =	sadd.s32 $0x154C00, s15;
	s15 =	sadd.s32 $0x12CC00, s15  }
0x11: {  	s16 =	smax.u32 s18, $0x1;
	s18 =	simm.s32 $0x2780;
	s20 =	sshrl.u32 s20, $0x3  }
.LBB2_11:
0x12: {  	[sflag:s17] =	ssyncadd.s32 $0xFFFFD800  }
0x13: {  	_ =	swait.ge [sflag:s24], $0x2800  }
0x14: {  	[sflag:s24] =	ssyncset.done $0x0  }
0x15: {  	s30 =	smov.u32 s10;
	[sflag:s24] =	ssyncadd.s32 $0xFFFFD800  }
0x16: {  	[spmem:s1] =	stream.indirect.scatter.add.f32 [tilespmem:s21], [sflag:$0x4], $0x80, s28, s22, $0xb8;
	[tilespmem:$0x1F780] =	vst v63  }
.LBB2_12:
0x17: {  	_ =	swait.ge [sflag:s25], $0x2800  }
0x18: {  	s29 =	sadd.s32 $0x1, s29;
	[sflag:s25] =	ssyncset.done $0x0  }
0x19: {  	p1 =	sne.s32 s29, s16;
	[sflag:s25] =	ssyncadd.s32 $0xFFFFD800  }
.Ltmp1:
0x1a: {  	s0 =	sadd.s32 s30, s8;
	[bflag:$0x0] =	sbarrier.arrive $0xFFFF;
	(pc) =	sbr.rel @!p1 .LBB2_13-.Ltmp1, $4  }
0x1b: {  	[hbm:s0], [sflag:s19] =	dma.local [spmem:s20], $0x2800  }
0x1c: {  	_ =	swait.ge [sflag:s17], $0x2800  }
0x1d: {  	[sflag:s17] =	ssyncset.done $0x0  }
0x1e: {  	[sflag:s17] =	ssyncadd.s32 $0xFFFFD800  }
.LBB2_1:
0x1f: {  	[tilespmem:s3], [sflag:$0x3] =	stream.linear.gather [hbm4b:s11+s3], $0x2710, $0x38;
	[tilespmem:$0x1F780] =	vst v63  }
0x20: {  	_ =	swait.ge [sflag:s17], $0x2710  }
0x21: {  	[sflag:s17] =	ssyncset.done $0x0  }
0x22: {  	[sflag:s17] =	ssyncadd.s32 $0xFFFFD8F0  }
0x23: {  	[tilespmem:s18], [sflag:$0x3] =	stream.linear.gather [hbm4b:s12+s3], $0x3E80, $0x38;
	[tilespmem:$0x1F780] =	vst v63  }
0x24: {  	_ =	swait.ge [sflag:s17], $0x3E80  }
0x25: {  	[sflag:s17] =	ssyncset.done $0x0  }
0x26: {  	[sflag:s17] =	ssyncadd.s32 $0xFFFFC180  }
0x27: {  	[spmem:s20], [sflag:s19] =	dma.local [hbm:s13], $0x2800  }
.Ltmp2:
0x28: {  	_ =	swait.ge [sflag:s17], $0x2800;
	(pc) =	sbr.rel @p0 .LBB2_7-.Ltmp2, $4  }
0x29: {  	[sflag:s17] =	ssyncset.done $0x0  }
0x2a: {  	[sflag:s17] =	ssyncadd.s32 $0xFFFFD800  }
0x2b: {  	[bflag:$0x0] =	sbarrier.arrive $0xFFFF  }
0x2c: {  	s30 =	simm.s32 $0x50  }
0x2d: {  	s31 =	simm.s32 $0x0  }
0x2e: {  	[tilespmem:s21], [sflag:$0x1] =	stream.indirect.gather [hbm4b:s4+s30], $0x80, s31, s30, $0xb8;
	[tilespmem:$0x1F780] =	vst v63  }
0x2f: {  	_ = 	snop  }
0x30: {  	[tilespmem:s23], [sflag:$0x2] =	stream.indirect.gather [hbm4b:s4+s22], $0x80, s30, s22, $0xb8;
	[tilespmem:$0x1F780] =	vst v63  }
0x31: {  	_ =	swait.ge [sflag:s24], $0x2800  }
0x32: {  	[sflag:s24] =	ssyncset.done $0x0  }
0x33: {  	s31 =	simm.s32 $0x2780;
	[sflag:s24] =	ssyncadd.s32 $0xFFFFD800  }
0x34: {  	[spmem:s1] =	stream.indirect.scatter.add.f32 [tilespmem:s21], [sflag:$0x4], $0x80, s31, s22, $0xb8;
	[tilespmem:$0x1F780] =	vst v63  }
0x35: {  	_ =	swait.ge [sflag:s25], $0x2800  }
0x36: {  	[sflag:s25] =	ssyncset.done $0x0  }
0x37: {  	s31 =	simm.s32 $0xA0;
	[sflag:s25] =	ssyncadd.s32 $0xFFFFD800  }
0x38: {  	[tilespmem:s21], [sflag:$0x1] =	stream.indirect.gather [hbm4b:s4+s22], $0x80, s31, s22, $0xb8;
	[tilespmem:$0x1F780] =	vst v63  }
0x39: {  	_ =	swait.ge [sflag:s26], $0x2800  }
0x3a: {  	[sflag:s26] =	ssyncset.done $0x0  }
0x3b: {  	s31 =	simm.s32 $0x2800;
	[sflag:s26] =	ssyncadd.s32 $0xFFFFD800  }
0x3c: {  	[spmem:s1] =	stream.indirect.scatter.add.f32 [tilespmem:s23], [sflag:$0x3], $0x80, s31, s22, $0xb8;
	[tilespmem:$0x1F780] =	vst v63  }
0x3d: {  	_ =	swait.ge [sflag:s17], $0x2800  }
0x3e: {  	s31 =	simm.s32 $0x400;
	[sflag:s17] =	ssyncset.done $0x0  }
.LBB2_3:
0x3f: {  	p1 =	sne.s32 s31, $0xF400;
	[sflag:s17] =	ssyncadd.s32 $0xFFFFD800;
	s30 =	sadd.s32 $0xA0, s30  }
0x40: {  	[tilespmem:s23], [sflag:$0x2] =	stream.indirect.gather [hbm4b:s4+s22], $0x80, s30, s22, $0xb8;
	[tilespmem:$0x1F780] =	vst v63  }
0x41: {  	s0 =	smov.u32 s31;
	s31 =	sadd.s32 $0x400, s31;
	_ =	swait.ge [sflag:s24], $0x2800  }
0x42: {  	s0 =	sshra.s32 s0, $0x2;
	[sflag:s24] =	ssyncset.done $0x0  }
0x43: {  	s2 =	sadd.s32 $0x2780, s0;
	[sflag:s24] =	ssyncadd.s32 $0xFFFFD800  }
0x44: {  	[spmem:s1] =	stream.indirect.scatter.add.f32 [tilespmem:s21], [sflag:$0x4], $0x80, s2, s22, $0xb8;
	[tilespmem:$0x1F780] =	vst v63  }
0x45: {  	_ =	swait.ge [sflag:s25], $0x2800  }
0x46: {  	[sflag:s25] =	ssyncset.done $0x0  }
0x47: {  	s2 =	sadd.s32 $0x50, s30;
	[sflag:s25] =	ssyncadd.s32 $0xFFFFD800  }
0x48: {  	[tilespmem:s21], [sflag:$0x1] =	stream.indirect.gather [hbm4b:s4+s22], $0x80, s2, s22, $0xb8;
	[tilespmem:$0x1F780] =	vst v63  }
0x49: {  	_ =	swait.ge [sflag:s26], $0x2800  }
.Ltmp3:
0x4a: {  	[sflag:s26] =	ssyncset.done $0x0;
	(pc) =	sbr.rel @p1 .LBB2_3-.Ltmp3, $4  }
0x4b: {  	s0 =	sadd.s32 $0x2800, s0;
	[sflag:s26] =	ssyncadd.s32 $0xFFFFD800  }
0x4c: {  	[spmem:s1] =	stream.indirect.scatter.add.f32 [tilespmem:s23], [sflag:$0x3], $0x80, s0, s22, $0xb8;
	[tilespmem:$0x1F780] =	vst v63  }
0x4d: {  	_ =	swait.ge [sflag:s17], $0x2800  }
0x4e: {  	[sflag:s17] =	ssyncset.done $0x0  }
0x4f: {  	[sflag:s17] =	ssyncadd.s32 $0xFFFFD800  }
0x50: {  	_ =	swait.ge [sflag:s24], $0x2800  }
0x51: {  	[sflag:s24] =	ssyncset.done $0x0  }
0x52: {  	s30 =	simm.s32 $0x50;
	[sflag:s24] =	ssyncadd.s32 $0xFFFFD800  }
0x53: {  	[spmem:s1] =	stream.indirect.scatter.add.f32 [tilespmem:s21], [sflag:$0x4], $0x80, s28, s30, $0xb8;
	[tilespmem:$0x1F780] =	vst v63  }
0x54: {  	_ =	swait.ge [sflag:s25], $0x2800  }
0x55: {  	[sflag:s25] =	ssyncset.done $0x0  }
0x56: {  	[sflag:s25] =	ssyncadd.s32 $0xFFFFD800  }
0x57: {  	[bflag:$0x0] =	sbarrier.arrive $0xFFFF  }
0x58: {  	[hbm:s15], [sflag:s19] =	dma.local [spmem:s20], $0x2800  }
0x59: {  	_ =	swait.ge [sflag:s17], $0x2800  }
0x5a: {  	[sflag:s17] =	ssyncset.done $0x0  }
0x5b: {  	[sflag:s17] =	ssyncadd.s32 $0xFFFFD800  }
0x5c: {  	[spmem:s20], [sflag:s19] =	dma.local [hbm:s13], $0x2800  }
0x5d: {  	_ =	swait.ge [sflag:s17], $0x2800  }
0x5e: {  	[sflag:s17] =	ssyncset.done $0x0  }
0x5f: {  	[sflag:s17] =	ssyncadd.s32 $0xFFFFD800  }
0x60: {  	s0 =	simm.s32 $0x0;
	[bflag:$0x0] =	sbarrier.arrive $0xFFFF  }
0x61: {  	[tilespmem:s21], [sflag:$0x1] =	stream.indirect.gather [hbm4b:s6+s30], $0x80, s0, s30, $0xb8;
	[tilespmem:$0x1F780] =	vst v63  }
0x62: {  	_ = 	snop  }
0x63: {  	[tilespmem:s23], [sflag:$0x2] =	stream.indirect.gather [hbm4b:s6+s22], $0x80, s30, s22, $0xb8;
	[tilespmem:$0x1F780] =	vst v63  }
0x64: {  	_ =	swait.ge [sflag:s24], $0x2800  }
0x65: {  	[sflag:s24] =	ssyncset.done $0x0  }
0x66: {  	s2 =	simm.s32 $0x2780;
	[sflag:s24] =	ssyncadd.s32 $0xFFFFD800  }
0x67: {  	[spmem:s1] =	stream.indirect.scatter.add.f32 [tilespmem:s21], [sflag:$0x4], $0x80, s2, s22, $0xb8;
	[tilespmem:$0x1F780] =	vst v63  }
0x68: {  	_ =	swait.ge [sflag:s25], $0x2800  }
0x69: {  	[sflag:s25] =	ssyncset.done $0x0  }
0x6a: {  	s2 =	simm.s32 $0xA0;
	[sflag:s25] =	ssyncadd.s32 $0xFFFFD800  }
0x6b: {  	[tilespmem:s21], [sflag:$0x1] =	stream.indirect.gather [hbm4b:s6+s22], $0x80, s2, s22, $0xb8;
	[tilespmem:$0x1F780] =	vst v63  }
0x6c: {  	_ =	swait.ge [sflag:s26], $0x2800  }
0x6d: {  	[sflag:s26] =	ssyncset.done $0x0  }
0x6e: {  	s2 =	simm.s32 $0x2800;
	[sflag:s26] =	ssyncadd.s32 $0xFFFFD800  }
0x6f: {  	[spmem:s1] =	stream.indirect.scatter.add.f32 [tilespmem:s23], [sflag:$0x3], $0x80, s2, s22, $0xb8;
	[tilespmem:$0x1F780] =	vst v63  }
0x70: {  	_ =	swait.ge [sflag:s17], $0x2800  }
0x71: {  	s31 =	simm.s32 $0x400;
	[sflag:s17] =	ssyncset.done $0x0  }
.LBB2_5:
0x72: {  	p1 =	sne.s32 s31, $0xF400;
	[sflag:s17] =	ssyncadd.s32 $0xFFFFD800;
	s30 =	sadd.s32 $0xA0, s30  }
0x73: {  	[tilespmem:s23], [sflag:$0x2] =	stream.indirect.gather [hbm4b:s6+s22], $0x80, s30, s22, $0xb8;
	[tilespmem:$0x1F780] =	vst v63  }
0x74: {  	s0 =	smov.u32 s31;
	s31 =	sadd.s32 $0x400, s31;
	_ =	swait.ge [sflag:s24], $0x2800  }
0x75: {  	s0 =	sshra.s32 s0, $0x2;
	[sflag:s24] =	ssyncset.done $0x0  }
0x76: {  	s2 =	sadd.s32 $0x2780, s0;
	[sflag:s24] =	ssyncadd.s32 $0xFFFFD800  }
0x77: {  	[spmem:s1] =	stream.indirect.scatter.add.f32 [tilespmem:s21], [sflag:$0x4], $0x80, s2, s22, $0xb8;
	[tilespmem:$0x1F780] =	vst v63  }
0x78: {  	_ =	swait.ge [sflag:s25], $0x2800  }
0x79: {  	[sflag:s25] =	ssyncset.done $0x0  }
0x7a: {  	s2 =	sadd.s32 $0x50, s30;
	[sflag:s25] =	ssyncadd.s32 $0xFFFFD800  }
0x7b: {  	[tilespmem:s21], [sflag:$0x1] =	stream.indirect.gather [hbm4b:s6+s22], $0x80, s2, s22, $0xb8;
	[tilespmem:$0x1F780] =	vst v63  }
0x7c: {  	_ =	swait.ge [sflag:s26], $0x2800  }
.Ltmp4:
0x7d: {  	[sflag:s26] =	ssyncset.done $0x0;
	(pc) =	sbr.rel @p1 .LBB2_5-.Ltmp4, $4  }
0x7e: {  	s0 =	sadd.s32 $0x2800, s0;
	[sflag:s26] =	ssyncadd.s32 $0xFFFFD800  }
0x7f: {  	[spmem:s1] =	stream.indirect.scatter.add.f32 [tilespmem:s23], [sflag:$0x3], $0x80, s0, s22, $0xb8;
	[tilespmem:$0x1F780] =	vst v63  }
0x80: {  	_ =	swait.ge [sflag:s17], $0x2800  }
0x81: {  	[sflag:s17] =	ssyncset.done $0x0  }
.Ltmp5:
0x82: {  	[sflag:s17] =	ssyncadd.s32 $0xFFFFD800;
	(pc) =	sbr.rel .LBB2_12-.Ltmp5, $4  }
0x83: {  	_ =	swait.ge [sflag:s24], $0x2800  }
0x84: {  	[sflag:s24] =	ssyncset.done $0x0  }
0x85: {  	s30 =	smov.u32 s9;
	[sflag:s24] =	ssyncadd.s32 $0xFFFFD800  }
0x86: {  	[spmem:s1] =	stream.indirect.scatter.add.f32 [tilespmem:s21], [sflag:$0x4], $0x80, s28, s22, $0xb8;
	[tilespmem:$0x1F780] =	vst v63  }
.LBB2_7:
0x87: {  	s0 =	simm.s32 $0x0  }
0x88: {  	[tilespmem:s21], [sflag:$0x1] =	stream.indirect.gather [hbm4b:s5+s30], $0x80, s0, s30, $0xb8;
	[tilespmem:$0x1F780] =	vst v63  }
0x89: {  	_ = 	snop  }
0x8a: {  	[tilespmem:s23], [sflag:$0x2] =	stream.indirect.gather [hbm4b:s5+s22], $0x80, s30, s22, $0xb8;
	[tilespmem:$0x1F780] =	vst v63  }
0x8b: {  	_ =	swait.ge [sflag:s24], $0x2800  }
0x8c: {  	[sflag:s24] =	ssyncset.done $0x0  }
0x8d: {  	s2 =	simm.s32 $0x2780;
	[sflag:s24] =	ssyncadd.s32 $0xFFFFD800  }
0x8e: {  	[spmem:s1] =	stream.indirect.scatter.add.f32 [tilespmem:s21], [sflag:$0x4], $0x80, s2, s22, $0xb8;
	[tilespmem:$0x1F780] =	vst v63  }
0x8f: {  	_ =	swait.ge [sflag:s25], $0x2800  }
0x90: {  	[sflag:s25] =	ssyncset.done $0x0  }
0x91: {  	s2 =	simm.s32 $0xA0;
	[sflag:s25] =	ssyncadd.s32 $0xFFFFD800  }
0x92: {  	[tilespmem:s21], [sflag:$0x1] =	stream.indirect.gather [hbm4b:s5+s22], $0x80, s2, s22, $0xb8;
	[tilespmem:$0x1F780] =	vst v63  }
0x93: {  	_ =	swait.ge [sflag:s26], $0x2800  }
0x94: {  	[sflag:s26] =	ssyncset.done $0x0  }
0x95: {  	s2 =	simm.s32 $0x2800;
	[sflag:s26] =	ssyncadd.s32 $0xFFFFD800  }
0x96: {  	[spmem:s1] =	stream.indirect.scatter.add.f32 [tilespmem:s23], [sflag:$0x3], $0x80, s2, s22, $0xb8;
	[tilespmem:$0x1F780] =	vst v63  }
0x97: {  	_ =	swait.ge [sflag:s17], $0x2800  }
0x98: {  	s31 =	simm.s32 $0x400;
	[sflag:s17] =	ssyncset.done $0x0  }
.LBB2_8:
0x99: {  	p1 =	seq.s32 s31, $0xF400;
	[sflag:s17] =	ssyncadd.s32 $0xFFFFD800;
	s30 =	sadd.s32 $0xA0, s30  }
0x9a: {  	[tilespmem:s23], [sflag:$0x2] =	stream.indirect.gather [hbm4b:s5+s22], $0x80, s30, s22, $0xb8;
	[tilespmem:$0x1F780] =	vst v63  }
0x9b: {  	s0 =	smov.u32 s31;
	s31 =	sadd.s32 $0x400, s31;
	_ =	swait.ge [sflag:s24], $0x2800  }
0x9c: {  	s0 =	sshra.s32 s0, $0x2;
	[sflag:s24] =	ssyncset.done $0x0  }
0x9d: {  	s2 =	sadd.s32 $0x2780, s0;
	[sflag:s24] =	ssyncadd.s32 $0xFFFFD800  }
0x9e: {  	[spmem:s1] =	stream.indirect.scatter.add.f32 [tilespmem:s21], [sflag:$0x4], $0x80, s2, s22, $0xb8;
	[tilespmem:$0x1F780] =	vst v63  }
0x9f: {  	_ =	swait.ge [sflag:s25], $0x2800  }
0xa0: {  	[sflag:s25] =	ssyncset.done $0x0  }
0xa1: {  	s2 =	sadd.s32 $0x50, s30;
	[sflag:s25] =	ssyncadd.s32 $0xFFFFD800  }
0xa2: {  	[tilespmem:s21], [sflag:$0x1] =	stream.indirect.gather [hbm4b:s5+s22], $0x80, s2, s22, $0xb8;
	[tilespmem:$0x1F780] =	vst v63  }
0xa3: {  	_ =	swait.ge [sflag:s26], $0x2800  }
.Ltmp6:
0xa4: {  	[sflag:s26] =	ssyncset.done $0x0;
	(pc) =	sbr.rel @!p1 .LBB2_8-.Ltmp6, $4  }
0xa5: {  	s0 =	sadd.s32 $0x2800, s0;
	[sflag:s26] =	ssyncadd.s32 $0xFFFFD800  }
0xa6: {  	[spmem:s1] =	stream.indirect.scatter.add.f32 [tilespmem:s23], [sflag:$0x3], $0x80, s0, s22, $0xb8;
	[tilespmem:$0x1F780] =	vst v63  }
0xa7: {  	_ =	swait.ge [sflag:s17], $0x2800  }
0xa8: {  	[sflag:s17] =	ssyncset.done $0x0  }
0xa9: {  	[sflag:s17] =	ssyncadd.s32 $0xFFFFD800  }
0xaa: {  	_ =	swait.ge [sflag:s24], $0x2800  }
0xab: {  	[sflag:s24] =	ssyncset.done $0x0  }
0xac: {  	s30 =	simm.s32 $0x50;
	[sflag:s24] =	ssyncadd.s32 $0xFFFFD800  }
0xad: {  	[spmem:s1] =	stream.indirect.scatter.add.f32 [tilespmem:s21], [sflag:$0x4], $0x80, s28, s30, $0xb8;
	[tilespmem:$0x1F780] =	vst v63  }
0xae: {  	_ =	swait.ge [sflag:s25], $0x2800  }
0xaf: {  	[sflag:s25] =	ssyncset.done $0x0  }
0xb0: {  	[sflag:s25] =	ssyncadd.s32 $0xFFFFD800  }
0xb1: {  	[bflag:$0x0] =	sbarrier.arrive $0xFFFF  }
0xb2: {  	[hbm:s14], [sflag:s19] =	dma.local [spmem:s20], $0x2800  }
0xb3: {  	_ =	swait.ge [sflag:s17], $0x2800  }
0xb4: {  	[sflag:s17] =	ssyncset.done $0x0  }
0xb5: {  	[sflag:s17] =	ssyncadd.s32 $0xFFFFD800  }
0xb6: {  	[spmem:s20], [sflag:s19] =	dma.local [hbm:s13], $0x2800  }
0xb7: {  	_ =	swait.ge [sflag:s17], $0x2800  }
0xb8: {  	[sflag:s17] =	ssyncset.done $0x0  }
0xb9: {  	[sflag:s17] =	ssyncadd.s32 $0xFFFFD800  }
0xba: {  	s0 =	simm.s32 $0x0;
	[bflag:$0x0] =	sbarrier.arrive $0xFFFF  }
0xbb: {  	[tilespmem:s21], [sflag:$0x1] =	stream.indirect.gather [hbm4b:s7+s30], $0x80, s0, s30, $0xb8;
	[tilespmem:$0x1F780] =	vst v63  }
0xbc: {  	_ = 	snop  }
0xbd: {  	[tilespmem:s23], [sflag:$0x2] =	stream.indirect.gather [hbm4b:s7+s22], $0x80, s30, s22, $0xb8;
	[tilespmem:$0x1F780] =	vst v63  }
0xbe: {  	_ =	swait.ge [sflag:s24], $0x2800  }
0xbf: {  	[sflag:s24] =	ssyncset.done $0x0  }
0xc0: {  	s2 =	simm.s32 $0x2780;
	[sflag:s24] =	ssyncadd.s32 $0xFFFFD800  }
0xc1: {  	[spmem:s1] =	stream.indirect.scatter.add.f32 [tilespmem:s21], [sflag:$0x4], $0x80, s2, s22, $0xb8;
	[tilespmem:$0x1F780] =	vst v63  }
0xc2: {  	_ =	swait.ge [sflag:s25], $0x2800  }
0xc3: {  	[sflag:s25] =	ssyncset.done $0x0  }
0xc4: {  	s2 =	simm.s32 $0xA0;
	[sflag:s25] =	ssyncadd.s32 $0xFFFFD800  }
0xc5: {  	[tilespmem:s21], [sflag:$0x1] =	stream.indirect.gather [hbm4b:s7+s22], $0x80, s2, s22, $0xb8;
	[tilespmem:$0x1F780] =	vst v63  }
0xc6: {  	_ =	swait.ge [sflag:s26], $0x2800  }
0xc7: {  	[sflag:s26] =	ssyncset.done $0x0  }
0xc8: {  	s2 =	simm.s32 $0x2800;
	[sflag:s26] =	ssyncadd.s32 $0xFFFFD800  }
0xc9: {  	[spmem:s1] =	stream.indirect.scatter.add.f32 [tilespmem:s23], [sflag:$0x3], $0x80, s2, s22, $0xb8;
	[tilespmem:$0x1F780] =	vst v63  }
0xca: {  	_ =	swait.ge [sflag:s17], $0x2800  }
0xcb: {  	s31 =	simm.s32 $0x400;
	[sflag:s17] =	ssyncset.done $0x0  }
.LBB2_10:
0xcc: {  	p1 =	sne.s32 s31, $0xF400;
	[sflag:s17] =	ssyncadd.s32 $0xFFFFD800;
	s30 =	sadd.s32 $0xA0, s30  }
0xcd: {  	[tilespmem:s23], [sflag:$0x2] =	stream.indirect.gather [hbm4b:s7+s22], $0x80, s30, s22, $0xb8;
	[tilespmem:$0x1F780] =	vst v63  }
0xce: {  	s0 =	smov.u32 s31;
	s31 =	sadd.s32 $0x400, s31;
	_ =	swait.ge [sflag:s24], $0x2800  }
0xcf: {  	s0 =	sshra.s32 s0, $0x2;
	[sflag:s24] =	ssyncset.done $0x0  }
0xd0: {  	s2 =	sadd.s32 $0x2780, s0;
	[sflag:s24] =	ssyncadd.s32 $0xFFFFD800  }
0xd1: {  	[spmem:s1] =	stream.indirect.scatter.add.f32 [tilespmem:s21], [sflag:$0x4], $0x80, s2, s22, $0xb8;
	[tilespmem:$0x1F780] =	vst v63  }
0xd2: {  	_ =	swait.ge [sflag:s25], $0x2800  }
0xd3: {  	[sflag:s25] =	ssyncset.done $0x0  }
0xd4: {  	s2 =	sadd.s32 $0x50, s30;
	[sflag:s25] =	ssyncadd.s32 $0xFFFFD800  }
0xd5: {  	[tilespmem:s21], [sflag:$0x1] =	stream.indirect.gather [hbm4b:s7+s22], $0x80, s2, s22, $0xb8;
	[tilespmem:$0x1F780] =	vst v63  }
0xd6: {  	_ =	swait.ge [sflag:s26], $0x2800  }
.Ltmp7:
0xd7: {  	[sflag:s26] =	ssyncset.done $0x0;
	(pc) =	sbr.rel @p1 .LBB2_10-.Ltmp7, $4  }
0xd8: {  	s0 =	sadd.s32 $0x2800, s0;
	[sflag:s26] =	ssyncadd.s32 $0xFFFFD800  }
0xd9: {  	[spmem:s1] =	stream.indirect.scatter.add.f32 [tilespmem:s23], [sflag:$0x3], $0x80, s0, s22, $0xb8;
	[tilespmem:$0x1F780] =	vst v63  }
0xda: {  	_ =	swait.ge [sflag:s17], $0x2800  }
0xdb: {  	[sflag:s17] =	ssyncset.done $0x0  }
.Ltmp8:
0xdc: {  	_ = 	snop;
	(pc) =	sbr.rel .LBB2_11-.Ltmp8, $1  }
0xdd: {  	_ =	sdelay $0x3  }
.LBB2_13:
0xde: {  	_ =	sfence.sel $0x180000  }
0xdf: {  	[bflag:$0x0] =	sbarrier.arrive $0xFFFF  }
0xe0: {  	_ =	strace $0x9000004A  }
0xe1: {  	s0 =	stileid.u32;
	[bflag:$0x2] =	sbarrier.arrive $0xFFFF  }
0xe2: {  	p0 =	sne.s32 s0, $0x0;
	s0 =	rddreg [dreg:$0x2]  }
0xe3: {  	s0 =	sadd.s32 @!p0 $0x100000, s0  }
0xe4: {  	[sflag:s0] =	ssyncadd.tile.s32 @!p0 $0x1;
	_ =	shalt  }
.Lfunc_end2:
_tile_overlayer_lowered:
.L_overlay_start_2:
0xe5: {  	(tag) =	ssettag $0x2  }
0xe6: {  	s0 =	rddreg [dreg:$0x0];
	s2 =	stileid.u32  }
0xe7: {  	s1 =	rddreg [dreg:$0x1];
	p0 =	sne.s32 s2, $0x0  }
0xe8: {  	s3 =	rddreg [dreg:$0x2];
	[bflag:$0x3] =	sbarrier.arrive $0xFFFF;
	s2 =	simm.s32 @!p0 $0x1C03  }
0xe9: {  	[timem:s3], [sflag:s2] =	dma.local @!p0 [hbm:s0], s1  }
0xea: {  	s0 =	simm.s32 @!p0 $0x3  }
0xeb: {  	_ =	swait.ge @!p0 [sflag:s0], s1  }
0xec: {  	s1 =	ssub.s32 @!p0 $0x0, s1;
	[sflag:s0] =	ssyncset.done @!p0 $0x0  }
0xed: {  	[sflag:s0] =	ssyncadd.s32 @!p0 s1  }
0xee: {  	[bflag:$0x3] =	sbarrier.arrive $0xFFFF  }
0xef: {  	_ =	shalt  }

// kernel: kernel.19.cloned.1.call-start
scs
__scs_entry_jumppad:
0x0: {  	(pc) =	sbr.rel $0x88, $3  }
0x1: {  	(tag) =	ssettag $0x0;
	lr =	simm.s32 $0x1  }
0x2: {  	[smem:$0x3F91] =	sst lr;
	_ =	strace $0xD0000000  }
0x3: {  	_ = 	snop  }
0x4: {  	_ = 	snop  }
0x5: {  	_ = 	snop  }
0x6: {  	_ = 	snop  }
0x7: {  	_ = 	snop  }
__scs_overlays_trampoline_lowered:
0x8: {  	[smem:$0x3FA0] =	sst s0  }
0x9: {  	[smem:$0x3FA1] =	sst s1  }
0xa: {  	[smem:$0x3FA2] =	sst s2  }
0xb: {  	[smem:$0x3FA3] =	sst s3  }
0xc: {  	[smem:$0x3FA4] =	sst s4  }
0xd: {  	[smem:$0x3FA5] =	sst s5  }
0xe: {  	[smem:$0x3FA6] =	sst s6  }
0xf: {  	[smem:$0x3FA7] =	sst s7  }
0x10: {  	[smem:$0x3FA8] =	sst s8  }
0x11: {  	[smem:$0x3FA9] =	sst s9;
	s0 =	simm.s32 @!p0 $0x0  }
0x12: {  	s1 =	sld [smem:$0x3F8F];
	s0 =	simm.s32 @p0 $0x1  }
0x13: {  	[smem:$0x3FAA] =	sst s0;
	s0 =	simm.s32 @!p1 $0x0  }
0x14: {  	s2 =	sld [smem:$0x3F8E];
	s0 =	simm.s32 @p1 $0x1  }
0x15: {  	[smem:$0x3FAB] =	sst s0;
	s0 =	simm.s32 @!p2 $0x0  }
0x16: {  	s3 =	sld [smem:$0x3FDB];
	s0 =	simm.s32 @p2 $0x1  }
0x17: {  	s4 =	simm.s32 $0x1BF5;
	[smem:$0x3FAD] =	sst s0  }
0x18: {  	s0 =	sld [smem:$0x3F90];
	_ =	swait.ge [sflag:s4], $0x0  }
0x19: {  	s7 =	sld [smem:$0x3F91]  }
0x1a: {  	s8 =	sadd.s32 $0xFFFFE003, lr  }
0x1b: {  	s9 =	sadd.s32 $0xFFFFFEF7, lr;
	s5 =	simm.s32 $0xFFFFFFFF;
	p2 =	slt.u32 s8, $0xFFFFF086  }
0x1c: {  	p1 =	slt.u32 s9, $0xF7A;
	s5 =	simm.s32 @!p2 $0x0  }
0x1d: {  	s5 =	simm.s32 @p1 $0x1;
	p0 =	seq.s32 s7, s2  }
0x1e: {  	s7 =	smul.u32 @!p0 $0xF7A, s2;
	p2 =	seq.s32 @!p0 s5, $0x0  }
0x1f: {  	s9 =	smul.u32 $0xF7A, s1;
	s8 =	simm.s32 @!p0 $0x1BF5;
	p2 =	por !p2, p0  }
0x20: {  	[sflag:s8] =	ssyncset.s32 @!p0 $0xFFFFF086;
	s6 =	sadd.s32 @!p0 s3, s7;
	s7 =	simm.s32 @!p0 $0x108  }
0x21: {  	s3 =	sadd.s32 s3, s9;
	s6 =	sadd.s32 @!p0 $0x88, s6;
	s7 =	simm.s32 @p2 $0x1082  }
0x22: {  	[simem:s7], [sflag:s8] =	dma.local @!p0 [hbm:s6], $0xF7A  }
0x23: {  	s9 =	sor.u32 $0xD0000000, s2;
	s6 =	simm.s32 $0x108;
	_ =	swait.ge @!p0 [sflag:s8], $0x0  }
0x24: {  	s3 =	sadd.s32 $0x88, s3;
	s6 =	simm.s32 @!p1 $0x1082;
	[sflag:s4] =	ssyncset.s32 $0xFFFFF086  }
0x25: {  	[simem:s6], [sflag:s4] =	dma.local [hbm:s3], $0xF7A  }
0x26: {  	[smem:$0x3F91] =	sst s1;
	(tag) =	ssettag s2;
	_ =	strace s9  }
0x27: {  	s1 =	sld [smem:$0x3FA1]  }
0x28: {  	s2 =	sld [smem:$0x3FA2]  }
0x29: {  	s4 =	sld [smem:$0x3FA4]  }
0x2a: {  	p0 =	seq.s32 s5, $0x0;
	s5 =	sld [smem:$0x3FA5]  }
0x2b: {  	s6 =	sld [smem:$0x3FA6]  }
0x2c: {  	s7 =	sld [smem:$0x3FA7]  }
0x2d: {  	s3 =	simm.s32 $0x108;
	s8 =	sld [smem:$0x3FA8]  }
0x2e: {  	s3 =	simm.s32 @!p0 $0x1082;
	s9 =	sld [smem:$0x3FA9]  }
0x2f: {  	lr =	sadd.s32 s0, s3;
	s0 =	sld [smem:$0x3FA0]  }
0x30: {  	s3 =	sld [smem:$0x3FA3]  }
0x31: {  	[smem:$0x3FAC] =	sst s10  }
0x32: {  	s10 =	sld [smem:$0x3FAA];
	_ =	sdelay $0x3  }
0x33: {  	p0 =	seq.s32 s10, $0x1;
	s10 =	sld [smem:$0x3FAC];
	_ =	sdelay $0x3  }
0x34: {  	[smem:$0x3FAC] =	sst s10  }
0x35: {  	s10 =	sld [smem:$0x3FAB];
	_ =	sdelay $0x3  }
0x36: {  	p1 =	seq.s32 s10, $0x1;
	s10 =	sld [smem:$0x3FAC];
	_ =	sdelay $0x3  }
0x37: {  	[smem:$0x3FAC] =	sst s10  }
0x38: {  	s10 =	sld [smem:$0x3FAD]  }
0x39: {  	_ = 	snop;
	(pc) =	sbr.ind lr, $3  }
0x3a: {  	_ = 	snop  }
0x3b: {  	_ = 	snop  }
0x3c: {  	p2 =	seq.s32 s10, $0x1;
	s10 =	sld [smem:$0x3FAC]  }
0x3d: {  	_ =	shalt  }
0x3e: {  	_ =	shalt  }
0x3f: {  	_ =	shalt  }
0x40: {  	_ =	shalt  }
0x41: {  	_ =	shalt  }
0x42: {  	_ =	shalt  }
0x43: {  	_ =	shalt  }
0x44: {  	_ =	shalt  }
0x45: {  	_ =	shalt  }
0x46: {  	_ =	shalt  }
0x47: {  	_ =	shalt  }
0x48: {  	_ =	shalt  }
0x49: {  	_ =	shalt  }
0x4a: {  	_ =	shalt  }
0x4b: {  	_ =	shalt  }
0x4c: {  	_ =	shalt  }
0x4d: {  	_ =	shalt  }
0x4e: {  	_ =	shalt  }
0x4f: {  	_ =	shalt  }
0x50: {  	_ =	shalt  }
0x51: {  	_ =	shalt  }
0x52: {  	_ =	shalt  }
0x53: {  	_ =	shalt  }
0x54: {  	_ =	shalt  }
0x55: {  	_ =	shalt  }
0x56: {  	_ =	shalt  }
0x57: {  	_ =	shalt  }
0x58: {  	_ =	shalt  }
0x59: {  	_ =	shalt  }
0x5a: {  	_ =	shalt  }
0x5b: {  	_ =	shalt  }
0x5c: {  	_ =	shalt  }
0x5d: {  	_ =	shalt  }
0x5e: {  	_ =	shalt  }
0x5f: {  	_ =	shalt  }
0x60: {  	_ =	shalt  }
0x61: {  	_ =	shalt  }
0x62: {  	_ =	shalt  }
0x63: {  	_ =	shalt  }
0x64: {  	_ =	shalt  }
0x65: {  	_ =	shalt  }
0x66: {  	_ =	shalt  }
0x67: {  	_ =	shalt  }
0x68: {  	_ =	shalt  }
0x69: {  	_ =	shalt  }
0x6a: {  	_ =	shalt  }
0x6b: {  	_ =	shalt  }
0x6c: {  	_ =	shalt  }
0x6d: {  	_ =	shalt  }
0x6e: {  	_ =	shalt  }
0x6f: {  	_ =	shalt  }
0x70: {  	_ =	shalt  }
0x71: {  	_ =	shalt  }
0x72: {  	_ =	shalt  }
0x73: {  	_ =	shalt  }
0x74: {  	_ =	shalt  }
0x75: {  	_ =	shalt  }
0x76: {  	_ =	shalt  }
0x77: {  	_ =	shalt  }
0x78: {  	_ =	shalt  }
0x79: {  	_ =	shalt  }
0x7a: {  	_ =	shalt  }
0x7b: {  	_ =	shalt  }
0x7c: {  	_ =	shalt  }
0x7d: {  	_ =	shalt  }
0x7e: {  	_ =	shalt  }
0x7f: {  	_ =	shalt  }
0x80: {  	_ =	shalt  }
0x81: {  	_ =	shalt  }
0x82: {  	_ =	shalt  }
0x83: {  	_ =	shalt  }
0x84: {  	_ =	shalt  }
0x85: {  	_ =	shalt  }
0x86: {  	_ =	shalt  }
0x87: {  	_ =	shalt  }
.Lfunc_end0:
.L_simem_size_0:
called_computation.2_lowered:
.L_overlay_start_0:
0x88: {  	s2 =	sld [smem:$0x3FD9]  }
0x89: {  	s3 =	sld [smem:$0x3FFE];
	_ =	sdelay $0x1  }
0x8a: {  	s1 =	srdreg.scid  }
0x8b: {  	s0 =	sand.u32 $0x1, s1  }
0x8c: {  	s16 =	sshll.u32 s0, $0xA;
	s2 =	sadd.s32 s3, s2  }
0x8d: {  	s2 =	sadd.s32 s2, s16  }
0x8e: {  	[smem:$0x3FB8] =	sst s2  }
0x8f: {  	_ = 	snop  }
0x90: {  	(tm) =	ssettm $0x1  }
0x91: {  	s17 =	sld [smem:$0x3FFB];
	_ =	sdelay $0x3  }
0x92: {  	_ =	strace s17  }
0x93: {  	s2 =	sld [smem:$0x3FFC];
	_ =	sdelay $0x3  }
0x94: {  	_ =	strace s2  }
0x95: {  	s2 =	sld [smem:$0x3FFD];
	_ =	sdelay $0x3  }
0x96: {  	_ =	strace s2  }
0x97: {  	_ =	strace $0x8FFFFFFF  }
0x98: {  	s18 =	sld [smem:$0x3FDB];
	_ =	sdelay $0x1  }
0x99: {  	s19 =	simm.s32 $_scs_section_size  }
0x9a: {  	s4 =	simm.s32 $_size__tile_overlayer_lowered;
	s5 =	simm.s32 $_tile_overlayer_lowered  }
0x9b: {  	s22 =	simm.s32 $0x1BFF;
	s21 =	sshll.u32 s5, $0x1;
	s2 =	sadd.s32 s19, s18  }
0x9c: {  	s6 =	simm.s32 $0x0;
	s20 =	sshll.u32 s4, $0x1;
	s4 =	sadd.s32 s21, s2  }
0x9d: {  	[timem:s6], [sflag:s22] =	dma.local [hbm:s4], s20  }
0x9e: {  	_ =	swait.ge [sflag:s22], s20  }
0x9f: {  	s3 =	ssub.s32 $0x0, s20;
	[sflag:s22] =	ssyncset.done $0x0  }
0xa0: {  	[sflag:s22] =	ssyncadd.s32 s3;
	_ =	sdelay $0x1  }
0xa1: {  	s23 =	simm.s32 $0x1B8B  }
0xa2: {  	_ =	swait.ge [sflag:s23], $0x1  }
0xa3: {  	[sflag:s23] =	ssyncset.done $0x0  }
0xa4: {  	s25 =	simm.s32 $0x1B8E;
	s24 =	sld [smem:$0x3FFE];
	[sflag:s23] =	ssyncadd.s32 $0xFFFFFFFF  }
0xa5: {  	s26 =	simm.s32 $execute0_lowered;
	[smem:$0x3FD2] =	sst s25  }
0xa6: {  	s4 =	sshll.u32 s26, $0x1;
	_ =	strace $0x8000004C;
	[dreg:$0x1] =	wrdreg $0xFFFFFFFF  }
0xa7: {  	s28 =	simm.s32 $_size_execute0_lowered;
	s2 =	sadd.s32 s2, s4;
	[dreg:$0x0] =	wrdreg $0x0  }
0xa8: {  	s4 =	sshll.u32 s28, $0x1;
	[dreg:$0x2] =	wrdreg s2  }
0xa9: {  	[dreg:$0x3] =	wrdreg s4  }
0xaa: {  	[dreg:$0x4] =	wrdreg $0xC0  }
0xab: {  	_ =	task [dreg:s6], $0x5FFFF  }
0xac: {  	[dreg:$0x1] =	wrdreg $0xFFFFFFFF  }
0xad: {  	[dreg:$0x0] =	wrdreg $0x60  }
0xae: {  	[dreg:$0x2] =	wrdreg s24  }
0xaf: {  	[dreg:$0x3] =	wrdreg $0xB7800  }
0xb0: {  	[dreg:$0x4] =	wrdreg $0x9  }
0xb1: {  	_ =	task.clear_ibuf [dreg:s6], $0x5FFFF;
	_ =	strace $0x9000004C  }
0xb2: {  	s29 =	simm.s32 $0x9;
	_ =	strace $0x8000004E  }
0xb3: {  	_ =	swait.ge [sflag:s29], $0x1  }
0xb4: {  	[sflag:s29] =	ssyncadd.s32 $0xFFFFFFFF  }
0xb5: {  	_ =	strace $0x9000004E  }
0xb6: {  	_ =	sfence  }
0xb7: {  	s30 =	sld [smem:$0x0];
	_ =	sdelay $0x2  }
0xb8: {  	s31 =	sshll.u32 s1, $0xD;
	s1 =	sshrl.u32 s1, $0x2  }
0xb9: {  	s3 =	sand.u32 $0x4000, s31;
	s1 =	sadd.s32 s1, s30  }
0xba: {  	s0 =	sor.u32 s3, s0;
	s1 =	sshll.u32 s1, $0x11  }
0xbb: {  	s0 =	sor.u32 s1, s0  }
0xbc: {  	s0 =	sadd.s32 $0x8F2B, s0  }
0xbd: {  	[sflag:s0] =	ssyncadd.remote.s32 $0x1  }
0xbe: {  	_ =	sfence.sel $0xFFFF  }
0xbf: {  	[dreg:$0x0] =	wrdreg $0xFFFFFFFF;
	(pc) =	sbr.abs _section_cstart, $3  }
0xc0: {  	[dreg:$0x1] =	wrdreg $0xFFFFFFFF  }
0xc1: {  	_ =	task.clear_ibuf [dreg:s6], $0x2FFFF;
	_ =	strace $0x9FFFFFFF  }
0xc2: {  	(tm) =	ssettm $0x7FFFFFFF  }
0xc3: {  	_ =	shalt  }
tec
execute0_lowered:
.L_overlay_start_1:
0x0: {  	(tag) =	ssettag $0x1  }
0x1: {  	s0 =	rddreg [dreg:$0x0]  }
0x2: {  	s1 =	rddreg [dreg:$0x1]  }
0x3: {  	s2 =	simm.s32 $0x0;
	s21 =	stileid.u32;
	s10 =	srdreg.scid  }
0x4: {  	s20 =	simm.s32 $0x3;
	s28 =	simm.s32 $0x1;
	s29 =	simm.s32 $0x4  }
0x5: {  	s30 =	simm.s32 $0x2;
	s31 =	simm.s32 $0x6580;
	[smem:$0x7FF] =	sst s2  }
0x6: {  	s4 =	sadd.s32 $0x7600, s0;
	s5 =	sadd.s32 $0x2F600, s0;
	s6 =	sadd.s32 $0x8CC00, s0  }
0x7: {  	s7 =	sadd.s32 $0xB4C00, s0;
	s3 =	smul.u32 $0x4E2, s21;
	s8 =	sadd.s32 $0xDCC00, s0  }
0x8: {  	s9 =	smul.u32 $0x2800, s21;
	s11 =	sshll.u32 s21, $0xB;
	s10 =	sand.u32 $0x1, s10  }
0x9: {  	s22 =	sadd.s32 $0x1A4C00, s0;
	s15 =	smul.u32 $0x50000, s21;
	s26 =	sshll.u32 s21, $0x6  }
0xa: {  	_ =	strace $0x8000004D;
	s13 =	sadd.s32 s11, s0;
	s12 =	ssub.s32 $0x2, s10  }
0xb: {  	[dreg:$0x3] =	wrdreg s22;
	p0 =	sne.s32 s10, $0x0;
	s22 =	sor.u32 $0x1C03, s26  }
0xc: {  	s26 =	simm.s32 $0x8F80;
	s3 =	sadd.s32 s3, s0;
	s18 =	sadd.s32 s9, s0  }
0xd: {  	s14 =	sshrl.u32 s12, $0x1;
	s0 =	sadd.s32 $0x1CCC00, s0;
	s13 =	sadd.s32 $0x5C600, s13  }
0xe: {  	s24 =	sshrl.u32 s15, $0x2;
	s15 =	simm.s32 $0x2780;
	s23 =	ssub.s32 s12, s14  }
.Ltmp0:
0xf: {  	s12 =	sadd.s32 $0x57600, s3;
	s14 =	sadd.s32 $0x64600, s18;
	(pc) =	sbr.rel .LBB2_1-.Ltmp0, $4  }
0x10: {  	[dreg:$0x4] =	wrdreg s0;
	s25 =	sadd.s32 $0x12CC00, s18;
	s16 =	sadd.s32 $0x104C00, s18  }
0x11: {  	s3 =	sadd.s32 s24, s1;
	s17 =	sadd.s32 $0x154C00, s18;
	s18 =	sadd.s32 $0x17CC00, s18  }
0x12: {  	s24 =	simm.s32 $0x6780;
	s0 =	simm.s32 $0x0;
	[dreg:$0x5] =	wrdreg s25  }
0x13: {  	s19 =	smax.u32 s23, $0x1;
	s23 =	sshrl.u32 s3, $0x3;
	s25 =	simm.s32 $0x50  }
.LBB2_15:
0x14: {  	s10 =	sadd.s32 $0xFFFFFFB0, s3;
	[sflag:s20] =	ssyncadd.s32 $0xFFFFD800  }
0x15: {  	[tilespmem:s26], [sflag:$0x2] =	stream.indirect.gather [hbm4b:s8+s25], $0x80, s10, s25, $0xb8;
	[tilespmem:$0x1F780] =	vst v63  }
0x16: {  	_ =	swait.ge [sflag:s28], $0x2800  }
0x17: {  	s21 =	sshra.s32 s21, $0x2;
	[sflag:s28] =	ssyncset.done $0x0  }
0x18: {  	s11 =	sadd.s32 $0x6500, s21;
	[sflag:s28] =	ssyncadd.s32 $0xFFFFD800  }
0x19: {  	[spmem:s1] =	stream.indirect.scatter.add.f32 [tilespmem:s24], [sflag:$0x4], $0x80, s11, s25, $0xb8;
	[tilespmem:$0x1F780] =	vst v63  }
0x1a: {  	_ =	swait.ge [sflag:s29], $0x2800  }
0x1b: {  	[sflag:s29] =	ssyncset.done $0x0  }
0x1c: {  	[sflag:s29] =	ssyncadd.s32 $0xFFFFD800  }
0x1d: {  	[tilespmem:s24], [sflag:$0x1] =	stream.indirect.gather [hbm4b:s8+s25], $0x80, s3, s25, $0xb8;
	[tilespmem:$0x1F780] =	vst v63  }
0x1e: {  	_ =	swait.ge [sflag:s30], $0x2800  }
0x1f: {  	[sflag:s30] =	ssyncset.done $0x0  }
0x20: {  	s11 =	sadd.s32 $0x6580, s21;
	[sflag:s30] =	ssyncadd.s32 $0xFFFFD800  }
0x21: {  	[spmem:s1] =	stream.indirect.scatter.add.f32 [tilespmem:s26], [sflag:$0x3], $0x80, s11, s25, $0xb8;
	[tilespmem:$0x1F780] =	vst v63  }
0x22: {  	_ =	swait.ge [sflag:s20], $0x2800  }
0x23: {  	[sflag:s20] =	ssyncset.done $0x0  }
0x24: {  	s15 =	simm.s32 $0x26C0;
	[sflag:s20] =	ssyncadd.s32 $0xFFFFD800  }
0x25: {  	[tilespmem:s26], [sflag:$0x2] =	stream.indirect.gather [hbm4b:s8+s25], $0x80, s15, s25, $0xb8;
	[tilespmem:$0x1F780] =	vst v63  }
0x26: {  	_ =	swait.ge [sflag:s28], $0x2800  }
0x27: {  	[sflag:s28] =	ssyncset.done $0x0  }
0x28: {  	s21 =	simm.s32 $0x6500;
	[sflag:s28] =	ssyncadd.s32 $0xFFFFD800  }
0x29: {  	[spmem:s1] =	stream.indirect.scatter.add.f32 [tilespmem:s24], [sflag:$0x4], $0x80, s21, s25, $0xb8;
	[tilespmem:$0x1F780] =	vst v63  }
0x2a: {  	_ =	swait.ge [sflag:s29], $0x2800  }
0x2b: {  	[sflag:s29] =	ssyncset.done $0x0  }
0x2c: {  	[sflag:s29] =	ssyncadd.s32 $0xFFFFD800  }
0x2d: {  	_ =	swait.ge [sflag:s30], $0x2800  }
0x2e: {  	s3 =	simm.s32 $0x3;
	[sflag:s30] =	ssyncset.done $0x0  }
0x2f: {  	s15 =	simm.s32 $0x2780;
	s10 =	rddreg [dreg:$0x4];
	[sflag:s30] =	ssyncadd.s32 $0xFFFFD800  }
0x30: {  	[spmem:s1] =	stream.indirect.scatter.add.f32 [tilespmem:s26], [sflag:$0x3], $0x80, s31, s25, $0xb8;
	[tilespmem:$0x1F780] =	vst v63  }
.LBB2_16:
0x31: {  	_ =	swait.ge [sflag:s3], $0x2800  }
0x32: {  	s0 =	sadd.s32 $0x1, s0;
	[sflag:s3] =	ssyncset.done $0x0  }
0x33: {  	p1 =	sne.s32 s0, s19;
	[sflag:s3] =	ssyncadd.s32 $0xFFFFD800  }
.Ltmp1:
0x34: {  	s21 =	sadd.s32 s10, s9;
	[bflag:$0x0] =	sbarrier.arrive $0xFFFF;
	(pc) =	sbr.rel @!p1 .LBB2_17-.Ltmp1, $4  }
0x35: {  	[hbm:s21], [sflag:s22] =	dma.local [spmem:s23], $0x2800  }
0x36: {  	_ =	swait.ge [sflag:s20], $0x2800  }
0x37: {  	[sflag:s20] =	ssyncset.done $0x0  }
0x38: {  	[sflag:s20] =	ssyncadd.s32 $0xFFFFD800  }
.LBB2_1:
0x39: {  	[tilespmem:s2], [sflag:$0x3] =	stream.linear.gather [hbm4b:s12+s2], $0x2710, $0x38;
	[tilespmem:$0x1F780] =	vst v63  }
0x3a: {  	_ =	swait.ge [sflag:s20], $0x2710  }
0x3b: {  	[sflag:s20] =	ssyncset.done $0x0  }
0x3c: {  	[sflag:s20] =	ssyncadd.s32 $0xFFFFD8F0  }
0x3d: {  	[tilespmem:s15], [sflag:$0x3] =	stream.linear.gather [hbm4b:s13+s2], $0x3E80, $0x38;
	[tilespmem:$0x1F780] =	vst v63  }
0x3e: {  	_ =	swait.ge [sflag:s20], $0x3E80  }
0x3f: {  	[sflag:s20] =	ssyncset.done $0x0  }
0x40: {  	[sflag:s20] =	ssyncadd.s32 $0xFFFFC180  }
0x41: {  	[spmem:s23], [sflag:s22] =	dma.local [hbm:s14], $0x2800  }
.Ltmp2:
0x42: {  	_ =	swait.ge [sflag:s20], $0x2800;
	(pc) =	sbr.rel @p0 .LBB2_9-.Ltmp2, $4  }
0x43: {  	[sflag:s20] =	ssyncset.done $0x0  }
0x44: {  	[sflag:s20] =	ssyncadd.s32 $0xFFFFD800  }
0x45: {  	[bflag:$0x0] =	sbarrier.arrive $0xFFFF  }
0x46: {  	s3 =	simm.s32 $0x50;
	s10 =	simm.s32 $0x0  }
0x47: {  	[tilespmem:s24], [sflag:$0x1] =	stream.indirect.gather [hbm4b:s4+s3], $0x80, s10, s3, $0xb8;
	[tilespmem:$0x1F780] =	vst v63  }
0x48: {  	_ = 	snop  }
0x49: {  	[tilespmem:s26], [sflag:$0x2] =	stream.indirect.gather [hbm4b:s4+s25], $0x80, s3, s25, $0xb8;
	[tilespmem:$0x1F780] =	vst v63  }
0x4a: {  	_ =	swait.ge [sflag:s28], $0x2800  }
0x4b: {  	[sflag:s28] =	ssyncset.done $0x0  }
0x4c: {  	s21 =	simm.s32 $0x2780;
	[sflag:s28] =	ssyncadd.s32 $0xFFFFD800  }
0x4d: {  	[spmem:s1] =	stream.indirect.scatter.add.f32 [tilespmem:s24], [sflag:$0x4], $0x80, s21, s25, $0xb8;
	[tilespmem:$0x1F780] =	vst v63  }
0x4e: {  	_ =	swait.ge [sflag:s29], $0x2800  }
0x4f: {  	[sflag:s29] =	ssyncset.done $0x0  }
0x50: {  	s11 =	simm.s32 $0xA0;
	[sflag:s29] =	ssyncadd.s32 $0xFFFFD800  }
0x51: {  	[tilespmem:s24], [sflag:$0x1] =	stream.indirect.gather [hbm4b:s4+s25], $0x80, s11, s25, $0xb8;
	[tilespmem:$0x1F780] =	vst v63  }
0x52: {  	_ =	swait.ge [sflag:s30], $0x2800  }
0x53: {  	[sflag:s30] =	ssyncset.done $0x0  }
0x54: {  	s21 =	simm.s32 $0x2800;
	[sflag:s30] =	ssyncadd.s32 $0xFFFFD800  }
0x55: {  	[spmem:s1] =	stream.indirect.scatter.add.f32 [tilespmem:s26], [sflag:$0x3], $0x80, s21, s25, $0xb8;
	[tilespmem:$0x1F780] =	vst v63  }
0x56: {  	_ =	swait.ge [sflag:s20], $0x2800  }
0x57: {  	s10 =	simm.s32 $0x400;
	[sflag:s20] =	ssyncset.done $0x0  }
.LBB2_3:
0x58: {  	p1 =	sne.s32 s10, $0xF400;
	[sflag:s20] =	ssyncadd.s32 $0xFFFFD800;
	s3 =	sadd.s32 $0xA0, s3  }
0x59: {  	[tilespmem:s26], [sflag:$0x2] =	stream.indirect.gather [hbm4b:s4+s25], $0x80, s3, s25, $0xb8;
	[tilespmem:$0x1F780] =	vst v63  }
0x5a: {  	s21 =	smov.u32 s10;
	s10 =	sadd.s32 $0x400, s10;
	_ =	swait.ge [sflag:s28], $0x2800  }
0x5b: {  	s21 =	sshra.s32 s21, $0x2;
	[sflag:s28] =	ssyncset.done $0x0  }
0x5c: {  	s11 =	sadd.s32 $0x2780, s21;
	[sflag:s28] =	ssyncadd.s32 $0xFFFFD800  }
0x5d: {  	[spmem:s1] =	stream.indirect.scatter.add.f32 [tilespmem:s24], [sflag:$0x4], $0x80, s11, s25, $0xb8;
	[tilespmem:$0x1F780] =	vst v63  }
0x5e: {  	_ =	swait.ge [sflag:s29], $0x2800  }
0x5f: {  	[sflag:s29] =	ssyncset.done $0x0  }
0x60: {  	s11 =	sadd.s32 $0x50, s3;
	[sflag:s29] =	ssyncadd.s32 $0xFFFFD800  }
0x61: {  	[tilespmem:s24], [sflag:$0x1] =	stream.indirect.gather [hbm4b:s4+s25], $0x80, s11, s25, $0xb8;
	[tilespmem:$0x1F780] =	vst v63  }
0x62: {  	_ =	swait.ge [sflag:s30], $0x2800  }
.Ltmp3:
0x63: {  	[sflag:s30] =	ssyncset.done $0x0;
	(pc) =	sbr.rel @p1 .LBB2_3-.Ltmp3, $4  }
0x64: {  	s11 =	sadd.s32 $0x2800, s21;
	[sflag:s30] =	ssyncadd.s32 $0xFFFFD800  }
0x65: {  	[spmem:s1] =	stream.indirect.scatter.add.f32 [tilespmem:s26], [sflag:$0x3], $0x80, s11, s25, $0xb8;
	[tilespmem:$0x1F780] =	vst v63  }
0x66: {  	_ =	swait.ge [sflag:s20], $0x2800  }
0x67: {  	[sflag:s20] =	ssyncset.done $0x0  }
0x68: {  	[sflag:s20] =	ssyncadd.s32 $0xFFFFD800  }
0x69: {  	_ =	swait.ge [sflag:s28], $0x2800  }
0x6a: {  	[sflag:s28] =	ssyncset.done $0x0  }
0x6b: {  	s3 =	simm.s32 $0x50;
	[sflag:s28] =	ssyncadd.s32 $0xFFFFD800  }
0x6c: {  	[spmem:s1] =	stream.indirect.scatter.add.f32 [tilespmem:s24], [sflag:$0x4], $0x80, s31, s3, $0xb8;
	[tilespmem:$0x1F780] =	vst v63  }
0x6d: {  	_ =	swait.ge [sflag:s29], $0x2800  }
0x6e: {  	[sflag:s29] =	ssyncset.done $0x0  }
0x6f: {  	[sflag:s29] =	ssyncadd.s32 $0xFFFFD800  }
0x70: {  	[bflag:$0x0] =	sbarrier.arrive $0xFFFF  }
0x71: {  	[hbm:s16], [sflag:s22] =	dma.local [spmem:s23], $0x2800  }
0x72: {  	_ =	swait.ge [sflag:s20], $0x2800  }
0x73: {  	[sflag:s20] =	ssyncset.done $0x0  }
0x74: {  	[sflag:s20] =	ssyncadd.s32 $0xFFFFD800  }
0x75: {  	[spmem:s23], [sflag:s22] =	dma.local [hbm:s14], $0x2800  }
0x76: {  	_ =	swait.ge [sflag:s20], $0x2800  }
0x77: {  	[sflag:s20] =	ssyncset.done $0x0  }
0x78: {  	[sflag:s20] =	ssyncadd.s32 $0xFFFFD800  }
0x79: {  	s10 =	simm.s32 $0x0;
	[bflag:$0x0] =	sbarrier.arrive $0xFFFF  }
0x7a: {  	[tilespmem:s24], [sflag:$0x1] =	stream.indirect.gather [hbm4b:s6+s3], $0x80, s10, s3, $0xb8;
	[tilespmem:$0x1F780] =	vst v63  }
0x7b: {  	_ = 	snop  }
0x7c: {  	[tilespmem:s26], [sflag:$0x2] =	stream.indirect.gather [hbm4b:s6+s25], $0x80, s3, s25, $0xb8;
	[tilespmem:$0x1F780] =	vst v63  }
0x7d: {  	_ =	swait.ge [sflag:s28], $0x2800  }
0x7e: {  	[sflag:s28] =	ssyncset.done $0x0  }
0x7f: {  	s21 =	simm.s32 $0x2780;
	[sflag:s28] =	ssyncadd.s32 $0xFFFFD800  }
0x80: {  	[spmem:s1] =	stream.indirect.scatter.add.f32 [tilespmem:s24], [sflag:$0x4], $0x80, s21, s25, $0xb8;
	[tilespmem:$0x1F780] =	vst v63  }
0x81: {  	_ =	swait.ge [sflag:s29], $0x2800  }
0x82: {  	[sflag:s29] =	ssyncset.done $0x0  }
0x83: {  	s11 =	simm.s32 $0xA0;
	[sflag:s29] =	ssyncadd.s32 $0xFFFFD800  }
0x84: {  	[tilespmem:s24], [sflag:$0x1] =	stream.indirect.gather [hbm4b:s6+s25], $0x80, s11, s25, $0xb8;
	[tilespmem:$0x1F780] =	vst v63  }
0x85: {  	_ =	swait.ge [sflag:s30], $0x2800  }
0x86: {  	[sflag:s30] =	ssyncset.done $0x0  }
0x87: {  	s21 =	simm.s32 $0x2800;
	[sflag:s30] =	ssyncadd.s32 $0xFFFFD800  }
0x88: {  	[spmem:s1] =	stream.indirect.scatter.add.f32 [tilespmem:s26], [sflag:$0x3], $0x80, s21, s25, $0xb8;
	[tilespmem:$0x1F780] =	vst v63  }
0x89: {  	_ =	swait.ge [sflag:s20], $0x2800  }
0x8a: {  	s10 =	simm.s32 $0x400;
	[sflag:s20] =	ssyncset.done $0x0  }
.LBB2_5:
0x8b: {  	p1 =	seq.s32 s10, $0xF400;
	[sflag:s20] =	ssyncadd.s32 $0xFFFFD800;
	s3 =	sadd.s32 $0xA0, s3  }
0x8c: {  	[tilespmem:s26], [sflag:$0x2] =	stream.indirect.gather [hbm4b:s6+s25], $0x80, s3, s25, $0xb8;
	[tilespmem:$0x1F780] =	vst v63  }
0x8d: {  	s11 =	smov.u32 s10;
	s10 =	sadd.s32 $0x400, s10;
	_ =	swait.ge [sflag:s28], $0x2800  }
0x8e: {  	s11 =	sshra.s32 s11, $0x2;
	[sflag:s28] =	ssyncset.done $0x0  }
0x8f: {  	s21 =	sadd.s32 $0x2780, s11;
	[sflag:s28] =	ssyncadd.s32 $0xFFFFD800  }
0x90: {  	[spmem:s1] =	stream.indirect.scatter.add.f32 [tilespmem:s24], [sflag:$0x4], $0x80, s21, s25, $0xb8;
	[tilespmem:$0x1F780] =	vst v63  }
0x91: {  	_ =	swait.ge [sflag:s29], $0x2800  }
0x92: {  	[sflag:s29] =	ssyncset.done $0x0  }
0x93: {  	s21 =	sadd.s32 $0x50, s3;
	[sflag:s29] =	ssyncadd.s32 $0xFFFFD800  }
0x94: {  	[tilespmem:s24], [sflag:$0x1] =	stream.indirect.gather [hbm4b:s6+s25], $0x80, s21, s25, $0xb8;
	[tilespmem:$0x1F780] =	vst v63  }
0x95: {  	_ =	swait.ge [sflag:s30], $0x2800  }
.Ltmp4:
0x96: {  	[sflag:s30] =	ssyncset.done $0x0;
	(pc) =	sbr.rel @!p1 .LBB2_5-.Ltmp4, $4  }
0x97: {  	s11 =	sadd.s32 $0x2800, s11;
	[sflag:s30] =	ssyncadd.s32 $0xFFFFD800  }
0x98: {  	[spmem:s1] =	stream.indirect.scatter.add.f32 [tilespmem:s26], [sflag:$0x3], $0x80, s11, s25, $0xb8;
	[tilespmem:$0x1F780] =	vst v63  }
0x99: {  	_ =	swait.ge [sflag:s20], $0x2800  }
0x9a: {  	[sflag:s20] =	ssyncset.done $0x0  }
0x9b: {  	[sflag:s20] =	ssyncadd.s32 $0xFFFFD800  }
0x9c: {  	_ =	swait.ge [sflag:s28], $0x2800  }
0x9d: {  	[sflag:s28] =	ssyncset.done $0x0  }
0x9e: {  	s3 =	simm.s32 $0x50;
	[sflag:s28] =	ssyncadd.s32 $0xFFFFD800  }
0x9f: {  	[spmem:s1] =	stream.indirect.scatter.add.f32 [tilespmem:s24], [sflag:$0x4], $0x80, s31, s3, $0xb8;
	[tilespmem:$0x1F780] =	vst v63  }
0xa0: {  	_ =	swait.ge [sflag:s29], $0x2800  }
0xa1: {  	[sflag:s29] =	ssyncset.done $0x0  }
0xa2: {  	[sflag:s29] =	ssyncadd.s32 $0xFFFFD800  }
0xa3: {  	[bflag:$0x0] =	sbarrier.arrive $0xFFFF  }
0xa4: {  	[hbm:s17], [sflag:s22] =	dma.local [spmem:s23], $0x2800  }
0xa5: {  	_ =	swait.ge [sflag:s20], $0x2800  }
0xa6: {  	[sflag:s20] =	ssyncset.done $0x0  }
0xa7: {  	[sflag:s20] =	ssyncadd.s32 $0xFFFFD800  }
0xa8: {  	[spmem:s23], [sflag:s22] =	dma.local [hbm:s14], $0x2800  }
0xa9: {  	_ =	swait.ge [sflag:s20], $0x2800  }
0xaa: {  	[sflag:s20] =	ssyncset.done $0x0  }
0xab: {  	[sflag:s20] =	ssyncadd.s32 $0xFFFFD800  }
0xac: {  	s10 =	simm.s32 $0x0;
	[bflag:$0x0] =	sbarrier.arrive $0xFFFF  }
0xad: {  	[tilespmem:s24], [sflag:$0x1] =	stream.indirect.gather [hbm4b:s8+s3], $0x80, s10, s3, $0xb8;
	[tilespmem:$0x1F780] =	vst v63  }
0xae: {  	_ = 	snop  }
0xaf: {  	[tilespmem:s26], [sflag:$0x2] =	stream.indirect.gather [hbm4b:s8+s25], $0x80, s3, s25, $0xb8;
	[tilespmem:$0x1F780] =	vst v63  }
0xb0: {  	_ =	swait.ge [sflag:s28], $0x2800  }
0xb1: {  	[sflag:s28] =	ssyncset.done $0x0  }
0xb2: {  	s21 =	simm.s32 $0x2780;
	[sflag:s28] =	ssyncadd.s32 $0xFFFFD800  }
0xb3: {  	[spmem:s1] =	stream.indirect.scatter.add.f32 [tilespmem:s24], [sflag:$0x4], $0x80, s21, s25, $0xb8;
	[tilespmem:$0x1F780] =	vst v63  }
0xb4: {  	_ =	swait.ge [sflag:s29], $0x2800  }
0xb5: {  	[sflag:s29] =	ssyncset.done $0x0  }
0xb6: {  	s11 =	simm.s32 $0xA0;
	[sflag:s29] =	ssyncadd.s32 $0xFFFFD800  }
0xb7: {  	[tilespmem:s24], [sflag:$0x1] =	stream.indirect.gather [hbm4b:s8+s25], $0x80, s11, s25, $0xb8;
	[tilespmem:$0x1F780] =	vst v63  }
0xb8: {  	_ =	swait.ge [sflag:s30], $0x2800  }
0xb9: {  	[sflag:s30] =	ssyncset.done $0x0  }
0xba: {  	s21 =	simm.s32 $0x2800;
	[sflag:s30] =	ssyncadd.s32 $0xFFFFD800  }
0xbb: {  	[spmem:s1] =	stream.indirect.scatter.add.f32 [tilespmem:s26], [sflag:$0x3], $0x80, s21, s25, $0xb8;
	[tilespmem:$0x1F780] =	vst v63  }
0xbc: {  	_ =	swait.ge [sflag:s20], $0x2800  }
0xbd: {  	s10 =	simm.s32 $0x400;
	[sflag:s20] =	ssyncset.done $0x0  }
.LBB2_7:
0xbe: {  	p1 =	sne.s32 s10, $0x7800;
	[sflag:s20] =	ssyncadd.s32 $0xFFFFD800;
	s3 =	sadd.s32 $0xA0, s3  }
0xbf: {  	[tilespmem:s26], [sflag:$0x2] =	stream.indirect.gather [hbm4b:s8+s25], $0x80, s3, s25, $0xb8;
	[tilespmem:$0x1F780] =	vst v63  }
0xc0: {  	s11 =	smov.u32 s10;
	s10 =	sadd.s32 $0x400, s10;
	_ =	swait.ge [sflag:s28], $0x2800  }
0xc1: {  	s11 =	sshra.s32 s11, $0x2;
	[sflag:s28] =	ssyncset.done $0x0  }
0xc2: {  	s21 =	sadd.s32 $0x2780, s11;
	[sflag:s28] =	ssyncadd.s32 $0xFFFFD800  }
0xc3: {  	[spmem:s1] =	stream.indirect.scatter.add.f32 [tilespmem:s24], [sflag:$0x4], $0x80, s21, s25, $0xb8;
	[tilespmem:$0x1F780] =	vst v63  }
0xc4: {  	_ =	swait.ge [sflag:s29], $0x2800  }
0xc5: {  	[sflag:s29] =	ssyncset.done $0x0  }
0xc6: {  	s21 =	sadd.s32 $0x50, s3;
	[sflag:s29] =	ssyncadd.s32 $0xFFFFD800  }
0xc7: {  	[tilespmem:s24], [sflag:$0x1] =	stream.indirect.gather [hbm4b:s8+s25], $0x80, s21, s25, $0xb8;
	[tilespmem:$0x1F780] =	vst v63  }
0xc8: {  	_ =	swait.ge [sflag:s30], $0x2800  }
.Ltmp5:
0xc9: {  	[sflag:s30] =	ssyncset.done $0x0;
	(pc) =	sbr.rel @p1 .LBB2_7-.Ltmp5, $4  }
0xca: {  	s11 =	sadd.s32 $0x2800, s11;
	[sflag:s30] =	ssyncadd.s32 $0xFFFFD800  }
0xcb: {  	[spmem:s1] =	stream.indirect.scatter.add.f32 [tilespmem:s26], [sflag:$0x3], $0x80, s11, s25, $0xb8;
	[tilespmem:$0x1F780] =	vst v63  }
0xcc: {  	_ =	swait.ge [sflag:s20], $0x2800  }
0xcd: {  	[sflag:s20] =	ssyncset.done $0x0  }
0xce: {  	[sflag:s20] =	ssyncadd.s32 $0xFFFFD800  }
.Ltmp6:
0xcf: {  	_ =	swait.ge [sflag:s28], $0x2800;
	(pc) =	sbr.rel .LBB2_16-.Ltmp6, $4  }
0xd0: {  	[sflag:s28] =	ssyncset.done $0x0  }
0xd1: {  	s3 =	simm.s32 $0x4680;
	[sflag:s28] =	ssyncadd.s32 $0xFFFFD800  }
0xd2: {  	[spmem:s1] =	stream.indirect.scatter.add.f32 [tilespmem:s24], [sflag:$0x4], $0x80, s3, s25, $0xb8;
	[tilespmem:$0x1F780] =	vst v63  }
0xd3: {  	s10 =	rddreg [dreg:$0x3];
	s3 =	simm.s32 $0x4  }
.LBB2_9:
0xd4: {  	[tilespmem:s24], [sflag:$0x1] =	stream.indirect.gather [hbm4b:s5+s3], $0x80, s10, s3, $0xb8;
	[tilespmem:$0x1F780] =	vst v63  }
0xd5: {  	_ = 	snop  }
0xd6: {  	[tilespmem:s26], [sflag:$0x2] =	stream.indirect.gather [hbm4b:s5+s25], $0x80, s3, s25, $0xb8;
	[tilespmem:$0x1F780] =	vst v63  }
0xd7: {  	_ =	swait.ge [sflag:s28], $0x2800  }
0xd8: {  	[sflag:s28] =	ssyncset.done $0x0  }
0xd9: {  	s11 =	simm.s32 $0x2780;
	[sflag:s28] =	ssyncadd.s32 $0xFFFFD800  }
0xda: {  	[spmem:s1] =	stream.indirect.scatter.add.f32 [tilespmem:s24], [sflag:$0x4], $0x80, s11, s25, $0xb8;
	[tilespmem:$0x1F780] =	vst v63  }
0xdb: {  	_ =	swait.ge [sflag:s29], $0x2800  }
0xdc: {  	[sflag:s29] =	ssyncset.done $0x0  }
0xdd: {  	s15 =	simm.s32 $0xA0;
	[sflag:s29] =	ssyncadd.s32 $0xFFFFD800  }
0xde: {  	[tilespmem:s24], [sflag:$0x1] =	stream.indirect.gather [hbm4b:s5+s25], $0x80, s15, s25, $0xb8;
	[tilespmem:$0x1F780] =	vst v63  }
0xdf: {  	_ =	swait.ge [sflag:s30], $0x2800  }
0xe0: {  	[sflag:s30] =	ssyncset.done $0x0  }
0xe1: {  	s21 =	simm.s32 $0x2800;
	[sflag:s30] =	ssyncadd.s32 $0xFFFFD800  }
0xe2: {  	[spmem:s1] =	stream.indirect.scatter.add.f32 [tilespmem:s26], [sflag:$0x3], $0x80, s21, s25, $0xb8;
	[tilespmem:$0x1F780] =	vst v63  }
0xe3: {  	_ =	swait.ge [sflag:s20], $0x2800  }
0xe4: {  	s10 =	simm.s32 $0x400;
	[sflag:s20] =	ssyncset.done $0x0  }
.LBB2_10:
0xe5: {  	p1 =	seq.s32 s10, $0xF400;
	[sflag:s20] =	ssyncadd.s32 $0xFFFFD800;
	s3 =	sadd.s32 $0xA0, s3  }
0xe6: {  	[tilespmem:s26], [sflag:$0x2] =	stream.indirect.gather [hbm4b:s5+s25], $0x80, s3, s25, $0xb8;
	[tilespmem:$0x1F780] =	vst v63  }
0xe7: {  	s11 =	smov.u32 s10;
	s10 =	sadd.s32 $0x400, s10;
	_ =	swait.ge [sflag:s28], $0x2800  }
0xe8: {  	s11 =	sshra.s32 s11, $0x2;
	[sflag:s28] =	ssyncset.done $0x0  }
0xe9: {  	s21 =	sadd.s32 $0x2780, s11;
	[sflag:s28] =	ssyncadd.s32 $0xFFFFD800  }
0xea: {  	[spmem:s1] =	stream.indirect.scatter.add.f32 [tilespmem:s24], [sflag:$0x4], $0x80, s21, s25, $0xb8;
	[tilespmem:$0x1F780] =	vst v63  }
0xeb: {  	_ =	swait.ge [sflag:s29], $0x2800  }
0xec: {  	[sflag:s29] =	ssyncset.done $0x0  }
0xed: {  	s21 =	sadd.s32 $0x50, s3;
	[sflag:s29] =	ssyncadd.s32 $0xFFFFD800  }
0xee: {  	[tilespmem:s24], [sflag:$0x1] =	stream.indirect.gather [hbm4b:s5+s25], $0x80, s21, s25, $0xb8;
	[tilespmem:$0x1F780] =	vst v63  }
0xef: {  	_ =	swait.ge [sflag:s30], $0x2800  }
.Ltmp7:
0xf0: {  	[sflag:s30] =	ssyncset.done $0x0;
	(pc) =	sbr.rel @!p1 .LBB2_10-.Ltmp7, $4  }
0xf1: {  	s11 =	sadd.s32 $0x2800, s11;
	[sflag:s30] =	ssyncadd.s32 $0xFFFFD800  }
0xf2: {  	[spmem:s1] =	stream.indirect.scatter.add.f32 [tilespmem:s26], [sflag:$0x3], $0x80, s11, s25, $0xb8;
	[tilespmem:$0x1F780] =	vst v63  }
0xf3: {  	_ =	swait.ge [sflag:s20], $0x2800  }
0xf4: {  	[sflag:s20] =	ssyncset.done $0x0  }
0xf5: {  	[sflag:s20] =	ssyncadd.s32 $0xFFFFD800  }
0xf6: {  	_ =	swait.ge [sflag:s28], $0x2800  }
0xf7: {  	[sflag:s28] =	ssyncset.done $0x0  }
0xf8: {  	s3 =	simm.s32 $0x50;
	[sflag:s28] =	ssyncadd.s32 $0xFFFFD800  }
0xf9: {  	[spmem:s1] =	stream.indirect.scatter.add.f32 [tilespmem:s24], [sflag:$0x4], $0x80, s31, s3, $0xb8;
	[tilespmem:$0x1F780] =	vst v63  }
0xfa: {  	_ =	swait.ge [sflag:s29], $0x2800  }
0xfb: {  	[sflag:s29] =	ssyncset.done $0x0  }
0xfc: {  	[sflag:s29] =	ssyncadd.s32 $0xFFFFD800  }
0xfd: {  	[bflag:$0x0] =	sbarrier.arrive $0xFFFF  }
0xfe: {  	s10 =	rddreg [dreg:$0x5]  }
0xff: {  	[hbm:s10], [sflag:s22] =	dma.local [spmem:s23], $0x2800  }
0x100: {  	_ =	swait.ge [sflag:s20], $0x2800  }
0x101: {  	[sflag:s20] =	ssyncset.done $0x0  }
0x102: {  	[sflag:s20] =	ssyncadd.s32 $0xFFFFD800  }
0x103: {  	[spmem:s23], [sflag:s22] =	dma.local [hbm:s14], $0x2800  }
0x104: {  	_ =	swait.ge [sflag:s20], $0x2800  }
0x105: {  	[sflag:s20] =	ssyncset.done $0x0  }
0x106: {  	[sflag:s20] =	ssyncadd.s32 $0xFFFFD800  }
0x107: {  	s21 =	simm.s32 $0x0;
	[bflag:$0x0] =	sbarrier.arrive $0xFFFF  }
0x108: {  	[tilespmem:s24], [sflag:$0x1] =	stream.indirect.gather [hbm4b:s7+s3], $0x80, s21, s3, $0xb8;
	[tilespmem:$0x1F780] =	vst v63  }
0x109: {  	_ = 	snop  }
0x10a: {  	[tilespmem:s26], [sflag:$0x2] =	stream.indirect.gather [hbm4b:s7+s25], $0x80, s3, s25, $0xb8;
	[tilespmem:$0x1F780] =	vst v63  }
0x10b: {  	_ =	swait.ge [sflag:s28], $0x2800  }
0x10c: {  	[sflag:s28] =	ssyncset.done $0x0  }
0x10d: {  	s11 =	simm.s32 $0x2780;
	[sflag:s28] =	ssyncadd.s32 $0xFFFFD800  }
0x10e: {  	[spmem:s1] =	stream.indirect.scatter.add.f32 [tilespmem:s24], [sflag:$0x4], $0x80, s11, s25, $0xb8;
	[tilespmem:$0x1F780] =	vst v63  }
0x10f: {  	_ =	swait.ge [sflag:s29], $0x2800  }
0x110: {  	[sflag:s29] =	ssyncset.done $0x0  }
0x111: {  	s15 =	simm.s32 $0xA0;
	[sflag:s29] =	ssyncadd.s32 $0xFFFFD800  }
0x112: {  	[tilespmem:s24], [sflag:$0x1] =	stream.indirect.gather [hbm4b:s7+s25], $0x80, s15, s25, $0xb8;
	[tilespmem:$0x1F780] =	vst v63  }
0x113: {  	_ =	swait.ge [sflag:s30], $0x2800  }
0x114: {  	[sflag:s30] =	ssyncset.done $0x0  }
0x115: {  	s21 =	simm.s32 $0x2800;
	[sflag:s30] =	ssyncadd.s32 $0xFFFFD800  }
0x116: {  	[spmem:s1] =	stream.indirect.scatter.add.f32 [tilespmem:s26], [sflag:$0x3], $0x80, s21, s25, $0xb8;
	[tilespmem:$0x1F780] =	vst v63  }
0x117: {  	_ =	swait.ge [sflag:s20], $0x2800  }
0x118: {  	s10 =	simm.s32 $0x400;
	[sflag:s20] =	ssyncset.done $0x0  }
.LBB2_12:
0x119: {  	p1 =	seq.s32 s10, $0xF400;
	[sflag:s20] =	ssyncadd.s32 $0xFFFFD800;
	s3 =	sadd.s32 $0xA0, s3  }
0x11a: {  	[tilespmem:s26], [sflag:$0x2] =	stream.indirect.gather [hbm4b:s7+s25], $0x80, s3, s25, $0xb8;
	[tilespmem:$0x1F780] =	vst v63  }
0x11b: {  	s11 =	smov.u32 s10;
	s10 =	sadd.s32 $0x400, s10;
	_ =	swait.ge [sflag:s28], $0x2800  }
0x11c: {  	s11 =	sshra.s32 s11, $0x2;
	[sflag:s28] =	ssyncset.done $0x0  }
0x11d: {  	s21 =	sadd.s32 $0x2780, s11;
	[sflag:s28] =	ssyncadd.s32 $0xFFFFD800  }
0x11e: {  	[spmem:s1] =	stream.indirect.scatter.add.f32 [tilespmem:s24], [sflag:$0x4], $0x80, s21, s25, $0xb8;
	[tilespmem:$0x1F780] =	vst v63  }
0x11f: {  	_ =	swait.ge [sflag:s29], $0x2800  }
0x120: {  	[sflag:s29] =	ssyncset.done $0x0  }
0x121: {  	s21 =	sadd.s32 $0x50, s3;
	[sflag:s29] =	ssyncadd.s32 $0xFFFFD800  }
0x122: {  	[tilespmem:s24], [sflag:$0x1] =	stream.indirect.gather [hbm4b:s7+s25], $0x80, s21, s25, $0xb8;
	[tilespmem:$0x1F780] =	vst v63  }
0x123: {  	_ =	swait.ge [sflag:s30], $0x2800  }
.Ltmp8:
0x124: {  	[sflag:s30] =	ssyncset.done $0x0;
	(pc) =	sbr.rel @!p1 .LBB2_12-.Ltmp8, $4  }
0x125: {  	s11 =	sadd.s32 $0x2800, s11;
	[sflag:s30] =	ssyncadd.s32 $0xFFFFD800  }
0x126: {  	[spmem:s1] =	stream.indirect.scatter.add.f32 [tilespmem:s26], [sflag:$0x3], $0x80, s11, s25, $0xb8;
	[tilespmem:$0x1F780] =	vst v63  }
0x127: {  	_ =	swait.ge [sflag:s20], $0x2800  }
0x128: {  	[sflag:s20] =	ssyncset.done $0x0  }
0x129: {  	[sflag:s20] =	ssyncadd.s32 $0xFFFFD800  }
0x12a: {  	_ =	swait.ge [sflag:s28], $0x2800  }
0x12b: {  	[sflag:s28] =	ssyncset.done $0x0  }
0x12c: {  	[sflag:s28] =	ssyncadd.s32 $0xFFFFD800  }
0x12d: {  	[spmem:s1] =	stream.indirect.scatter.add.f32 [tilespmem:s24], [sflag:$0x4], $0x80, s31, s25, $0xb8;
	[tilespmem:$0x1F780] =	vst v63  }
0x12e: {  	_ =	swait.ge [sflag:s29], $0x2800  }
0x12f: {  	[sflag:s29] =	ssyncset.done $0x0  }
0x130: {  	[sflag:s29] =	ssyncadd.s32 $0xFFFFD800  }
0x131: {  	[bflag:$0x0] =	sbarrier.arrive $0xFFFF  }
0x132: {  	[hbm:s18], [sflag:s22] =	dma.local [spmem:s23], $0x2800  }
0x133: {  	_ =	swait.ge [sflag:s20], $0x2800  }
0x134: {  	[sflag:s20] =	ssyncset.done $0x0  }
0x135: {  	[sflag:s20] =	ssyncadd.s32 $0xFFFFD800  }
0x136: {  	[spmem:s23], [sflag:s22] =	dma.local [hbm:s14], $0x2800  }
0x137: {  	_ =	swait.ge [sflag:s20], $0x2800  }
0x138: {  	[sflag:s20] =	ssyncset.done $0x0  }
0x139: {  	[sflag:s20] =	ssyncadd.s32 $0xFFFFD800  }
0x13a: {  	s3 =	simm.s32 $0x13B0;
	[bflag:$0x0] =	sbarrier.arrive $0xFFFF  }
0x13b: {  	[tilespmem:s24], [sflag:$0x1] =	stream.indirect.gather [hbm4b:s8+s25], $0x80, s3, s25, $0xb8;
	[tilespmem:$0x1F780] =	vst v63  }
0x13c: {  	s10 =	simm.s32 $0x1400  }
0x13d: {  	[tilespmem:s26], [sflag:$0x2] =	stream.indirect.gather [hbm4b:s8+s25], $0x80, s10, s25, $0xb8;
	[tilespmem:$0x1F780] =	vst v63  }
0x13e: {  	_ =	swait.ge [sflag:s28], $0x2800  }
0x13f: {  	[sflag:s28] =	ssyncset.done $0x0  }
0x140: {  	s11 =	simm.s32 $0x4700;
	[sflag:s28] =	ssyncadd.s32 $0xFFFFD800  }
0x141: {  	[spmem:s1] =	stream.indirect.scatter.add.f32 [tilespmem:s24], [sflag:$0x4], $0x80, s11, s25, $0xb8;
	[tilespmem:$0x1F780] =	vst v63  }
0x142: {  	_ =	swait.ge [sflag:s29], $0x2800  }
0x143: {  	[sflag:s29] =	ssyncset.done $0x0  }
0x144: {  	s15 =	simm.s32 $0x1450;
	[sflag:s29] =	ssyncadd.s32 $0xFFFFD800  }
0x145: {  	[tilespmem:s24], [sflag:$0x1] =	stream.indirect.gather [hbm4b:s8+s25], $0x80, s15, s25, $0xb8;
	[tilespmem:$0x1F780] =	vst v63  }
0x146: {  	_ =	swait.ge [sflag:s30], $0x2800  }
0x147: {  	[sflag:s30] =	ssyncset.done $0x0  }
0x148: {  	s21 =	simm.s32 $0x4780;
	[sflag:s30] =	ssyncadd.s32 $0xFFFFD800  }
0x149: {  	[spmem:s1] =	stream.indirect.scatter.add.f32 [tilespmem:s26], [sflag:$0x3], $0x80, s21, s25, $0xb8;
	[tilespmem:$0x1F780] =	vst v63  }
0x14a: {  	s3 =	simm.s32 $0x14F0;
	_ =	swait.ge [sflag:s20], $0x2800  }
0x14b: {  	s10 =	simm.s32 $0xFFFF9000;
	s21 =	simm.s32 $0xFFFF8C00;
	[sflag:s20] =	ssyncset.done $0x0  }
.LBB2_14:
0x14c: {  	p1 =	sne.s32 s10, $0xFFFFFC00;
	s11 =	sadd.s32 $0xFFFFFFB0, s3;
	[sflag:s20] =	ssyncadd.s32 $0xFFFFD800  }
0x14d: {  	[tilespmem:s26], [sflag:$0x2] =	stream.indirect.gather [hbm4b:s8+s25], $0x80, s11, s25, $0xb8;
	[tilespmem:$0x1F780] =	vst v63  }
0x14e: {  	s11 =	smov.u32 s10;
	s10 =	sadd.s32 $0x400, s10;
	_ =	swait.ge [sflag:s28], $0x2800  }
0x14f: {  	s15 =	sshra.s32 s21, $0x2;
	s21 =	smov.u32 s11;
	[sflag:s28] =	ssyncset.done $0x0  }
0x150: {  	s11 =	sadd.s32 $0x6500, s15;
	[sflag:s28] =	ssyncadd.s32 $0xFFFFD800  }
0x151: {  	[spmem:s1] =	stream.indirect.scatter.add.f32 [tilespmem:s24], [sflag:$0x4], $0x80, s11, s25, $0xb8;
	[tilespmem:$0x1F780] =	vst v63  }
0x152: {  	_ =	swait.ge [sflag:s29], $0x2800  }
0x153: {  	[sflag:s29] =	ssyncset.done $0x0  }
0x154: {  	[sflag:s29] =	ssyncadd.s32 $0xFFFFD800  }
0x155: {  	[tilespmem:s24], [sflag:$0x1] =	stream.indirect.gather [hbm4b:s8+s25], $0x80, s3, s25, $0xb8;
	[tilespmem:$0x1F780] =	vst v63  }
0x156: {  	_ =	swait.ge [sflag:s30], $0x2800  }
.Ltmp9:
0x157: {  	[sflag:s30] =	ssyncset.done $0x0;
	(pc) =	sbr.rel @p1 .LBB2_14-.Ltmp9, $4  }
0x158: {  	s11 =	sadd.s32 $0x6580, s15;
	[sflag:s30] =	ssyncadd.s32 $0xFFFFD800  }
0x159: {  	[spmem:s1] =	stream.indirect.scatter.add.f32 [tilespmem:s26], [sflag:$0x3], $0x80, s11, s25, $0xb8;
	[tilespmem:$0x1F780] =	vst v63  }
0x15a: {  	_ =	swait.ge [sflag:s20], $0x2800  }
0x15b: {  	s3 =	sadd.s32 $0xA0, s3;
	[sflag:s20] =	ssyncset.done $0x0  }
.Ltmp10:
0x15c: {  	_ = 	snop;
	(pc) =	sbr.rel .LBB2_15-.Ltmp10, $1  }
0x15d: {  	_ =	sdelay $0x3  }
.LBB2_17:
0x15e: {  	_ =	sfence.sel $0x180000  }
0x15f: {  	[bflag:$0x0] =	sbarrier.arrive $0xFFFF  }
0x160: {  	_ =	strace $0x9000004D  }
0x161: {  	s0 =	stileid.u32;
	[bflag:$0x2] =	sbarrier.arrive $0xFFFF  }
0x162: {  	p0 =	sne.s32 s0, $0x0;
	s0 =	rddreg [dreg:$0x2]  }
0x163: {  	s0 =	sadd.s32 @!p0 $0x100000, s0  }
0x164: {  	[sflag:s0] =	ssyncadd.tile.s32 @!p0 $0x1;
	_ =	shalt  }
.Lfunc_end2:
_tile_overlayer_lowered:
.L_overlay_start_2:
0x165: {  	(tag) =	ssettag $0x2  }
0x166: {  	s0 =	rddreg [dreg:$0x0];
	s2 =	stileid.u32  }
0x167: {  	s1 =	rddreg [dreg:$0x1];
	p0 =	sne.s32 s2, $0x0  }
0x168: {  	s3 =	rddreg [dreg:$0x2];
	[bflag:$0x3] =	sbarrier.arrive $0xFFFF;
	s2 =	simm.s32 @!p0 $0x1C03  }
0x169: {  	[timem:s3], [sflag:s2] =	dma.local @!p0 [hbm:s0], s1  }
0x16a: {  	s0 =	simm.s32 @!p0 $0x3  }
0x16b: {  	_ =	swait.ge @!p0 [sflag:s0], s1  }
0x16c: {  	s1 =	ssub.s32 @!p0 $0x0, s1;
	[sflag:s0] =	ssyncset.done @!p0 $0x0  }
0x16d: {  	[sflag:s0] =	ssyncadd.s32 @!p0 s1  }
0x16e: {  	[bflag:$0x3] =	sbarrier.arrive $0xFFFF  }
0x16f: {  	_ =	shalt  }

</sc_bundles>
